<compile_context>
chip_gen: v7x
topology: tpu7x:2x2x1
jax: 0.10.2.dev20260603
libtpu: 0.0.44.dev20260713+nightly
codegen_flags: <defaults>
</compile_context>

<pallas_src>
import functools

import jax
import jax.numpy as jnp
from jax import lax
from jax.experimental import pallas as pl
from jax.experimental.pallas import tpu as pltpu
from jax.experimental.pallas import tpu_sc as plsc

N = 50000
K = 50
E = 800000
VOCAB = 6
CNN_CH = 32
GCN_H = 64

NPAD = 50048
EPAD = 802816
HALF = 25000
HP = 25088
CH = 128
NC = 2
NS = 16
NBUF = 4
ABUF = 2
NPAD3 = 50176
NPAIR = 25
GC = 224
TQ = 2401

_mesh = lambda: plsc.VectorSubcoreMesh(core_axis_name="c", subcore_axis_name="s")
_sc_params = lambda: pltpu.CompilerParams(use_tc_tiling_on_sc=False)


def _deg_body(dst_hbm, zeros_hbm, ones_hbm, out_hbm, accum, ones_v, idx_v,
              *sems):
    isems, ssems = sems[:NBUF], sems[NBUF:]
    c = lax.axis_index("c")
    s = lax.axis_index("s")
    rows = NPAD // NS
    pltpu.sync_copy(zeros_hbm, accum.at[pl.ds(s * rows, rows), :])
    pltpu.sync_copy(ones_hbm, ones_v)
    plsc.subcore_barrier()
    epw = EPAD // (NC * NS)
    base = (c * NS + s) * epw
    nch = epw // CH

    def issue_idx(g, b):
        pltpu.async_copy(dst_hbm.at[pl.ds(base + g * CH, CH)], idx_v.at[b],
                         isems[b])

    def wait_idx(b):
        pltpu.make_async_copy(dst_hbm.at[pl.ds(0, CH)], idx_v.at[b],
                              isems[b]).wait()

    def wait_scat(b):
        pltpu.make_async_copy(ones_v, accum.at[idx_v.at[b]], ssems[b]).wait()

    for b in range(NBUF - 1):
        issue_idx(b, b)

    def step(t, carry):
        for b in range(NBUF):
            g = t * NBUF + b
            prev = (b + NBUF - 1) % NBUF
            wait_idx(b)
            pltpu.async_copy(ones_v, accum.at[idx_v.at[b]], ssems[b],
                             add=True)

            @pl.when(g >= 1)
            def _():
                wait_scat(prev)

            @pl.when(g + NBUF - 1 < nch)
            def _():
                issue_idx(g + NBUF - 1, prev)
        return carry

    lax.fori_loop(0, nch // NBUF, step, 0)
    wait_scat((nch - 1) % NBUF)
    plsc.subcore_barrier()
    pltpu.sync_copy(accum.at[pl.ds(s * rows, rows), :],
                    out_hbm.at[c, pl.ds(s * rows, rows), :])


def _deg_parts(dst_p):
    fn = pl.kernel(
        _deg_body,
        out_type=jax.ShapeDtypeStruct((NC, NPAD, 16), jnp.float32),
        mesh=_mesh(),
        compiler_params=_sc_params(),
        scratch_types=[
            pltpu.VMEM_SHARED((NPAD, 16), jnp.float32),
            pltpu.VMEM((CH, 16), jnp.float32),
            pltpu.VMEM((NBUF, CH), jnp.int32),
        ] + [pltpu.SemaphoreType.DMA] * (2 * NBUF),
    )
    zeros = jnp.zeros((NPAD // NS, 16), jnp.float32)
    ones = jnp.ones((CH, 16), jnp.float32)
    return fn(dst_p, zeros, ones)


def _agg_body(src_hbm, dst_hbm, table_hbm, zeros_hbm, out_hbm,
              accum, sidx, didx, didx2, rows_v, *sems):
    isems = sems[:ABUF]
    gsems = sems[ABUF:2 * ABUF]
    ssems = sems[2 * ABUF:]
    c = lax.axis_index("c")
    s = lax.axis_index("s")
    zrows = HP // NS
    pltpu.sync_copy(zeros_hbm, accum.at[pl.ds(s * zrows, zrows), :])
    plsc.subcore_barrier()
    base_node = c * HALF
    eps = EPAD // NS
    base = s * eps
    nch = eps // CH

    def issue_idx(g, b):
        off = base + g * CH
        pltpu.async_copy(src_hbm.at[pl.ds(off, CH)], sidx.at[b], isems[b])
        pltpu.async_copy(dst_hbm.at[pl.ds(off, CH)], didx.at[b], isems[b])

    def wait_idx(b):
        pltpu.make_async_copy(src_hbm.at[pl.ds(0, CH)], sidx.at[b],
                              isems[b]).wait()
        pltpu.make_async_copy(dst_hbm.at[pl.ds(0, CH)], didx.at[b],
                              isems[b]).wait()

    def wait_gather(b):
        pltpu.make_async_copy(table_hbm.at[sidx.at[b]], rows_v.at[b],
                              gsems[b]).wait()

    def issue_scat(b):
        pltpu.async_copy(rows_v.at[b], accum.at[didx2.at[b]], ssems[b],
                         add=True)

    def wait_scat(b):
        pltpu.make_async_copy(rows_v.at[b], accum.at[didx2.at[b]],
                              ssems[b]).wait()

    for b in range(ABUF - 1):
        issue_idx(b, b)

    def step(t, carry):
        for b in range(ABUF):
            g = t * ABUF + b
            prev = (b + ABUF - 1) % ABUF

            @pl.when(g >= ABUF)
            def _():
                wait_scat(b)

            wait_idx(b)
            for i in range(CH // 16):
                d = didx[b, pl.ds(i * 16, 16)]
                ld = d - base_node
                ok = (ld >= 0) & (ld < HALF)
                didx2[b, pl.ds(i * 16, 16)] = jnp.where(ok, ld, HALF)
            pltpu.async_copy(table_hbm.at[sidx.at[b]], rows_v.at[b], gsems[b])

            @pl.when(g >= 1)
            def _():
                wait_gather(prev)
                issue_scat(prev)

            @pl.when(g + ABUF - 1 < nch)
            def _():
                issue_idx(g + ABUF - 1, prev)
        return carry

    lax.fori_loop(0, nch // ABUF, step, 0)
    last = (nch - 1) % ABUF
    wait_gather(last)
    issue_scat(last)
    for b in range(ABUF):
        wait_scat(b)
    plsc.subcore_barrier()
    pltpu.sync_copy(accum.at[pl.ds(s * zrows, zrows), :],
                    out_hbm.at[c, pl.ds(s * zrows, zrows), :])


def _aggregate(src_p, dst_p, table):
    fn = pl.kernel(
        _agg_body,
        out_type=jax.ShapeDtypeStruct((NC, HP, GCN_H), jnp.float32),
        mesh=_mesh(),
        compiler_params=_sc_params(),
        scratch_types=[
            pltpu.VMEM_SHARED((HP, GCN_H), jnp.float32),
            pltpu.VMEM((ABUF, CH), jnp.int32),
            pltpu.VMEM((ABUF, CH), jnp.int32),
            pltpu.VMEM((ABUF, CH), jnp.int32),
            pltpu.VMEM((ABUF, CH, GCN_H), jnp.float32),
        ] + [pltpu.SemaphoreType.DMA] * (3 * ABUF),
    )
    zeros = jnp.zeros((HP // NS, GCN_H), jnp.float32)
    return fn(src_p, dst_p, table, zeros)


def _edge_body(src_hbm, dst_hbm, p_hbm, q_hbm, u_hbm, v_hbm,
               sidx, didx, rows_u, rows_w, *sems):
    isems = sems[:NBUF]
    gusems = sems[NBUF:2 * NBUF]
    gvsems = sems[2 * NBUF:3 * NBUF]
    wusems = sems[3 * NBUF:4 * NBUF]
    wvsems = sems[4 * NBUF:]
    c = lax.axis_index("c")
    s = lax.axis_index("s")
    epw = EPAD // (NC * NS)
    base = (c * NS + s) * epw
    nch = epw // CH

    def issue_idx(g, b):
        off = base + g * CH
        pltpu.async_copy(src_hbm.at[pl.ds(off, CH)], sidx.at[b], isems[b])
        pltpu.async_copy(dst_hbm.at[pl.ds(off, CH)], didx.at[b], isems[b])

    def wait_idx(b):
        pltpu.make_async_copy(src_hbm.at[pl.ds(0, CH)], sidx.at[b],
                              isems[b]).wait()
        pltpu.make_async_copy(dst_hbm.at[pl.ds(0, CH)], didx.at[b],
                              isems[b]).wait()

    def wait_gathers(b):
        pltpu.make_async_copy(p_hbm.at[sidx.at[b]], rows_u.at[b],
                              gusems[b]).wait()
        pltpu.make_async_copy(q_hbm.at[didx.at[b]], rows_w.at[b],
                              gvsems[b]).wait()

    def issue_writes(g, b):
        off = base + g * CH
        pltpu.async_copy(rows_u.at[b], u_hbm.at[pl.ds(off, CH), :], wusems[b])
        pltpu.async_copy(rows_w.at[b], v_hbm.at[pl.ds(off, CH), :], wvsems[b])

    def wait_writes(b):
        pltpu.make_async_copy(rows_u.at[b], u_hbm.at[pl.ds(0, CH), :],
                              wusems[b]).wait()
        pltpu.make_async_copy(rows_w.at[b], v_hbm.at[pl.ds(0, CH), :],
                              wvsems[b]).wait()

    for b in range(NBUF - 1):
        issue_idx(b, b)

    def step(t, carry):
        for b in range(NBUF):
            g = t * NBUF + b
            prev = (b + NBUF - 1) % NBUF

            @pl.when(g >= NBUF)
            def _():
                wait_writes(b)

            wait_idx(b)
            for i in range(CH // 16):
                d = didx[b, pl.ds(i * 16, 16)]
                didx[b, pl.ds(i * 16, 16)] = jnp.minimum(d, N - 1)
            pltpu.async_copy(p_hbm.at[sidx.at[b]], rows_u.at[b], gusems[b])
            pltpu.async_copy(q_hbm.at[didx.at[b]], rows_w.at[b], gvsems[b])

            @pl.when(g >= 1)
            def _():
                wait_gathers(prev)
                issue_writes(g - 1, prev)

            @pl.when(g + NBUF - 1 < nch)
            def _():
                issue_idx(g + NBUF - 1, prev)
        return carry

    lax.fori_loop(0, nch // NBUF, step, 0)
    last = (nch - 1) % NBUF
    wait_gathers(last)
    issue_writes(nch - 1, last)
    for b in range(NBUF):
        wait_writes(b)


def _edge_gather(src_p, dst_p, p_tab, q_tab):
    fn = pl.kernel(
        _edge_body,
        out_type=(jax.ShapeDtypeStruct((EPAD, GCN_H), jnp.float32),
                  jax.ShapeDtypeStruct((EPAD, GCN_H), jnp.float32)),
        mesh=_mesh(),
        compiler_params=_sc_params(),
        scratch_types=[
            pltpu.VMEM((NBUF, CH), jnp.int32),
            pltpu.VMEM((NBUF, CH), jnp.int32),
            pltpu.VMEM((NBUF, CH, GCN_H), jnp.float32),
            pltpu.VMEM((NBUF, CH, GCN_H), jnp.float32),
        ] + [pltpu.SemaphoreType.DMA] * (5 * NBUF),
    )
    return fn(src_p, dst_p, p_tab, q_tab)


BN_S = 1000
BN_CNN = 200


def _cnn_body(tok_ref, xcov_ref, wf_ref, cb_ref, w1a_ref, w1r_ref, out_ref):
    tok = tok_ref[...]
    pad = jnp.full((BN_CNN, 1), 100, dtype=jnp.int32)
    t0 = jnp.concatenate([pad, tok[:, : K - 1]], axis=1)
    t1 = tok + 6
    t2 = jnp.concatenate([tok[:, 1:] + 12, pad], axis=1)
    iota18 = lax.broadcasted_iota(jnp.int32, (BN_CNN, K, 18), 2)
    z = ((t0[:, :, None] == iota18).astype(jnp.float32)
         + (t1[:, :, None] == iota18).astype(jnp.float32)
         + (t2[:, :, None] == iota18).astype(jnp.float32))
    zf = z.reshape(BN_CNN * K, 18)
    conv = lax.dot_general(zf, wf_ref[...], (((1,), (0,)), ((), ())),
                           preferred_element_type=jnp.float32)
    r = jnp.maximum(conv + cb_ref[...], 0.0)
    h = jnp.sum(r.reshape(BN_CNN, K, CNN_CH), axis=1) * (1.0 / K)
    xw = lax.dot_general(h, w1a_ref[...], (((1,), (0,)), ((), ())),
                         preferred_element_type=jnp.float32)
    out_ref[...] = xw + xcov_ref[...] * w1r_ref[...]


def _cnn_xw(seq_tokens, x_cov, cnn_W, cnn_b, W1):
    wf = jnp.concatenate([cnn_W[:, :, 0].T, cnn_W[:, :, 1].T, cnn_W[:, :, 2].T],
                         axis=0)
    return pl.pallas_call(
        _cnn_body,
        grid=(N // BN_CNN,),
        in_specs=[
            pl.BlockSpec((BN_CNN, K), lambda i: (i, 0)),
            pl.BlockSpec((BN_CNN, 1), lambda i: (i, 0)),
            pl.BlockSpec((3 * VOCAB, CNN_CH), lambda i: (0, 0)),
            pl.BlockSpec((1, CNN_CH), lambda i: (0, 0)),
            pl.BlockSpec((CNN_CH, GCN_H), lambda i: (0, 0)),
            pl.BlockSpec((1, GCN_H), lambda i: (0, 0)),
        ],
        out_specs=pl.BlockSpec((BN_CNN, GCN_H), lambda i: (i, 0)),
        out_shape=jax.ShapeDtypeStruct((N, GCN_H), jnp.float32),
    )(seq_tokens, x_cov, wf, cnn_b.reshape(1, CNN_CH), W1[:CNN_CH],
      W1[CNN_CH:CNN_CH + 1])


def _scale_body(dp_ref, xw_ref, xwn_ref, dinv_ref):
    dp = dp_ref[...]
    deg = dp[0, :, 0:1] + dp[1, :, 0:1] + 1.0
    dv = lax.rsqrt(deg)
    dinv_ref[...] = dv
    xwn_ref[...] = xw_ref[...] * dv


def _scale(deg_parts, xw):
    return pl.pallas_call(
        _scale_body,
        grid=(N // BN_S,),
        in_specs=[
            pl.BlockSpec((NC, BN_S, 16), lambda i: (0, i, 0)),
            pl.BlockSpec((BN_S, GCN_H), lambda i: (i, 0)),
        ],
        out_specs=[
            pl.BlockSpec((BN_S, GCN_H), lambda i: (i, 0)),
            pl.BlockSpec((BN_S, 1), lambda i: (i, 0)),
        ],
        out_shape=[
            jax.ShapeDtypeStruct((N, GCN_H), jnp.float32),
            jax.ShapeDtypeStruct((N, 1), jnp.float32),
        ],
    )(deg_parts, xw)


def _layer_body(s_ref, xn_ref, dv_ref, w_ref, b_ref, out_ref):
    dv = dv_ref[...]
    h = jnp.maximum(dv * (s_ref[0] + xn_ref[...]) + b_ref[...], 0.0)
    hw = lax.dot_general(h, w_ref[...], (((1,), (0,)), ((), ())),
                         preferred_element_type=jnp.float32)
    out_ref[...] = hw * dv


def _layer(S, xwn, dinv, w2, b):
    return pl.pallas_call(
        _layer_body,
        grid=(N // BN_S,),
        in_specs=[
            pl.BlockSpec((1, BN_S, GCN_H), lambda i: (i // 25, i % 25, 0)),
            pl.BlockSpec((BN_S, GCN_H), lambda i: (i, 0)),
            pl.BlockSpec((BN_S, 1), lambda i: (i, 0)),
            pl.BlockSpec((GCN_H, GCN_H), lambda i: (0, 0)),
            pl.BlockSpec((1, GCN_H), lambda i: (0, 0)),
        ],
        out_specs=pl.BlockSpec((BN_S, GCN_H), lambda i: (i, 0)),
        out_shape=jax.ShapeDtypeStruct((N, GCN_H), jnp.float32),
    )(S, xwn, dinv, w2, b.reshape(1, GCN_H))


def _proj_body(s_ref, xn_ref, dv_ref, a_ref, bb_ref, b2_ref, be1_ref,
               p_ref, q_ref):
    dv = dv_ref[...]
    h = jnp.maximum(dv * (s_ref[0] + xn_ref[...]) + b2_ref[...], 0.0)
    p_ref[...] = lax.dot_general(h, a_ref[...], (((1,), (0,)), ((), ())),
                                 preferred_element_type=jnp.float32)
    q_ref[...] = lax.dot_general(h, bb_ref[...], (((1,), (0,)), ((), ())),
                                 preferred_element_type=jnp.float32) + be1_ref[...]


def _proj(S2, hwn, dinv, We1, b2, be1):
    return pl.pallas_call(
        _proj_body,
        grid=(N // BN_S,),
        in_specs=[
            pl.BlockSpec((1, BN_S, GCN_H), lambda i: (i // 25, i % 25, 0)),
            pl.BlockSpec((BN_S, GCN_H), lambda i: (i, 0)),
            pl.BlockSpec((BN_S, 1), lambda i: (i, 0)),
            pl.BlockSpec((GCN_H, GCN_H), lambda i: (0, 0)),
            pl.BlockSpec((GCN_H, GCN_H), lambda i: (0, 0)),
            pl.BlockSpec((1, GCN_H), lambda i: (0, 0)),
            pl.BlockSpec((1, GCN_H), lambda i: (0, 0)),
        ],
        out_specs=[
            pl.BlockSpec((BN_S, GCN_H), lambda i: (i, 0)),
            pl.BlockSpec((BN_S, GCN_H), lambda i: (i, 0)),
        ],
        out_shape=[
            jax.ShapeDtypeStruct((N, GCN_H), jnp.float32),
            jax.ShapeDtypeStruct((N, GCN_H), jnp.float32),
        ],
    )(S2, hwn, dinv, We1[:GCN_H], We1[GCN_H:2 * GCN_H],
      b2.reshape(1, GCN_H), be1.reshape(1, GCN_H))


BE = 2048


def _emlp_body(u_ref, v_ref, ea_ref, c2_ref, w2_ref, be2_ref, out_ref):
    pre = u_ref[...] + v_ref[...] + lax.dot_general(
        ea_ref[...], c2_ref[...], (((1,), (0,)), ((), ())),
        preferred_element_type=jnp.float32)
    z = jnp.maximum(pre, 0.0)
    out_ref[...] = lax.dot_general(z, w2_ref[...], (((1,), (0,)), ((), ())),
                                   preferred_element_type=jnp.float32) + be2_ref[...]


def _edge_mlp(U, V, eap, We1, We2, be2):
    c2 = jnp.concatenate([We1[2 * GCN_H:], jnp.zeros((3, GCN_H), jnp.float32)],
                         axis=0)
    return pl.pallas_call(
        _emlp_body,
        grid=(EPAD // BE,),
        in_specs=[
            pl.BlockSpec((BE, GCN_H), lambda i: (i, 0)),
            pl.BlockSpec((BE, GCN_H), lambda i: (i, 0)),
            pl.BlockSpec((BE, 8), lambda i: (i, 0)),
            pl.BlockSpec((8, GCN_H), lambda i: (0, 0)),
            pl.BlockSpec((GCN_H, 1), lambda i: (0, 0)),
            pl.BlockSpec((1, 1), lambda i: (0, 0)),
        ],
        out_specs=pl.BlockSpec((BE, 1), lambda i: (i, 0)),
        out_shape=jax.ShapeDtypeStruct((EPAD, 1), jnp.float32),
    )(U, V, eap, c2, We2, be2.reshape(1, 1))


def kernel(seq_tokens, x_cov, edge_index, edge_attr, cnn_W, cnn_b,
           W1, b1, W2, b2, We1, be1, We2, be2):
    src = edge_index[0].astype(jnp.int32)
    dst = edge_index[1].astype(jnp.int32)
    src_p = jnp.concatenate([src, jnp.zeros((EPAD - E,), jnp.int32)])
    dst_p = jnp.concatenate([dst, jnp.full((EPAD - E,), N, jnp.int32)])

    deg_parts = _deg_parts(dst_p)
    xw = _cnn_xw(seq_tokens.astype(jnp.int32), x_cov, cnn_W, cnn_b, W1)
    xwn, dinv = _scale(deg_parts, xw)

    S1 = _aggregate(src_p, dst_p, xwn)
    hwn = _layer(S1, xwn, dinv, W2, b1)
    S2 = _aggregate(src_p, dst_p, hwn)
    P, Q = _proj(S2, hwn, dinv, We1, b2, be1)

    U, V = _edge_gather(src_p, dst_p, P, Q)
    eap = jnp.pad(edge_attr, ((0, EPAD - E), (0, 3)))
    out = _edge_mlp(U, V, eap, We1, We2, be2)
    return out[:E, 0]

# --- scband reference (transcript-rebuilt; emitter-appended) ---
"""Pipeline reference for scband-hyperbubble-gnn-56521769615366 (READ-ONLY COPY).

The authoritative reference and input builder live on the scoring server;
editing this copy changes nothing except your own understanding.
"""

import jax, jax.numpy as jnp
import numpy as np

N = 50000
K = 50
E = 800000
VOCAB = 6
CNN_CH = 32
GCN_H = 64
EDGE_H = 64
EDGE_F = 5


def setup_inputs(seed: int = 0) -> dict:
    key = jax.random.key(seed)
    ks = jax.random.split(key, 14)
    seq_tokens = jax.random.randint(ks[0], (N, K), 0, VOCAB)
    x_cov = jax.random.normal(ks[1], (N, 1), dtype=jnp.float32)
    edge_index = jax.random.randint(ks[2], (2, E), 0, N)
    edge_attr = jax.random.normal(ks[3], (E, EDGE_F), dtype=jnp.float32)
    cnn_W = jax.random.normal(ks[4], (CNN_CH, VOCAB, 3), dtype=jnp.float32) * (1.0 / np.sqrt(VOCAB * 3))
    cnn_b = jnp.zeros((CNN_CH,), dtype=jnp.float32)
    W1 = jax.random.normal(ks[5], (CNN_CH + 1, GCN_H), dtype=jnp.float32) * (1.0 / np.sqrt(CNN_CH + 1))
    b1 = jnp.zeros((GCN_H,), dtype=jnp.float32)
    W2 = jax.random.normal(ks[6], (GCN_H, GCN_H), dtype=jnp.float32) * (1.0 / np.sqrt(GCN_H))
    b2 = jnp.zeros((GCN_H,), dtype=jnp.float32)
    We1 = jax.random.normal(ks[7], (2 * GCN_H + EDGE_F, EDGE_H), dtype=jnp.float32) * (1.0 / np.sqrt(2 * GCN_H + EDGE_F))
    be1 = jnp.zeros((EDGE_H,), dtype=jnp.float32)
    We2 = jax.random.normal(ks[8], (EDGE_H, 1), dtype=jnp.float32) * (1.0 / np.sqrt(EDGE_H))
    be2 = jnp.zeros((1,), dtype=jnp.float32)
    return {"seq_tokens": seq_tokens, "x_cov": x_cov, "edge_index": edge_index, "edge_attr": edge_attr,
            "cnn_W": cnn_W, "cnn_b": cnn_b, "W1": W1, "b1": b1, "W2": W2, "b2": b2,
            "We1": We1, "be1": be1, "We2": We2, "be2": be2}


def _gcn_conv(x, src, dst, W, b, n):
    # PyG GCNConv: add self-loops, symmetric normalization, x' = D^-1/2 (A+I) D^-1/2 (X W) + b
    loop = jnp.arange(n, dtype=src.dtype)
    src2 = jnp.concatenate([src, loop])
    dst2 = jnp.concatenate([dst, loop])
    deg = jnp.zeros((n,), dtype=x.dtype).at[dst2].add(1.0)
    dinv = jnp.where(deg > 0, 1.0 / jnp.sqrt(deg), 0.0)
    norm = dinv[src2] * dinv[dst2]
    h = x @ W
    msgs = h[src2] * norm[:, None]
    out = jnp.zeros((n, W.shape[1]), dtype=x.dtype).at[dst2].add(msgs)
    return out + b


def reference(seq_tokens, x_cov, edge_index, edge_attr, cnn_W, cnn_b, W1, b1, W2, b2, We1, be1, We2, be2):
    # tokens_to_onehot -> [N, K, VOCAB] then permute to [N, VOCAB, K]
    onehot = jax.nn.one_hot(seq_tokens, VOCAB, dtype=jnp.float32)
    xin = jnp.transpose(onehot, (0, 2, 1))
    h = jax.lax.conv_general_dilated(xin, cnn_W, window_strides=(1,), padding=((1, 1),),
                                     dimension_numbers=("NCH", "OIH", "NCH"))
    h = jax.nn.relu(h + cnn_b[None, :, None])
    h = h.mean(axis=2)
    X0 = jnp.concatenate([h, x_cov], axis=1)
    src = edge_index[0]
    dst = edge_index[1]
    H = jax.nn.relu(_gcn_conv(X0, src, dst, W1, b1, N))
    H = jax.nn.relu(_gcn_conv(H, src, dst, W2, b2, N))
    U = H[src]
    V = H[dst]
    feats = jnp.concatenate([U, V, edge_attr], axis=1)
    z = jax.nn.relu(feats @ We1 + be1)
    logits = (z @ We2 + be2)[:, 0]
    return logits

if __name__ == "__main__":
    import jax
    _d = setup_inputs()
    print(jax.jit(kernel)(*tuple(_d.values())))

</pallas_src>

<mosaic_0001>
#map = affine_map<(d0, d1) -> (0)>
#map1 = affine_map<(d0, d1) -> (0, 0)>
#map2 = affine_map<(d0, d1) -> (0, 0, 0)>
module attributes {stable_mosaic.version = 14 : i64} {
  func.func @_deg_body(%arg0: i32, %arg1: i32, %arg2: memref<802816xi32, #tpu.memory_space<hbm>>, %arg3: memref<3128x16xf32, #tpu.memory_space<hbm>>, %arg4: memref<128x16xf32, #tpu.memory_space<hbm>>, %arg5: memref<2x50048x16xf32, #tpu.memory_space<hbm>>, %arg6: memref<50048x16xf32, #tpu.memory_space<vmem_shared>>, %arg7: memref<128x16xf32, #tpu.memory_space<vmem>>, %arg8: memref<4x128xi32, #tpu.memory_space<vmem>>, %arg9: memref<!tpu.dma_semaphore, #tpu.memory_space<semaphore_mem>>, %arg10: memref<!tpu.dma_semaphore, #tpu.memory_space<semaphore_mem>>, %arg11: memref<!tpu.dma_semaphore, #tpu.memory_space<semaphore_mem>>, %arg12: memref<!tpu.dma_semaphore, #tpu.memory_space<semaphore_mem>>, %arg13: memref<!tpu.dma_semaphore, #tpu.memory_space<semaphore_mem>>, %arg14: memref<!tpu.dma_semaphore, #tpu.memory_space<semaphore_mem>>, %arg15: memref<!tpu.dma_semaphore, #tpu.memory_space<semaphore_mem>>, %arg16: memref<!tpu.dma_semaphore, #tpu.memory_space<semaphore_mem>>) attributes {dimension_semantics = [#tpu.dimension_semantics<core_parallel>, #tpu.dimension_semantics<subcore_parallel>], iteration_bounds = array<i64: 2, 16>, scalar_prefetch = 0 : i64, scratch_operands = 11 : i64, tpu.core_type = #tpu.core_type<sc_vector_subcore>, window_params = [{transform_indices = #map}, {transform_indices = #map1}, {transform_indices = #map1}, {transform_indices = #map2}]} {
    %mul3A = arith.constant 3128 : i32
    %mul3A_0 = arith.muli %arg1, %mul3A : i32
    "tpu.region"() ({
      %run_scoped3A = tpu.sem_alloc : memref<!tpu.dma_semaphore, #tpu.memory_space<semaphore_mem>>
      %dma_start3A_53 = arith.constant 0 : i32
      %dma_start3A_54 = tpu.memref_slice %arg6[%mul3A_0, %dma_start3A_53] : memref<50048x16xf32, #tpu.memory_space<vmem_shared>> -> memref<3128x16xf32, #tpu.memory_space<vmem_shared>>
      tpu.enqueue_dma source(%arg3 : memref<3128x16xf32, #tpu.memory_space<hbm>>) target(%dma_start3A_54 : memref<3128x16xf32, #tpu.memory_space<vmem_shared>>) target_semaphore(%run_scoped3A : memref<!tpu.dma_semaphore, #tpu.memory_space<semaphore_mem>>)
      %dma_wait3A_55 = arith.constant 0 : i32
      %dma_wait3A_56 = tpu.memref_slice %arg6[%mul3A_0, %dma_wait3A_55] : memref<50048x16xf32, #tpu.memory_space<vmem_shared>> -> memref<3128x16xf32, #tpu.memory_space<vmem_shared>>
      tpu.wait_dma2 semaphore(%run_scoped3A : memref<!tpu.dma_semaphore, #tpu.memory_space<semaphore_mem>>) src(%arg3 : memref<3128x16xf32, #tpu.memory_space<hbm>>) dst(%dma_wait3A_56 : memref<3128x16xf32, #tpu.memory_space<vmem_shared>>)
      tpu.yield
    }) : () -> ()
    "tpu.region"() ({
      %run_scoped3A = tpu.sem_alloc : memref<!tpu.dma_semaphore, #tpu.memory_space<semaphore_mem>>
      tpu.enqueue_dma source(%arg4 : memref<128x16xf32, #tpu.memory_space<hbm>>) target(%arg7 : memref<128x16xf32, #tpu.memory_space<vmem>>) target_semaphore(%run_scoped3A : memref<!tpu.dma_semaphore, #tpu.memory_space<semaphore_mem>>)
      tpu.wait_dma2 semaphore(%run_scoped3A : memref<!tpu.dma_semaphore, #tpu.memory_space<semaphore_mem>>) src(%arg4 : memref<128x16xf32, #tpu.memory_space<hbm>>) dst(%arg7 : memref<128x16xf32, #tpu.memory_space<vmem>>)
      tpu.yield
    }) : () -> ()
    %barrier3A = arith.constant 0 : index
    tpu.barrier barrier_id(%barrier3A)
    %mul3A_1 = arith.constant 16 : i32
    %mul3A_2 = arith.muli %arg0, %mul3A_1 : i32
    %add3A = arith.addi %mul3A_2, %arg1 : i32
    %mul3A_3 = arith.constant 25088 : i32
    %mul3A_4 = arith.muli %add3A, %mul3A_3 : i32
    %add3A_5 = arith.constant 0 : i32
    %add3A_6 = arith.addi %mul3A_4, %add3A_5 : i32
    %dma_start3A = arith.constant 0 : i32
    %dma_start3A_7 = arith.constant 0 : i32
    %dma_start3A_8 = tpu.memref_slice %arg8[%dma_start3A, %dma_start3A_7] : memref<4x128xi32, #tpu.memory_space<vmem>> -> memref<1x128xi32, #tpu.memory_space<vmem>>
    %dma_start3A_9 = tpu.memref_squeeze %dma_start3A_8 : memref<1x128xi32, #tpu.memory_space<vmem>> -> memref<128xi32, #tpu.memory_space<vmem>>
    %dma_start3A_10 = tpu.memref_slice %arg2[%add3A_6] : memref<802816xi32, #tpu.memory_space<hbm>> -> memref<128xi32, #tpu.memory_space<hbm>>
    %dma_start3A_11 = arith.constant 0 : i32
    %dma_start3A_12 = tpu.memref_slice %arg8[%dma_start3A, %dma_start3A_11] : memref<4x128xi32, #tpu.memory_space<vmem>> -> memref<1x128xi32, #tpu.memory_space<vmem>>
    %dma_start3A_13 = tpu.memref_squeeze %dma_start3A_12 : memref<1x128xi32, #tpu.memory_space<vmem>> -> memref<128xi32, #tpu.memory_space<vmem>>
    %dma_start3A_14 = tpu.memref_slice %arg2[%add3A_6] : memref<802816xi32, #tpu.memory_space<hbm>> -> memref<128xi32, #tpu.memory_space<hbm>>
    tpu.enqueue_dma source(%dma_start3A_14 : memref<128xi32, #tpu.memory_space<hbm>>) target(%dma_start3A_13 : memref<128xi32, #tpu.memory_space<vmem>>) target_semaphore(%arg9 : memref<!tpu.dma_semaphore, #tpu.memory_space<semaphore_mem>>)
    %add3A_15 = arith.constant 128 : i32
    %add3A_16 = arith.addi %mul3A_4, %add3A_15 : i32
    %dma_start3A_17 = arith.constant 1 : i32
    %dma_start3A_18 = arith.constant 0 : i32
    %dma_start3A_19 = tpu.memref_slice %arg8[%dma_start3A_17, %dma_start3A_18] : memref<4x128xi32, #tpu.memory_space<vmem>> -> memref<1x128xi32, #tpu.memory_space<vmem>>
    %dma_start3A_20 = tpu.memref_squeeze %dma_start3A_19 : memref<1x128xi32, #tpu.memory_space<vmem>> -> memref<128xi32, #tpu.memory_space<vmem>>
    %dma_start3A_21 = tpu.memref_slice %arg2[%add3A_16] : memref<802816xi32, #tpu.memory_space<hbm>> -> memref<128xi32, #tpu.memory_space<hbm>>
    %dma_start3A_22 = arith.constant 0 : i32
    %dma_start3A_23 = tpu.memref_slice %arg8[%dma_start3A_17, %dma_start3A_22] : memref<4x128xi32, #tpu.memory_space<vmem>> -> memref<1x128xi32, #tpu.memory_space<vmem>>
    %dma_start3A_24 = tpu.memref_squeeze %dma_start3A_23 : memref<1x128xi32, #tpu.memory_space<vmem>> -> memref<128xi32, #tpu.memory_space<vmem>>
    %dma_start3A_25 = tpu.memref_slice %arg2[%add3A_16] : memref<802816xi32, #tpu.memory_space<hbm>> -> memref<128xi32, #tpu.memory_space<hbm>>
    tpu.enqueue_dma source(%dma_start3A_25 : memref<128xi32, #tpu.memory_space<hbm>>) target(%dma_start3A_24 : memref<128xi32, #tpu.memory_space<vmem>>) target_semaphore(%arg10 : memref<!tpu.dma_semaphore, #tpu.memory_space<semaphore_mem>>)
    %add3A_26 = arith.constant 256 : i32
    %add3A_27 = arith.addi %mul3A_4, %add3A_26 : i32
    %dma_start3A_28 = arith.constant 2 : i32
    %dma_start3A_29 = arith.constant 0 : i32
    %dma_start3A_30 = tpu.memref_slice %arg8[%dma_start3A_28, %dma_start3A_29] : memref<4x128xi32, #tpu.memory_space<vmem>> -> memref<1x128xi32, #tpu.memory_space<vmem>>
    %dma_start3A_31 = tpu.memref_squeeze %dma_start3A_30 : memref<1x128xi32, #tpu.memory_space<vmem>> -> memref<128xi32, #tpu.memory_space<vmem>>
    %dma_start3A_32 = tpu.memref_slice %arg2[%add3A_27] : memref<802816xi32, #tpu.memory_space<hbm>> -> memref<128xi32, #tpu.memory_space<hbm>>
    %dma_start3A_33 = arith.constant 0 : i32
    %dma_start3A_34 = tpu.memref_slice %arg8[%dma_start3A_28, %dma_start3A_33] : memref<4x128xi32, #tpu.memory_space<vmem>> -> memref<1x128xi32, #tpu.memory_space<vmem>>
    %dma_start3A_35 = tpu.memref_squeeze %dma_start3A_34 : memref<1x128xi32, #tpu.memory_space<vmem>> -> memref<128xi32, #tpu.memory_space<vmem>>
    %dma_start3A_36 = tpu.memref_slice %arg2[%add3A_27] : memref<802816xi32, #tpu.memory_space<hbm>> -> memref<128xi32, #tpu.memory_space<hbm>>
    tpu.enqueue_dma source(%dma_start3A_36 : memref<128xi32, #tpu.memory_space<hbm>>) target(%dma_start3A_35 : memref<128xi32, #tpu.memory_space<vmem>>) target_semaphore(%arg11 : memref<!tpu.dma_semaphore, #tpu.memory_space<semaphore_mem>>)
    %scan3A = arith.constant 0 : i32
    %scan3A_37 = arith.constant 0 : i32
    %scan3A_38 = arith.constant 49 : i32
    %scan3A_39 = arith.addi %scan3A_37, %scan3A_38 : i32
    %scan3A_40 = arith.constant 1 : i32
    scf.for %scan3A_53 = %scan3A_37 to %scan3A_39 step %scan3A_40  : i32 {
      %mul3A_54 = arith.constant 4 : i32
      %mul3A_55 = arith.muli %scan3A_53, %mul3A_54 : i32
      %add3A_56 = arith.constant 0 : i32
      %add3A_57 = arith.addi %mul3A_55, %add3A_56 : i32
      %dma_wait3A_58 = arith.constant 0 : i32
      %dma_wait3A_59 = arith.constant 0 : i32
      %dma_wait3A_60 = tpu.memref_slice %arg8[%dma_wait3A_58, %dma_wait3A_59] : memref<4x128xi32, #tpu.memory_space<vmem>> -> memref<1x128xi32, #tpu.memory_space<vmem>>
      %dma_wait3A_61 = tpu.memref_squeeze %dma_wait3A_60 : memref<1x128xi32, #tpu.memory_space<vmem>> -> memref<128xi32, #tpu.memory_space<vmem>>
      %dma_wait3A_62 = arith.constant 0 : i32
      %dma_wait3A_63 = tpu.memref_slice %arg2[%dma_wait3A_62] : memref<802816xi32, #tpu.memory_space<hbm>> -> memref<128xi32, #tpu.memory_space<hbm>>
      %dma_wait3A_64 = arith.constant 0 : i32
      %dma_wait3A_65 = tpu.memref_slice %arg8[%dma_wait3A_58, %dma_wait3A_64] : memref<4x128xi32, #tpu.memory_space<vmem>> -> memref<1x128xi32, #tpu.memory_space<vmem>>
      %dma_wait3A_66 = tpu.memref_squeeze %dma_wait3A_65 : memref<1x128xi32, #tpu.memory_space<vmem>> -> memref<128xi32, #tpu.memory_space<vmem>>
      %dma_wait3A_67 = arith.constant 0 : i32
      %dma_wait3A_68 = tpu.memref_slice %arg2[%dma_wait3A_67] : memref<802816xi32, #tpu.memory_space<hbm>> -> memref<128xi32, #tpu.memory_space<hbm>>
      tpu.wait_dma2 semaphore(%arg9 : memref<!tpu.dma_semaphore, #tpu.memory_space<semaphore_mem>>) src(%dma_wait3A_68 : memref<128xi32, #tpu.memory_space<hbm>>) dst(%dma_wait3A_66 : memref<128xi32, #tpu.memory_space<vmem>>)
      %dma_start3A_69 = arith.constant 0 : i32
      %dma_start3A_70 = arith.constant 0 : i32
      %dma_start3A_71 = tpu.memref_slice %arg8[%dma_start3A_69, %dma_start3A_70] : memref<4x128xi32, #tpu.memory_space<vmem>> -> memref<1x128xi32, #tpu.memory_space<vmem>>
      %dma_start3A_72 = tpu.memref_squeeze %dma_start3A_71 : memref<1x128xi32, #tpu.memory_space<vmem>> -> memref<128xi32, #tpu.memory_space<vmem>>
      %dma_start3A_73 = arith.constant 0 : i32
      %dma_start3A_74 = arith.constant 0 : i32
      %dma_start3A_75 = tpu.memref_slice %arg6[%dma_start3A_73, %dma_start3A_74] : memref<50048x16xf32, #tpu.memory_space<vmem_shared>> -> memref<50048x16xf32, #tpu.memory_space<vmem_shared>>
      tpu.enqueue_indirect_dma source(%arg7 : memref<128x16xf32, #tpu.memory_space<vmem>>) target(%dma_start3A_75 : memref<50048x16xf32, #tpu.memory_space<vmem_shared>>) offsets(%dma_start3A_72 : memref<128xi32, #tpu.memory_space<vmem>>) semaphore(%arg13 : memref<!tpu.dma_semaphore, #tpu.memory_space<semaphore_mem>>) {add = true}
      %ge3A = arith.constant 1 : i32
      %ge3A_76 = arith.cmpi sge, %add3A_57, %ge3A : i32
      %convert_element_type3A = arith.extui %ge3A_76 : i1 to i32
      %cond3A = arith.constant 0 : i32
      %cond3A_77 = arith.cmpi ne, %convert_element_type3A, %cond3A : i32
      scf.if %cond3A_77 {
        %dma_wait3A_193 = arith.constant 3 : i32
        %dma_wait3A_194 = arith.constant 0 : i32
        %dma_wait3A_195 = tpu.memref_slice %arg8[%dma_wait3A_193, %dma_wait3A_194] : memref<4x128xi32, #tpu.memory_space<vmem>> -> memref<1x128xi32, #tpu.memory_space<vmem>>
        %dma_wait3A_196 = tpu.memref_squeeze %dma_wait3A_195 : memref<1x128xi32, #tpu.memory_space<vmem>> -> memref<128xi32, #tpu.memory_space<vmem>>
        %dma_wait3A_197 = arith.constant 0 : i32
        %dma_wait3A_198 = arith.constant 0 : i32
        %dma_wait3A_199 = tpu.memref_slice %arg6[%dma_wait3A_197, %dma_wait3A_198] : memref<50048x16xf32, #tpu.memory_space<vmem_shared>> -> memref<50048x16xf32, #tpu.memory_space<vmem_shared>>
        tpu.wait_indirect_dma semaphore(%arg16 : memref<!tpu.dma_semaphore, #tpu.memory_space<semaphore_mem>>) src(%arg7 : memref<128x16xf32, #tpu.memory_space<vmem>>) dst(%dma_wait3A_199 : memref<50048x16xf32, #tpu.memory_space<vmem_shared>>)
      } else {
      }
      %add3A_78 = arith.constant 4 : i32
      %add3A_79 = arith.addi %add3A_57, %add3A_78 : i32
      %sub3A = arith.constant 1 : i32
      %sub3A_80 = arith.subi %add3A_79, %sub3A : i32
      %lt3A = arith.constant 196 : i32
      %lt3A_81 = arith.cmpi slt, %sub3A_80, %lt3A : i32
      %convert_element_type3A_82 = arith.extui %lt3A_81 : i1 to i32
      %cond3A_83 = arith.constant 0 : i32
      %cond3A_84 = arith.cmpi ne, %convert_element_type3A_82, %cond3A_83 : i32
      scf.if %cond3A_84 {
        %add3A_193 = arith.constant 4 : i32
        %add3A_194 = arith.addi %add3A_57, %add3A_193 : i32
        %sub3A_195 = arith.constant 1 : i32
        %sub3A_196 = arith.subi %add3A_194, %sub3A_195 : i32
        %mul3A_197 = arith.constant 128 : i32
        %mul3A_198 = arith.muli %sub3A_196, %mul3A_197 : i32
        %add3A_199 = arith.addi %mul3A_4, %mul3A_198 : i32
        %dma_start3A_200 = arith.constant 3 : i32
        %dma_start3A_201 = arith.constant 0 : i32
        %dma_start3A_202 = tpu.memref_slice %arg8[%dma_start3A_200, %dma_start3A_201] : memref<4x128xi32, #tpu.memory_space<vmem>> -> memref<1x128xi32, #tpu.memory_space<vmem>>
        %dma_start3A_203 = tpu.memref_squeeze %dma_start3A_202 : memref<1x128xi32, #tpu.memory_space<vmem>> -> memref<128xi32, #tpu.memory_space<vmem>>
        %dma_start3A_204 = tpu.memref_slice %arg2[%add3A_199] : memref<802816xi32, #tpu.memory_space<hbm>> -> memref<128xi32, #tpu.memory_space<hbm>>
        %dma_start3A_205 = arith.constant 0 : i32
        %dma_start3A_206 = tpu.memref_slice %arg8[%dma_start3A_200, %dma_start3A_205] : memref<4x128xi32, #tpu.memory_space<vmem>> -> memref<1x128xi32, #tpu.memory_space<vmem>>
        %dma_start3A_207 = tpu.memref_squeeze %dma_start3A_206 : memref<1x128xi32, #tpu.memory_space<vmem>> -> memref<128xi32, #tpu.memory_space<vmem>>
        %dma_start3A_208 = tpu.memref_slice %arg2[%add3A_199] : memref<802816xi32, #tpu.memory_space<hbm>> -> memref<128xi32, #tpu.memory_space<hbm>>
        tpu.enqueue_dma source(%dma_start3A_208 : memref<128xi32, #tpu.memory_space<hbm>>) target(%dma_start3A_207 : memref<128xi32, #tpu.memory_space<vmem>>) target_semaphore(%arg12 : memref<!tpu.dma_semaphore, #tpu.memory_space<semaphore_mem>>)
      } else {
      }
      %mul3A_85 = arith.constant 4 : i32
      %mul3A_86 = arith.muli %scan3A_53, %mul3A_85 : i32
      %add3A_87 = arith.constant 1 : i32
      %add3A_88 = arith.addi %mul3A_86, %add3A_87 : i32
      %dma_wait3A_89 = arith.constant 1 : i32
      %dma_wait3A_90 = arith.constant 0 : i32
      %dma_wait3A_91 = tpu.memref_slice %arg8[%dma_wait3A_89, %dma_wait3A_90] : memref<4x128xi32, #tpu.memory_space<vmem>> -> memref<1x128xi32, #tpu.memory_space<vmem>>
      %dma_wait3A_92 = tpu.memref_squeeze %dma_wait3A_91 : memref<1x128xi32, #tpu.memory_space<vmem>> -> memref<128xi32, #tpu.memory_space<vmem>>
      %dma_wait3A_93 = arith.constant 0 : i32
      %dma_wait3A_94 = tpu.memref_slice %arg2[%dma_wait3A_93] : memref<802816xi32, #tpu.memory_space<hbm>> -> memref<128xi32, #tpu.memory_space<hbm>>
      %dma_wait3A_95 = arith.constant 0 : i32
      %dma_wait3A_96 = tpu.memref_slice %arg8[%dma_wait3A_89, %dma_wait3A_95] : memref<4x128xi32, #tpu.memory_space<vmem>> -> memref<1x128xi32, #tpu.memory_space<vmem>>
      %dma_wait3A_97 = tpu.memref_squeeze %dma_wait3A_96 : memref<1x128xi32, #tpu.memory_space<vmem>> -> memref<128xi32, #tpu.memory_space<vmem>>
      %dma_wait3A_98 = arith.constant 0 : i32
      %dma_wait3A_99 = tpu.memref_slice %arg2[%dma_wait3A_98] : memref<802816xi32, #tpu.memory_space<hbm>> -> memref<128xi32, #tpu.memory_space<hbm>>
      tpu.wait_dma2 semaphore(%arg10 : memref<!tpu.dma_semaphore, #tpu.memory_space<semaphore_mem>>) src(%dma_wait3A_99 : memref<128xi32, #tpu.memory_space<hbm>>) dst(%dma_wait3A_97 : memref<128xi32, #tpu.memory_space<vmem>>)
      %dma_start3A_100 = arith.constant 1 : i32
      %dma_start3A_101 = arith.constant 0 : i32
      %dma_start3A_102 = tpu.memref_slice %arg8[%dma_start3A_100, %dma_start3A_101] : memref<4x128xi32, #tpu.memory_space<vmem>> -> memref<1x128xi32, #tpu.memory_space<vmem>>
      %dma_start3A_103 = tpu.memref_squeeze %dma_start3A_102 : memref<1x128xi32, #tpu.memory_space<vmem>> -> memref<128xi32, #tpu.memory_space<vmem>>
      %dma_start3A_104 = arith.constant 0 : i32
      %dma_start3A_105 = arith.constant 0 : i32
      %dma_start3A_106 = tpu.memref_slice %arg6[%dma_start3A_104, %dma_start3A_105] : memref<50048x16xf32, #tpu.memory_space<vmem_shared>> -> memref<50048x16xf32, #tpu.memory_space<vmem_shared>>
      tpu.enqueue_indirect_dma source(%arg7 : memref<128x16xf32, #tpu.memory_space<vmem>>) target(%dma_start3A_106 : memref<50048x16xf32, #tpu.memory_space<vmem_shared>>) offsets(%dma_start3A_103 : memref<128xi32, #tpu.memory_space<vmem>>) semaphore(%arg14 : memref<!tpu.dma_semaphore, #tpu.memory_space<semaphore_mem>>) {add = true}
      %ge3A_107 = arith.constant 1 : i32
      %ge3A_108 = arith.cmpi sge, %add3A_88, %ge3A_107 : i32
      %convert_element_type3A_109 = arith.extui %ge3A_108 : i1 to i32
      %cond3A_110 = arith.constant 0 : i32
      %cond3A_111 = arith.cmpi ne, %convert_element_type3A_109, %cond3A_110 : i32
      scf.if %cond3A_111 {
        %dma_wait3A_193 = arith.constant 0 : i32
        %dma_wait3A_194 = arith.constant 0 : i32
        %dma_wait3A_195 = tpu.memref_slice %arg8[%dma_wait3A_193, %dma_wait3A_194] : memref<4x128xi32, #tpu.memory_space<vmem>> -> memref<1x128xi32, #tpu.memory_space<vmem>>
        %dma_wait3A_196 = tpu.memref_squeeze %dma_wait3A_195 : memref<1x128xi32, #tpu.memory_space<vmem>> -> memref<128xi32, #tpu.memory_space<vmem>>
        %dma_wait3A_197 = arith.constant 0 : i32
        %dma_wait3A_198 = arith.constant 0 : i32
        %dma_wait3A_199 = tpu.memref_slice %arg6[%dma_wait3A_197, %dma_wait3A_198] : memref<50048x16xf32, #tpu.memory_space<vmem_shared>> -> memref<50048x16xf32, #tpu.memory_space<vmem_shared>>
        tpu.wait_indirect_dma semaphore(%arg13 : memref<!tpu.dma_semaphore, #tpu.memory_space<semaphore_mem>>) src(%arg7 : memref<128x16xf32, #tpu.memory_space<vmem>>) dst(%dma_wait3A_199 : memref<50048x16xf32, #tpu.memory_space<vmem_shared>>)
      } else {
      }
      %add3A_112 = arith.constant 4 : i32
      %add3A_113 = arith.addi %add3A_88, %add3A_112 : i32
      %sub3A_114 = arith.constant 1 : i32
      %sub3A_115 = arith.subi %add3A_113, %sub3A_114 : i32
      %lt3A_116 = arith.constant 196 : i32
      %lt3A_117 = arith.cmpi slt, %sub3A_115, %lt3A_116 : i32
      %convert_element_type3A_118 = arith.extui %lt3A_117 : i1 to i32
      %cond3A_119 = arith.constant 0 : i32
      %cond3A_120 = arith.cmpi ne, %convert_element_type3A_118, %cond3A_119 : i32
      scf.if %cond3A_120 {
        %add3A_193 = arith.constant 4 : i32
        %add3A_194 = arith.addi %add3A_88, %add3A_193 : i32
        %sub3A_195 = arith.constant 1 : i32
        %sub3A_196 = arith.subi %add3A_194, %sub3A_195 : i32
        %mul3A_197 = arith.constant 128 : i32
        %mul3A_198 = arith.muli %sub3A_196, %mul3A_197 : i32
        %add3A_199 = arith.addi %mul3A_4, %mul3A_198 : i32
        %dma_start3A_200 = arith.constant 0 : i32
        %dma_start3A_201 = arith.constant 0 : i32
        %dma_start3A_202 = tpu.memref_slice %arg8[%dma_start3A_200, %dma_start3A_201] : memref<4x128xi32, #tpu.memory_space<vmem>> -> memref<1x128xi32, #tpu.memory_space<vmem>>
        %dma_start3A_203 = tpu.memref_squeeze %dma_start3A_202 : memref<1x128xi32, #tpu.memory_space<vmem>> -> memref<128xi32, #tpu.memory_space<vmem>>
        %dma_start3A_204 = tpu.memref_slice %arg2[%add3A_199] : memref<802816xi32, #tpu.memory_space<hbm>> -> memref<128xi32, #tpu.memory_space<hbm>>
        %dma_start3A_205 = arith.constant 0 : i32
        %dma_start3A_206 = tpu.memref_slice %arg8[%dma_start3A_200, %dma_start3A_205] : memref<4x128xi32, #tpu.memory_space<vmem>> -> memref<1x128xi32, #tpu.memory_space<vmem>>
        %dma_start3A_207 = tpu.memref_squeeze %dma_start3A_206 : memref<1x128xi32, #tpu.memory_space<vmem>> -> memref<128xi32, #tpu.memory_space<vmem>>
        %dma_start3A_208 = tpu.memref_slice %arg2[%add3A_199] : memref<802816xi32, #tpu.memory_space<hbm>> -> memref<128xi32, #tpu.memory_space<hbm>>
        tpu.enqueue_dma source(%dma_start3A_208 : memref<128xi32, #tpu.memory_space<hbm>>) target(%dma_start3A_207 : memref<128xi32, #tpu.memory_space<vmem>>) target_semaphore(%arg9 : memref<!tpu.dma_semaphore, #tpu.memory_space<semaphore_mem>>)
      } else {
      }
      %mul3A_121 = arith.constant 4 : i32
      %mul3A_122 = arith.muli %scan3A_53, %mul3A_121 : i32
      %add3A_123 = arith.constant 2 : i32
      %add3A_124 = arith.addi %mul3A_122, %add3A_123 : i32
      %dma_wait3A_125 = arith.constant 2 : i32
      %dma_wait3A_126 = arith.constant 0 : i32
      %dma_wait3A_127 = tpu.memref_slice %arg8[%dma_wait3A_125, %dma_wait3A_126] : memref<4x128xi32, #tpu.memory_space<vmem>> -> memref<1x128xi32, #tpu.memory_space<vmem>>
      %dma_wait3A_128 = tpu.memref_squeeze %dma_wait3A_127 : memref<1x128xi32, #tpu.memory_space<vmem>> -> memref<128xi32, #tpu.memory_space<vmem>>
      %dma_wait3A_129 = arith.constant 0 : i32
      %dma_wait3A_130 = tpu.memref_slice %arg2[%dma_wait3A_129] : memref<802816xi32, #tpu.memory_space<hbm>> -> memref<128xi32, #tpu.memory_space<hbm>>
      %dma_wait3A_131 = arith.constant 0 : i32
      %dma_wait3A_132 = tpu.memref_slice %arg8[%dma_wait3A_125, %dma_wait3A_131] : memref<4x128xi32, #tpu.memory_space<vmem>> -> memref<1x128xi32, #tpu.memory_space<vmem>>
      %dma_wait3A_133 = tpu.memref_squeeze %dma_wait3A_132 : memref<1x128xi32, #tpu.memory_space<vmem>> -> memref<128xi32, #tpu.memory_space<vmem>>
      %dma_wait3A_134 = arith.constant 0 : i32
      %dma_wait3A_135 = tpu.memref_slice %arg2[%dma_wait3A_134] : memref<802816xi32, #tpu.memory_space<hbm>> -> memref<128xi32, #tpu.memory_space<hbm>>
      tpu.wait_dma2 semaphore(%arg11 : memref<!tpu.dma_semaphore, #tpu.memory_space<semaphore_mem>>) src(%dma_wait3A_135 : memref<128xi32, #tpu.memory_space<hbm>>) dst(%dma_wait3A_133 : memref<128xi32, #tpu.memory_space<vmem>>)
      %dma_start3A_136 = arith.constant 2 : i32
      %dma_start3A_137 = arith.constant 0 : i32
      %dma_start3A_138 = tpu.memref_slice %arg8[%dma_start3A_136, %dma_start3A_137] : memref<4x128xi32, #tpu.memory_space<vmem>> -> memref<1x128xi32, #tpu.memory_space<vmem>>
      %dma_start3A_139 = tpu.memref_squeeze %dma_start3A_138 : memref<1x128xi32, #tpu.memory_space<vmem>> -> memref<128xi32, #tpu.memory_space<vmem>>
      %dma_start3A_140 = arith.constant 0 : i32
      %dma_start3A_141 = arith.constant 0 : i32
      %dma_start3A_142 = tpu.memref_slice %arg6[%dma_start3A_140, %dma_start3A_141] : memref<50048x16xf32, #tpu.memory_space<vmem_shared>> -> memref<50048x16xf32, #tpu.memory_space<vmem_shared>>
      tpu.enqueue_indirect_dma source(%arg7 : memref<128x16xf32, #tpu.memory_space<vmem>>) target(%dma_start3A_142 : memref<50048x16xf32, #tpu.memory_space<vmem_shared>>) offsets(%dma_start3A_139 : memref<128xi32, #tpu.memory_space<vmem>>) semaphore(%arg15 : memref<!tpu.dma_semaphore, #tpu.memory_space<semaphore_mem>>) {add = true}
      %ge3A_143 = arith.constant 1 : i32
      %ge3A_144 = arith.cmpi sge, %add3A_124, %ge3A_143 : i32
      %convert_element_type3A_145 = arith.extui %ge3A_144 : i1 to i32
      %cond3A_146 = arith.constant 0 : i32
      %cond3A_147 = arith.cmpi ne, %convert_element_type3A_145, %cond3A_146 : i32
      scf.if %cond3A_147 {
        %dma_wait3A_193 = arith.constant 1 : i32
        %dma_wait3A_194 = arith.constant 0 : i32
        %dma_wait3A_195 = tpu.memref_slice %arg8[%dma_wait3A_193, %dma_wait3A_194] : memref<4x128xi32, #tpu.memory_space<vmem>> -> memref<1x128xi32, #tpu.memory_space<vmem>>
        %dma_wait3A_196 = tpu.memref_squeeze %dma_wait3A_195 : memref<1x128xi32, #tpu.memory_space<vmem>> -> memref<128xi32, #tpu.memory_space<vmem>>
        %dma_wait3A_197 = arith.constant 0 : i32
        %dma_wait3A_198 = arith.constant 0 : i32
        %dma_wait3A_199 = tpu.memref_slice %arg6[%dma_wait3A_197, %dma_wait3A_198] : memref<50048x16xf32, #tpu.memory_space<vmem_shared>> -> memref<50048x16xf32, #tpu.memory_space<vmem_shared>>
        tpu.wait_indirect_dma semaphore(%arg14 : memref<!tpu.dma_semaphore, #tpu.memory_space<semaphore_mem>>) src(%arg7 : memref<128x16xf32, #tpu.memory_space<vmem>>) dst(%dma_wait3A_199 : memref<50048x16xf32, #tpu.memory_space<vmem_shared>>)
      } else {
      }
      %add3A_148 = arith.constant 4 : i32
      %add3A_149 = arith.addi %add3A_124, %add3A_148 : i32
      %sub3A_150 = arith.constant 1 : i32
      %sub3A_151 = arith.subi %add3A_149, %sub3A_150 : i32
      %lt3A_152 = arith.constant 196 : i32
      %lt3A_153 = arith.cmpi slt, %sub3A_151, %lt3A_152 : i32
      %convert_element_type3A_154 = arith.extui %lt3A_153 : i1 to i32
      %cond3A_155 = arith.constant 0 : i32
      %cond3A_156 = arith.cmpi ne, %convert_element_type3A_154, %cond3A_155 : i32
      scf.if %cond3A_156 {
        %add3A_193 = arith.constant 4 : i32
        %add3A_194 = arith.addi %add3A_124, %add3A_193 : i32
        %sub3A_195 = arith.constant 1 : i32
        %sub3A_196 = arith.subi %add3A_194, %sub3A_195 : i32
        %mul3A_197 = arith.constant 128 : i32
        %mul3A_198 = arith.muli %sub3A_196, %mul3A_197 : i32
        %add3A_199 = arith.addi %mul3A_4, %mul3A_198 : i32
        %dma_start3A_200 = arith.constant 1 : i32
        %dma_start3A_201 = arith.constant 0 : i32
        %dma_start3A_202 = tpu.memref_slice %arg8[%dma_start3A_200, %dma_start3A_201] : memref<4x128xi32, #tpu.memory_space<vmem>> -> memref<1x128xi32, #tpu.memory_space<vmem>>
        %dma_start3A_203 = tpu.memref_squeeze %dma_start3A_202 : memref<1x128xi32, #tpu.memory_space<vmem>> -> memref<128xi32, #tpu.memory_space<vmem>>
        %dma_start3A_204 = tpu.memref_slice %arg2[%add3A_199] : memref<802816xi32, #tpu.memory_space<hbm>> -> memref<128xi32, #tpu.memory_space<hbm>>
        %dma_start3A_205 = arith.constant 0 : i32
        %dma_start3A_206 = tpu.memref_slice %arg8[%dma_start3A_200, %dma_start3A_205] : memref<4x128xi32, #tpu.memory_space<vmem>> -> memref<1x128xi32, #tpu.memory_space<vmem>>
        %dma_start3A_207 = tpu.memref_squeeze %dma_start3A_206 : memref<1x128xi32, #tpu.memory_space<vmem>> -> memref<128xi32, #tpu.memory_space<vmem>>
        %dma_start3A_208 = tpu.memref_slice %arg2[%add3A_199] : memref<802816xi32, #tpu.memory_space<hbm>> -> memref<128xi32, #tpu.memory_space<hbm>>
        tpu.enqueue_dma source(%dma_start3A_208 : memref<128xi32, #tpu.memory_space<hbm>>) target(%dma_start3A_207 : memref<128xi32, #tpu.memory_space<vmem>>) target_semaphore(%arg10 : memref<!tpu.dma_semaphore, #tpu.memory_space<semaphore_mem>>)
      } else {
      }
      %mul3A_157 = arith.constant 4 : i32
      %mul3A_158 = arith.muli %scan3A_53, %mul3A_157 : i32
      %add3A_159 = arith.constant 3 : i32
      %add3A_160 = arith.addi %mul3A_158, %add3A_159 : i32
      %dma_wait3A_161 = arith.constant 3 : i32
      %dma_wait3A_162 = arith.constant 0 : i32
      %dma_wait3A_163 = tpu.memref_slice %arg8[%dma_wait3A_161, %dma_wait3A_162] : memref<4x128xi32, #tpu.memory_space<vmem>> -> memref<1x128xi32, #tpu.memory_space<vmem>>
      %dma_wait3A_164 = tpu.memref_squeeze %dma_wait3A_163 : memref<1x128xi32, #tpu.memory_space<vmem>> -> memref<128xi32, #tpu.memory_space<vmem>>
      %dma_wait3A_165 = arith.constant 0 : i32
      %dma_wait3A_166 = tpu.memref_slice %arg2[%dma_wait3A_165] : memref<802816xi32, #tpu.memory_space<hbm>> -> memref<128xi32, #tpu.memory_space<hbm>>
      %dma_wait3A_167 = arith.constant 0 : i32
      %dma_wait3A_168 = tpu.memref_slice %arg8[%dma_wait3A_161, %dma_wait3A_167] : memref<4x128xi32, #tpu.memory_space<vmem>> -> memref<1x128xi32, #tpu.memory_space<vmem>>
      %dma_wait3A_169 = tpu.memref_squeeze %dma_wait3A_168 : memref<1x128xi32, #tpu.memory_space<vmem>> -> memref<128xi32, #tpu.memory_space<vmem>>
      %dma_wait3A_170 = arith.constant 0 : i32
      %dma_wait3A_171 = tpu.memref_slice %arg2[%dma_wait3A_170] : memref<802816xi32, #tpu.memory_space<hbm>> -> memref<128xi32, #tpu.memory_space<hbm>>
      tpu.wait_dma2 semaphore(%arg12 : memref<!tpu.dma_semaphore, #tpu.memory_space<semaphore_mem>>) src(%dma_wait3A_171 : memref<128xi32, #tpu.memory_space<hbm>>) dst(%dma_wait3A_169 : memref<128xi32, #tpu.memory_space<vmem>>)
      %dma_start3A_172 = arith.constant 3 : i32
      %dma_start3A_173 = arith.constant 0 : i32
      %dma_start3A_174 = tpu.memref_slice %arg8[%dma_start3A_172, %dma_start3A_173] : memref<4x128xi32, #tpu.memory_space<vmem>> -> memref<1x128xi32, #tpu.memory_space<vmem>>
      %dma_start3A_175 = tpu.memref_squeeze %dma_start3A_174 : memref<1x128xi32, #tpu.memory_space<vmem>> -> memref<128xi32, #tpu.memory_space<vmem>>
      %dma_start3A_176 = arith.constant 0 : i32
      %dma_start3A_177 = arith.constant 0 : i32
      %dma_start3A_178 = tpu.memref_slice %arg6[%dma_start3A_176, %dma_start3A_177] : memref<50048x16xf32, #tpu.memory_space<vmem_shared>> -> memref<50048x16xf32, #tpu.memory_space<vmem_shared>>
      tpu.enqueue_indirect_dma source(%arg7 : memref<128x16xf32, #tpu.memory_space<vmem>>) target(%dma_start3A_178 : memref<50048x16xf32, #tpu.memory_space<vmem_shared>>) offsets(%dma_start3A_175 : memref<128xi32, #tpu.memory_space<vmem>>) semaphore(%arg16 : memref<!tpu.dma_semaphore, #tpu.memory_space<semaphore_mem>>) {add = true}
      %ge3A_179 = arith.constant 1 : i32
      %ge3A_180 = arith.cmpi sge, %add3A_160, %ge3A_179 : i32
      %convert_element_type3A_181 = arith.extui %ge3A_180 : i1 to i32
      %cond3A_182 = arith.constant 0 : i32
      %cond3A_183 = arith.cmpi ne, %convert_element_type3A_181, %cond3A_182 : i32
      scf.if %cond3A_183 {
        %dma_wait3A_193 = arith.constant 2 : i32
        %dma_wait3A_194 = arith.constant 0 : i32
        %dma_wait3A_195 = tpu.memref_slice %arg8[%dma_wait3A_193, %dma_wait3A_194] : memref<4x128xi32, #tpu.memory_space<vmem>> -> memref<1x128xi32, #tpu.memory_space<vmem>>
        %dma_wait3A_196 = tpu.memref_squeeze %dma_wait3A_195 : memref<1x128xi32, #tpu.memory_space<vmem>> -> memref<128xi32, #tpu.memory_space<vmem>>
        %dma_wait3A_197 = arith.constant 0 : i32
        %dma_wait3A_198 = arith.constant 0 : i32
        %dma_wait3A_199 = tpu.memref_slice %arg6[%dma_wait3A_197, %dma_wait3A_198] : memref<50048x16xf32, #tpu.memory_space<vmem_shared>> -> memref<50048x16xf32, #tpu.memory_space<vmem_shared>>
        tpu.wait_indirect_dma semaphore(%arg15 : memref<!tpu.dma_semaphore, #tpu.memory_space<semaphore_mem>>) src(%arg7 : memref<128x16xf32, #tpu.memory_space<vmem>>) dst(%dma_wait3A_199 : memref<50048x16xf32, #tpu.memory_space<vmem_shared>>)
      } else {
      }
      %add3A_184 = arith.constant 4 : i32
      %add3A_185 = arith.addi %add3A_160, %add3A_184 : i32
      %sub3A_186 = arith.constant 1 : i32
      %sub3A_187 = arith.subi %add3A_185, %sub3A_186 : i32
      %lt3A_188 = arith.constant 196 : i32
      %lt3A_189 = arith.cmpi slt, %sub3A_187, %lt3A_188 : i32
      %convert_element_type3A_190 = arith.extui %lt3A_189 : i1 to i32
      %cond3A_191 = arith.constant 0 : i32
      %cond3A_192 = arith.cmpi ne, %convert_element_type3A_190, %cond3A_191 : i32
      scf.if %cond3A_192 {
        %add3A_193 = arith.constant 4 : i32
        %add3A_194 = arith.addi %add3A_160, %add3A_193 : i32
        %sub3A_195 = arith.constant 1 : i32
        %sub3A_196 = arith.subi %add3A_194, %sub3A_195 : i32
        %mul3A_197 = arith.constant 128 : i32
        %mul3A_198 = arith.muli %sub3A_196, %mul3A_197 : i32
        %add3A_199 = arith.addi %mul3A_4, %mul3A_198 : i32
        %dma_start3A_200 = arith.constant 2 : i32
        %dma_start3A_201 = arith.constant 0 : i32
        %dma_start3A_202 = tpu.memref_slice %arg8[%dma_start3A_200, %dma_start3A_201] : memref<4x128xi32, #tpu.memory_space<vmem>> -> memref<1x128xi32, #tpu.memory_space<vmem>>
        %dma_start3A_203 = tpu.memref_squeeze %dma_start3A_202 : memref<1x128xi32, #tpu.memory_space<vmem>> -> memref<128xi32, #tpu.memory_space<vmem>>
        %dma_start3A_204 = tpu.memref_slice %arg2[%add3A_199] : memref<802816xi32, #tpu.memory_space<hbm>> -> memref<128xi32, #tpu.memory_space<hbm>>
        %dma_start3A_205 = arith.constant 0 : i32
        %dma_start3A_206 = tpu.memref_slice %arg8[%dma_start3A_200, %dma_start3A_205] : memref<4x128xi32, #tpu.memory_space<vmem>> -> memref<1x128xi32, #tpu.memory_space<vmem>>
        %dma_start3A_207 = tpu.memref_squeeze %dma_start3A_206 : memref<1x128xi32, #tpu.memory_space<vmem>> -> memref<128xi32, #tpu.memory_space<vmem>>
        %dma_start3A_208 = tpu.memref_slice %arg2[%add3A_199] : memref<802816xi32, #tpu.memory_space<hbm>> -> memref<128xi32, #tpu.memory_space<hbm>>
        tpu.enqueue_dma source(%dma_start3A_208 : memref<128xi32, #tpu.memory_space<hbm>>) target(%dma_start3A_207 : memref<128xi32, #tpu.memory_space<vmem>>) target_semaphore(%arg11 : memref<!tpu.dma_semaphore, #tpu.memory_space<semaphore_mem>>)
      } else {
      }
    }
    %scan3A_41 = arith.constant 49 : i32
    %dma_wait3A = arith.constant 3 : i32
    %dma_wait3A_42 = arith.constant 0 : i32
    %dma_wait3A_43 = tpu.memref_slice %arg8[%dma_wait3A, %dma_wait3A_42] : memref<4x128xi32, #tpu.memory_space<vmem>> -> memref<1x128xi32, #tpu.memory_space<vmem>>
    %dma_wait3A_44 = tpu.memref_squeeze %dma_wait3A_43 : memref<1x128xi32, #tpu.memory_space<vmem>> -> memref<128xi32, #tpu.memory_space<vmem>>
    %dma_wait3A_45 = arith.constant 0 : i32
    %dma_wait3A_46 = arith.constant 0 : i32
    %dma_wait3A_47 = tpu.memref_slice %arg6[%dma_wait3A_45, %dma_wait3A_46] : memref<50048x16xf32, #tpu.memory_space<vmem_shared>> -> memref<50048x16xf32, #tpu.memory_space<vmem_shared>>
    tpu.wait_indirect_dma semaphore(%arg16 : memref<!tpu.dma_semaphore, #tpu.memory_space<semaphore_mem>>) src(%arg7 : memref<128x16xf32, #tpu.memory_space<vmem>>) dst(%dma_wait3A_47 : memref<50048x16xf32, #tpu.memory_space<vmem_shared>>)
    %barrier3A_48 = arith.constant 0 : index
    tpu.barrier barrier_id(%barrier3A_48)
    %mul3A_49 = arith.constant 3128 : i32
    %mul3A_50 = arith.muli %arg1, %mul3A_49 : i32
    %mul3A_51 = arith.constant 3128 : i32
    %mul3A_52 = arith.muli %arg1, %mul3A_51 : i32
    "tpu.region"() ({
      %run_scoped3A = tpu.sem_alloc : memref<!tpu.dma_semaphore, #tpu.memory_space<semaphore_mem>>
      %dma_start3A_53 = arith.constant 0 : i32
      %dma_start3A_54 = tpu.memref_slice %arg5[%arg0, %mul3A_52, %dma_start3A_53] : memref<2x50048x16xf32, #tpu.memory_space<hbm>> -> memref<1x3128x16xf32, #tpu.memory_space<hbm>>
      %dma_start3A_55 = tpu.memref_squeeze %dma_start3A_54 : memref<1x3128x16xf32, #tpu.memory_space<hbm>> -> memref<3128x16xf32, #tpu.memory_space<hbm>>
      %dma_start3A_56 = arith.constant 0 : i32
      %dma_start3A_57 = tpu.memref_slice %arg6[%mul3A_50, %dma_start3A_56] : memref<50048x16xf32, #tpu.memory_space<vmem_shared>> -> memref<3128x16xf32, #tpu.memory_space<vmem_shared>>
      tpu.enqueue_dma source(%dma_start3A_57 : memref<3128x16xf32, #tpu.memory_space<vmem_shared>>) target(%dma_start3A_55 : memref<3128x16xf32, #tpu.memory_space<hbm>>) target_semaphore(%run_scoped3A : memref<!tpu.dma_semaphore, #tpu.memory_space<semaphore_mem>>)
      %dma_wait3A_58 = arith.constant 0 : i32
      %dma_wait3A_59 = tpu.memref_slice %arg5[%arg0, %mul3A_52, %dma_wait3A_58] : memref<2x50048x16xf32, #tpu.memory_space<hbm>> -> memref<1x3128x16xf32, #tpu.memory_space<hbm>>
      %dma_wait3A_60 = tpu.memref_squeeze %dma_wait3A_59 : memref<1x3128x16xf32, #tpu.memory_space<hbm>> -> memref<3128x16xf32, #tpu.memory_space<hbm>>
      %dma_wait3A_61 = arith.constant 0 : i32
      %dma_wait3A_62 = tpu.memref_slice %arg6[%mul3A_50, %dma_wait3A_61] : memref<50048x16xf32, #tpu.memory_space<vmem_shared>> -> memref<3128x16xf32, #tpu.memory_space<vmem_shared>>
      tpu.wait_dma2 semaphore(%run_scoped3A : memref<!tpu.dma_semaphore, #tpu.memory_space<semaphore_mem>>) src(%dma_wait3A_62 : memref<3128x16xf32, #tpu.memory_space<vmem_shared>>) dst(%dma_wait3A_60 : memref<3128x16xf32, #tpu.memory_space<hbm>>)
      tpu.yield
    }) : () -> ()
    return
  }
}

#map = affine_map<(d0, d1) -> (0)>
#map1 = affine_map<(d0, d1) -> (0, 0)>
module attributes {stable_mosaic.version = 14 : i64} {
  func.func @_edge_body(%arg0: i32, %arg1: i32, %arg2: memref<802816xi32, #tpu.memory_space<hbm>>, %arg3: memref<802816xi32, #tpu.memory_space<hbm>>, %arg4: memref<50000x64xf32, #tpu.memory_space<hbm>>, %arg5: memref<50000x64xf32, #tpu.memory_space<hbm>>, %arg6: memref<802816x64xf32, #tpu.memory_space<hbm>>, %arg7: memref<802816x64xf32, #tpu.memory_space<hbm>>, %arg8: memref<4x128xi32, #tpu.memory_space<vmem>>, %arg9: memref<4x128xi32, #tpu.memory_space<vmem>>, %arg10: memref<4x128x64xf32, #tpu.memory_space<vmem>>, %arg11: memref<4x128x64xf32, #tpu.memory_space<vmem>>, %arg12: memref<!tpu.dma_semaphore, #tpu.memory_space<semaphore_mem>>, %arg13: memref<!tpu.dma_semaphore, #tpu.memory_space<semaphore_mem>>, %arg14: memref<!tpu.dma_semaphore, #tpu.memory_space<semaphore_mem>>, %arg15: memref<!tpu.dma_semaphore, #tpu.memory_space<semaphore_mem>>, %arg16: memref<!tpu.dma_semaphore, #tpu.memory_space<semaphore_mem>>, %arg17: memref<!tpu.dma_semaphore, #tpu.memory_space<semaphore_mem>>, %arg18: memref<!tpu.dma_semaphore, #tpu.memory_space<semaphore_mem>>, %arg19: memref<!tpu.dma_semaphore, #tpu.memory_space<semaphore_mem>>, %arg20: memref<!tpu.dma_semaphore, #tpu.memory_space<semaphore_mem>>, %arg21: memref<!tpu.dma_semaphore, #tpu.memory_space<semaphore_mem>>, %arg22: memref<!tpu.dma_semaphore, #tpu.memory_space<semaphore_mem>>, %arg23: memref<!tpu.dma_semaphore, #tpu.memory_space<semaphore_mem>>, %arg24: memref<!tpu.dma_semaphore, #tpu.memory_space<semaphore_mem>>, %arg25: memref<!tpu.dma_semaphore, #tpu.memory_space<semaphore_mem>>, %arg26: memref<!tpu.dma_semaphore, #tpu.memory_space<semaphore_mem>>, %arg27: memref<!tpu.dma_semaphore, #tpu.memory_space<semaphore_mem>>, %arg28: memref<!tpu.dma_semaphore, #tpu.memory_space<semaphore_mem>>, %arg29: memref<!tpu.dma_semaphore, #tpu.memory_space<semaphore_mem>>, %arg30: memref<!tpu.dma_semaphore, #tpu.memory_space<semaphore_mem>>, %arg31: memref<!tpu.dma_semaphore, #tpu.memory_space<semaphore_mem>>) attributes {dimension_semantics = [#tpu.dimension_semantics<core_parallel>, #tpu.dimension_semantics<subcore_parallel>], iteration_bounds = array<i64: 2, 16>, scalar_prefetch = 0 : i64, scratch_operands = 24 : i64, tpu.core_type = #tpu.core_type<sc_vector_subcore>, window_params = [{transform_indices = #map}, {transform_indices = #map}, {transform_indices = #map1}, {transform_indices = #map1}, {transform_indices = #map1}, {transform_indices = #map1}]} {
    %mul3A = arith.constant 16 : i32
    %mul3A_0 = arith.muli %arg0, %mul3A : i32
    %add3A = arith.addi %mul3A_0, %arg1 : i32
    %mul3A_1 = arith.constant 25088 : i32
    %mul3A_2 = arith.muli %add3A, %mul3A_1 : i32
    %add3A_3 = arith.constant 0 : i32
    %add3A_4 = arith.addi %mul3A_2, %add3A_3 : i32
    %dma_start3A = arith.constant 0 : i32
    %dma_start3A_5 = arith.constant 0 : i32
    %dma_start3A_6 = tpu.memref_slice %arg8[%dma_start3A, %dma_start3A_5] : memref<4x128xi32, #tpu.memory_space<vmem>> -> memref<1x128xi32, #tpu.memory_space<vmem>>
    %dma_start3A_7 = tpu.memref_squeeze %dma_start3A_6 : memref<1x128xi32, #tpu.memory_space<vmem>> -> memref<128xi32, #tpu.memory_space<vmem>>
    %dma_start3A_8 = tpu.memref_slice %arg2[%add3A_4] : memref<802816xi32, #tpu.memory_space<hbm>> -> memref<128xi32, #tpu.memory_space<hbm>>
    %dma_start3A_9 = arith.constant 0 : i32
    %dma_start3A_10 = tpu.memref_slice %arg8[%dma_start3A, %dma_start3A_9] : memref<4x128xi32, #tpu.memory_space<vmem>> -> memref<1x128xi32, #tpu.memory_space<vmem>>
    %dma_start3A_11 = tpu.memref_squeeze %dma_start3A_10 : memref<1x128xi32, #tpu.memory_space<vmem>> -> memref<128xi32, #tpu.memory_space<vmem>>
    %dma_start3A_12 = tpu.memref_slice %arg2[%add3A_4] : memref<802816xi32, #tpu.memory_space<hbm>> -> memref<128xi32, #tpu.memory_space<hbm>>
    tpu.enqueue_dma source(%dma_start3A_12 : memref<128xi32, #tpu.memory_space<hbm>>) target(%dma_start3A_11 : memref<128xi32, #tpu.memory_space<vmem>>) target_semaphore(%arg12 : memref<!tpu.dma_semaphore, #tpu.memory_space<semaphore_mem>>)
    %dma_start3A_13 = arith.constant 0 : i32
    %dma_start3A_14 = arith.constant 0 : i32
    %dma_start3A_15 = tpu.memref_slice %arg9[%dma_start3A_13, %dma_start3A_14] : memref<4x128xi32, #tpu.memory_space<vmem>> -> memref<1x128xi32, #tpu.memory_space<vmem>>
    %dma_start3A_16 = tpu.memref_squeeze %dma_start3A_15 : memref<1x128xi32, #tpu.memory_space<vmem>> -> memref<128xi32, #tpu.memory_space<vmem>>
    %dma_start3A_17 = tpu.memref_slice %arg3[%add3A_4] : memref<802816xi32, #tpu.memory_space<hbm>> -> memref<128xi32, #tpu.memory_space<hbm>>
    %dma_start3A_18 = arith.constant 0 : i32
    %dma_start3A_19 = tpu.memref_slice %arg9[%dma_start3A_13, %dma_start3A_18] : memref<4x128xi32, #tpu.memory_space<vmem>> -> memref<1x128xi32, #tpu.memory_space<vmem>>
    %dma_start3A_20 = tpu.memref_squeeze %dma_start3A_19 : memref<1x128xi32, #tpu.memory_space<vmem>> -> memref<128xi32, #tpu.memory_space<vmem>>
    %dma_start3A_21 = tpu.memref_slice %arg3[%add3A_4] : memref<802816xi32, #tpu.memory_space<hbm>> -> memref<128xi32, #tpu.memory_space<hbm>>
    tpu.enqueue_dma source(%dma_start3A_21 : memref<128xi32, #tpu.memory_space<hbm>>) target(%dma_start3A_20 : memref<128xi32, #tpu.memory_space<vmem>>) target_semaphore(%arg12 : memref<!tpu.dma_semaphore, #tpu.memory_space<semaphore_mem>>)
    %add3A_22 = arith.constant 128 : i32
    %add3A_23 = arith.addi %mul3A_2, %add3A_22 : i32
    %dma_start3A_24 = arith.constant 1 : i32
    %dma_start3A_25 = arith.constant 0 : i32
    %dma_start3A_26 = tpu.memref_slice %arg8[%dma_start3A_24, %dma_start3A_25] : memref<4x128xi32, #tpu.memory_space<vmem>> -> memref<1x128xi32, #tpu.memory_space<vmem>>
    %dma_start3A_27 = tpu.memref_squeeze %dma_start3A_26 : memref<1x128xi32, #tpu.memory_space<vmem>> -> memref<128xi32, #tpu.memory_space<vmem>>
    %dma_start3A_28 = tpu.memref_slice %arg2[%add3A_23] : memref<802816xi32, #tpu.memory_space<hbm>> -> memref<128xi32, #tpu.memory_space<hbm>>
    %dma_start3A_29 = arith.constant 0 : i32
    %dma_start3A_30 = tpu.memref_slice %arg8[%dma_start3A_24, %dma_start3A_29] : memref<4x128xi32, #tpu.memory_space<vmem>> -> memref<1x128xi32, #tpu.memory_space<vmem>>
    %dma_start3A_31 = tpu.memref_squeeze %dma_start3A_30 : memref<1x128xi32, #tpu.memory_space<vmem>> -> memref<128xi32, #tpu.memory_space<vmem>>
    %dma_start3A_32 = tpu.memref_slice %arg2[%add3A_23] : memref<802816xi32, #tpu.memory_space<hbm>> -> memref<128xi32, #tpu.memory_space<hbm>>
    tpu.enqueue_dma source(%dma_start3A_32 : memref<128xi32, #tpu.memory_space<hbm>>) target(%dma_start3A_31 : memref<128xi32, #tpu.memory_space<vmem>>) target_semaphore(%arg13 : memref<!tpu.dma_semaphore, #tpu.memory_space<semaphore_mem>>)
    %dma_start3A_33 = arith.constant 1 : i32
    %dma_start3A_34 = arith.constant 0 : i32
    %dma_start3A_35 = tpu.memref_slice %arg9[%dma_start3A_33, %dma_start3A_34] : memref<4x128xi32, #tpu.memory_space<vmem>> -> memref<1x128xi32, #tpu.memory_space<vmem>>
    %dma_start3A_36 = tpu.memref_squeeze %dma_start3A_35 : memref<1x128xi32, #tpu.memory_space<vmem>> -> memref<128xi32, #tpu.memory_space<vmem>>
    %dma_start3A_37 = tpu.memref_slice %arg3[%add3A_23] : memref<802816xi32, #tpu.memory_space<hbm>> -> memref<128xi32, #tpu.memory_space<hbm>>
    %dma_start3A_38 = arith.constant 0 : i32
    %dma_start3A_39 = tpu.memref_slice %arg9[%dma_start3A_33, %dma_start3A_38] : memref<4x128xi32, #tpu.memory_space<vmem>> -> memref<1x128xi32, #tpu.memory_space<vmem>>
    %dma_start3A_40 = tpu.memref_squeeze %dma_start3A_39 : memref<1x128xi32, #tpu.memory_space<vmem>> -> memref<128xi32, #tpu.memory_space<vmem>>
    %dma_start3A_41 = tpu.memref_slice %arg3[%add3A_23] : memref<802816xi32, #tpu.memory_space<hbm>> -> memref<128xi32, #tpu.memory_space<hbm>>
    tpu.enqueue_dma source(%dma_start3A_41 : memref<128xi32, #tpu.memory_space<hbm>>) target(%dma_start3A_40 : memref<128xi32, #tpu.memory_space<vmem>>) target_semaphore(%arg13 : memref<!tpu.dma_semaphore, #tpu.memory_space<semaphore_mem>>)
    %add3A_42 = arith.constant 256 : i32
    %add3A_43 = arith.addi %mul3A_2, %add3A_42 : i32
    %dma_start3A_44 = arith.constant 2 : i32
    %dma_start3A_45 = arith.constant 0 : i32
    %dma_start3A_46 = tpu.memref_slice %arg8[%dma_start3A_44, %dma_start3A_45] : memref<4x128xi32, #tpu.memory_space<vmem>> -> memref<1x128xi32, #tpu.memory_space<vmem>>
    %dma_start3A_47 = tpu.memref_squeeze %dma_start3A_46 : memref<1x128xi32, #tpu.memory_space<vmem>> -> memref<128xi32, #tpu.memory_space<vmem>>
    %dma_start3A_48 = tpu.memref_slice %arg2[%add3A_43] : memref<802816xi32, #tpu.memory_space<hbm>> -> memref<128xi32, #tpu.memory_space<hbm>>
    %dma_start3A_49 = arith.constant 0 : i32
    %dma_start3A_50 = tpu.memref_slice %arg8[%dma_start3A_44, %dma_start3A_49] : memref<4x128xi32, #tpu.memory_space<vmem>> -> memref<1x128xi32, #tpu.memory_space<vmem>>
    %dma_start3A_51 = tpu.memref_squeeze %dma_start3A_50 : memref<1x128xi32, #tpu.memory_space<vmem>> -> memref<128xi32, #tpu.memory_space<vmem>>
    %dma_start3A_52 = tpu.memref_slice %arg2[%add3A_43] : memref<802816xi32, #tpu.memory_space<hbm>> -> memref<128xi32, #tpu.memory_space<hbm>>
    tpu.enqueue_dma source(%dma_start3A_52 : memref<128xi32, #tpu.memory_space<hbm>>) target(%dma_start3A_51 : memref<128xi32, #tpu.memory_space<vmem>>) target_semaphore(%arg14 : memref<!tpu.dma_semaphore, #tpu.memory_space<semaphore_mem>>)
    %dma_start3A_53 = arith.constant 2 : i32
    %dma_start3A_54 = arith.constant 0 : i32
    %dma_start3A_55 = tpu.memref_slice %arg9[%dma_start3A_53, %dma_start3A_54] : memref<4x128xi32, #tpu.memory_space<vmem>> -> memref<1x128xi32, #tpu.memory_space<vmem>>
    %dma_start3A_56 = tpu.memref_squeeze %dma_start3A_55 : memref<1x128xi32, #tpu.memory_space<vmem>> -> memref<128xi32, #tpu.memory_space<vmem>>
    %dma_start3A_57 = tpu.memref_slice %arg3[%add3A_43] : memref<802816xi32, #tpu.memory_space<hbm>> -> memref<128xi32, #tpu.memory_space<hbm>>
    %dma_start3A_58 = arith.constant 0 : i32
    %dma_start3A_59 = tpu.memref_slice %arg9[%dma_start3A_53, %dma_start3A_58] : memref<4x128xi32, #tpu.memory_space<vmem>> -> memref<1x128xi32, #tpu.memory_space<vmem>>
    %dma_start3A_60 = tpu.memref_squeeze %dma_start3A_59 : memref<1x128xi32, #tpu.memory_space<vmem>> -> memref<128xi32, #tpu.memory_space<vmem>>
    %dma_start3A_61 = tpu.memref_slice %arg3[%add3A_43] : memref<802816xi32, #tpu.memory_space<hbm>> -> memref<128xi32, #tpu.memory_space<hbm>>
    tpu.enqueue_dma source(%dma_start3A_61 : memref<128xi32, #tpu.memory_space<hbm>>) target(%dma_start3A_60 : memref<128xi32, #tpu.memory_space<vmem>>) target_semaphore(%arg14 : memref<!tpu.dma_semaphore, #tpu.memory_space<semaphore_mem>>)
    %scan3A = arith.constant 0 : i32
    %scan3A_62 = arith.constant 0 : i32
    %scan3A_63 = arith.constant 49 : i32
    %scan3A_64 = arith.addi %scan3A_62, %scan3A_63 : i32
    %scan3A_65 = arith.constant 1 : i32
    scf.for %scan3A_238 = %scan3A_62 to %scan3A_64 step %scan3A_65  : i32 {
      %mul3A_239 = arith.constant 4 : i32
      %mul3A_240 = arith.muli %scan3A_238, %mul3A_239 : i32
      %add3A_241 = arith.constant 0 : i32
      %add3A_242 = arith.addi %mul3A_240, %add3A_241 : i32
      %ge3A = arith.constant 4 : i32
      %ge3A_243 = arith.cmpi sge, %add3A_242, %ge3A : i32
      %convert_element_type3A = arith.extui %ge3A_243 : i1 to i32
      %cond3A = arith.constant 0 : i32
      %cond3A_244 = arith.cmpi ne, %convert_element_type3A, %cond3A : i32
      scf.if %cond3A_244 {
        %dma_wait3A_955 = arith.constant 0 : i32
        %dma_wait3A_956 = arith.constant 0 : i32
        %dma_wait3A_957 = arith.constant 0 : i32
        %dma_wait3A_958 = tpu.memref_slice %arg10[%dma_wait3A_955, %dma_wait3A_956, %dma_wait3A_957] : memref<4x128x64xf32, #tpu.memory_space<vmem>> -> memref<1x128x64xf32, #tpu.memory_space<vmem>>
        %dma_wait3A_959 = tpu.memref_squeeze %dma_wait3A_958 : memref<1x128x64xf32, #tpu.memory_space<vmem>> -> memref<128x64xf32, #tpu.memory_space<vmem>>
        %dma_wait3A_960 = arith.constant 0 : i32
        %dma_wait3A_961 = arith.constant 0 : i32
        %dma_wait3A_962 = tpu.memref_slice %arg6[%dma_wait3A_960, %dma_wait3A_961] : memref<802816x64xf32, #tpu.memory_space<hbm>> -> memref<128x64xf32, #tpu.memory_space<hbm>>
        %dma_wait3A_963 = arith.constant 0 : i32
        %dma_wait3A_964 = arith.constant 0 : i32
        %dma_wait3A_965 = tpu.memref_slice %arg6[%dma_wait3A_963, %dma_wait3A_964] : memref<802816x64xf32, #tpu.memory_space<hbm>> -> memref<128x64xf32, #tpu.memory_space<hbm>>
        %dma_wait3A_966 = arith.constant 0 : i32
        %dma_wait3A_967 = arith.constant 0 : i32
        %dma_wait3A_968 = tpu.memref_slice %arg10[%dma_wait3A_955, %dma_wait3A_966, %dma_wait3A_967] : memref<4x128x64xf32, #tpu.memory_space<vmem>> -> memref<1x128x64xf32, #tpu.memory_space<vmem>>
        %dma_wait3A_969 = tpu.memref_squeeze %dma_wait3A_968 : memref<1x128x64xf32, #tpu.memory_space<vmem>> -> memref<128x64xf32, #tpu.memory_space<vmem>>
        tpu.wait_dma2 semaphore(%arg24 : memref<!tpu.dma_semaphore, #tpu.memory_space<semaphore_mem>>) src(%dma_wait3A_969 : memref<128x64xf32, #tpu.memory_space<vmem>>) dst(%dma_wait3A_965 : memref<128x64xf32, #tpu.memory_space<hbm>>)
        %dma_wait3A_970 = arith.constant 0 : i32
        %dma_wait3A_971 = arith.constant 0 : i32
        %dma_wait3A_972 = arith.constant 0 : i32
        %dma_wait3A_973 = tpu.memref_slice %arg11[%dma_wait3A_970, %dma_wait3A_971, %dma_wait3A_972] : memref<4x128x64xf32, #tpu.memory_space<vmem>> -> memref<1x128x64xf32, #tpu.memory_space<vmem>>
        %dma_wait3A_974 = tpu.memref_squeeze %dma_wait3A_973 : memref<1x128x64xf32, #tpu.memory_space<vmem>> -> memref<128x64xf32, #tpu.memory_space<vmem>>
        %dma_wait3A_975 = arith.constant 0 : i32
        %dma_wait3A_976 = arith.constant 0 : i32
        %dma_wait3A_977 = tpu.memref_slice %arg7[%dma_wait3A_975, %dma_wait3A_976] : memref<802816x64xf32, #tpu.memory_space<hbm>> -> memref<128x64xf32, #tpu.memory_space<hbm>>
        %dma_wait3A_978 = arith.constant 0 : i32
        %dma_wait3A_979 = arith.constant 0 : i32
        %dma_wait3A_980 = tpu.memref_slice %arg7[%dma_wait3A_978, %dma_wait3A_979] : memref<802816x64xf32, #tpu.memory_space<hbm>> -> memref<128x64xf32, #tpu.memory_space<hbm>>
        %dma_wait3A_981 = arith.constant 0 : i32
        %dma_wait3A_982 = arith.constant 0 : i32
        %dma_wait3A_983 = tpu.memref_slice %arg11[%dma_wait3A_970, %dma_wait3A_981, %dma_wait3A_982] : memref<4x128x64xf32, #tpu.memory_space<vmem>> -> memref<1x128x64xf32, #tpu.memory_space<vmem>>
        %dma_wait3A_984 = tpu.memref_squeeze %dma_wait3A_983 : memref<1x128x64xf32, #tpu.memory_space<vmem>> -> memref<128x64xf32, #tpu.memory_space<vmem>>
        tpu.wait_dma2 semaphore(%arg28 : memref<!tpu.dma_semaphore, #tpu.memory_space<semaphore_mem>>) src(%dma_wait3A_984 : memref<128x64xf32, #tpu.memory_space<vmem>>) dst(%dma_wait3A_980 : memref<128x64xf32, #tpu.memory_space<hbm>>)
      } else {
      }
      %dma_wait3A_245 = arith.constant 0 : i32
      %dma_wait3A_246 = arith.constant 0 : i32
      %dma_wait3A_247 = tpu.memref_slice %arg8[%dma_wait3A_245, %dma_wait3A_246] : memref<4x128xi32, #tpu.memory_space<vmem>> -> memref<1x128xi32, #tpu.memory_space<vmem>>
      %dma_wait3A_248 = tpu.memref_squeeze %dma_wait3A_247 : memref<1x128xi32, #tpu.memory_space<vmem>> -> memref<128xi32, #tpu.memory_space<vmem>>
      %dma_wait3A_249 = arith.constant 0 : i32
      %dma_wait3A_250 = tpu.memref_slice %arg2[%dma_wait3A_249] : memref<802816xi32, #tpu.memory_space<hbm>> -> memref<128xi32, #tpu.memory_space<hbm>>
      %dma_wait3A_251 = arith.constant 0 : i32
      %dma_wait3A_252 = tpu.memref_slice %arg8[%dma_wait3A_245, %dma_wait3A_251] : memref<4x128xi32, #tpu.memory_space<vmem>> -> memref<1x128xi32, #tpu.memory_space<vmem>>
      %dma_wait3A_253 = tpu.memref_squeeze %dma_wait3A_252 : memref<1x128xi32, #tpu.memory_space<vmem>> -> memref<128xi32, #tpu.memory_space<vmem>>
      %dma_wait3A_254 = arith.constant 0 : i32
      %dma_wait3A_255 = tpu.memref_slice %arg2[%dma_wait3A_254] : memref<802816xi32, #tpu.memory_space<hbm>> -> memref<128xi32, #tpu.memory_space<hbm>>
      tpu.wait_dma2 semaphore(%arg12 : memref<!tpu.dma_semaphore, #tpu.memory_space<semaphore_mem>>) src(%dma_wait3A_255 : memref<128xi32, #tpu.memory_space<hbm>>) dst(%dma_wait3A_253 : memref<128xi32, #tpu.memory_space<vmem>>)
      %dma_wait3A_256 = arith.constant 0 : i32
      %dma_wait3A_257 = arith.constant 0 : i32
      %dma_wait3A_258 = tpu.memref_slice %arg9[%dma_wait3A_256, %dma_wait3A_257] : memref<4x128xi32, #tpu.memory_space<vmem>> -> memref<1x128xi32, #tpu.memory_space<vmem>>
      %dma_wait3A_259 = tpu.memref_squeeze %dma_wait3A_258 : memref<1x128xi32, #tpu.memory_space<vmem>> -> memref<128xi32, #tpu.memory_space<vmem>>
      %dma_wait3A_260 = arith.constant 0 : i32
      %dma_wait3A_261 = tpu.memref_slice %arg3[%dma_wait3A_260] : memref<802816xi32, #tpu.memory_space<hbm>> -> memref<128xi32, #tpu.memory_space<hbm>>
      %dma_wait3A_262 = arith.constant 0 : i32
      %dma_wait3A_263 = tpu.memref_slice %arg9[%dma_wait3A_256, %dma_wait3A_262] : memref<4x128xi32, #tpu.memory_space<vmem>> -> memref<1x128xi32, #tpu.memory_space<vmem>>
      %dma_wait3A_264 = tpu.memref_squeeze %dma_wait3A_263 : memref<1x128xi32, #tpu.memory_space<vmem>> -> memref<128xi32, #tpu.memory_space<vmem>>
      %dma_wait3A_265 = arith.constant 0 : i32
      %dma_wait3A_266 = tpu.memref_slice %arg3[%dma_wait3A_265] : memref<802816xi32, #tpu.memory_space<hbm>> -> memref<128xi32, #tpu.memory_space<hbm>>
      tpu.wait_dma2 semaphore(%arg12 : memref<!tpu.dma_semaphore, #tpu.memory_space<semaphore_mem>>) src(%dma_wait3A_266 : memref<128xi32, #tpu.memory_space<hbm>>) dst(%dma_wait3A_264 : memref<128xi32, #tpu.memory_space<vmem>>)
      %get3A = arith.constant 0 : i32
      %get3A_267 = arith.index_cast %get3A : i32 to index
      %get3A_268 = arith.constant 0 : index
      %get3A_269 = tpu.vector_load %arg9[%get3A_267, %get3A_268] {strides = array<i32>} : memref<4x128xi32, #tpu.memory_space<vmem>>, vector<1x16xi32>,
      %get3A_270 = vector.shape_cast %get3A_269 : vector<1x16xi32> to vector<16xi32>
      %min3A = arith.constant 49999 : i32
      %min3A_271 = vector.broadcast %min3A : i32 to vector<16xi32>
      %min3A_272 = arith.minsi %get3A_270, %min3A_271 : vector<16xi32>
      %swap3A = arith.constant 0 : i32
      %swap3A_273 = arith.index_cast %swap3A : i32 to index
      %swap3A_274 = arith.constant 0 : index
      %swap3A_275 = tpu.vector_load %arg9[%swap3A_273, %swap3A_274] {strides = array<i32>} : memref<4x128xi32, #tpu.memory_space<vmem>>, vector<1x16xi32>,
      %swap3A_276 = vector.shape_cast %swap3A_275 : vector<1x16xi32> to vector<16xi32>
      %swap3A_277 = vector.shape_cast %min3A_272 : vector<16xi32> to vector<1x16xi32>
      tpu.vector_store %arg9[%swap3A_273, %swap3A_274], %swap3A_277 {strides = array<i32>} : memref<4x128xi32, #tpu.memory_space<vmem>>, vector<1x16xi32>,
      %get3A_278 = arith.constant 0 : i32
      %get3A_279 = arith.index_cast %get3A_278 : i32 to index
      %get3A_280 = arith.constant 16 : index
      %get3A_281 = tpu.vector_load %arg9[%get3A_279, %get3A_280] {strides = array<i32>} : memref<4x128xi32, #tpu.memory_space<vmem>>, vector<1x16xi32>,
      %get3A_282 = vector.shape_cast %get3A_281 : vector<1x16xi32> to vector<16xi32>
      %min3A_283 = arith.constant 49999 : i32
      %min3A_284 = vector.broadcast %min3A_283 : i32 to vector<16xi32>
      %min3A_285 = arith.minsi %get3A_282, %min3A_284 : vector<16xi32>
      %swap3A_286 = arith.constant 0 : i32
      %swap3A_287 = arith.index_cast %swap3A_286 : i32 to index
      %swap3A_288 = arith.constant 16 : index
      %swap3A_289 = tpu.vector_load %arg9[%swap3A_287, %swap3A_288] {strides = array<i32>} : memref<4x128xi32, #tpu.memory_space<vmem>>, vector<1x16xi32>,
      %swap3A_290 = vector.shape_cast %swap3A_289 : vector<1x16xi32> to vector<16xi32>
      %swap3A_291 = vector.shape_cast %min3A_285 : vector<16xi32> to vector<1x16xi32>
      tpu.vector_store %arg9[%swap3A_287, %swap3A_288], %swap3A_291 {strides = array<i32>} : memref<4x128xi32, #tpu.memory_space<vmem>>, vector<1x16xi32>,
      %get3A_292 = arith.constant 0 : i32
      %get3A_293 = arith.index_cast %get3A_292 : i32 to index
      %get3A_294 = arith.constant 32 : index
      %get3A_295 = tpu.vector_load %arg9[%get3A_293, %get3A_294] {strides = array<i32>} : memref<4x128xi32, #tpu.memory_space<vmem>>, vector<1x16xi32>,
      %get3A_296 = vector.shape_cast %get3A_295 : vector<1x16xi32> to vector<16xi32>
      %min3A_297 = arith.constant 49999 : i32
      %min3A_298 = vector.broadcast %min3A_297 : i32 to vector<16xi32>
      %min3A_299 = arith.minsi %get3A_296, %min3A_298 : vector<16xi32>
      %swap3A_300 = arith.constant 0 : i32
      %swap3A_301 = arith.index_cast %swap3A_300 : i32 to index
      %swap3A_302 = arith.constant 32 : index
      %swap3A_303 = tpu.vector_load %arg9[%swap3A_301, %swap3A_302] {strides = array<i32>} : memref<4x128xi32, #tpu.memory_space<vmem>>, vector<1x16xi32>,
      %swap3A_304 = vector.shape_cast %swap3A_303 : vector<1x16xi32> to vector<16xi32>
      %swap3A_305 = vector.shape_cast %min3A_299 : vector<16xi32> to vector<1x16xi32>
      tpu.vector_store %arg9[%swap3A_301, %swap3A_302], %swap3A_305 {strides = array<i32>} : memref<4x128xi32, #tpu.memory_space<vmem>>, vector<1x16xi32>,
      %get3A_306 = arith.constant 0 : i32
      %get3A_307 = arith.index_cast %get3A_306 : i32 to index
      %get3A_308 = arith.constant 48 : index
      %get3A_309 = tpu.vector_load %arg9[%get3A_307, %get3A_308] {strides = array<i32>} : memref<4x128xi32, #tpu.memory_space<vmem>>, vector<1x16xi32>,
      %get3A_310 = vector.shape_cast %get3A_309 : vector<1x16xi32> to vector<16xi32>
      %min3A_311 = arith.constant 49999 : i32
      %min3A_312 = vector.broadcast %min3A_311 : i32 to vector<16xi32>
      %min3A_313 = arith.minsi %get3A_310, %min3A_312 : vector<16xi32>
      %swap3A_314 = arith.constant 0 : i32
      %swap3A_315 = arith.index_cast %swap3A_314 : i32 to index
      %swap3A_316 = arith.constant 48 : index
      %swap3A_317 = tpu.vector_load %arg9[%swap3A_315, %swap3A_316] {strides = array<i32>} : memref<4x128xi32, #tpu.memory_space<vmem>>, vector<1x16xi32>,
      %swap3A_318 = vector.shape_cast %swap3A_317 : vector<1x16xi32> to vector<16xi32>
      %swap3A_319 = vector.shape_cast %min3A_313 : vector<16xi32> to vector<1x16xi32>
      tpu.vector_store %arg9[%swap3A_315, %swap3A_316], %swap3A_319 {strides = array<i32>} : memref<4x128xi32, #tpu.memory_space<vmem>>, vector<1x16xi32>,
      %get3A_320 = arith.constant 0 : i32
      %get3A_321 = arith.index_cast %get3A_320 : i32 to index
      %get3A_322 = arith.constant 64 : index
      %get3A_323 = tpu.vector_load %arg9[%get3A_321, %get3A_322] {strides = array<i32>} : memref<4x128xi32, #tpu.memory_space<vmem>>, vector<1x16xi32>,
      %get3A_324 = vector.shape_cast %get3A_323 : vector<1x16xi32> to vector<16xi32>
      %min3A_325 = arith.constant 49999 : i32
      %min3A_326 = vector.broadcast %min3A_325 : i32 to vector<16xi32>
      %min3A_327 = arith.minsi %get3A_324, %min3A_326 : vector<16xi32>
      %swap3A_328 = arith.constant 0 : i32
      %swap3A_329 = arith.index_cast %swap3A_328 : i32 to index
      %swap3A_330 = arith.constant 64 : index
      %swap3A_331 = tpu.vector_load %arg9[%swap3A_329, %swap3A_330] {strides = array<i32>} : memref<4x128xi32, #tpu.memory_space<vmem>>, vector<1x16xi32>,
      %swap3A_332 = vector.shape_cast %swap3A_331 : vector<1x16xi32> to vector<16xi32>
      %swap3A_333 = vector.shape_cast %min3A_327 : vector<16xi32> to vector<1x16xi32>
      tpu.vector_store %arg9[%swap3A_329, %swap3A_330], %swap3A_333 {strides = array<i32>} : memref<4x128xi32, #tpu.memory_space<vmem>>, vector<1x16xi32>,
      %get3A_334 = arith.constant 0 : i32
      %get3A_335 = arith.index_cast %get3A_334 : i32 to index
      %get3A_336 = arith.constant 80 : index
      %get3A_337 = tpu.vector_load %arg9[%get3A_335, %get3A_336] {strides = array<i32>} : memref<4x128xi32, #tpu.memory_space<vmem>>, vector<1x16xi32>,
      %get3A_338 = vector.shape_cast %get3A_337 : vector<1x16xi32> to vector<16xi32>
      %min3A_339 = arith.constant 49999 : i32
      %min3A_340 = vector.broadcast %min3A_339 : i32 to vector<16xi32>
      %min3A_341 = arith.minsi %get3A_338, %min3A_340 : vector<16xi32>
      %swap3A_342 = arith.constant 0 : i32
      %swap3A_343 = arith.index_cast %swap3A_342 : i32 to index
      %swap3A_344 = arith.constant 80 : index
      %swap3A_345 = tpu.vector_load %arg9[%swap3A_343, %swap3A_344] {strides = array<i32>} : memref<4x128xi32, #tpu.memory_space<vmem>>, vector<1x16xi32>,
      %swap3A_346 = vector.shape_cast %swap3A_345 : vector<1x16xi32> to vector<16xi32>
      %swap3A_347 = vector.shape_cast %min3A_341 : vector<16xi32> to vector<1x16xi32>
      tpu.vector_store %arg9[%swap3A_343, %swap3A_344], %swap3A_347 {strides = array<i32>} : memref<4x128xi32, #tpu.memory_space<vmem>>, vector<1x16xi32>,
      %get3A_348 = arith.constant 0 : i32
      %get3A_349 = arith.index_cast %get3A_348 : i32 to index
      %get3A_350 = arith.constant 96 : index
      %get3A_351 = tpu.vector_load %arg9[%get3A_349, %get3A_350] {strides = array<i32>} : memref<4x128xi32, #tpu.memory_space<vmem>>, vector<1x16xi32>,
      %get3A_352 = vector.shape_cast %get3A_351 : vector<1x16xi32> to vector<16xi32>
      %min3A_353 = arith.constant 49999 : i32
      %min3A_354 = vector.broadcast %min3A_353 : i32 to vector<16xi32>
      %min3A_355 = arith.minsi %get3A_352, %min3A_354 : vector<16xi32>
      %swap3A_356 = arith.constant 0 : i32
      %swap3A_357 = arith.index_cast %swap3A_356 : i32 to index
      %swap3A_358 = arith.constant 96 : index
      %swap3A_359 = tpu.vector_load %arg9[%swap3A_357, %swap3A_358] {strides = array<i32>} : memref<4x128xi32, #tpu.memory_space<vmem>>, vector<1x16xi32>,
      %swap3A_360 = vector.shape_cast %swap3A_359 : vector<1x16xi32> to vector<16xi32>
      %swap3A_361 = vector.shape_cast %min3A_355 : vector<16xi32> to vector<1x16xi32>
      tpu.vector_store %arg9[%swap3A_357, %swap3A_358], %swap3A_361 {strides = array<i32>} : memref<4x128xi32, #tpu.memory_space<vmem>>, vector<1x16xi32>,
      %get3A_362 = arith.constant 0 : i32
      %get3A_363 = arith.index_cast %get3A_362 : i32 to index
      %get3A_364 = arith.constant 112 : index
      %get3A_365 = tpu.vector_load %arg9[%get3A_363, %get3A_364] {strides = array<i32>} : memref<4x128xi32, #tpu.memory_space<vmem>>, vector<1x16xi32>,
      %get3A_366 = vector.shape_cast %get3A_365 : vector<1x16xi32> to vector<16xi32>
      %min3A_367 = arith.constant 49999 : i32
      %min3A_368 = vector.broadcast %min3A_367 : i32 to vector<16xi32>
      %min3A_369 = arith.minsi %get3A_366, %min3A_368 : vector<16xi32>
      %swap3A_370 = arith.constant 0 : i32
      %swap3A_371 = arith.index_cast %swap3A_370 : i32 to index
      %swap3A_372 = arith.constant 112 : index
      %swap3A_373 = tpu.vector_load %arg9[%swap3A_371, %swap3A_372] {strides = array<i32>} : memref<4x128xi32, #tpu.memory_space<vmem>>, vector<1x16xi32>,
      %swap3A_374 = vector.shape_cast %swap3A_373 : vector<1x16xi32> to vector<16xi32>
      %swap3A_375 = vector.shape_cast %min3A_369 : vector<16xi32> to vector<1x16xi32>
      tpu.vector_store %arg9[%swap3A_371, %swap3A_372], %swap3A_375 {strides = array<i32>} : memref<4x128xi32, #tpu.memory_space<vmem>>, vector<1x16xi32>,
      %dma_start3A_376 = arith.constant 0 : i32
      %dma_start3A_377 = arith.constant 0 : i32
      %dma_start3A_378 = arith.constant 0 : i32
      %dma_start3A_379 = arith.constant 0 : i32
      %dma_start3A_380 = tpu.memref_slice %arg10[%dma_start3A_377, %dma_start3A_378, %dma_start3A_379] : memref<4x128x64xf32, #tpu.memory_space<vmem>> -> memref<1x128x64xf32, #tpu.memory_space<vmem>>
      %dma_start3A_381 = tpu.memref_squeeze %dma_start3A_380 : memref<1x128x64xf32, #tpu.memory_space<vmem>> -> memref<128x64xf32, #tpu.memory_space<vmem>>
      %dma_start3A_382 = arith.constant 0 : i32
      %dma_start3A_383 = tpu.memref_slice %arg8[%dma_start3A_376, %dma_start3A_382] : memref<4x128xi32, #tpu.memory_space<vmem>> -> memref<1x128xi32, #tpu.memory_space<vmem>>
      %dma_start3A_384 = tpu.memref_squeeze %dma_start3A_383 : memref<1x128xi32, #tpu.memory_space<vmem>> -> memref<128xi32, #tpu.memory_space<vmem>>
      %dma_start3A_385 = arith.constant 0 : i32
      %dma_start3A_386 = arith.constant 0 : i32
      %dma_start3A_387 = tpu.memref_slice %arg4[%dma_start3A_385, %dma_start3A_386] : memref<50000x64xf32, #tpu.memory_space<hbm>> -> memref<50000x64xf32, #tpu.memory_space<hbm>>
      tpu.enqueue_indirect_dma source(%dma_start3A_387 : memref<50000x64xf32, #tpu.memory_space<hbm>>) target(%dma_start3A_381 : memref<128x64xf32, #tpu.memory_space<vmem>>) offsets(%dma_start3A_384 : memref<128xi32, #tpu.memory_space<vmem>>) semaphore(%arg16 : memref<!tpu.dma_semaphore, #tpu.memory_space<semaphore_mem>>)
      %dma_start3A_388 = arith.constant 0 : i32
      %dma_start3A_389 = arith.constant 0 : i32
      %dma_start3A_390 = arith.constant 0 : i32
      %dma_start3A_391 = arith.constant 0 : i32
      %dma_start3A_392 = tpu.memref_slice %arg11[%dma_start3A_389, %dma_start3A_390, %dma_start3A_391] : memref<4x128x64xf32, #tpu.memory_space<vmem>> -> memref<1x128x64xf32, #tpu.memory_space<vmem>>
      %dma_start3A_393 = tpu.memref_squeeze %dma_start3A_392 : memref<1x128x64xf32, #tpu.memory_space<vmem>> -> memref<128x64xf32, #tpu.memory_space<vmem>>
      %dma_start3A_394 = arith.constant 0 : i32
      %dma_start3A_395 = tpu.memref_slice %arg9[%dma_start3A_388, %dma_start3A_394] : memref<4x128xi32, #tpu.memory_space<vmem>> -> memref<1x128xi32, #tpu.memory_space<vmem>>
      %dma_start3A_396 = tpu.memref_squeeze %dma_start3A_395 : memref<1x128xi32, #tpu.memory_space<vmem>> -> memref<128xi32, #tpu.memory_space<vmem>>
      %dma_start3A_397 = arith.constant 0 : i32
      %dma_start3A_398 = arith.constant 0 : i32
      %dma_start3A_399 = tpu.memref_slice %arg5[%dma_start3A_397, %dma_start3A_398] : memref<50000x64xf32, #tpu.memory_space<hbm>> -> memref<50000x64xf32, #tpu.memory_space<hbm>>
      tpu.enqueue_indirect_dma source(%dma_start3A_399 : memref<50000x64xf32, #tpu.memory_space<hbm>>) target(%dma_start3A_393 : memref<128x64xf32, #tpu.memory_space<vmem>>) offsets(%dma_start3A_396 : memref<128xi32, #tpu.memory_space<vmem>>) semaphore(%arg20 : memref<!tpu.dma_semaphore, #tpu.memory_space<semaphore_mem>>)
      %ge3A_400 = arith.constant 1 : i32
      %ge3A_401 = arith.cmpi sge, %add3A_242, %ge3A_400 : i32
      %convert_element_type3A_402 = arith.extui %ge3A_401 : i1 to i32
      %cond3A_403 = arith.constant 0 : i32
      %cond3A_404 = arith.cmpi ne, %convert_element_type3A_402, %cond3A_403 : i32
      scf.if %cond3A_404 {
        %dma_wait3A_955 = arith.constant 3 : i32
        %dma_wait3A_956 = arith.constant 3 : i32
        %dma_wait3A_957 = arith.constant 0 : i32
        %dma_wait3A_958 = arith.constant 0 : i32
        %dma_wait3A_959 = tpu.memref_slice %arg10[%dma_wait3A_956, %dma_wait3A_957, %dma_wait3A_958] : memref<4x128x64xf32, #tpu.memory_space<vmem>> -> memref<1x128x64xf32, #tpu.memory_space<vmem>>
        %dma_wait3A_960 = tpu.memref_squeeze %dma_wait3A_959 : memref<1x128x64xf32, #tpu.memory_space<vmem>> -> memref<128x64xf32, #tpu.memory_space<vmem>>
        %dma_wait3A_961 = arith.constant 0 : i32
        %dma_wait3A_962 = tpu.memref_slice %arg8[%dma_wait3A_955, %dma_wait3A_961] : memref<4x128xi32, #tpu.memory_space<vmem>> -> memref<1x128xi32, #tpu.memory_space<vmem>>
        %dma_wait3A_963 = tpu.memref_squeeze %dma_wait3A_962 : memref<1x128xi32, #tpu.memory_space<vmem>> -> memref<128xi32, #tpu.memory_space<vmem>>
        %dma_wait3A_964 = arith.constant 0 : i32
        %dma_wait3A_965 = arith.constant 0 : i32
        %dma_wait3A_966 = tpu.memref_slice %arg4[%dma_wait3A_964, %dma_wait3A_965] : memref<50000x64xf32, #tpu.memory_space<hbm>> -> memref<50000x64xf32, #tpu.memory_space<hbm>>
        tpu.wait_indirect_dma semaphore(%arg19 : memref<!tpu.dma_semaphore, #tpu.memory_space<semaphore_mem>>) src(%dma_wait3A_966 : memref<50000x64xf32, #tpu.memory_space<hbm>>) dst(%dma_wait3A_960 : memref<128x64xf32, #tpu.memory_space<vmem>>)
        %dma_wait3A_967 = arith.constant 3 : i32
        %dma_wait3A_968 = arith.constant 3 : i32
        %dma_wait3A_969 = arith.constant 0 : i32
        %dma_wait3A_970 = arith.constant 0 : i32
        %dma_wait3A_971 = tpu.memref_slice %arg11[%dma_wait3A_968, %dma_wait3A_969, %dma_wait3A_970] : memref<4x128x64xf32, #tpu.memory_space<vmem>> -> memref<1x128x64xf32, #tpu.memory_space<vmem>>
        %dma_wait3A_972 = tpu.memref_squeeze %dma_wait3A_971 : memref<1x128x64xf32, #tpu.memory_space<vmem>> -> memref<128x64xf32, #tpu.memory_space<vmem>>
        %dma_wait3A_973 = arith.constant 0 : i32
        %dma_wait3A_974 = tpu.memref_slice %arg9[%dma_wait3A_967, %dma_wait3A_973] : memref<4x128xi32, #tpu.memory_space<vmem>> -> memref<1x128xi32, #tpu.memory_space<vmem>>
        %dma_wait3A_975 = tpu.memref_squeeze %dma_wait3A_974 : memref<1x128xi32, #tpu.memory_space<vmem>> -> memref<128xi32, #tpu.memory_space<vmem>>
        %dma_wait3A_976 = arith.constant 0 : i32
        %dma_wait3A_977 = arith.constant 0 : i32
        %dma_wait3A_978 = tpu.memref_slice %arg5[%dma_wait3A_976, %dma_wait3A_977] : memref<50000x64xf32, #tpu.memory_space<hbm>> -> memref<50000x64xf32, #tpu.memory_space<hbm>>
        tpu.wait_indirect_dma semaphore(%arg23 : memref<!tpu.dma_semaphore, #tpu.memory_space<semaphore_mem>>) src(%dma_wait3A_978 : memref<50000x64xf32, #tpu.memory_space<hbm>>) dst(%dma_wait3A_972 : memref<128x64xf32, #tpu.memory_space<vmem>>)
        %sub3A_979 = arith.constant 1 : i32
        %sub3A_980 = arith.subi %add3A_242, %sub3A_979 : i32
        %mul3A_981 = arith.constant 128 : i32
        %mul3A_982 = arith.muli %sub3A_980, %mul3A_981 : i32
        %add3A_983 = arith.addi %mul3A_2, %mul3A_982 : i32
        %dma_start3A_984 = arith.constant 3 : i32
        %dma_start3A_985 = arith.constant 0 : i32
        %dma_start3A_986 = arith.constant 0 : i32
        %dma_start3A_987 = tpu.memref_slice %arg10[%dma_start3A_984, %dma_start3A_985, %dma_start3A_986] : memref<4x128x64xf32, #tpu.memory_space<vmem>> -> memref<1x128x64xf32, #tpu.memory_space<vmem>>
        %dma_start3A_988 = tpu.memref_squeeze %dma_start3A_987 : memref<1x128x64xf32, #tpu.memory_space<vmem>> -> memref<128x64xf32, #tpu.memory_space<vmem>>
        %dma_start3A_989 = arith.constant 0 : i32
        %dma_start3A_990 = tpu.memref_slice %arg6[%add3A_983, %dma_start3A_989] : memref<802816x64xf32, #tpu.memory_space<hbm>> -> memref<128x64xf32, #tpu.memory_space<hbm>>
        %dma_start3A_991 = arith.constant 0 : i32
        %dma_start3A_992 = tpu.memref_slice %arg6[%add3A_983, %dma_start3A_991] : memref<802816x64xf32, #tpu.memory_space<hbm>> -> memref<128x64xf32, #tpu.memory_space<hbm>>
        %dma_start3A_993 = arith.constant 0 : i32
        %dma_start3A_994 = arith.constant 0 : i32
        %dma_start3A_995 = tpu.memref_slice %arg10[%dma_start3A_984, %dma_start3A_993, %dma_start3A_994] : memref<4x128x64xf32, #tpu.memory_space<vmem>> -> memref<1x128x64xf32, #tpu.memory_space<vmem>>
        %dma_start3A_996 = tpu.memref_squeeze %dma_start3A_995 : memref<1x128x64xf32, #tpu.memory_space<vmem>> -> memref<128x64xf32, #tpu.memory_space<vmem>>
        tpu.enqueue_dma source(%dma_start3A_996 : memref<128x64xf32, #tpu.memory_space<vmem>>) target(%dma_start3A_992 : memref<128x64xf32, #tpu.memory_space<hbm>>) target_semaphore(%arg27 : memref<!tpu.dma_semaphore, #tpu.memory_space<semaphore_mem>>)
        %dma_start3A_997 = arith.constant 3 : i32
        %dma_start3A_998 = arith.constant 0 : i32
        %dma_start3A_999 = arith.constant 0 : i32
        %dma_start3A_1000 = tpu.memref_slice %arg11[%dma_start3A_997, %dma_start3A_998, %dma_start3A_999] : memref<4x128x64xf32, #tpu.memory_space<vmem>> -> memref<1x128x64xf32, #tpu.memory_space<vmem>>
        %dma_start3A_1001 = tpu.memref_squeeze %dma_start3A_1000 : memref<1x128x64xf32, #tpu.memory_space<vmem>> -> memref<128x64xf32, #tpu.memory_space<vmem>>
        %dma_start3A_1002 = arith.constant 0 : i32
        %dma_start3A_1003 = tpu.memref_slice %arg7[%add3A_983, %dma_start3A_1002] : memref<802816x64xf32, #tpu.memory_space<hbm>> -> memref<128x64xf32, #tpu.memory_space<hbm>>
        %dma_start3A_1004 = arith.constant 0 : i32
        %dma_start3A_1005 = tpu.memref_slice %arg7[%add3A_983, %dma_start3A_1004] : memref<802816x64xf32, #tpu.memory_space<hbm>> -> memref<128x64xf32, #tpu.memory_space<hbm>>
        %dma_start3A_1006 = arith.constant 0 : i32
        %dma_start3A_1007 = arith.constant 0 : i32
        %dma_start3A_1008 = tpu.memref_slice %arg11[%dma_start3A_997, %dma_start3A_1006, %dma_start3A_1007] : memref<4x128x64xf32, #tpu.memory_space<vmem>> -> memref<1x128x64xf32, #tpu.memory_space<vmem>>
        %dma_start3A_1009 = tpu.memref_squeeze %dma_start3A_1008 : memref<1x128x64xf32, #tpu.memory_space<vmem>> -> memref<128x64xf32, #tpu.memory_space<vmem>>
        tpu.enqueue_dma source(%dma_start3A_1009 : memref<128x64xf32, #tpu.memory_space<vmem>>) target(%dma_start3A_1005 : memref<128x64xf32, #tpu.memory_space<hbm>>) target_semaphore(%arg31 : memref<!tpu.dma_semaphore, #tpu.memory_space<semaphore_mem>>)
      } else {
      }
      %add3A_405 = arith.constant 4 : i32
      %add3A_406 = arith.addi %add3A_242, %add3A_405 : i32
      %sub3A = arith.constant 1 : i32
      %sub3A_407 = arith.subi %add3A_406, %sub3A : i32
      %lt3A = arith.constant 196 : i32
      %lt3A_408 = arith.cmpi slt, %sub3A_407, %lt3A : i32
      %convert_element_type3A_409 = arith.extui %lt3A_408 : i1 to i32
      %cond3A_410 = arith.constant 0 : i32
      %cond3A_411 = arith.cmpi ne, %convert_element_type3A_409, %cond3A_410 : i32
      scf.if %cond3A_411 {
        %add3A_955 = arith.constant 4 : i32
        %add3A_956 = arith.addi %add3A_242, %add3A_955 : i32
        %sub3A_957 = arith.constant 1 : i32
        %sub3A_958 = arith.subi %add3A_956, %sub3A_957 : i32
        %mul3A_959 = arith.constant 128 : i32
        %mul3A_960 = arith.muli %sub3A_958, %mul3A_959 : i32
        %add3A_961 = arith.addi %mul3A_2, %mul3A_960 : i32
        %dma_start3A_962 = arith.constant 3 : i32
        %dma_start3A_963 = arith.constant 0 : i32
        %dma_start3A_964 = tpu.memref_slice %arg8[%dma_start3A_962, %dma_start3A_963] : memref<4x128xi32, #tpu.memory_space<vmem>> -> memref<1x128xi32, #tpu.memory_space<vmem>>
        %dma_start3A_965 = tpu.memref_squeeze %dma_start3A_964 : memref<1x128xi32, #tpu.memory_space<vmem>> -> memref<128xi32, #tpu.memory_space<vmem>>
        %dma_start3A_966 = tpu.memref_slice %arg2[%add3A_961] : memref<802816xi32, #tpu.memory_space<hbm>> -> memref<128xi32, #tpu.memory_space<hbm>>
        %dma_start3A_967 = arith.constant 0 : i32
        %dma_start3A_968 = tpu.memref_slice %arg8[%dma_start3A_962, %dma_start3A_967] : memref<4x128xi32, #tpu.memory_space<vmem>> -> memref<1x128xi32, #tpu.memory_space<vmem>>
        %dma_start3A_969 = tpu.memref_squeeze %dma_start3A_968 : memref<1x128xi32, #tpu.memory_space<vmem>> -> memref<128xi32, #tpu.memory_space<vmem>>
        %dma_start3A_970 = tpu.memref_slice %arg2[%add3A_961] : memref<802816xi32, #tpu.memory_space<hbm>> -> memref<128xi32, #tpu.memory_space<hbm>>
        tpu.enqueue_dma source(%dma_start3A_970 : memref<128xi32, #tpu.memory_space<hbm>>) target(%dma_start3A_969 : memref<128xi32, #tpu.memory_space<vmem>>) target_semaphore(%arg15 : memref<!tpu.dma_semaphore, #tpu.memory_space<semaphore_mem>>)
        %dma_start3A_971 = arith.constant 3 : i32
        %dma_start3A_972 = arith.constant 0 : i32
        %dma_start3A_973 = tpu.memref_slice %arg9[%dma_start3A_971, %dma_start3A_972] : memref<4x128xi32, #tpu.memory_space<vmem>> -> memref<1x128xi32, #tpu.memory_space<vmem>>
        %dma_start3A_974 = tpu.memref_squeeze %dma_start3A_973 : memref<1x128xi32, #tpu.memory_space<vmem>> -> memref<128xi32, #tpu.memory_space<vmem>>
        %dma_start3A_975 = tpu.memref_slice %arg3[%add3A_961] : memref<802816xi32, #tpu.memory_space<hbm>> -> memref<128xi32, #tpu.memory_space<hbm>>
        %dma_start3A_976 = arith.constant 0 : i32
        %dma_start3A_977 = tpu.memref_slice %arg9[%dma_start3A_971, %dma_start3A_976] : memref<4x128xi32, #tpu.memory_space<vmem>> -> memref<1x128xi32, #tpu.memory_space<vmem>>
        %dma_start3A_978 = tpu.memref_squeeze %dma_start3A_977 : memref<1x128xi32, #tpu.memory_space<vmem>> -> memref<128xi32, #tpu.memory_space<vmem>>
        %dma_start3A_979 = tpu.memref_slice %arg3[%add3A_961] : memref<802816xi32, #tpu.memory_space<hbm>> -> memref<128xi32, #tpu.memory_space<hbm>>
        tpu.enqueue_dma source(%dma_start3A_979 : memref<128xi32, #tpu.memory_space<hbm>>) target(%dma_start3A_978 : memref<128xi32, #tpu.memory_space<vmem>>) target_semaphore(%arg15 : memref<!tpu.dma_semaphore, #tpu.memory_space<semaphore_mem>>)
      } else {
      }
      %mul3A_412 = arith.constant 4 : i32
      %mul3A_413 = arith.muli %scan3A_238, %mul3A_412 : i32
      %add3A_414 = arith.constant 1 : i32
      %add3A_415 = arith.addi %mul3A_413, %add3A_414 : i32
      %ge3A_416 = arith.constant 4 : i32
      %ge3A_417 = arith.cmpi sge, %add3A_415, %ge3A_416 : i32
      %convert_element_type3A_418 = arith.extui %ge3A_417 : i1 to i32
      %cond3A_419 = arith.constant 0 : i32
      %cond3A_420 = arith.cmpi ne, %convert_element_type3A_418, %cond3A_419 : i32
      scf.if %cond3A_420 {
        %dma_wait3A_955 = arith.constant 1 : i32
        %dma_wait3A_956 = arith.constant 0 : i32
        %dma_wait3A_957 = arith.constant 0 : i32
        %dma_wait3A_958 = tpu.memref_slice %arg10[%dma_wait3A_955, %dma_wait3A_956, %dma_wait3A_957] : memref<4x128x64xf32, #tpu.memory_space<vmem>> -> memref<1x128x64xf32, #tpu.memory_space<vmem>>
        %dma_wait3A_959 = tpu.memref_squeeze %dma_wait3A_958 : memref<1x128x64xf32, #tpu.memory_space<vmem>> -> memref<128x64xf32, #tpu.memory_space<vmem>>
        %dma_wait3A_960 = arith.constant 0 : i32
        %dma_wait3A_961 = arith.constant 0 : i32
        %dma_wait3A_962 = tpu.memref_slice %arg6[%dma_wait3A_960, %dma_wait3A_961] : memref<802816x64xf32, #tpu.memory_space<hbm>> -> memref<128x64xf32, #tpu.memory_space<hbm>>
        %dma_wait3A_963 = arith.constant 0 : i32
        %dma_wait3A_964 = arith.constant 0 : i32
        %dma_wait3A_965 = tpu.memref_slice %arg6[%dma_wait3A_963, %dma_wait3A_964] : memref<802816x64xf32, #tpu.memory_space<hbm>> -> memref<128x64xf32, #tpu.memory_space<hbm>>
        %dma_wait3A_966 = arith.constant 0 : i32
        %dma_wait3A_967 = arith.constant 0 : i32
        %dma_wait3A_968 = tpu.memref_slice %arg10[%dma_wait3A_955, %dma_wait3A_966, %dma_wait3A_967] : memref<4x128x64xf32, #tpu.memory_space<vmem>> -> memref<1x128x64xf32, #tpu.memory_space<vmem>>
        %dma_wait3A_969 = tpu.memref_squeeze %dma_wait3A_968 : memref<1x128x64xf32, #tpu.memory_space<vmem>> -> memref<128x64xf32, #tpu.memory_space<vmem>>
        tpu.wait_dma2 semaphore(%arg25 : memref<!tpu.dma_semaphore, #tpu.memory_space<semaphore_mem>>) src(%dma_wait3A_969 : memref<128x64xf32, #tpu.memory_space<vmem>>) dst(%dma_wait3A_965 : memref<128x64xf32, #tpu.memory_space<hbm>>)
        %dma_wait3A_970 = arith.constant 1 : i32
        %dma_wait3A_971 = arith.constant 0 : i32
        %dma_wait3A_972 = arith.constant 0 : i32
        %dma_wait3A_973 = tpu.memref_slice %arg11[%dma_wait3A_970, %dma_wait3A_971, %dma_wait3A_972] : memref<4x128x64xf32, #tpu.memory_space<vmem>> -> memref<1x128x64xf32, #tpu.memory_space<vmem>>
        %dma_wait3A_974 = tpu.memref_squeeze %dma_wait3A_973 : memref<1x128x64xf32, #tpu.memory_space<vmem>> -> memref<128x64xf32, #tpu.memory_space<vmem>>
        %dma_wait3A_975 = arith.constant 0 : i32
        %dma_wait3A_976 = arith.constant 0 : i32
        %dma_wait3A_977 = tpu.memref_slice %arg7[%dma_wait3A_975, %dma_wait3A_976] : memref<802816x64xf32, #tpu.memory_space<hbm>> -> memref<128x64xf32, #tpu.memory_space<hbm>>
        %dma_wait3A_978 = arith.constant 0 : i32
        %dma_wait3A_979 = arith.constant 0 : i32
        %dma_wait3A_980 = tpu.memref_slice %arg7[%dma_wait3A_978, %dma_wait3A_979] : memref<802816x64xf32, #tpu.memory_space<hbm>> -> memref<128x64xf32, #tpu.memory_space<hbm>>
        %dma_wait3A_981 = arith.constant 0 : i32
        %dma_wait3A_982 = arith.constant 0 : i32
        %dma_wait3A_983 = tpu.memref_slice %arg11[%dma_wait3A_970, %dma_wait3A_981, %dma_wait3A_982] : memref<4x128x64xf32, #tpu.memory_space<vmem>> -> memref<1x128x64xf32, #tpu.memory_space<vmem>>
        %dma_wait3A_984 = tpu.memref_squeeze %dma_wait3A_983 : memref<1x128x64xf32, #tpu.memory_space<vmem>> -> memref<128x64xf32, #tpu.memory_space<vmem>>
        tpu.wait_dma2 semaphore(%arg29 : memref<!tpu.dma_semaphore, #tpu.memory_space<semaphore_mem>>) src(%dma_wait3A_984 : memref<128x64xf32, #tpu.memory_space<vmem>>) dst(%dma_wait3A_980 : memref<128x64xf32, #tpu.memory_space<hbm>>)
      } else {
      }
      %dma_wait3A_421 = arith.constant 1 : i32
      %dma_wait3A_422 = arith.constant 0 : i32
      %dma_wait3A_423 = tpu.memref_slice %arg8[%dma_wait3A_421, %dma_wait3A_422] : memref<4x128xi32, #tpu.memory_space<vmem>> -> memref<1x128xi32, #tpu.memory_space<vmem>>
      %dma_wait3A_424 = tpu.memref_squeeze %dma_wait3A_423 : memref<1x128xi32, #tpu.memory_space<vmem>> -> memref<128xi32, #tpu.memory_space<vmem>>
      %dma_wait3A_425 = arith.constant 0 : i32
      %dma_wait3A_426 = tpu.memref_slice %arg2[%dma_wait3A_425] : memref<802816xi32, #tpu.memory_space<hbm>> -> memref<128xi32, #tpu.memory_space<hbm>>
      %dma_wait3A_427 = arith.constant 0 : i32
      %dma_wait3A_428 = tpu.memref_slice %arg8[%dma_wait3A_421, %dma_wait3A_427] : memref<4x128xi32, #tpu.memory_space<vmem>> -> memref<1x128xi32, #tpu.memory_space<vmem>>
      %dma_wait3A_429 = tpu.memref_squeeze %dma_wait3A_428 : memref<1x128xi32, #tpu.memory_space<vmem>> -> memref<128xi32, #tpu.memory_space<vmem>>
      %dma_wait3A_430 = arith.constant 0 : i32
      %dma_wait3A_431 = tpu.memref_slice %arg2[%dma_wait3A_430] : memref<802816xi32, #tpu.memory_space<hbm>> -> memref<128xi32, #tpu.memory_space<hbm>>
      tpu.wait_dma2 semaphore(%arg13 : memref<!tpu.dma_semaphore, #tpu.memory_space<semaphore_mem>>) src(%dma_wait3A_431 : memref<128xi32, #tpu.memory_space<hbm>>) dst(%dma_wait3A_429 : memref<128xi32, #tpu.memory_space<vmem>>)
      %dma_wait3A_432 = arith.constant 1 : i32
      %dma_wait3A_433 = arith.constant 0 : i32
      %dma_wait3A_434 = tpu.memref_slice %arg9[%dma_wait3A_432, %dma_wait3A_433] : memref<4x128xi32, #tpu.memory_space<vmem>> -> memref<1x128xi32, #tpu.memory_space<vmem>>
      %dma_wait3A_435 = tpu.memref_squeeze %dma_wait3A_434 : memref<1x128xi32, #tpu.memory_space<vmem>> -> memref<128xi32, #tpu.memory_space<vmem>>
      %dma_wait3A_436 = arith.constant 0 : i32
      %dma_wait3A_437 = tpu.memref_slice %arg3[%dma_wait3A_436] : memref<802816xi32, #tpu.memory_space<hbm>> -> memref<128xi32, #tpu.memory_space<hbm>>
      %dma_wait3A_438 = arith.constant 0 : i32
      %dma_wait3A_439 = tpu.memref_slice %arg9[%dma_wait3A_432, %dma_wait3A_438] : memref<4x128xi32, #tpu.memory_space<vmem>> -> memref<1x128xi32, #tpu.memory_space<vmem>>
      %dma_wait3A_440 = tpu.memref_squeeze %dma_wait3A_439 : memref<1x128xi32, #tpu.memory_space<vmem>> -> memref<128xi32, #tpu.memory_space<vmem>>
      %dma_wait3A_441 = arith.constant 0 : i32
      %dma_wait3A_442 = tpu.memref_slice %arg3[%dma_wait3A_441] : memref<802816xi32, #tpu.memory_space<hbm>> -> memref<128xi32, #tpu.memory_space<hbm>>
      tpu.wait_dma2 semaphore(%arg13 : memref<!tpu.dma_semaphore, #tpu.memory_space<semaphore_mem>>) src(%dma_wait3A_442 : memref<128xi32, #tpu.memory_space<hbm>>) dst(%dma_wait3A_440 : memref<128xi32, #tpu.memory_space<vmem>>)
      %get3A_443 = arith.constant 1 : i32
      %get3A_444 = arith.index_cast %get3A_443 : i32 to index
      %get3A_445 = arith.constant 0 : index
      %get3A_446 = tpu.vector_load %arg9[%get3A_444, %get3A_445] {strides = array<i32>} : memref<4x128xi32, #tpu.memory_space<vmem>>, vector<1x16xi32>,
      %get3A_447 = vector.shape_cast %get3A_446 : vector<1x16xi32> to vector<16xi32>
      %min3A_448 = arith.constant 49999 : i32
      %min3A_449 = vector.broadcast %min3A_448 : i32 to vector<16xi32>
      %min3A_450 = arith.minsi %get3A_447, %min3A_449 : vector<16xi32>
      %swap3A_451 = arith.constant 1 : i32
      %swap3A_452 = arith.index_cast %swap3A_451 : i32 to index
      %swap3A_453 = arith.constant 0 : index
      %swap3A_454 = tpu.vector_load %arg9[%swap3A_452, %swap3A_453] {strides = array<i32>} : memref<4x128xi32, #tpu.memory_space<vmem>>, vector<1x16xi32>,
      %swap3A_455 = vector.shape_cast %swap3A_454 : vector<1x16xi32> to vector<16xi32>
      %swap3A_456 = vector.shape_cast %min3A_450 : vector<16xi32> to vector<1x16xi32>
      tpu.vector_store %arg9[%swap3A_452, %swap3A_453], %swap3A_456 {strides = array<i32>} : memref<4x128xi32, #tpu.memory_space<vmem>>, vector<1x16xi32>,
      %get3A_457 = arith.constant 1 : i32
      %get3A_458 = arith.index_cast %get3A_457 : i32 to index
      %get3A_459 = arith.constant 16 : index
      %get3A_460 = tpu.vector_load %arg9[%get3A_458, %get3A_459] {strides = array<i32>} : memref<4x128xi32, #tpu.memory_space<vmem>>, vector<1x16xi32>,
      %get3A_461 = vector.shape_cast %get3A_460 : vector<1x16xi32> to vector<16xi32>
      %min3A_462 = arith.constant 49999 : i32
      %min3A_463 = vector.broadcast %min3A_462 : i32 to vector<16xi32>
      %min3A_464 = arith.minsi %get3A_461, %min3A_463 : vector<16xi32>
      %swap3A_465 = arith.constant 1 : i32
      %swap3A_466 = arith.index_cast %swap3A_465 : i32 to index
      %swap3A_467 = arith.constant 16 : index
      %swap3A_468 = tpu.vector_load %arg9[%swap3A_466, %swap3A_467] {strides = array<i32>} : memref<4x128xi32, #tpu.memory_space<vmem>>, vector<1x16xi32>,
      %swap3A_469 = vector.shape_cast %swap3A_468 : vector<1x16xi32> to vector<16xi32>
      %swap3A_470 = vector.shape_cast %min3A_464 : vector<16xi32> to vector<1x16xi32>
      tpu.vector_store %arg9[%swap3A_466, %swap3A_467], %swap3A_470 {strides = array<i32>} : memref<4x128xi32, #tpu.memory_space<vmem>>, vector<1x16xi32>,
      %get3A_471 = arith.constant 1 : i32
      %get3A_472 = arith.index_cast %get3A_471 : i32 to index
      %get3A_473 = arith.constant 32 : index
      %get3A_474 = tpu.vector_load %arg9[%get3A_472, %get3A_473] {strides = array<i32>} : memref<4x128xi32, #tpu.memory_space<vmem>>, vector<1x16xi32>,
      %get3A_475 = vector.shape_cast %get3A_474 : vector<1x16xi32> to vector<16xi32>
      %min3A_476 = arith.constant 49999 : i32
      %min3A_477 = vector.broadcast %min3A_476 : i32 to vector<16xi32>
      %min3A_478 = arith.minsi %get3A_475, %min3A_477 : vector<16xi32>
      %swap3A_479 = arith.constant 1 : i32
      %swap3A_480 = arith.index_cast %swap3A_479 : i32 to index
      %swap3A_481 = arith.constant 32 : index
      %swap3A_482 = tpu.vector_load %arg9[%swap3A_480, %swap3A_481] {strides = array<i32>} : memref<4x128xi32, #tpu.memory_space<vmem>>, vector<1x16xi32>,
      %swap3A_483 = vector.shape_cast %swap3A_482 : vector<1x16xi32> to vector<16xi32>
      %swap3A_484 = vector.shape_cast %min3A_478 : vector<16xi32> to vector<1x16xi32>
      tpu.vector_store %arg9[%swap3A_480, %swap3A_481], %swap3A_484 {strides = array<i32>} : memref<4x128xi32, #tpu.memory_space<vmem>>, vector<1x16xi32>,
      %get3A_485 = arith.constant 1 : i32
      %get3A_486 = arith.index_cast %get3A_485 : i32 to index
      %get3A_487 = arith.constant 48 : index
      %get3A_488 = tpu.vector_load %arg9[%get3A_486, %get3A_487] {strides = array<i32>} : memref<4x128xi32, #tpu.memory_space<vmem>>, vector<1x16xi32>,
      %get3A_489 = vector.shape_cast %get3A_488 : vector<1x16xi32> to vector<16xi32>
      %min3A_490 = arith.constant 49999 : i32
      %min3A_491 = vector.broadcast %min3A_490 : i32 to vector<16xi32>
      %min3A_492 = arith.minsi %get3A_489, %min3A_491 : vector<16xi32>
      %swap3A_493 = arith.constant 1 : i32
      %swap3A_494 = arith.index_cast %swap3A_493 : i32 to index
      %swap3A_495 = arith.constant 48 : index
      %swap3A_496 = tpu.vector_load %arg9[%swap3A_494, %swap3A_495] {strides = array<i32>} : memref<4x128xi32, #tpu.memory_space<vmem>>, vector<1x16xi32>,
      %swap3A_497 = vector.shape_cast %swap3A_496 : vector<1x16xi32> to vector<16xi32>
      %swap3A_498 = vector.shape_cast %min3A_492 : vector<16xi32> to vector<1x16xi32>
      tpu.vector_store %arg9[%swap3A_494, %swap3A_495], %swap3A_498 {strides = array<i32>} : memref<4x128xi32, #tpu.memory_space<vmem>>, vector<1x16xi32>,
      %get3A_499 = arith.constant 1 : i32
      %get3A_500 = arith.index_cast %get3A_499 : i32 to index
      %get3A_501 = arith.constant 64 : index
      %get3A_502 = tpu.vector_load %arg9[%get3A_500, %get3A_501] {strides = array<i32>} : memref<4x128xi32, #tpu.memory_space<vmem>>, vector<1x16xi32>,
      %get3A_503 = vector.shape_cast %get3A_502 : vector<1x16xi32> to vector<16xi32>
      %min3A_504 = arith.constant 49999 : i32
      %min3A_505 = vector.broadcast %min3A_504 : i32 to vector<16xi32>
      %min3A_506 = arith.minsi %get3A_503, %min3A_505 : vector<16xi32>
      %swap3A_507 = arith.constant 1 : i32
      %swap3A_508 = arith.index_cast %swap3A_507 : i32 to index
      %swap3A_509 = arith.constant 64 : index
      %swap3A_510 = tpu.vector_load %arg9[%swap3A_508, %swap3A_509] {strides = array<i32>} : memref<4x128xi32, #tpu.memory_space<vmem>>, vector<1x16xi32>,
      %swap3A_511 = vector.shape_cast %swap3A_510 : vector<1x16xi32> to vector<16xi32>
      %swap3A_512 = vector.shape_cast %min3A_506 : vector<16xi32> to vector<1x16xi32>
      tpu.vector_store %arg9[%swap3A_508, %swap3A_509], %swap3A_512 {strides = array<i32>} : memref<4x128xi32, #tpu.memory_space<vmem>>, vector<1x16xi32>,
      %get3A_513 = arith.constant 1 : i32
      %get3A_514 = arith.index_cast %get3A_513 : i32 to index
      %get3A_515 = arith.constant 80 : index
      %get3A_516 = tpu.vector_load %arg9[%get3A_514, %get3A_515] {strides = array<i32>} : memref<4x128xi32, #tpu.memory_space<vmem>>, vector<1x16xi32>,
      %get3A_517 = vector.shape_cast %get3A_516 : vector<1x16xi32> to vector<16xi32>
      %min3A_518 = arith.constant 49999 : i32
      %min3A_519 = vector.broadcast %min3A_518 : i32 to vector<16xi32>
      %min3A_520 = arith.minsi %get3A_517, %min3A_519 : vector<16xi32>
      %swap3A_521 = arith.constant 1 : i32
      %swap3A_522 = arith.index_cast %swap3A_521 : i32 to index
      %swap3A_523 = arith.constant 80 : index
      %swap3A_524 = tpu.vector_load %arg9[%swap3A_522, %swap3A_523] {strides = array<i32>} : memref<4x128xi32, #tpu.memory_space<vmem>>, vector<1x16xi32>,
      %swap3A_525 = vector.shape_cast %swap3A_524 : vector<1x16xi32> to vector<16xi32>
      %swap3A_526 = vector.shape_cast %min3A_520 : vector<16xi32> to vector<1x16xi32>
      tpu.vector_store %arg9[%swap3A_522, %swap3A_523], %swap3A_526 {strides = array<i32>} : memref<4x128xi32, #tpu.memory_space<vmem>>, vector<1x16xi32>,
      %get3A_527 = arith.constant 1 : i32
      %get3A_528 = arith.index_cast %get3A_527 : i32 to index
      %get3A_529 = arith.constant 96 : index
      %get3A_530 = tpu.vector_load %arg9[%get3A_528, %get3A_529] {strides = array<i32>} : memref<4x128xi32, #tpu.memory_space<vmem>>, vector<1x16xi32>,
      %get3A_531 = vector.shape_cast %get3A_530 : vector<1x16xi32> to vector<16xi32>
      %min3A_532 = arith.constant 49999 : i32
      %min3A_533 = vector.broadcast %min3A_532 : i32 to vector<16xi32>
      %min3A_534 = arith.minsi %get3A_531, %min3A_533 : vector<16xi32>
      %swap3A_535 = arith.constant 1 : i32
      %swap3A_536 = arith.index_cast %swap3A_535 : i32 to index
      %swap3A_537 = arith.constant 96 : index
      %swap3A_538 = tpu.vector_load %arg9[%swap3A_536, %swap3A_537] {strides = array<i32>} : memref<4x128xi32, #tpu.memory_space<vmem>>, vector<1x16xi32>,
      %swap3A_539 = vector.shape_cast %swap3A_538 : vector<1x16xi32> to vector<16xi32>
      %swap3A_540 = vector.shape_cast %min3A_534 : vector<16xi32> to vector<1x16xi32>
      tpu.vector_store %arg9[%swap3A_536, %swap3A_537], %swap3A_540 {strides = array<i32>} : memref<4x128xi32, #tpu.memory_space<vmem>>, vector<1x16xi32>,
      %get3A_541 = arith.constant 1 : i32
      %get3A_542 = arith.index_cast %get3A_541 : i32 to index
      %get3A_543 = arith.constant 112 : index
      %get3A_544 = tpu.vector_load %arg9[%get3A_542, %get3A_543] {strides = array<i32>} : memref<4x128xi32, #tpu.memory_space<vmem>>, vector<1x16xi32>,
      %get3A_545 = vector.shape_cast %get3A_544 : vector<1x16xi32> to vector<16xi32>
      %min3A_546 = arith.constant 49999 : i32
      %min3A_547 = vector.broadcast %min3A_546 : i32 to vector<16xi32>
      %min3A_548 = arith.minsi %get3A_545, %min3A_547 : vector<16xi32>
      %swap3A_549 = arith.constant 1 : i32
      %swap3A_550 = arith.index_cast %swap3A_549 : i32 to index
      %swap3A_551 = arith.constant 112 : index
      %swap3A_552 = tpu.vector_load %arg9[%swap3A_550, %swap3A_551] {strides = array<i32>} : memref<4x128xi32, #tpu.memory_space<vmem>>, vector<1x16xi32>,
      %swap3A_553 = vector.shape_cast %swap3A_552 : vector<1x16xi32> to vector<16xi32>
      %swap3A_554 = vector.shape_cast %min3A_548 : vector<16xi32> to vector<1x16xi32>
      tpu.vector_store %arg9[%swap3A_550, %swap3A_551], %swap3A_554 {strides = array<i32>} : memref<4x128xi32, #tpu.memory_space<vmem>>, vector<1x16xi32>,
      %dma_start3A_555 = arith.constant 1 : i32
      %dma_start3A_556 = arith.constant 1 : i32
      %dma_start3A_557 = arith.constant 0 : i32
      %dma_start3A_558 = arith.constant 0 : i32
      %dma_start3A_559 = tpu.memref_slice %arg10[%dma_start3A_556, %dma_start3A_557, %dma_start3A_558] : memref<4x128x64xf32, #tpu.memory_space<vmem>> -> memref<1x128x64xf32, #tpu.memory_space<vmem>>
      %dma_start3A_560 = tpu.memref_squeeze %dma_start3A_559 : memref<1x128x64xf32, #tpu.memory_space<vmem>> -> memref<128x64xf32, #tpu.memory_space<vmem>>
      %dma_start3A_561 = arith.constant 0 : i32
      %dma_start3A_562 = tpu.memref_slice %arg8[%dma_start3A_555, %dma_start3A_561] : memref<4x128xi32, #tpu.memory_space<vmem>> -> memref<1x128xi32, #tpu.memory_space<vmem>>
      %dma_start3A_563 = tpu.memref_squeeze %dma_start3A_562 : memref<1x128xi32, #tpu.memory_space<vmem>> -> memref<128xi32, #tpu.memory_space<vmem>>
      %dma_start3A_564 = arith.constant 0 : i32
      %dma_start3A_565 = arith.constant 0 : i32
      %dma_start3A_566 = tpu.memref_slice %arg4[%dma_start3A_564, %dma_start3A_565] : memref<50000x64xf32, #tpu.memory_space<hbm>> -> memref<50000x64xf32, #tpu.memory_space<hbm>>
      tpu.enqueue_indirect_dma source(%dma_start3A_566 : memref<50000x64xf32, #tpu.memory_space<hbm>>) target(%dma_start3A_560 : memref<128x64xf32, #tpu.memory_space<vmem>>) offsets(%dma_start3A_563 : memref<128xi32, #tpu.memory_space<vmem>>) semaphore(%arg17 : memref<!tpu.dma_semaphore, #tpu.memory_space<semaphore_mem>>)
      %dma_start3A_567 = arith.constant 1 : i32
      %dma_start3A_568 = arith.constant 1 : i32
      %dma_start3A_569 = arith.constant 0 : i32
      %dma_start3A_570 = arith.constant 0 : i32
      %dma_start3A_571 = tpu.memref_slice %arg11[%dma_start3A_568, %dma_start3A_569, %dma_start3A_570] : memref<4x128x64xf32, #tpu.memory_space<vmem>> -> memref<1x128x64xf32, #tpu.memory_space<vmem>>
      %dma_start3A_572 = tpu.memref_squeeze %dma_start3A_571 : memref<1x128x64xf32, #tpu.memory_space<vmem>> -> memref<128x64xf32, #tpu.memory_space<vmem>>
      %dma_start3A_573 = arith.constant 0 : i32
      %dma_start3A_574 = tpu.memref_slice %arg9[%dma_start3A_567, %dma_start3A_573] : memref<4x128xi32, #tpu.memory_space<vmem>> -> memref<1x128xi32, #tpu.memory_space<vmem>>
      %dma_start3A_575 = tpu.memref_squeeze %dma_start3A_574 : memref<1x128xi32, #tpu.memory_space<vmem>> -> memref<128xi32, #tpu.memory_space<vmem>>
      %dma_start3A_576 = arith.constant 0 : i32
      %dma_start3A_577 = arith.constant 0 : i32
      %dma_start3A_578 = tpu.memref_slice %arg5[%dma_start3A_576, %dma_start3A_577] : memref<50000x64xf32, #tpu.memory_space<hbm>> -> memref<50000x64xf32, #tpu.memory_space<hbm>>
      tpu.enqueue_indirect_dma source(%dma_start3A_578 : memref<50000x64xf32, #tpu.memory_space<hbm>>) target(%dma_start3A_572 : memref<128x64xf32, #tpu.memory_space<vmem>>) offsets(%dma_start3A_575 : memref<128xi32, #tpu.memory_space<vmem>>) semaphore(%arg21 : memref<!tpu.dma_semaphore, #tpu.memory_space<semaphore_mem>>)
      %ge3A_579 = arith.constant 1 : i32
      %ge3A_580 = arith.cmpi sge, %add3A_415, %ge3A_579 : i32
      %convert_element_type3A_581 = arith.extui %ge3A_580 : i1 to i32
      %cond3A_582 = arith.constant 0 : i32
      %cond3A_583 = arith.cmpi ne, %convert_element_type3A_581, %cond3A_582 : i32
      scf.if %cond3A_583 {
        %dma_wait3A_955 = arith.constant 0 : i32
        %dma_wait3A_956 = arith.constant 0 : i32
        %dma_wait3A_957 = arith.constant 0 : i32
        %dma_wait3A_958 = arith.constant 0 : i32
        %dma_wait3A_959 = tpu.memref_slice %arg10[%dma_wait3A_956, %dma_wait3A_957, %dma_wait3A_958] : memref<4x128x64xf32, #tpu.memory_space<vmem>> -> memref<1x128x64xf32, #tpu.memory_space<vmem>>
        %dma_wait3A_960 = tpu.memref_squeeze %dma_wait3A_959 : memref<1x128x64xf32, #tpu.memory_space<vmem>> -> memref<128x64xf32, #tpu.memory_space<vmem>>
        %dma_wait3A_961 = arith.constant 0 : i32
        %dma_wait3A_962 = tpu.memref_slice %arg8[%dma_wait3A_955, %dma_wait3A_961] : memref<4x128xi32, #tpu.memory_space<vmem>> -> memref<1x128xi32, #tpu.memory_space<vmem>>
        %dma_wait3A_963 = tpu.memref_squeeze %dma_wait3A_962 : memref<1x128xi32, #tpu.memory_space<vmem>> -> memref<128xi32, #tpu.memory_space<vmem>>
        %dma_wait3A_964 = arith.constant 0 : i32
        %dma_wait3A_965 = arith.constant 0 : i32
        %dma_wait3A_966 = tpu.memref_slice %arg4[%dma_wait3A_964, %dma_wait3A_965] : memref<50000x64xf32, #tpu.memory_space<hbm>> -> memref<50000x64xf32, #tpu.memory_space<hbm>>
        tpu.wait_indirect_dma semaphore(%arg16 : memref<!tpu.dma_semaphore, #tpu.memory_space<semaphore_mem>>) src(%dma_wait3A_966 : memref<50000x64xf32, #tpu.memory_space<hbm>>) dst(%dma_wait3A_960 : memref<128x64xf32, #tpu.memory_space<vmem>>)
        %dma_wait3A_967 = arith.constant 0 : i32
        %dma_wait3A_968 = arith.constant 0 : i32
        %dma_wait3A_969 = arith.constant 0 : i32
        %dma_wait3A_970 = arith.constant 0 : i32
        %dma_wait3A_971 = tpu.memref_slice %arg11[%dma_wait3A_968, %dma_wait3A_969, %dma_wait3A_970] : memref<4x128x64xf32, #tpu.memory_space<vmem>> -> memref<1x128x64xf32, #tpu.memory_space<vmem>>
        %dma_wait3A_972 = tpu.memref_squeeze %dma_wait3A_971 : memref<1x128x64xf32, #tpu.memory_space<vmem>> -> memref<128x64xf32, #tpu.memory_space<vmem>>
        %dma_wait3A_973 = arith.constant 0 : i32
        %dma_wait3A_974 = tpu.memref_slice %arg9[%dma_wait3A_967, %dma_wait3A_973] : memref<4x128xi32, #tpu.memory_space<vmem>> -> memref<1x128xi32, #tpu.memory_space<vmem>>
        %dma_wait3A_975 = tpu.memref_squeeze %dma_wait3A_974 : memref<1x128xi32, #tpu.memory_space<vmem>> -> memref<128xi32, #tpu.memory_space<vmem>>
        %dma_wait3A_976 = arith.constant 0 : i32
        %dma_wait3A_977 = arith.constant 0 : i32
        %dma_wait3A_978 = tpu.memref_slice %arg5[%dma_wait3A_976, %dma_wait3A_977] : memref<50000x64xf32, #tpu.memory_space<hbm>> -> memref<50000x64xf32, #tpu.memory_space<hbm>>
        tpu.wait_indirect_dma semaphore(%arg20 : memref<!tpu.dma_semaphore, #tpu.memory_space<semaphore_mem>>) src(%dma_wait3A_978 : memref<50000x64xf32, #tpu.memory_space<hbm>>) dst(%dma_wait3A_972 : memref<128x64xf32, #tpu.memory_space<vmem>>)
        %sub3A_979 = arith.constant 1 : i32
        %sub3A_980 = arith.subi %add3A_415, %sub3A_979 : i32
        %mul3A_981 = arith.constant 128 : i32
        %mul3A_982 = arith.muli %sub3A_980, %mul3A_981 : i32
        %add3A_983 = arith.addi %mul3A_2, %mul3A_982 : i32
        %dma_start3A_984 = arith.constant 0 : i32
        %dma_start3A_985 = arith.constant 0 : i32
        %dma_start3A_986 = arith.constant 0 : i32
        %dma_start3A_987 = tpu.memref_slice %arg10[%dma_start3A_984, %dma_start3A_985, %dma_start3A_986] : memref<4x128x64xf32, #tpu.memory_space<vmem>> -> memref<1x128x64xf32, #tpu.memory_space<vmem>>
        %dma_start3A_988 = tpu.memref_squeeze %dma_start3A_987 : memref<1x128x64xf32, #tpu.memory_space<vmem>> -> memref<128x64xf32, #tpu.memory_space<vmem>>
        %dma_start3A_989 = arith.constant 0 : i32
        %dma_start3A_990 = tpu.memref_slice %arg6[%add3A_983, %dma_start3A_989] : memref<802816x64xf32, #tpu.memory_space<hbm>> -> memref<128x64xf32, #tpu.memory_space<hbm>>
        %dma_start3A_991 = arith.constant 0 : i32
        %dma_start3A_992 = tpu.memref_slice %arg6[%add3A_983, %dma_start3A_991] : memref<802816x64xf32, #tpu.memory_space<hbm>> -> memref<128x64xf32, #tpu.memory_space<hbm>>
        %dma_start3A_993 = arith.constant 0 : i32
        %dma_start3A_994 = arith.constant 0 : i32
        %dma_start3A_995 = tpu.memref_slice %arg10[%dma_start3A_984, %dma_start3A_993, %dma_start3A_994] : memref<4x128x64xf32, #tpu.memory_space<vmem>> -> memref<1x128x64xf32, #tpu.memory_space<vmem>>
        %dma_start3A_996 = tpu.memref_squeeze %dma_start3A_995 : memref<1x128x64xf32, #tpu.memory_space<vmem>> -> memref<128x64xf32, #tpu.memory_space<vmem>>
        tpu.enqueue_dma source(%dma_start3A_996 : memref<128x64xf32, #tpu.memory_space<vmem>>) target(%dma_start3A_992 : memref<128x64xf32, #tpu.memory_space<hbm>>) target_semaphore(%arg24 : memref<!tpu.dma_semaphore, #tpu.memory_space<semaphore_mem>>)
        %dma_start3A_997 = arith.constant 0 : i32
        %dma_start3A_998 = arith.constant 0 : i32
        %dma_start3A_999 = arith.constant 0 : i32
        %dma_start3A_1000 = tpu.memref_slice %arg11[%dma_start3A_997, %dma_start3A_998, %dma_start3A_999] : memref<4x128x64xf32, #tpu.memory_space<vmem>> -> memref<1x128x64xf32, #tpu.memory_space<vmem>>
        %dma_start3A_1001 = tpu.memref_squeeze %dma_start3A_1000 : memref<1x128x64xf32, #tpu.memory_space<vmem>> -> memref<128x64xf32, #tpu.memory_space<vmem>>
        %dma_start3A_1002 = arith.constant 0 : i32
        %dma_start3A_1003 = tpu.memref_slice %arg7[%add3A_983, %dma_start3A_1002] : memref<802816x64xf32, #tpu.memory_space<hbm>> -> memref<128x64xf32, #tpu.memory_space<hbm>>
        %dma_start3A_1004 = arith.constant 0 : i32
        %dma_start3A_1005 = tpu.memref_slice %arg7[%add3A_983, %dma_start3A_1004] : memref<802816x64xf32, #tpu.memory_space<hbm>> -> memref<128x64xf32, #tpu.memory_space<hbm>>
        %dma_start3A_1006 = arith.constant 0 : i32
        %dma_start3A_1007 = arith.constant 0 : i32
        %dma_start3A_1008 = tpu.memref_slice %arg11[%dma_start3A_997, %dma_start3A_1006, %dma_start3A_1007] : memref<4x128x64xf32, #tpu.memory_space<vmem>> -> memref<1x128x64xf32, #tpu.memory_space<vmem>>
        %dma_start3A_1009 = tpu.memref_squeeze %dma_start3A_1008 : memref<1x128x64xf32, #tpu.memory_space<vmem>> -> memref<128x64xf32, #tpu.memory_space<vmem>>
        tpu.enqueue_dma source(%dma_start3A_1009 : memref<128x64xf32, #tpu.memory_space<vmem>>) target(%dma_start3A_1005 : memref<128x64xf32, #tpu.memory_space<hbm>>) target_semaphore(%arg28 : memref<!tpu.dma_semaphore, #tpu.memory_space<semaphore_mem>>)
      } else {
      }
      %add3A_584 = arith.constant 4 : i32
      %add3A_585 = arith.addi %add3A_415, %add3A_584 : i32
      %sub3A_586 = arith.constant 1 : i32
      %sub3A_587 = arith.subi %add3A_585, %sub3A_586 : i32
      %lt3A_588 = arith.constant 196 : i32
      %lt3A_589 = arith.cmpi slt, %sub3A_587, %lt3A_588 : i32
      %convert_element_type3A_590 = arith.extui %lt3A_589 : i1 to i32
      %cond3A_591 = arith.constant 0 : i32
      %cond3A_592 = arith.cmpi ne, %convert_element_type3A_590, %cond3A_591 : i32
      scf.if %cond3A_592 {
        %add3A_955 = arith.constant 4 : i32
        %add3A_956 = arith.addi %add3A_415, %add3A_955 : i32
        %sub3A_957 = arith.constant 1 : i32
        %sub3A_958 = arith.subi %add3A_956, %sub3A_957 : i32
        %mul3A_959 = arith.constant 128 : i32
        %mul3A_960 = arith.muli %sub3A_958, %mul3A_959 : i32
        %add3A_961 = arith.addi %mul3A_2, %mul3A_960 : i32
        %dma_start3A_962 = arith.constant 0 : i32
        %dma_start3A_963 = arith.constant 0 : i32
        %dma_start3A_964 = tpu.memref_slice %arg8[%dma_start3A_962, %dma_start3A_963] : memref<4x128xi32, #tpu.memory_space<vmem>> -> memref<1x128xi32, #tpu.memory_space<vmem>>
        %dma_start3A_965 = tpu.memref_squeeze %dma_start3A_964 : memref<1x128xi32, #tpu.memory_space<vmem>> -> memref<128xi32, #tpu.memory_space<vmem>>
        %dma_start3A_966 = tpu.memref_slice %arg2[%add3A_961] : memref<802816xi32, #tpu.memory_space<hbm>> -> memref<128xi32, #tpu.memory_space<hbm>>
        %dma_start3A_967 = arith.constant 0 : i32
        %dma_start3A_968 = tpu.memref_slice %arg8[%dma_start3A_962, %dma_start3A_967] : memref<4x128xi32, #tpu.memory_space<vmem>> -> memref<1x128xi32, #tpu.memory_space<vmem>>
        %dma_start3A_969 = tpu.memref_squeeze %dma_start3A_968 : memref<1x128xi32, #tpu.memory_space<vmem>> -> memref<128xi32, #tpu.memory_space<vmem>>
        %dma_start3A_970 = tpu.memref_slice %arg2[%add3A_961] : memref<802816xi32, #tpu.memory_space<hbm>> -> memref<128xi32, #tpu.memory_space<hbm>>
        tpu.enqueue_dma source(%dma_start3A_970 : memref<128xi32, #tpu.memory_space<hbm>>) target(%dma_start3A_969 : memref<128xi32, #tpu.memory_space<vmem>>) target_semaphore(%arg12 : memref<!tpu.dma_semaphore, #tpu.memory_space<semaphore_mem>>)
        %dma_start3A_971 = arith.constant 0 : i32
        %dma_start3A_972 = arith.constant 0 : i32
        %dma_start3A_973 = tpu.memref_slice %arg9[%dma_start3A_971, %dma_start3A_972] : memref<4x128xi32, #tpu.memory_space<vmem>> -> memref<1x128xi32, #tpu.memory_space<vmem>>
        %dma_start3A_974 = tpu.memref_squeeze %dma_start3A_973 : memref<1x128xi32, #tpu.memory_space<vmem>> -> memref<128xi32, #tpu.memory_space<vmem>>
        %dma_start3A_975 = tpu.memref_slice %arg3[%add3A_961] : memref<802816xi32, #tpu.memory_space<hbm>> -> memref<128xi32, #tpu.memory_space<hbm>>
        %dma_start3A_976 = arith.constant 0 : i32
        %dma_start3A_977 = tpu.memref_slice %arg9[%dma_start3A_971, %dma_start3A_976] : memref<4x128xi32, #tpu.memory_space<vmem>> -> memref<1x128xi32, #tpu.memory_space<vmem>>
        %dma_start3A_978 = tpu.memref_squeeze %dma_start3A_977 : memref<1x128xi32, #tpu.memory_space<vmem>> -> memref<128xi32, #tpu.memory_space<vmem>>
        %dma_start3A_979 = tpu.memref_slice %arg3[%add3A_961] : memref<802816xi32, #tpu.memory_space<hbm>> -> memref<128xi32, #tpu.memory_space<hbm>>
        tpu.enqueue_dma source(%dma_start3A_979 : memref<128xi32, #tpu.memory_space<hbm>>) target(%dma_start3A_978 : memref<128xi32, #tpu.memory_space<vmem>>) target_semaphore(%arg12 : memref<!tpu.dma_semaphore, #tpu.memory_space<semaphore_mem>>)
      } else {
      }
      %mul3A_593 = arith.constant 4 : i32
      %mul3A_594 = arith.muli %scan3A_238, %mul3A_593 : i32
      %add3A_595 = arith.constant 2 : i32
      %add3A_596 = arith.addi %mul3A_594, %add3A_595 : i32
      %ge3A_597 = arith.constant 4 : i32
      %ge3A_598 = arith.cmpi sge, %add3A_596, %ge3A_597 : i32
      %convert_element_type3A_599 = arith.extui %ge3A_598 : i1 to i32
      %cond3A_600 = arith.constant 0 : i32
      %cond3A_601 = arith.cmpi ne, %convert_element_type3A_599, %cond3A_600 : i32
      scf.if %cond3A_601 {
        %dma_wait3A_955 = arith.constant 2 : i32
        %dma_wait3A_956 = arith.constant 0 : i32
        %dma_wait3A_957 = arith.constant 0 : i32
        %dma_wait3A_958 = tpu.memref_slice %arg10[%dma_wait3A_955, %dma_wait3A_956, %dma_wait3A_957] : memref<4x128x64xf32, #tpu.memory_space<vmem>> -> memref<1x128x64xf32, #tpu.memory_space<vmem>>
        %dma_wait3A_959 = tpu.memref_squeeze %dma_wait3A_958 : memref<1x128x64xf32, #tpu.memory_space<vmem>> -> memref<128x64xf32, #tpu.memory_space<vmem>>
        %dma_wait3A_960 = arith.constant 0 : i32
        %dma_wait3A_961 = arith.constant 0 : i32
        %dma_wait3A_962 = tpu.memref_slice %arg6[%dma_wait3A_960, %dma_wait3A_961] : memref<802816x64xf32, #tpu.memory_space<hbm>> -> memref<128x64xf32, #tpu.memory_space<hbm>>
        %dma_wait3A_963 = arith.constant 0 : i32
        %dma_wait3A_964 = arith.constant 0 : i32
        %dma_wait3A_965 = tpu.memref_slice %arg6[%dma_wait3A_963, %dma_wait3A_964] : memref<802816x64xf32, #tpu.memory_space<hbm>> -> memref<128x64xf32, #tpu.memory_space<hbm>>
        %dma_wait3A_966 = arith.constant 0 : i32
        %dma_wait3A_967 = arith.constant 0 : i32
        %dma_wait3A_968 = tpu.memref_slice %arg10[%dma_wait3A_955, %dma_wait3A_966, %dma_wait3A_967] : memref<4x128x64xf32, #tpu.memory_space<vmem>> -> memref<1x128x64xf32, #tpu.memory_space<vmem>>
        %dma_wait3A_969 = tpu.memref_squeeze %dma_wait3A_968 : memref<1x128x64xf32, #tpu.memory_space<vmem>> -> memref<128x64xf32, #tpu.memory_space<vmem>>
        tpu.wait_dma2 semaphore(%arg26 : memref<!tpu.dma_semaphore, #tpu.memory_space<semaphore_mem>>) src(%dma_wait3A_969 : memref<128x64xf32, #tpu.memory_space<vmem>>) dst(%dma_wait3A_965 : memref<128x64xf32, #tpu.memory_space<hbm>>)
        %dma_wait3A_970 = arith.constant 2 : i32
        %dma_wait3A_971 = arith.constant 0 : i32
        %dma_wait3A_972 = arith.constant 0 : i32
        %dma_wait3A_973 = tpu.memref_slice %arg11[%dma_wait3A_970, %dma_wait3A_971, %dma_wait3A_972] : memref<4x128x64xf32, #tpu.memory_space<vmem>> -> memref<1x128x64xf32, #tpu.memory_space<vmem>>
        %dma_wait3A_974 = tpu.memref_squeeze %dma_wait3A_973 : memref<1x128x64xf32, #tpu.memory_space<vmem>> -> memref<128x64xf32, #tpu.memory_space<vmem>>
        %dma_wait3A_975 = arith.constant 0 : i32
        %dma_wait3A_976 = arith.constant 0 : i32
        %dma_wait3A_977 = tpu.memref_slice %arg7[%dma_wait3A_975, %dma_wait3A_976] : memref<802816x64xf32, #tpu.memory_space<hbm>> -> memref<128x64xf32, #tpu.memory_space<hbm>>
        %dma_wait3A_978 = arith.constant 0 : i32
        %dma_wait3A_979 = arith.constant 0 : i32
        %dma_wait3A_980 = tpu.memref_slice %arg7[%dma_wait3A_978, %dma_wait3A_979] : memref<802816x64xf32, #tpu.memory_space<hbm>> -> memref<128x64xf32, #tpu.memory_space<hbm>>
        %dma_wait3A_981 = arith.constant 0 : i32
        %dma_wait3A_982 = arith.constant 0 : i32
        %dma_wait3A_983 = tpu.memref_slice %arg11[%dma_wait3A_970, %dma_wait3A_981, %dma_wait3A_982] : memref<4x128x64xf32, #tpu.memory_space<vmem>> -> memref<1x128x64xf32, #tpu.memory_space<vmem>>
        %dma_wait3A_984 = tpu.memref_squeeze %dma_wait3A_983 : memref<1x128x64xf32, #tpu.memory_space<vmem>> -> memref<128x64xf32, #tpu.memory_space<vmem>>
        tpu.wait_dma2 semaphore(%arg30 : memref<!tpu.dma_semaphore, #tpu.memory_space<semaphore_mem>>) src(%dma_wait3A_984 : memref<128x64xf32, #tpu.memory_space<vmem>>) dst(%dma_wait3A_980 : memref<128x64xf32, #tpu.memory_space<hbm>>)
      } else {
      }
      %dma_wait3A_602 = arith.constant 2 : i32
      %dma_wait3A_603 = arith.constant 0 : i32
      %dma_wait3A_604 = tpu.memref_slice %arg8[%dma_wait3A_602, %dma_wait3A_603] : memref<4x128xi32, #tpu.memory_space<vmem>> -> memref<1x128xi32, #tpu.memory_space<vmem>>
      %dma_wait3A_605 = tpu.memref_squeeze %dma_wait3A_604 : memref<1x128xi32, #tpu.memory_space<vmem>> -> memref<128xi32, #tpu.memory_space<vmem>>
      %dma_wait3A_606 = arith.constant 0 : i32
      %dma_wait3A_607 = tpu.memref_slice %arg2[%dma_wait3A_606] : memref<802816xi32, #tpu.memory_space<hbm>> -> memref<128xi32, #tpu.memory_space<hbm>>
      %dma_wait3A_608 = arith.constant 0 : i32
      %dma_wait3A_609 = tpu.memref_slice %arg8[%dma_wait3A_602, %dma_wait3A_608] : memref<4x128xi32, #tpu.memory_space<vmem>> -> memref<1x128xi32, #tpu.memory_space<vmem>>
      %dma_wait3A_610 = tpu.memref_squeeze %dma_wait3A_609 : memref<1x128xi32, #tpu.memory_space<vmem>> -> memref<128xi32, #tpu.memory_space<vmem>>
      %dma_wait3A_611 = arith.constant 0 : i32
      %dma_wait3A_612 = tpu.memref_slice %arg2[%dma_wait3A_611] : memref<802816xi32, #tpu.memory_space<hbm>> -> memref<128xi32, #tpu.memory_space<hbm>>
      tpu.wait_dma2 semaphore(%arg14 : memref<!tpu.dma_semaphore, #tpu.memory_space<semaphore_mem>>) src(%dma_wait3A_612 : memref<128xi32, #tpu.memory_space<hbm>>) dst(%dma_wait3A_610 : memref<128xi32, #tpu.memory_space<vmem>>)
      %dma_wait3A_613 = arith.constant 2 : i32
      %dma_wait3A_614 = arith.constant 0 : i32
      %dma_wait3A_615 = tpu.memref_slice %arg9[%dma_wait3A_613, %dma_wait3A_614] : memref<4x128xi32, #tpu.memory_space<vmem>> -> memref<1x128xi32, #tpu.memory_space<vmem>>
      %dma_wait3A_616 = tpu.memref_squeeze %dma_wait3A_615 : memref<1x128xi32, #tpu.memory_space<vmem>> -> memref<128xi32, #tpu.memory_space<vmem>>
      %dma_wait3A_617 = arith.constant 0 : i32
      %dma_wait3A_618 = tpu.memref_slice %arg3[%dma_wait3A_617] : memref<802816xi32, #tpu.memory_space<hbm>> -> memref<128xi32, #tpu.memory_space<hbm>>
      %dma_wait3A_619 = arith.constant 0 : i32
      %dma_wait3A_620 = tpu.memref_slice %arg9[%dma_wait3A_613, %dma_wait3A_619] : memref<4x128xi32, #tpu.memory_space<vmem>> -> memref<1x128xi32, #tpu.memory_space<vmem>>
      %dma_wait3A_621 = tpu.memref_squeeze %dma_wait3A_620 : memref<1x128xi32, #tpu.memory_space<vmem>> -> memref<128xi32, #tpu.memory_space<vmem>>
      %dma_wait3A_622 = arith.constant 0 : i32
      %dma_wait3A_623 = tpu.memref_slice %arg3[%dma_wait3A_622] : memref<802816xi32, #tpu.memory_space<hbm>> -> memref<128xi32, #tpu.memory_space<hbm>>
      tpu.wait_dma2 semaphore(%arg14 : memref<!tpu.dma_semaphore, #tpu.memory_space<semaphore_mem>>) src(%dma_wait3A_623 : memref<128xi32, #tpu.memory_space<hbm>>) dst(%dma_wait3A_621 : memref<128xi32, #tpu.memory_space<vmem>>)
      %get3A_624 = arith.constant 2 : i32
      %get3A_625 = arith.index_cast %get3A_624 : i32 to index
      %get3A_626 = arith.constant 0 : index
      %get3A_627 = tpu.vector_load %arg9[%get3A_625, %get3A_626] {strides = array<i32>} : memref<4x128xi32, #tpu.memory_space<vmem>>, vector<1x16xi32>,
      %get3A_628 = vector.shape_cast %get3A_627 : vector<1x16xi32> to vector<16xi32>
      %min3A_629 = arith.constant 49999 : i32
      %min3A_630 = vector.broadcast %min3A_629 : i32 to vector<16xi32>
      %min3A_631 = arith.minsi %get3A_628, %min3A_630 : vector<16xi32>
      %swap3A_632 = arith.constant 2 : i32
      %swap3A_633 = arith.index_cast %swap3A_632 : i32 to index
      %swap3A_634 = arith.constant 0 : index
      %swap3A_635 = tpu.vector_load %arg9[%swap3A_633, %swap3A_634] {strides = array<i32>} : memref<4x128xi32, #tpu.memory_space<vmem>>, vector<1x16xi32>,
      %swap3A_636 = vector.shape_cast %swap3A_635 : vector<1x16xi32> to vector<16xi32>
      %swap3A_637 = vector.shape_cast %min3A_631 : vector<16xi32> to vector<1x16xi32>
      tpu.vector_store %arg9[%swap3A_633, %swap3A_634], %swap3A_637 {strides = array<i32>} : memref<4x128xi32, #tpu.memory_space<vmem>>, vector<1x16xi32>,
      %get3A_638 = arith.constant 2 : i32
      %get3A_639 = arith.index_cast %get3A_638 : i32 to index
      %get3A_640 = arith.constant 16 : index
      %get3A_641 = tpu.vector_load %arg9[%get3A_639, %get3A_640] {strides = array<i32>} : memref<4x128xi32, #tpu.memory_space<vmem>>, vector<1x16xi32>,
      %get3A_642 = vector.shape_cast %get3A_641 : vector<1x16xi32> to vector<16xi32>
      %min3A_643 = arith.constant 49999 : i32
      %min3A_644 = vector.broadcast %min3A_643 : i32 to vector<16xi32>
      %min3A_645 = arith.minsi %get3A_642, %min3A_644 : vector<16xi32>
      %swap3A_646 = arith.constant 2 : i32
      %swap3A_647 = arith.index_cast %swap3A_646 : i32 to index
      %swap3A_648 = arith.constant 16 : index
      %swap3A_649 = tpu.vector_load %arg9[%swap3A_647, %swap3A_648] {strides = array<i32>} : memref<4x128xi32, #tpu.memory_space<vmem>>, vector<1x16xi32>,
      %swap3A_650 = vector.shape_cast %swap3A_649 : vector<1x16xi32> to vector<16xi32>
      %swap3A_651 = vector.shape_cast %min3A_645 : vector<16xi32> to vector<1x16xi32>
      tpu.vector_store %arg9[%swap3A_647, %swap3A_648], %swap3A_651 {strides = array<i32>} : memref<4x128xi32, #tpu.memory_space<vmem>>, vector<1x16xi32>,
      %get3A_652 = arith.constant 2 : i32
      %get3A_653 = arith.index_cast %get3A_652 : i32 to index
      %get3A_654 = arith.constant 32 : index
      %get3A_655 = tpu.vector_load %arg9[%get3A_653, %get3A_654] {strides = array<i32>} : memref<4x128xi32, #tpu.memory_space<vmem>>, vector<1x16xi32>,
      %get3A_656 = vector.shape_cast %get3A_655 : vector<1x16xi32> to vector<16xi32>
      %min3A_657 = arith.constant 49999 : i32
      %min3A_658 = vector.broadcast %min3A_657 : i32 to vector<16xi32>
      %min3A_659 = arith.minsi %get3A_656, %min3A_658 : vector<16xi32>
      %swap3A_660 = arith.constant 2 : i32
      %swap3A_661 = arith.index_cast %swap3A_660 : i32 to index
      %swap3A_662 = arith.constant 32 : index
      %swap3A_663 = tpu.vector_load %arg9[%swap3A_661, %swap3A_662] {strides = array<i32>} : memref<4x128xi32, #tpu.memory_space<vmem>>, vector<1x16xi32>,
      %swap3A_664 = vector.shape_cast %swap3A_663 : vector<1x16xi32> to vector<16xi32>
      %swap3A_665 = vector.shape_cast %min3A_659 : vector<16xi32> to vector<1x16xi32>
      tpu.vector_store %arg9[%swap3A_661, %swap3A_662], %swap3A_665 {strides = array<i32>} : memref<4x128xi32, #tpu.memory_space<vmem>>, vector<1x16xi32>,
      %get3A_666 = arith.constant 2 : i32
      %get3A_667 = arith.index_cast %get3A_666 : i32 to index
      %get3A_668 = arith.constant 48 : index
      %get3A_669 = tpu.vector_load %arg9[%get3A_667, %get3A_668] {strides = array<i32>} : memref<4x128xi32, #tpu.memory_space<vmem>>, vector<1x16xi32>,
      %get3A_670 = vector.shape_cast %get3A_669 : vector<1x16xi32> to vector<16xi32>
      %min3A_671 = arith.constant 49999 : i32
      %min3A_672 = vector.broadcast %min3A_671 : i32 to vector<16xi32>
      %min3A_673 = arith.minsi %get3A_670, %min3A_672 : vector<16xi32>
      %swap3A_674 = arith.constant 2 : i32
      %swap3A_675 = arith.index_cast %swap3A_674 : i32 to index
      %swap3A_676 = arith.constant 48 : index
      %swap3A_677 = tpu.vector_load %arg9[%swap3A_675, %swap3A_676] {strides = array<i32>} : memref<4x128xi32, #tpu.memory_space<vmem>>, vector<1x16xi32>,
      %swap3A_678 = vector.shape_cast %swap3A_677 : vector<1x16xi32> to vector<16xi32>
      %swap3A_679 = vector.shape_cast %min3A_673 : vector<16xi32> to vector<1x16xi32>
      tpu.vector_store %arg9[%swap3A_675, %swap3A_676], %swap3A_679 {strides = array<i32>} : memref<4x128xi32, #tpu.memory_space<vmem>>, vector<1x16xi32>,
      %get3A_680 = arith.constant 2 : i32
      %get3A_681 = arith.index_cast %get3A_680 : i32 to index
      %get3A_682 = arith.constant 64 : index
      %get3A_683 = tpu.vector_load %arg9[%get3A_681, %get3A_682] {strides = array<i32>} : memref<4x128xi32, #tpu.memory_space<vmem>>, vector<1x16xi32>,
      %get3A_684 = vector.shape_cast %get3A_683 : vector<1x16xi32> to vector<16xi32>
      %min3A_685 = arith.constant 49999 : i32
      %min3A_686 = vector.broadcast %min3A_685 : i32 to vector<16xi32>
      %min3A_687 = arith.minsi %get3A_684, %min3A_686 : vector<16xi32>
      %swap3A_688 = arith.constant 2 : i32
      %swap3A_689 = arith.index_cast %swap3A_688 : i32 to index
      %swap3A_690 = arith.constant 64 : index
      %swap3A_691 = tpu.vector_load %arg9[%swap3A_689, %swap3A_690] {strides = array<i32>} : memref<4x128xi32, #tpu.memory_space<vmem>>, vector<1x16xi32>,
      %swap3A_692 = vector.shape_cast %swap3A_691 : vector<1x16xi32> to vector<16xi32>
      %swap3A_693 = vector.shape_cast %min3A_687 : vector<16xi32> to vector<1x16xi32>
      tpu.vector_store %arg9[%swap3A_689, %swap3A_690], %swap3A_693 {strides = array<i32>} : memref<4x128xi32, #tpu.memory_space<vmem>>, vector<1x16xi32>,
      %get3A_694 = arith.constant 2 : i32
      %get3A_695 = arith.index_cast %get3A_694 : i32 to index
      %get3A_696 = arith.constant 80 : index
      %get3A_697 = tpu.vector_load %arg9[%get3A_695, %get3A_696] {strides = array<i32>} : memref<4x128xi32, #tpu.memory_space<vmem>>, vector<1x16xi32>,
      %get3A_698 = vector.shape_cast %get3A_697 : vector<1x16xi32> to vector<16xi32>
      %min3A_699 = arith.constant 49999 : i32
      %min3A_700 = vector.broadcast %min3A_699 : i32 to vector<16xi32>
      %min3A_701 = arith.minsi %get3A_698, %min3A_700 : vector<16xi32>
      %swap3A_702 = arith.constant 2 : i32
      %swap3A_703 = arith.index_cast %swap3A_702 : i32 to index
      %swap3A_704 = arith.constant 80 : index
      %swap3A_705 = tpu.vector_load %arg9[%swap3A_703, %swap3A_704] {strides = array<i32>} : memref<4x128xi32, #tpu.memory_space<vmem>>, vector<1x16xi32>,
      %swap3A_706 = vector.shape_cast %swap3A_705 : vector<1x16xi32> to vector<16xi32>
      %swap3A_707 = vector.shape_cast %min3A_701 : vector<16xi32> to vector<1x16xi32>
      tpu.vector_store %arg9[%swap3A_703, %swap3A_704], %swap3A_707 {strides = array<i32>} : memref<4x128xi32, #tpu.memory_space<vmem>>, vector<1x16xi32>,
      %get3A_708 = arith.constant 2 : i32
      %get3A_709 = arith.index_cast %get3A_708 : i32 to index
      %get3A_710 = arith.constant 96 : index
      %get3A_711 = tpu.vector_load %arg9[%get3A_709, %get3A_710] {strides = array<i32>} : memref<4x128xi32, #tpu.memory_space<vmem>>, vector<1x16xi32>,
      %get3A_712 = vector.shape_cast %get3A_711 : vector<1x16xi32> to vector<16xi32>
      %min3A_713 = arith.constant 49999 : i32
      %min3A_714 = vector.broadcast %min3A_713 : i32 to vector<16xi32>
      %min3A_715 = arith.minsi %get3A_712, %min3A_714 : vector<16xi32>
      %swap3A_716 = arith.constant 2 : i32
      %swap3A_717 = arith.index_cast %swap3A_716 : i32 to index
      %swap3A_718 = arith.constant 96 : index
      %swap3A_719 = tpu.vector_load %arg9[%swap3A_717, %swap3A_718] {strides = array<i32>} : memref<4x128xi32, #tpu.memory_space<vmem>>, vector<1x16xi32>,
      %swap3A_720 = vector.shape_cast %swap3A_719 : vector<1x16xi32> to vector<16xi32>
      %swap3A_721 = vector.shape_cast %min3A_715 : vector<16xi32> to vector<1x16xi32>
      tpu.vector_store %arg9[%swap3A_717, %swap3A_718], %swap3A_721 {strides = array<i32>} : memref<4x128xi32, #tpu.memory_space<vmem>>, vector<1x16xi32>,
      %get3A_722 = arith.constant 2 : i32
      %get3A_723 = arith.index_cast %get3A_722 : i32 to index
      %get3A_724 = arith.constant 112 : index
      %get3A_725 = tpu.vector_load %arg9[%get3A_723, %get3A_724] {strides = array<i32>} : memref<4x128xi32, #tpu.memory_space<vmem>>, vector<1x16xi32>,
      %get3A_726 = vector.shape_cast %get3A_725 : vector<1x16xi32> to vector<16xi32>
      %min3A_727 = arith.constant 49999 : i32
      %min3A_728 = vector.broadcast %min3A_727 : i32 to vector<16xi32>
      %min3A_729 = arith.minsi %get3A_726, %min3A_728 : vector<16xi32>
      %swap3A_730 = arith.constant 2 : i32
      %swap3A_731 = arith.index_cast %swap3A_730 : i32 to index
      %swap3A_732 = arith.constant 112 : index
      %swap3A_733 = tpu.vector_load %arg9[%swap3A_731, %swap3A_732] {strides = array<i32>} : memref<4x128xi32, #tpu.memory_space<vmem>>, vector<1x16xi32>,
      %swap3A_734 = vector.shape_cast %swap3A_733 : vector<1x16xi32> to vector<16xi32>
      %swap3A_735 = vector.shape_cast %min3A_729 : vector<16xi32> to vector<1x16xi32>
      tpu.vector_store %arg9[%swap3A_731, %swap3A_732], %swap3A_735 {strides = array<i32>} : memref<4x128xi32, #tpu.memory_space<vmem>>, vector<1x16xi32>,
      %dma_start3A_736 = arith.constant 2 : i32
      %dma_start3A_737 = arith.constant 2 : i32
      %dma_start3A_738 = arith.constant 0 : i32
      %dma_start3A_739 = arith.constant 0 : i32
      %dma_start3A_740 = tpu.memref_slice %arg10[%dma_start3A_737, %dma_start3A_738, %dma_start3A_739] : memref<4x128x64xf32, #tpu.memory_space<vmem>> -> memref<1x128x64xf32, #tpu.memory_space<vmem>>
      %dma_start3A_741 = tpu.memref_squeeze %dma_start3A_740 : memref<1x128x64xf32, #tpu.memory_space<vmem>> -> memref<128x64xf32, #tpu.memory_space<vmem>>
      %dma_start3A_742 = arith.constant 0 : i32
      %dma_start3A_743 = tpu.memref_slice %arg8[%dma_start3A_736, %dma_start3A_742] : memref<4x128xi32, #tpu.memory_space<vmem>> -> memref<1x128xi32, #tpu.memory_space<vmem>>
      %dma_start3A_744 = tpu.memref_squeeze %dma_start3A_743 : memref<1x128xi32, #tpu.memory_space<vmem>> -> memref<128xi32, #tpu.memory_space<vmem>>
      %dma_start3A_745 = arith.constant 0 : i32
      %dma_start3A_746 = arith.constant 0 : i32
      %dma_start3A_747 = tpu.memref_slice %arg4[%dma_start3A_745, %dma_start3A_746] : memref<50000x64xf32, #tpu.memory_space<hbm>> -> memref<50000x64xf32, #tpu.memory_space<hbm>>
      tpu.enqueue_indirect_dma source(%dma_start3A_747 : memref<50000x64xf32, #tpu.memory_space<hbm>>) target(%dma_start3A_741 : memref<128x64xf32, #tpu.memory_space<vmem>>) offsets(%dma_start3A_744 : memref<128xi32, #tpu.memory_space<vmem>>) semaphore(%arg18 : memref<!tpu.dma_semaphore, #tpu.memory_space<semaphore_mem>>)
      %dma_start3A_748 = arith.constant 2 : i32
      %dma_start3A_749 = arith.constant 2 : i32
      %dma_start3A_750 = arith.constant 0 : i32
      %dma_start3A_751 = arith.constant 0 : i32
      %dma_start3A_752 = tpu.memref_slice %arg11[%dma_start3A_749, %dma_start3A_750, %dma_start3A_751] : memref<4x128x64xf32, #tpu.memory_space<vmem>> -> memref<1x128x64xf32, #tpu.memory_space<vmem>>
      %dma_start3A_753 = tpu.memref_squeeze %dma_start3A_752 : memref<1x128x64xf32, #tpu.memory_space<vmem>> -> memref<128x64xf32, #tpu.memory_space<vmem>>
      %dma_start3A_754 = arith.constant 0 : i32
      %dma_start3A_755 = tpu.memref_slice %arg9[%dma_start3A_748, %dma_start3A_754] : memref<4x128xi32, #tpu.memory_space<vmem>> -> memref<1x128xi32, #tpu.memory_space<vmem>>
      %dma_start3A_756 = tpu.memref_squeeze %dma_start3A_755 : memref<1x128xi32, #tpu.memory_space<vmem>> -> memref<128xi32, #tpu.memory_space<vmem>>
      %dma_start3A_757 = arith.constant 0 : i32
      %dma_start3A_758 = arith.constant 0 : i32
      %dma_start3A_759 = tpu.memref_slice %arg5[%dma_start3A_757, %dma_start3A_758] : memref<50000x64xf32, #tpu.memory_space<hbm>> -> memref<50000x64xf32, #tpu.memory_space<hbm>>
      tpu.enqueue_indirect_dma source(%dma_start3A_759 : memref<50000x64xf32, #tpu.memory_space<hbm>>) target(%dma_start3A_753 : memref<128x64xf32, #tpu.memory_space<vmem>>) offsets(%dma_start3A_756 : memref<128xi32, #tpu.memory_space<vmem>>) semaphore(%arg22 : memref<!tpu.dma_semaphore, #tpu.memory_space<semaphore_mem>>)
      %ge3A_760 = arith.constant 1 : i32
      %ge3A_761 = arith.cmpi sge, %add3A_596, %ge3A_760 : i32
      %convert_element_type3A_762 = arith.extui %ge3A_761 : i1 to i32
      %cond3A_763 = arith.constant 0 : i32
      %cond3A_764 = arith.cmpi ne, %convert_element_type3A_762, %cond3A_763 : i32
      scf.if %cond3A_764 {
        %dma_wait3A_955 = arith.constant 1 : i32
        %dma_wait3A_956 = arith.constant 1 : i32
        %dma_wait3A_957 = arith.constant 0 : i32
        %dma_wait3A_958 = arith.constant 0 : i32
        %dma_wait3A_959 = tpu.memref_slice %arg10[%dma_wait3A_956, %dma_wait3A_957, %dma_wait3A_958] : memref<4x128x64xf32, #tpu.memory_space<vmem>> -> memref<1x128x64xf32, #tpu.memory_space<vmem>>
        %dma_wait3A_960 = tpu.memref_squeeze %dma_wait3A_959 : memref<1x128x64xf32, #tpu.memory_space<vmem>> -> memref<128x64xf32, #tpu.memory_space<vmem>>
        %dma_wait3A_961 = arith.constant 0 : i32
        %dma_wait3A_962 = tpu.memref_slice %arg8[%dma_wait3A_955, %dma_wait3A_961] : memref<4x128xi32, #tpu.memory_space<vmem>> -> memref<1x128xi32, #tpu.memory_space<vmem>>
        %dma_wait3A_963 = tpu.memref_squeeze %dma_wait3A_962 : memref<1x128xi32, #tpu.memory_space<vmem>> -> memref<128xi32, #tpu.memory_space<vmem>>
        %dma_wait3A_964 = arith.constant 0 : i32
        %dma_wait3A_965 = arith.constant 0 : i32
        %dma_wait3A_966 = tpu.memref_slice %arg4[%dma_wait3A_964, %dma_wait3A_965] : memref<50000x64xf32, #tpu.memory_space<hbm>> -> memref<50000x64xf32, #tpu.memory_space<hbm>>
        tpu.wait_indirect_dma semaphore(%arg17 : memref<!tpu.dma_semaphore, #tpu.memory_space<semaphore_mem>>) src(%dma_wait3A_966 : memref<50000x64xf32, #tpu.memory_space<hbm>>) dst(%dma_wait3A_960 : memref<128x64xf32, #tpu.memory_space<vmem>>)
        %dma_wait3A_967 = arith.constant 1 : i32
        %dma_wait3A_968 = arith.constant 1 : i32
        %dma_wait3A_969 = arith.constant 0 : i32
        %dma_wait3A_970 = arith.constant 0 : i32
        %dma_wait3A_971 = tpu.memref_slice %arg11[%dma_wait3A_968, %dma_wait3A_969, %dma_wait3A_970] : memref<4x128x64xf32, #tpu.memory_space<vmem>> -> memref<1x128x64xf32, #tpu.memory_space<vmem>>
        %dma_wait3A_972 = tpu.memref_squeeze %dma_wait3A_971 : memref<1x128x64xf32, #tpu.memory_space<vmem>> -> memref<128x64xf32, #tpu.memory_space<vmem>>
        %dma_wait3A_973 = arith.constant 0 : i32
        %dma_wait3A_974 = tpu.memref_slice %arg9[%dma_wait3A_967, %dma_wait3A_973] : memref<4x128xi32, #tpu.memory_space<vmem>> -> memref<1x128xi32, #tpu.memory_space<vmem>>
        %dma_wait3A_975 = tpu.memref_squeeze %dma_wait3A_974 : memref<1x128xi32, #tpu.memory_space<vmem>> -> memref<128xi32, #tpu.memory_space<vmem>>
        %dma_wait3A_976 = arith.constant 0 : i32
        %dma_wait3A_977 = arith.constant 0 : i32
        %dma_wait3A_978 = tpu.memref_slice %arg5[%dma_wait3A_976, %dma_wait3A_977] : memref<50000x64xf32, #tpu.memory_space<hbm>> -> memref<50000x64xf32, #tpu.memory_space<hbm>>
        tpu.wait_indirect_dma semaphore(%arg21 : memref<!tpu.dma_semaphore, #tpu.memory_space<semaphore_mem>>) src(%dma_wait3A_978 : memref<50000x64xf32, #tpu.memory_space<hbm>>) dst(%dma_wait3A_972 : memref<128x64xf32, #tpu.memory_space<vmem>>)
        %sub3A_979 = arith.constant 1 : i32
        %sub3A_980 = arith.subi %add3A_596, %sub3A_979 : i32
        %mul3A_981 = arith.constant 128 : i32
        %mul3A_982 = arith.muli %sub3A_980, %mul3A_981 : i32
        %add3A_983 = arith.addi %mul3A_2, %mul3A_982 : i32
        %dma_start3A_984 = arith.constant 1 : i32
        %dma_start3A_985 = arith.constant 0 : i32
        %dma_start3A_986 = arith.constant 0 : i32
        %dma_start3A_987 = tpu.memref_slice %arg10[%dma_start3A_984, %dma_start3A_985, %dma_start3A_986] : memref<4x128x64xf32, #tpu.memory_space<vmem>> -> memref<1x128x64xf32, #tpu.memory_space<vmem>>
        %dma_start3A_988 = tpu.memref_squeeze %dma_start3A_987 : memref<1x128x64xf32, #tpu.memory_space<vmem>> -> memref<128x64xf32, #tpu.memory_space<vmem>>
        %dma_start3A_989 = arith.constant 0 : i32
        %dma_start3A_990 = tpu.memref_slice %arg6[%add3A_983, %dma_start3A_989] : memref<802816x64xf32, #tpu.memory_space<hbm>> -> memref<128x64xf32, #tpu.memory_space<hbm>>
        %dma_start3A_991 = arith.constant 0 : i32
        %dma_start3A_992 = tpu.memref_slice %arg6[%add3A_983, %dma_start3A_991] : memref<802816x64xf32, #tpu.memory_space<hbm>> -> memref<128x64xf32, #tpu.memory_space<hbm>>
        %dma_start3A_993 = arith.constant 0 : i32
        %dma_start3A_994 = arith.constant 0 : i32
        %dma_start3A_995 = tpu.memref_slice %arg10[%dma_start3A_984, %dma_start3A_993, %dma_start3A_994] : memref<4x128x64xf32, #tpu.memory_space<vmem>> -> memref<1x128x64xf32, #tpu.memory_space<vmem>>
        %dma_start3A_996 = tpu.memref_squeeze %dma_start3A_995 : memref<1x128x64xf32, #tpu.memory_space<vmem>> -> memref<128x64xf32, #tpu.memory_space<vmem>>
        tpu.enqueue_dma source(%dma_start3A_996 : memref<128x64xf32, #tpu.memory_space<vmem>>) target(%dma_start3A_992 : memref<128x64xf32, #tpu.memory_space<hbm>>) target_semaphore(%arg25 : memref<!tpu.dma_semaphore, #tpu.memory_space<semaphore_mem>>)
        %dma_start3A_997 = arith.constant 1 : i32
        %dma_start3A_998 = arith.constant 0 : i32
        %dma_start3A_999 = arith.constant 0 : i32
        %dma_start3A_1000 = tpu.memref_slice %arg11[%dma_start3A_997, %dma_start3A_998, %dma_start3A_999] : memref<4x128x64xf32, #tpu.memory_space<vmem>> -> memref<1x128x64xf32, #tpu.memory_space<vmem>>
        %dma_start3A_1001 = tpu.memref_squeeze %dma_start3A_1000 : memref<1x128x64xf32, #tpu.memory_space<vmem>> -> memref<128x64xf32, #tpu.memory_space<vmem>>
        %dma_start3A_1002 = arith.constant 0 : i32
        %dma_start3A_1003 = tpu.memref_slice %arg7[%add3A_983, %dma_start3A_1002] : memref<802816x64xf32, #tpu.memory_space<hbm>> -> memref<128x64xf32, #tpu.memory_space<hbm>>
        %dma_start3A_1004 = arith.constant 0 : i32
        %dma_start3A_1005 = tpu.memref_slice %arg7[%add3A_983, %dma_start3A_1004] : memref<802816x64xf32, #tpu.memory_space<hbm>> -> memref<128x64xf32, #tpu.memory_space<hbm>>
        %dma_start3A_1006 = arith.constant 0 : i32
        %dma_start3A_1007 = arith.constant 0 : i32
        %dma_start3A_1008 = tpu.memref_slice %arg11[%dma_start3A_997, %dma_start3A_1006, %dma_start3A_1007] : memref<4x128x64xf32, #tpu.memory_space<vmem>> -> memref<1x128x64xf32, #tpu.memory_space<vmem>>
        %dma_start3A_1009 = tpu.memref_squeeze %dma_start3A_1008 : memref<1x128x64xf32, #tpu.memory_space<vmem>> -> memref<128x64xf32, #tpu.memory_space<vmem>>
        tpu.enqueue_dma source(%dma_start3A_1009 : memref<128x64xf32, #tpu.memory_space<vmem>>) target(%dma_start3A_1005 : memref<128x64xf32, #tpu.memory_space<hbm>>) target_semaphore(%arg29 : memref<!tpu.dma_semaphore, #tpu.memory_space<semaphore_mem>>)
      } else {
      }
      %add3A_765 = arith.constant 4 : i32
      %add3A_766 = arith.addi %add3A_596, %add3A_765 : i32
      %sub3A_767 = arith.constant 1 : i32
      %sub3A_768 = arith.subi %add3A_766, %sub3A_767 : i32
      %lt3A_769 = arith.constant 196 : i32
      %lt3A_770 = arith.cmpi slt, %sub3A_768, %lt3A_769 : i32
      %convert_element_type3A_771 = arith.extui %lt3A_770 : i1 to i32
      %cond3A_772 = arith.constant 0 : i32
      %cond3A_773 = arith.cmpi ne, %convert_element_type3A_771, %cond3A_772 : i32
      scf.if %cond3A_773 {
        %add3A_955 = arith.constant 4 : i32
        %add3A_956 = arith.addi %add3A_596, %add3A_955 : i32
        %sub3A_957 = arith.constant 1 : i32
        %sub3A_958 = arith.subi %add3A_956, %sub3A_957 : i32
        %mul3A_959 = arith.constant 128 : i32
        %mul3A_960 = arith.muli %sub3A_958, %mul3A_959 : i32
        %add3A_961 = arith.addi %mul3A_2, %mul3A_960 : i32
        %dma_start3A_962 = arith.constant 1 : i32
        %dma_start3A_963 = arith.constant 0 : i32
        %dma_start3A_964 = tpu.memref_slice %arg8[%dma_start3A_962, %dma_start3A_963] : memref<4x128xi32, #tpu.memory_space<vmem>> -> memref<1x128xi32, #tpu.memory_space<vmem>>
        %dma_start3A_965 = tpu.memref_squeeze %dma_start3A_964 : memref<1x128xi32, #tpu.memory_space<vmem>> -> memref<128xi32, #tpu.memory_space<vmem>>
        %dma_start3A_966 = tpu.memref_slice %arg2[%add3A_961] : memref<802816xi32, #tpu.memory_space<hbm>> -> memref<128xi32, #tpu.memory_space<hbm>>
        %dma_start3A_967 = arith.constant 0 : i32
        %dma_start3A_968 = tpu.memref_slice %arg8[%dma_start3A_962, %dma_start3A_967] : memref<4x128xi32, #tpu.memory_space<vmem>> -> memref<1x128xi32, #tpu.memory_space<vmem>>
        %dma_start3A_969 = tpu.memref_squeeze %dma_start3A_968 : memref<1x128xi32, #tpu.memory_space<vmem>> -> memref<128xi32, #tpu.memory_space<vmem>>
        %dma_start3A_970 = tpu.memref_slice %arg2[%add3A_961] : memref<802816xi32, #tpu.memory_space<hbm>> -> memref<128xi32, #tpu.memory_space<hbm>>
        tpu.enqueue_dma source(%dma_start3A_970 : memref<128xi32, #tpu.memory_space<hbm>>) target(%dma_start3A_969 : memref<128xi32, #tpu.memory_space<vmem>>) target_semaphore(%arg13 : memref<!tpu.dma_semaphore, #tpu.memory_space<semaphore_mem>>)
        %dma_start3A_971 = arith.constant 1 : i32
        %dma_start3A_972 = arith.constant 0 : i32
        %dma_start3A_973 = tpu.memref_slice %arg9[%dma_start3A_971, %dma_start3A_972] : memref<4x128xi32, #tpu.memory_space<vmem>> -> memref<1x128xi32, #tpu.memory_space<vmem>>
        %dma_start3A_974 = tpu.memref_squeeze %dma_start3A_973 : memref<1x128xi32, #tpu.memory_space<vmem>> -> memref<128xi32, #tpu.memory_space<vmem>>
        %dma_start3A_975 = tpu.memref_slice %arg3[%add3A_961] : memref<802816xi32, #tpu.memory_space<hbm>> -> memref<128xi32, #tpu.memory_space<hbm>>
        %dma_start3A_976 = arith.constant 0 : i32
        %dma_start3A_977 = tpu.memref_slice %arg9[%dma_start3A_971, %dma_start3A_976] : memref<4x128xi32, #tpu.memory_space<vmem>> -> memref<1x128xi32, #tpu.memory_space<vmem>>
        %dma_start3A_978 = tpu.memref_squeeze %dma_start3A_977 : memref<1x128xi32, #tpu.memory_space<vmem>> -> memref<128xi32, #tpu.memory_space<vmem>>
        %dma_start3A_979 = tpu.memref_slice %arg3[%add3A_961] : memref<802816xi32, #tpu.memory_space<hbm>> -> memref<128xi32, #tpu.memory_space<hbm>>
        tpu.enqueue_dma source(%dma_start3A_979 : memref<128xi32, #tpu.memory_space<hbm>>) target(%dma_start3A_978 : memref<128xi32, #tpu.memory_space<vmem>>) target_semaphore(%arg13 : memref<!tpu.dma_semaphore, #tpu.memory_space<semaphore_mem>>)
      } else {
      }
      %mul3A_774 = arith.constant 4 : i32
      %mul3A_775 = arith.muli %scan3A_238, %mul3A_774 : i32
      %add3A_776 = arith.constant 3 : i32
      %add3A_777 = arith.addi %mul3A_775, %add3A_776 : i32
      %ge3A_778 = arith.constant 4 : i32
      %ge3A_779 = arith.cmpi sge, %add3A_777, %ge3A_778 : i32
      %convert_element_type3A_780 = arith.extui %ge3A_779 : i1 to i32
      %cond3A_781 = arith.constant 0 : i32
      %cond3A_782 = arith.cmpi ne, %convert_element_type3A_780, %cond3A_781 : i32
      scf.if %cond3A_782 {
        %dma_wait3A_955 = arith.constant 3 : i32
        %dma_wait3A_956 = arith.constant 0 : i32
        %dma_wait3A_957 = arith.constant 0 : i32
        %dma_wait3A_958 = tpu.memref_slice %arg10[%dma_wait3A_955, %dma_wait3A_956, %dma_wait3A_957] : memref<4x128x64xf32, #tpu.memory_space<vmem>> -> memref<1x128x64xf32, #tpu.memory_space<vmem>>
        %dma_wait3A_959 = tpu.memref_squeeze %dma_wait3A_958 : memref<1x128x64xf32, #tpu.memory_space<vmem>> -> memref<128x64xf32, #tpu.memory_space<vmem>>
        %dma_wait3A_960 = arith.constant 0 : i32
        %dma_wait3A_961 = arith.constant 0 : i32
        %dma_wait3A_962 = tpu.memref_slice %arg6[%dma_wait3A_960, %dma_wait3A_961] : memref<802816x64xf32, #tpu.memory_space<hbm>> -> memref<128x64xf32, #tpu.memory_space<hbm>>
        %dma_wait3A_963 = arith.constant 0 : i32
        %dma_wait3A_964 = arith.constant 0 : i32
        %dma_wait3A_965 = tpu.memref_slice %arg6[%dma_wait3A_963, %dma_wait3A_964] : memref<802816x64xf32, #tpu.memory_space<hbm>> -> memref<128x64xf32, #tpu.memory_space<hbm>>
        %dma_wait3A_966 = arith.constant 0 : i32
        %dma_wait3A_967 = arith.constant 0 : i32
        %dma_wait3A_968 = tpu.memref_slice %arg10[%dma_wait3A_955, %dma_wait3A_966, %dma_wait3A_967] : memref<4x128x64xf32, #tpu.memory_space<vmem>> -> memref<1x128x64xf32, #tpu.memory_space<vmem>>
        %dma_wait3A_969 = tpu.memref_squeeze %dma_wait3A_968 : memref<1x128x64xf32, #tpu.memory_space<vmem>> -> memref<128x64xf32, #tpu.memory_space<vmem>>
        tpu.wait_dma2 semaphore(%arg27 : memref<!tpu.dma_semaphore, #tpu.memory_space<semaphore_mem>>) src(%dma_wait3A_969 : memref<128x64xf32, #tpu.memory_space<vmem>>) dst(%dma_wait3A_965 : memref<128x64xf32, #tpu.memory_space<hbm>>)
        %dma_wait3A_970 = arith.constant 3 : i32
        %dma_wait3A_971 = arith.constant 0 : i32
        %dma_wait3A_972 = arith.constant 0 : i32
        %dma_wait3A_973 = tpu.memref_slice %arg11[%dma_wait3A_970, %dma_wait3A_971, %dma_wait3A_972] : memref<4x128x64xf32, #tpu.memory_space<vmem>> -> memref<1x128x64xf32, #tpu.memory_space<vmem>>
        %dma_wait3A_974 = tpu.memref_squeeze %dma_wait3A_973 : memref<1x128x64xf32, #tpu.memory_space<vmem>> -> memref<128x64xf32, #tpu.memory_space<vmem>>
        %dma_wait3A_975 = arith.constant 0 : i32
        %dma_wait3A_976 = arith.constant 0 : i32
        %dma_wait3A_977 = tpu.memref_slice %arg7[%dma_wait3A_975, %dma_wait3A_976] : memref<802816x64xf32, #tpu.memory_space<hbm>> -> memref<128x64xf32, #tpu.memory_space<hbm>>
        %dma_wait3A_978 = arith.constant 0 : i32
        %dma_wait3A_979 = arith.constant 0 : i32
        %dma_wait3A_980 = tpu.memref_slice %arg7[%dma_wait3A_978, %dma_wait3A_979] : memref<802816x64xf32, #tpu.memory_space<hbm>> -> memref<128x64xf32, #tpu.memory_space<hbm>>
        %dma_wait3A_981 = arith.constant 0 : i32
        %dma_wait3A_982 = arith.constant 0 : i32
        %dma_wait3A_983 = tpu.memref_slice %arg11[%dma_wait3A_970, %dma_wait3A_981, %dma_wait3A_982] : memref<4x128x64xf32, #tpu.memory_space<vmem>> -> memref<1x128x64xf32, #tpu.memory_space<vmem>>
        %dma_wait3A_984 = tpu.memref_squeeze %dma_wait3A_983 : memref<1x128x64xf32, #tpu.memory_space<vmem>> -> memref<128x64xf32, #tpu.memory_space<vmem>>
        tpu.wait_dma2 semaphore(%arg31 : memref<!tpu.dma_semaphore, #tpu.memory_space<semaphore_mem>>) src(%dma_wait3A_984 : memref<128x64xf32, #tpu.memory_space<vmem>>) dst(%dma_wait3A_980 : memref<128x64xf32, #tpu.memory_space<hbm>>)
      } else {
      }
      %dma_wait3A_783 = arith.constant 3 : i32
      %dma_wait3A_784 = arith.constant 0 : i32
      %dma_wait3A_785 = tpu.memref_slice %arg8[%dma_wait3A_783, %dma_wait3A_784] : memref<4x128xi32, #tpu.memory_space<vmem>> -> memref<1x128xi32, #tpu.memory_space<vmem>>
      %dma_wait3A_786 = tpu.memref_squeeze %dma_wait3A_785 : memref<1x128xi32, #tpu.memory_space<vmem>> -> memref<128xi32, #tpu.memory_space<vmem>>
      %dma_wait3A_787 = arith.constant 0 : i32
      %dma_wait3A_788 = tpu.memref_slice %arg2[%dma_wait3A_787] : memref<802816xi32, #tpu.memory_space<hbm>> -> memref<128xi32, #tpu.memory_space<hbm>>
      %dma_wait3A_789 = arith.constant 0 : i32
      %dma_wait3A_790 = tpu.memref_slice %arg8[%dma_wait3A_783, %dma_wait3A_789] : memref<4x128xi32, #tpu.memory_space<vmem>> -> memref<1x128xi32, #tpu.memory_space<vmem>>
      %dma_wait3A_791 = tpu.memref_squeeze %dma_wait3A_790 : memref<1x128xi32, #tpu.memory_space<vmem>> -> memref<128xi32, #tpu.memory_space<vmem>>
      %dma_wait3A_792 = arith.constant 0 : i32
      %dma_wait3A_793 = tpu.memref_slice %arg2[%dma_wait3A_792] : memref<802816xi32, #tpu.memory_space<hbm>> -> memref<128xi32, #tpu.memory_space<hbm>>
      tpu.wait_dma2 semaphore(%arg15 : memref<!tpu.dma_semaphore, #tpu.memory_space<semaphore_mem>>) src(%dma_wait3A_793 : memref<128xi32, #tpu.memory_space<hbm>>) dst(%dma_wait3A_791 : memref<128xi32, #tpu.memory_space<vmem>>)
      %dma_wait3A_794 = arith.constant 3 : i32
      %dma_wait3A_795 = arith.constant 0 : i32
      %dma_wait3A_796 = tpu.memref_slice %arg9[%dma_wait3A_794, %dma_wait3A_795] : memref<4x128xi32, #tpu.memory_space<vmem>> -> memref<1x128xi32, #tpu.memory_space<vmem>>
      %dma_wait3A_797 = tpu.memref_squeeze %dma_wait3A_796 : memref<1x128xi32, #tpu.memory_space<vmem>> -> memref<128xi32, #tpu.memory_space<vmem>>
      %dma_wait3A_798 = arith.constant 0 : i32
      %dma_wait3A_799 = tpu.memref_slice %arg3[%dma_wait3A_798] : memref<802816xi32, #tpu.memory_space<hbm>> -> memref<128xi32, #tpu.memory_space<hbm>>
      %dma_wait3A_800 = arith.constant 0 : i32
      %dma_wait3A_801 = tpu.memref_slice %arg9[%dma_wait3A_794, %dma_wait3A_800] : memref<4x128xi32, #tpu.memory_space<vmem>> -> memref<1x128xi32, #tpu.memory_space<vmem>>
      %dma_wait3A_802 = tpu.memref_squeeze %dma_wait3A_801 : memref<1x128xi32, #tpu.memory_space<vmem>> -> memref<128xi32, #tpu.memory_space<vmem>>
      %dma_wait3A_803 = arith.constant 0 : i32
      %dma_wait3A_804 = tpu.memref_slice %arg3[%dma_wait3A_803] : memref<802816xi32, #tpu.memory_space<hbm>> -> memref<128xi32, #tpu.memory_space<hbm>>
      tpu.wait_dma2 semaphore(%arg15 : memref<!tpu.dma_semaphore, #tpu.memory_space<semaphore_mem>>) src(%dma_wait3A_804 : memref<128xi32, #tpu.memory_space<hbm>>) dst(%dma_wait3A_802 : memref<128xi32, #tpu.memory_space<vmem>>)
      %get3A_805 = arith.constant 3 : i32
      %get3A_806 = arith.index_cast %get3A_805 : i32 to index
      %get3A_807 = arith.constant 0 : index
      %get3A_808 = tpu.vector_load %arg9[%get3A_806, %get3A_807] {strides = array<i32>} : memref<4x128xi32, #tpu.memory_space<vmem>>, vector<1x16xi32>,
      %get3A_809 = vector.shape_cast %get3A_808 : vector<1x16xi32> to vector<16xi32>
      %min3A_810 = arith.constant 49999 : i32
      %min3A_811 = vector.broadcast %min3A_810 : i32 to vector<16xi32>
      %min3A_812 = arith.minsi %get3A_809, %min3A_811 : vector<16xi32>
      %swap3A_813 = arith.constant 3 : i32
      %swap3A_814 = arith.index_cast %swap3A_813 : i32 to index
      %swap3A_815 = arith.constant 0 : index
      %swap3A_816 = tpu.vector_load %arg9[%swap3A_814, %swap3A_815] {strides = array<i32>} : memref<4x128xi32, #tpu.memory_space<vmem>>, vector<1x16xi32>,
      %swap3A_817 = vector.shape_cast %swap3A_816 : vector<1x16xi32> to vector<16xi32>
      %swap3A_818 = vector.shape_cast %min3A_812 : vector<16xi32> to vector<1x16xi32>
      tpu.vector_store %arg9[%swap3A_814, %swap3A_815], %swap3A_818 {strides = array<i32>} : memref<4x128xi32, #tpu.memory_space<vmem>>, vector<1x16xi32>,
      %get3A_819 = arith.constant 3 : i32
      %get3A_820 = arith.index_cast %get3A_819 : i32 to index
      %get3A_821 = arith.constant 16 : index
      %get3A_822 = tpu.vector_load %arg9[%get3A_820, %get3A_821] {strides = array<i32>} : memref<4x128xi32, #tpu.memory_space<vmem>>, vector<1x16xi32>,
      %get3A_823 = vector.shape_cast %get3A_822 : vector<1x16xi32> to vector<16xi32>
      %min3A_824 = arith.constant 49999 : i32
      %min3A_825 = vector.broadcast %min3A_824 : i32 to vector<16xi32>
      %min3A_826 = arith.minsi %get3A_823, %min3A_825 : vector<16xi32>
      %swap3A_827 = arith.constant 3 : i32
      %swap3A_828 = arith.index_cast %swap3A_827 : i32 to index
      %swap3A_829 = arith.constant 16 : index
      %swap3A_830 = tpu.vector_load %arg9[%swap3A_828, %swap3A_829] {strides = array<i32>} : memref<4x128xi32, #tpu.memory_space<vmem>>, vector<1x16xi32>,
      %swap3A_831 = vector.shape_cast %swap3A_830 : vector<1x16xi32> to vector<16xi32>
      %swap3A_832 = vector.shape_cast %min3A_826 : vector<16xi32> to vector<1x16xi32>
      tpu.vector_store %arg9[%swap3A_828, %swap3A_829], %swap3A_832 {strides = array<i32>} : memref<4x128xi32, #tpu.memory_space<vmem>>, vector<1x16xi32>,
      %get3A_833 = arith.constant 3 : i32
      %get3A_834 = arith.index_cast %get3A_833 : i32 to index
      %get3A_835 = arith.constant 32 : index
      %get3A_836 = tpu.vector_load %arg9[%get3A_834, %get3A_835] {strides = array<i32>} : memref<4x128xi32, #tpu.memory_space<vmem>>, vector<1x16xi32>,
      %get3A_837 = vector.shape_cast %get3A_836 : vector<1x16xi32> to vector<16xi32>
      %min3A_838 = arith.constant 49999 : i32
      %min3A_839 = vector.broadcast %min3A_838 : i32 to vector<16xi32>
      %min3A_840 = arith.minsi %get3A_837, %min3A_839 : vector<16xi32>
      %swap3A_841 = arith.constant 3 : i32
      %swap3A_842 = arith.index_cast %swap3A_841 : i32 to index
      %swap3A_843 = arith.constant 32 : index
      %swap3A_844 = tpu.vector_load %arg9[%swap3A_842, %swap3A_843] {strides = array<i32>} : memref<4x128xi32, #tpu.memory_space<vmem>>, vector<1x16xi32>,
      %swap3A_845 = vector.shape_cast %swap3A_844 : vector<1x16xi32> to vector<16xi32>
      %swap3A_846 = vector.shape_cast %min3A_840 : vector<16xi32> to vector<1x16xi32>
      tpu.vector_store %arg9[%swap3A_842, %swap3A_843], %swap3A_846 {strides = array<i32>} : memref<4x128xi32, #tpu.memory_space<vmem>>, vector<1x16xi32>,
      %get3A_847 = arith.constant 3 : i32
      %get3A_848 = arith.index_cast %get3A_847 : i32 to index
      %get3A_849 = arith.constant 48 : index
      %get3A_850 = tpu.vector_load %arg9[%get3A_848, %get3A_849] {strides = array<i32>} : memref<4x128xi32, #tpu.memory_space<vmem>>, vector<1x16xi32>,
      %get3A_851 = vector.shape_cast %get3A_850 : vector<1x16xi32> to vector<16xi32>
      %min3A_852 = arith.constant 49999 : i32
      %min3A_853 = vector.broadcast %min3A_852 : i32 to vector<16xi32>
      %min3A_854 = arith.minsi %get3A_851, %min3A_853 : vector<16xi32>
      %swap3A_855 = arith.constant 3 : i32
      %swap3A_856 = arith.index_cast %swap3A_855 : i32 to index
      %swap3A_857 = arith.constant 48 : index
      %swap3A_858 = tpu.vector_load %arg9[%swap3A_856, %swap3A_857] {strides = array<i32>} : memref<4x128xi32, #tpu.memory_space<vmem>>, vector<1x16xi32>,
      %swap3A_859 = vector.shape_cast %swap3A_858 : vector<1x16xi32> to vector<16xi32>
      %swap3A_860 = vector.shape_cast %min3A_854 : vector<16xi32> to vector<1x16xi32>
      tpu.vector_store %arg9[%swap3A_856, %swap3A_857], %swap3A_860 {strides = array<i32>} : memref<4x128xi32, #tpu.memory_space<vmem>>, vector<1x16xi32>,
      %get3A_861 = arith.constant 3 : i32
      %get3A_862 = arith.index_cast %get3A_861 : i32 to index
      %get3A_863 = arith.constant 64 : index
      %get3A_864 = tpu.vector_load %arg9[%get3A_862, %get3A_863] {strides = array<i32>} : memref<4x128xi32, #tpu.memory_space<vmem>>, vector<1x16xi32>,
      %get3A_865 = vector.shape_cast %get3A_864 : vector<1x16xi32> to vector<16xi32>
      %min3A_866 = arith.constant 49999 : i32
      %min3A_867 = vector.broadcast %min3A_866 : i32 to vector<16xi32>
      %min3A_868 = arith.minsi %get3A_865, %min3A_867 : vector<16xi32>
      %swap3A_869 = arith.constant 3 : i32
      %swap3A_870 = arith.index_cast %swap3A_869 : i32 to index
      %swap3A_871 = arith.constant 64 : index
      %swap3A_872 = tpu.vector_load %arg9[%swap3A_870, %swap3A_871] {strides = array<i32>} : memref<4x128xi32, #tpu.memory_space<vmem>>, vector<1x16xi32>,
      %swap3A_873 = vector.shape_cast %swap3A_872 : vector<1x16xi32> to vector<16xi32>
      %swap3A_874 = vector.shape_cast %min3A_868 : vector<16xi32> to vector<1x16xi32>
      tpu.vector_store %arg9[%swap3A_870, %swap3A_871], %swap3A_874 {strides = array<i32>} : memref<4x128xi32, #tpu.memory_space<vmem>>, vector<1x16xi32>,
      %get3A_875 = arith.constant 3 : i32
      %get3A_876 = arith.index_cast %get3A_875 : i32 to index
      %get3A_877 = arith.constant 80 : index
      %get3A_878 = tpu.vector_load %arg9[%get3A_876, %get3A_877] {strides = array<i32>} : memref<4x128xi32, #tpu.memory_space<vmem>>, vector<1x16xi32>,
      %get3A_879 = vector.shape_cast %get3A_878 : vector<1x16xi32> to vector<16xi32>
      %min3A_880 = arith.constant 49999 : i32
      %min3A_881 = vector.broadcast %min3A_880 : i32 to vector<16xi32>
      %min3A_882 = arith.minsi %get3A_879, %min3A_881 : vector<16xi32>
      %swap3A_883 = arith.constant 3 : i32
      %swap3A_884 = arith.index_cast %swap3A_883 : i32 to index
      %swap3A_885 = arith.constant 80 : index
      %swap3A_886 = tpu.vector_load %arg9[%swap3A_884, %swap3A_885] {strides = array<i32>} : memref<4x128xi32, #tpu.memory_space<vmem>>, vector<1x16xi32>,
      %swap3A_887 = vector.shape_cast %swap3A_886 : vector<1x16xi32> to vector<16xi32>
      %swap3A_888 = vector.shape_cast %min3A_882 : vector<16xi32> to vector<1x16xi32>
      tpu.vector_store %arg9[%swap3A_884, %swap3A_885], %swap3A_888 {strides = array<i32>} : memref<4x128xi32, #tpu.memory_space<vmem>>, vector<1x16xi32>,
      %get3A_889 = arith.constant 3 : i32
      %get3A_890 = arith.index_cast %get3A_889 : i32 to index
      %get3A_891 = arith.constant 96 : index
      %get3A_892 = tpu.vector_load %arg9[%get3A_890, %get3A_891] {strides = array<i32>} : memref<4x128xi32, #tpu.memory_space<vmem>>, vector<1x16xi32>,
      %get3A_893 = vector.shape_cast %get3A_892 : vector<1x16xi32> to vector<16xi32>
      %min3A_894 = arith.constant 49999 : i32
      %min3A_895 = vector.broadcast %min3A_894 : i32 to vector<16xi32>
      %min3A_896 = arith.minsi %get3A_893, %min3A_895 : vector<16xi32>
      %swap3A_897 = arith.constant 3 : i32
      %swap3A_898 = arith.index_cast %swap3A_897 : i32 to index
      %swap3A_899 = arith.constant 96 : index
      %swap3A_900 = tpu.vector_load %arg9[%swap3A_898, %swap3A_899] {strides = array<i32>} : memref<4x128xi32, #tpu.memory_space<vmem>>, vector<1x16xi32>,
      %swap3A_901 = vector.shape_cast %swap3A_900 : vector<1x16xi32> to vector<16xi32>
      %swap3A_902 = vector.shape_cast %min3A_896 : vector<16xi32> to vector<1x16xi32>
      tpu.vector_store %arg9[%swap3A_898, %swap3A_899], %swap3A_902 {strides = array<i32>} : memref<4x128xi32, #tpu.memory_space<vmem>>, vector<1x16xi32>,
      %get3A_903 = arith.constant 3 : i32
      %get3A_904 = arith.index_cast %get3A_903 : i32 to index
      %get3A_905 = arith.constant 112 : index
      %get3A_906 = tpu.vector_load %arg9[%get3A_904, %get3A_905] {strides = array<i32>} : memref<4x128xi32, #tpu.memory_space<vmem>>, vector<1x16xi32>,
      %get3A_907 = vector.shape_cast %get3A_906 : vector<1x16xi32> to vector<16xi32>
      %min3A_908 = arith.constant 49999 : i32
      %min3A_909 = vector.broadcast %min3A_908 : i32 to vector<16xi32>
      %min3A_910 = arith.minsi %get3A_907, %min3A_909 : vector<16xi32>
      %swap3A_911 = arith.constant 3 : i32
      %swap3A_912 = arith.index_cast %swap3A_911 : i32 to index
      %swap3A_913 = arith.constant 112 : index
      %swap3A_914 = tpu.vector_load %arg9[%swap3A_912, %swap3A_913] {strides = array<i32>} : memref<4x128xi32, #tpu.memory_space<vmem>>, vector<1x16xi32>,
      %swap3A_915 = vector.shape_cast %swap3A_914 : vector<1x16xi32> to vector<16xi32>
      %swap3A_916 = vector.shape_cast %min3A_910 : vector<16xi32> to vector<1x16xi32>
      tpu.vector_store %arg9[%swap3A_912, %swap3A_913], %swap3A_916 {strides = array<i32>} : memref<4x128xi32, #tpu.memory_space<vmem>>, vector<1x16xi32>,
      %dma_start3A_917 = arith.constant 3 : i32
      %dma_start3A_918 = arith.constant 3 : i32
      %dma_start3A_919 = arith.constant 0 : i32
      %dma_start3A_920 = arith.constant 0 : i32
      %dma_start3A_921 = tpu.memref_slice %arg10[%dma_start3A_918, %dma_start3A_919, %dma_start3A_920] : memref<4x128x64xf32, #tpu.memory_space<vmem>> -> memref<1x128x64xf32, #tpu.memory_space<vmem>>
      %dma_start3A_922 = tpu.memref_squeeze %dma_start3A_921 : memref<1x128x64xf32, #tpu.memory_space<vmem>> -> memref<128x64xf32, #tpu.memory_space<vmem>>
      %dma_start3A_923 = arith.constant 0 : i32
      %dma_start3A_924 = tpu.memref_slice %arg8[%dma_start3A_917, %dma_start3A_923] : memref<4x128xi32, #tpu.memory_space<vmem>> -> memref<1x128xi32, #tpu.memory_space<vmem>>
      %dma_start3A_925 = tpu.memref_squeeze %dma_start3A_924 : memref<1x128xi32, #tpu.memory_space<vmem>> -> memref<128xi32, #tpu.memory_space<vmem>>
      %dma_start3A_926 = arith.constant 0 : i32
      %dma_start3A_927 = arith.constant 0 : i32
      %dma_start3A_928 = tpu.memref_slice %arg4[%dma_start3A_926, %dma_start3A_927] : memref<50000x64xf32, #tpu.memory_space<hbm>> -> memref<50000x64xf32, #tpu.memory_space<hbm>>
      tpu.enqueue_indirect_dma source(%dma_start3A_928 : memref<50000x64xf32, #tpu.memory_space<hbm>>) target(%dma_start3A_922 : memref<128x64xf32, #tpu.memory_space<vmem>>) offsets(%dma_start3A_925 : memref<128xi32, #tpu.memory_space<vmem>>) semaphore(%arg19 : memref<!tpu.dma_semaphore, #tpu.memory_space<semaphore_mem>>)
      %dma_start3A_929 = arith.constant 3 : i32
      %dma_start3A_930 = arith.constant 3 : i32
      %dma_start3A_931 = arith.constant 0 : i32
      %dma_start3A_932 = arith.constant 0 : i32
      %dma_start3A_933 = tpu.memref_slice %arg11[%dma_start3A_930, %dma_start3A_931, %dma_start3A_932] : memref<4x128x64xf32, #tpu.memory_space<vmem>> -> memref<1x128x64xf32, #tpu.memory_space<vmem>>
      %dma_start3A_934 = tpu.memref_squeeze %dma_start3A_933 : memref<1x128x64xf32, #tpu.memory_space<vmem>> -> memref<128x64xf32, #tpu.memory_space<vmem>>
      %dma_start3A_935 = arith.constant 0 : i32
      %dma_start3A_936 = tpu.memref_slice %arg9[%dma_start3A_929, %dma_start3A_935] : memref<4x128xi32, #tpu.memory_space<vmem>> -> memref<1x128xi32, #tpu.memory_space<vmem>>
      %dma_start3A_937 = tpu.memref_squeeze %dma_start3A_936 : memref<1x128xi32, #tpu.memory_space<vmem>> -> memref<128xi32, #tpu.memory_space<vmem>>
      %dma_start3A_938 = arith.constant 0 : i32
      %dma_start3A_939 = arith.constant 0 : i32
      %dma_start3A_940 = tpu.memref_slice %arg5[%dma_start3A_938, %dma_start3A_939] : memref<50000x64xf32, #tpu.memory_space<hbm>> -> memref<50000x64xf32, #tpu.memory_space<hbm>>
      tpu.enqueue_indirect_dma source(%dma_start3A_940 : memref<50000x64xf32, #tpu.memory_space<hbm>>) target(%dma_start3A_934 : memref<128x64xf32, #tpu.memory_space<vmem>>) offsets(%dma_start3A_937 : memref<128xi32, #tpu.memory_space<vmem>>) semaphore(%arg23 : memref<!tpu.dma_semaphore, #tpu.memory_space<semaphore_mem>>)
      %ge3A_941 = arith.constant 1 : i32
      %ge3A_942 = arith.cmpi sge, %add3A_777, %ge3A_941 : i32
      %convert_element_type3A_943 = arith.extui %ge3A_942 : i1 to i32
      %cond3A_944 = arith.constant 0 : i32
      %cond3A_945 = arith.cmpi ne, %convert_element_type3A_943, %cond3A_944 : i32
      scf.if %cond3A_945 {
        %dma_wait3A_955 = arith.constant 2 : i32
        %dma_wait3A_956 = arith.constant 2 : i32
        %dma_wait3A_957 = arith.constant 0 : i32
        %dma_wait3A_958 = arith.constant 0 : i32
        %dma_wait3A_959 = tpu.memref_slice %arg10[%dma_wait3A_956, %dma_wait3A_957, %dma_wait3A_958] : memref<4x128x64xf32, #tpu.memory_space<vmem>> -> memref<1x128x64xf32, #tpu.memory_space<vmem>>
        %dma_wait3A_960 = tpu.memref_squeeze %dma_wait3A_959 : memref<1x128x64xf32, #tpu.memory_space<vmem>> -> memref<128x64xf32, #tpu.memory_space<vmem>>
        %dma_wait3A_961 = arith.constant 0 : i32
        %dma_wait3A_962 = tpu.memref_slice %arg8[%dma_wait3A_955, %dma_wait3A_961] : memref<4x128xi32, #tpu.memory_space<vmem>> -> memref<1x128xi32, #tpu.memory_space<vmem>>
        %dma_wait3A_963 = tpu.memref_squeeze %dma_wait3A_962 : memref<1x128xi32, #tpu.memory_space<vmem>> -> memref<128xi32, #tpu.memory_space<vmem>>
        %dma_wait3A_964 = arith.constant 0 : i32
        %dma_wait3A_965 = arith.constant 0 : i32
        %dma_wait3A_966 = tpu.memref_slice %arg4[%dma_wait3A_964, %dma_wait3A_965] : memref<50000x64xf32, #tpu.memory_space<hbm>> -> memref<50000x64xf32, #tpu.memory_space<hbm>>
        tpu.wait_indirect_dma semaphore(%arg18 : memref<!tpu.dma_semaphore, #tpu.memory_space<semaphore_mem>>) src(%dma_wait3A_966 : memref<50000x64xf32, #tpu.memory_space<hbm>>) dst(%dma_wait3A_960 : memref<128x64xf32, #tpu.memory_space<vmem>>)
        %dma_wait3A_967 = arith.constant 2 : i32
        %dma_wait3A_968 = arith.constant 2 : i32
        %dma_wait3A_969 = arith.constant 0 : i32
        %dma_wait3A_970 = arith.constant 0 : i32
        %dma_wait3A_971 = tpu.memref_slice %arg11[%dma_wait3A_968, %dma_wait3A_969, %dma_wait3A_970] : memref<4x128x64xf32, #tpu.memory_space<vmem>> -> memref<1x128x64xf32, #tpu.memory_space<vmem>>
        %dma_wait3A_972 = tpu.memref_squeeze %dma_wait3A_971 : memref<1x128x64xf32, #tpu.memory_space<vmem>> -> memref<128x64xf32, #tpu.memory_space<vmem>>
        %dma_wait3A_973 = arith.constant 0 : i32
        %dma_wait3A_974 = tpu.memref_slice %arg9[%dma_wait3A_967, %dma_wait3A_973] : memref<4x128xi32, #tpu.memory_space<vmem>> -> memref<1x128xi32, #tpu.memory_space<vmem>>
        %dma_wait3A_975 = tpu.memref_squeeze %dma_wait3A_974 : memref<1x128xi32, #tpu.memory_space<vmem>> -> memref<128xi32, #tpu.memory_space<vmem>>
        %dma_wait3A_976 = arith.constant 0 : i32
        %dma_wait3A_977 = arith.constant 0 : i32
        %dma_wait3A_978 = tpu.memref_slice %arg5[%dma_wait3A_976, %dma_wait3A_977] : memref<50000x64xf32, #tpu.memory_space<hbm>> -> memref<50000x64xf32, #tpu.memory_space<hbm>>
        tpu.wait_indirect_dma semaphore(%arg22 : memref<!tpu.dma_semaphore, #tpu.memory_space<semaphore_mem>>) src(%dma_wait3A_978 : memref<50000x64xf32, #tpu.memory_space<hbm>>) dst(%dma_wait3A_972 : memref<128x64xf32, #tpu.memory_space<vmem>>)
        %sub3A_979 = arith.constant 1 : i32
        %sub3A_980 = arith.subi %add3A_777, %sub3A_979 : i32
        %mul3A_981 = arith.constant 128 : i32
        %mul3A_982 = arith.muli %sub3A_980, %mul3A_981 : i32
        %add3A_983 = arith.addi %mul3A_2, %mul3A_982 : i32
        %dma_start3A_984 = arith.constant 2 : i32
        %dma_start3A_985 = arith.constant 0 : i32
        %dma_start3A_986 = arith.constant 0 : i32
        %dma_start3A_987 = tpu.memref_slice %arg10[%dma_start3A_984, %dma_start3A_985, %dma_start3A_986] : memref<4x128x64xf32, #tpu.memory_space<vmem>> -> memref<1x128x64xf32, #tpu.memory_space<vmem>>
        %dma_start3A_988 = tpu.memref_squeeze %dma_start3A_987 : memref<1x128x64xf32, #tpu.memory_space<vmem>> -> memref<128x64xf32, #tpu.memory_space<vmem>>
        %dma_start3A_989 = arith.constant 0 : i32
        %dma_start3A_990 = tpu.memref_slice %arg6[%add3A_983, %dma_start3A_989] : memref<802816x64xf32, #tpu.memory_space<hbm>> -> memref<128x64xf32, #tpu.memory_space<hbm>>
        %dma_start3A_991 = arith.constant 0 : i32
        %dma_start3A_992 = tpu.memref_slice %arg6[%add3A_983, %dma_start3A_991] : memref<802816x64xf32, #tpu.memory_space<hbm>> -> memref<128x64xf32, #tpu.memory_space<hbm>>
        %dma_start3A_993 = arith.constant 0 : i32
        %dma_start3A_994 = arith.constant 0 : i32
        %dma_start3A_995 = tpu.memref_slice %arg10[%dma_start3A_984, %dma_start3A_993, %dma_start3A_994] : memref<4x128x64xf32, #tpu.memory_space<vmem>> -> memref<1x128x64xf32, #tpu.memory_space<vmem>>
        %dma_start3A_996 = tpu.memref_squeeze %dma_start3A_995 : memref<1x128x64xf32, #tpu.memory_space<vmem>> -> memref<128x64xf32, #tpu.memory_space<vmem>>
        tpu.enqueue_dma source(%dma_start3A_996 : memref<128x64xf32, #tpu.memory_space<vmem>>) target(%dma_start3A_992 : memref<128x64xf32, #tpu.memory_space<hbm>>) target_semaphore(%arg26 : memref<!tpu.dma_semaphore, #tpu.memory_space<semaphore_mem>>)
        %dma_start3A_997 = arith.constant 2 : i32
        %dma_start3A_998 = arith.constant 0 : i32
        %dma_start3A_999 = arith.constant 0 : i32
        %dma_start3A_1000 = tpu.memref_slice %arg11[%dma_start3A_997, %dma_start3A_998, %dma_start3A_999] : memref<4x128x64xf32, #tpu.memory_space<vmem>> -> memref<1x128x64xf32, #tpu.memory_space<vmem>>
        %dma_start3A_1001 = tpu.memref_squeeze %dma_start3A_1000 : memref<1x128x64xf32, #tpu.memory_space<vmem>> -> memref<128x64xf32, #tpu.memory_space<vmem>>
        %dma_start3A_1002 = arith.constant 0 : i32
        %dma_start3A_1003 = tpu.memref_slice %arg7[%add3A_983, %dma_start3A_1002] : memref<802816x64xf32, #tpu.memory_space<hbm>> -> memref<128x64xf32, #tpu.memory_space<hbm>>
        %dma_start3A_1004 = arith.constant 0 : i32
        %dma_start3A_1005 = tpu.memref_slice %arg7[%add3A_983, %dma_start3A_1004] : memref<802816x64xf32, #tpu.memory_space<hbm>> -> memref<128x64xf32, #tpu.memory_space<hbm>>
        %dma_start3A_1006 = arith.constant 0 : i32
        %dma_start3A_1007 = arith.constant 0 : i32
        %dma_start3A_1008 = tpu.memref_slice %arg11[%dma_start3A_997, %dma_start3A_1006, %dma_start3A_1007] : memref<4x128x64xf32, #tpu.memory_space<vmem>> -> memref<1x128x64xf32, #tpu.memory_space<vmem>>
        %dma_start3A_1009 = tpu.memref_squeeze %dma_start3A_1008 : memref<1x128x64xf32, #tpu.memory_space<vmem>> -> memref<128x64xf32, #tpu.memory_space<vmem>>
        tpu.enqueue_dma source(%dma_start3A_1009 : memref<128x64xf32, #tpu.memory_space<vmem>>) target(%dma_start3A_1005 : memref<128x64xf32, #tpu.memory_space<hbm>>) target_semaphore(%arg30 : memref<!tpu.dma_semaphore, #tpu.memory_space<semaphore_mem>>)
      } else {
      }
      %add3A_946 = arith.constant 4 : i32
      %add3A_947 = arith.addi %add3A_777, %add3A_946 : i32
      %sub3A_948 = arith.constant 1 : i32
      %sub3A_949 = arith.subi %add3A_947, %sub3A_948 : i32
      %lt3A_950 = arith.constant 196 : i32
      %lt3A_951 = arith.cmpi slt, %sub3A_949, %lt3A_950 : i32
      %convert_element_type3A_952 = arith.extui %lt3A_951 : i1 to i32
      %cond3A_953 = arith.constant 0 : i32
      %cond3A_954 = arith.cmpi ne, %convert_element_type3A_952, %cond3A_953 : i32
      scf.if %cond3A_954 {
        %add3A_955 = arith.constant 4 : i32
        %add3A_956 = arith.addi %add3A_777, %add3A_955 : i32
        %sub3A_957 = arith.constant 1 : i32
        %sub3A_958 = arith.subi %add3A_956, %sub3A_957 : i32
        %mul3A_959 = arith.constant 128 : i32
        %mul3A_960 = arith.muli %sub3A_958, %mul3A_959 : i32
        %add3A_961 = arith.addi %mul3A_2, %mul3A_960 : i32
        %dma_start3A_962 = arith.constant 2 : i32
        %dma_start3A_963 = arith.constant 0 : i32
        %dma_start3A_964 = tpu.memref_slice %arg8[%dma_start3A_962, %dma_start3A_963] : memref<4x128xi32, #tpu.memory_space<vmem>> -> memref<1x128xi32, #tpu.memory_space<vmem>>
        %dma_start3A_965 = tpu.memref_squeeze %dma_start3A_964 : memref<1x128xi32, #tpu.memory_space<vmem>> -> memref<128xi32, #tpu.memory_space<vmem>>
        %dma_start3A_966 = tpu.memref_slice %arg2[%add3A_961] : memref<802816xi32, #tpu.memory_space<hbm>> -> memref<128xi32, #tpu.memory_space<hbm>>
        %dma_start3A_967 = arith.constant 0 : i32
        %dma_start3A_968 = tpu.memref_slice %arg8[%dma_start3A_962, %dma_start3A_967] : memref<4x128xi32, #tpu.memory_space<vmem>> -> memref<1x128xi32, #tpu.memory_space<vmem>>
        %dma_start3A_969 = tpu.memref_squeeze %dma_start3A_968 : memref<1x128xi32, #tpu.memory_space<vmem>> -> memref<128xi32, #tpu.memory_space<vmem>>
        %dma_start3A_970 = tpu.memref_slice %arg2[%add3A_961] : memref<802816xi32, #tpu.memory_space<hbm>> -> memref<128xi32, #tpu.memory_space<hbm>>
        tpu.enqueue_dma source(%dma_start3A_970 : memref<128xi32, #tpu.memory_space<hbm>>) target(%dma_start3A_969 : memref<128xi32, #tpu.memory_space<vmem>>) target_semaphore(%arg14 : memref<!tpu.dma_semaphore, #tpu.memory_space<semaphore_mem>>)
        %dma_start3A_971 = arith.constant 2 : i32
        %dma_start3A_972 = arith.constant 0 : i32
        %dma_start3A_973 = tpu.memref_slice %arg9[%dma_start3A_971, %dma_start3A_972] : memref<4x128xi32, #tpu.memory_space<vmem>> -> memref<1x128xi32, #tpu.memory_space<vmem>>
        %dma_start3A_974 = tpu.memref_squeeze %dma_start3A_973 : memref<1x128xi32, #tpu.memory_space<vmem>> -> memref<128xi32, #tpu.memory_space<vmem>>
        %dma_start3A_975 = tpu.memref_slice %arg3[%add3A_961] : memref<802816xi32, #tpu.memory_space<hbm>> -> memref<128xi32, #tpu.memory_space<hbm>>
        %dma_start3A_976 = arith.constant 0 : i32
        %dma_start3A_977 = tpu.memref_slice %arg9[%dma_start3A_971, %dma_start3A_976] : memref<4x128xi32, #tpu.memory_space<vmem>> -> memref<1x128xi32, #tpu.memory_space<vmem>>
        %dma_start3A_978 = tpu.memref_squeeze %dma_start3A_977 : memref<1x128xi32, #tpu.memory_space<vmem>> -> memref<128xi32, #tpu.memory_space<vmem>>
        %dma_start3A_979 = tpu.memref_slice %arg3[%add3A_961] : memref<802816xi32, #tpu.memory_space<hbm>> -> memref<128xi32, #tpu.memory_space<hbm>>
        tpu.enqueue_dma source(%dma_start3A_979 : memref<128xi32, #tpu.memory_space<hbm>>) target(%dma_start3A_978 : memref<128xi32, #tpu.memory_space<vmem>>) target_semaphore(%arg14 : memref<!tpu.dma_semaphore, #tpu.memory_space<semaphore_mem>>)
      } else {
      }
    }
    %scan3A_66 = arith.constant 49 : i32
    %dma_wait3A = arith.constant 3 : i32
    %dma_wait3A_67 = arith.constant 3 : i32
    %dma_wait3A_68 = arith.constant 0 : i32
    %dma_wait3A_69 = arith.constant 0 : i32
    %dma_wait3A_70 = tpu.memref_slice %arg10[%dma_wait3A_67, %dma_wait3A_68, %dma_wait3A_69] : memref<4x128x64xf32, #tpu.memory_space<vmem>> -> memref<1x128x64xf32, #tpu.memory_space<vmem>>
    %dma_wait3A_71 = tpu.memref_squeeze %dma_wait3A_70 : memref<1x128x64xf32, #tpu.memory_space<vmem>> -> memref<128x64xf32, #tpu.memory_space<vmem>>
    %dma_wait3A_72 = arith.constant 0 : i32
    %dma_wait3A_73 = tpu.memref_slice %arg8[%dma_wait3A, %dma_wait3A_72] : memref<4x128xi32, #tpu.memory_space<vmem>> -> memref<1x128xi32, #tpu.memory_space<vmem>>
    %dma_wait3A_74 = tpu.memref_squeeze %dma_wait3A_73 : memref<1x128xi32, #tpu.memory_space<vmem>> -> memref<128xi32, #tpu.memory_space<vmem>>
    %dma_wait3A_75 = arith.constant 0 : i32
    %dma_wait3A_76 = arith.constant 0 : i32
    %dma_wait3A_77 = tpu.memref_slice %arg4[%dma_wait3A_75, %dma_wait3A_76] : memref<50000x64xf32, #tpu.memory_space<hbm>> -> memref<50000x64xf32, #tpu.memory_space<hbm>>
    tpu.wait_indirect_dma semaphore(%arg19 : memref<!tpu.dma_semaphore, #tpu.memory_space<semaphore_mem>>) src(%dma_wait3A_77 : memref<50000x64xf32, #tpu.memory_space<hbm>>) dst(%dma_wait3A_71 : memref<128x64xf32, #tpu.memory_space<vmem>>)
    %dma_wait3A_78 = arith.constant 3 : i32
    %dma_wait3A_79 = arith.constant 3 : i32
    %dma_wait3A_80 = arith.constant 0 : i32
    %dma_wait3A_81 = arith.constant 0 : i32
    %dma_wait3A_82 = tpu.memref_slice %arg11[%dma_wait3A_79, %dma_wait3A_80, %dma_wait3A_81] : memref<4x128x64xf32, #tpu.memory_space<vmem>> -> memref<1x128x64xf32, #tpu.memory_space<vmem>>
    %dma_wait3A_83 = tpu.memref_squeeze %dma_wait3A_82 : memref<1x128x64xf32, #tpu.memory_space<vmem>> -> memref<128x64xf32, #tpu.memory_space<vmem>>
    %dma_wait3A_84 = arith.constant 0 : i32
    %dma_wait3A_85 = tpu.memref_slice %arg9[%dma_wait3A_78, %dma_wait3A_84] : memref<4x128xi32, #tpu.memory_space<vmem>> -> memref<1x128xi32, #tpu.memory_space<vmem>>
    %dma_wait3A_86 = tpu.memref_squeeze %dma_wait3A_85 : memref<1x128xi32, #tpu.memory_space<vmem>> -> memref<128xi32, #tpu.memory_space<vmem>>
    %dma_wait3A_87 = arith.constant 0 : i32
    %dma_wait3A_88 = arith.constant 0 : i32
    %dma_wait3A_89 = tpu.memref_slice %arg5[%dma_wait3A_87, %dma_wait3A_88] : memref<50000x64xf32, #tpu.memory_space<hbm>> -> memref<50000x64xf32, #tpu.memory_space<hbm>>
    tpu.wait_indirect_dma semaphore(%arg23 : memref<!tpu.dma_semaphore, #tpu.memory_space<semaphore_mem>>) src(%dma_wait3A_89 : memref<50000x64xf32, #tpu.memory_space<hbm>>) dst(%dma_wait3A_83 : memref<128x64xf32, #tpu.memory_space<vmem>>)
    %add3A_90 = arith.constant 24960 : i32
    %add3A_91 = arith.addi %mul3A_2, %add3A_90 : i32
    %dma_start3A_92 = arith.constant 3 : i32
    %dma_start3A_93 = arith.constant 0 : i32
    %dma_start3A_94 = arith.constant 0 : i32
    %dma_start3A_95 = tpu.memref_slice %arg10[%dma_start3A_92, %dma_start3A_93, %dma_start3A_94] : memref<4x128x64xf32, #tpu.memory_space<vmem>> -> memref<1x128x64xf32, #tpu.memory_space<vmem>>
    %dma_start3A_96 = tpu.memref_squeeze %dma_start3A_95 : memref<1x128x64xf32, #tpu.memory_space<vmem>> -> memref<128x64xf32, #tpu.memory_space<vmem>>
    %dma_start3A_97 = arith.constant 0 : i32
    %dma_start3A_98 = tpu.memref_slice %arg6[%add3A_91, %dma_start3A_97] : memref<802816x64xf32, #tpu.memory_space<hbm>> -> memref<128x64xf32, #tpu.memory_space<hbm>>
    %dma_start3A_99 = arith.constant 0 : i32
    %dma_start3A_100 = tpu.memref_slice %arg6[%add3A_91, %dma_start3A_99] : memref<802816x64xf32, #tpu.memory_space<hbm>> -> memref<128x64xf32, #tpu.memory_space<hbm>>
    %dma_start3A_101 = arith.constant 0 : i32
    %dma_start3A_102 = arith.constant 0 : i32
    %dma_start3A_103 = tpu.memref_slice %arg10[%dma_start3A_92, %dma_start3A_101, %dma_start3A_102] : memref<4x128x64xf32, #tpu.memory_space<vmem>> -> memref<1x128x64xf32, #tpu.memory_space<vmem>>
    %dma_start3A_104 = tpu.memref_squeeze %dma_start3A_103 : memref<1x128x64xf32, #tpu.memory_space<vmem>> -> memref<128x64xf32, #tpu.memory_space<vmem>>
    tpu.enqueue_dma source(%dma_start3A_104 : memref<128x64xf32, #tpu.memory_space<vmem>>) target(%dma_start3A_100 : memref<128x64xf32, #tpu.memory_space<hbm>>) target_semaphore(%arg27 : memref<!tpu.dma_semaphore, #tpu.memory_space<semaphore_mem>>)
    %dma_start3A_105 = arith.constant 3 : i32
    %dma_start3A_106 = arith.constant 0 : i32
    %dma_start3A_107 = arith.constant 0 : i32
    %dma_start3A_108 = tpu.memref_slice %arg11[%dma_start3A_105, %dma_start3A_106, %dma_start3A_107] : memref<4x128x64xf32, #tpu.memory_space<vmem>> -> memref<1x128x64xf32, #tpu.memory_space<vmem>>
    %dma_start3A_109 = tpu.memref_squeeze %dma_start3A_108 : memref<1x128x64xf32, #tpu.memory_space<vmem>> -> memref<128x64xf32, #tpu.memory_space<vmem>>
    %dma_start3A_110 = arith.constant 0 : i32
    %dma_start3A_111 = tpu.memref_slice %arg7[%add3A_91, %dma_start3A_110] : memref<802816x64xf32, #tpu.memory_space<hbm>> -> memref<128x64xf32, #tpu.memory_space<hbm>>
    %dma_start3A_112 = arith.constant 0 : i32
    %dma_start3A_113 = tpu.memref_slice %arg7[%add3A_91, %dma_start3A_112] : memref<802816x64xf32, #tpu.memory_space<hbm>> -> memref<128x64xf32, #tpu.memory_space<hbm>>
    %dma_start3A_114 = arith.constant 0 : i32
    %dma_start3A_115 = arith.constant 0 : i32
    %dma_start3A_116 = tpu.memref_slice %arg11[%dma_start3A_105, %dma_start3A_114, %dma_start3A_115] : memref<4x128x64xf32, #tpu.memory_space<vmem>> -> memref<1x128x64xf32, #tpu.memory_space<vmem>>
    %dma_start3A_117 = tpu.memref_squeeze %dma_start3A_116 : memref<1x128x64xf32, #tpu.memory_space<vmem>> -> memref<128x64xf32, #tpu.memory_space<vmem>>
    tpu.enqueue_dma source(%dma_start3A_117 : memref<128x64xf32, #tpu.memory_space<vmem>>) target(%dma_start3A_113 : memref<128x64xf32, #tpu.memory_space<hbm>>) target_semaphore(%arg31 : memref<!tpu.dma_semaphore, #tpu.memory_space<semaphore_mem>>)
    %dma_wait3A_118 = arith.constant 0 : i32
    %dma_wait3A_119 = arith.constant 0 : i32
    %dma_wait3A_120 = arith.constant 0 : i32
    %dma_wait3A_121 = tpu.memref_slice %arg10[%dma_wait3A_118, %dma_wait3A_119, %dma_wait3A_120] : memref<4x128x64xf32, #tpu.memory_space<vmem>> -> memref<1x128x64xf32, #tpu.memory_space<vmem>>
    %dma_wait3A_122 = tpu.memref_squeeze %dma_wait3A_121 : memref<1x128x64xf32, #tpu.memory_space<vmem>> -> memref<128x64xf32, #tpu.memory_space<vmem>>
    %dma_wait3A_123 = arith.constant 0 : i32
    %dma_wait3A_124 = arith.constant 0 : i32
    %dma_wait3A_125 = tpu.memref_slice %arg6[%dma_wait3A_123, %dma_wait3A_124] : memref<802816x64xf32, #tpu.memory_space<hbm>> -> memref<128x64xf32, #tpu.memory_space<hbm>>
    %dma_wait3A_126 = arith.constant 0 : i32
    %dma_wait3A_127 = arith.constant 0 : i32
    %dma_wait3A_128 = tpu.memref_slice %arg6[%dma_wait3A_126, %dma_wait3A_127] : memref<802816x64xf32, #tpu.memory_space<hbm>> -> memref<128x64xf32, #tpu.memory_space<hbm>>
    %dma_wait3A_129 = arith.constant 0 : i32
    %dma_wait3A_130 = arith.constant 0 : i32
    %dma_wait3A_131 = tpu.memref_slice %arg10[%dma_wait3A_118, %dma_wait3A_129, %dma_wait3A_130] : memref<4x128x64xf32, #tpu.memory_space<vmem>> -> memref<1x128x64xf32, #tpu.memory_space<vmem>>
    %dma_wait3A_132 = tpu.memref_squeeze %dma_wait3A_131 : memref<1x128x64xf32, #tpu.memory_space<vmem>> -> memref<128x64xf32, #tpu.memory_space<vmem>>
    tpu.wait_dma2 semaphore(%arg24 : memref<!tpu.dma_semaphore, #tpu.memory_space<semaphore_mem>>) src(%dma_wait3A_132 : memref<128x64xf32, #tpu.memory_space<vmem>>) dst(%dma_wait3A_128 : memref<128x64xf32, #tpu.memory_space<hbm>>)
    %dma_wait3A_133 = arith.constant 0 : i32
    %dma_wait3A_134 = arith.constant 0 : i32
    %dma_wait3A_135 = arith.constant 0 : i32
    %dma_wait3A_136 = tpu.memref_slice %arg11[%dma_wait3A_133, %dma_wait3A_134, %dma_wait3A_135] : memref<4x128x64xf32, #tpu.memory_space<vmem>> -> memref<1x128x64xf32, #tpu.memory_space<vmem>>
    %dma_wait3A_137 = tpu.memref_squeeze %dma_wait3A_136 : memref<1x128x64xf32, #tpu.memory_space<vmem>> -> memref<128x64xf32, #tpu.memory_space<vmem>>
    %dma_wait3A_138 = arith.constant 0 : i32
    %dma_wait3A_139 = arith.constant 0 : i32
    %dma_wait3A_140 = tpu.memref_slice %arg7[%dma_wait3A_138, %dma_wait3A_139] : memref<802816x64xf32, #tpu.memory_space<hbm>> -> memref<128x64xf32, #tpu.memory_space<hbm>>
    %dma_wait3A_141 = arith.constant 0 : i32
    %dma_wait3A_142 = arith.constant 0 : i32
    %dma_wait3A_143 = tpu.memref_slice %arg7[%dma_wait3A_141, %dma_wait3A_142] : memref<802816x64xf32, #tpu.memory_space<hbm>> -> memref<128x64xf32, #tpu.memory_space<hbm>>
    %dma_wait3A_144 = arith.constant 0 : i32
    %dma_wait3A_145 = arith.constant 0 : i32
    %dma_wait3A_146 = tpu.memref_slice %arg11[%dma_wait3A_133, %dma_wait3A_144, %dma_wait3A_145] : memref<4x128x64xf32, #tpu.memory_space<vmem>> -> memref<1x128x64xf32, #tpu.memory_space<vmem>>
    %dma_wait3A_147 = tpu.memref_squeeze %dma_wait3A_146 : memref<1x128x64xf32, #tpu.memory_space<vmem>> -> memref<128x64xf32, #tpu.memory_space<vmem>>
    tpu.wait_dma2 semaphore(%arg28 : memref<!tpu.dma_semaphore, #tpu.memory_space<semaphore_mem>>) src(%dma_wait3A_147 : memref<128x64xf32, #tpu.memory_space<vmem>>) dst(%dma_wait3A_143 : memref<128x64xf32, #tpu.memory_space<hbm>>)
    %dma_wait3A_148 = arith.constant 1 : i32
    %dma_wait3A_149 = arith.constant 0 : i32
    %dma_wait3A_150 = arith.constant 0 : i32
    %dma_wait3A_151 = tpu.memref_slice %arg10[%dma_wait3A_148, %dma_wait3A_149, %dma_wait3A_150] : memref<4x128x64xf32, #tpu.memory_space<vmem>> -> memref<1x128x64xf32, #tpu.memory_space<vmem>>
    %dma_wait3A_152 = tpu.memref_squeeze %dma_wait3A_151 : memref<1x128x64xf32, #tpu.memory_space<vmem>> -> memref<128x64xf32, #tpu.memory_space<vmem>>
    %dma_wait3A_153 = arith.constant 0 : i32
    %dma_wait3A_154 = arith.constant 0 : i32
    %dma_wait3A_155 = tpu.memref_slice %arg6[%dma_wait3A_153, %dma_wait3A_154] : memref<802816x64xf32, #tpu.memory_space<hbm>> -> memref<128x64xf32, #tpu.memory_space<hbm>>
    %dma_wait3A_156 = arith.constant 0 : i32
    %dma_wait3A_157 = arith.constant 0 : i32
    %dma_wait3A_158 = tpu.memref_slice %arg6[%dma_wait3A_156, %dma_wait3A_157] : memref<802816x64xf32, #tpu.memory_space<hbm>> -> memref<128x64xf32, #tpu.memory_space<hbm>>
    %dma_wait3A_159 = arith.constant 0 : i32
    %dma_wait3A_160 = arith.constant 0 : i32
    %dma_wait3A_161 = tpu.memref_slice %arg10[%dma_wait3A_148, %dma_wait3A_159, %dma_wait3A_160] : memref<4x128x64xf32, #tpu.memory_space<vmem>> -> memref<1x128x64xf32, #tpu.memory_space<vmem>>
    %dma_wait3A_162 = tpu.memref_squeeze %dma_wait3A_161 : memref<1x128x64xf32, #tpu.memory_space<vmem>> -> memref<128x64xf32, #tpu.memory_space<vmem>>
    tpu.wait_dma2 semaphore(%arg25 : memref<!tpu.dma_semaphore, #tpu.memory_space<semaphore_mem>>) src(%dma_wait3A_162 : memref<128x64xf32, #tpu.memory_space<vmem>>) dst(%dma_wait3A_158 : memref<128x64xf32, #tpu.memory_space<hbm>>)
    %dma_wait3A_163 = arith.constant 1 : i32
    %dma_wait3A_164 = arith.constant 0 : i32
    %dma_wait3A_165 = arith.constant 0 : i32
    %dma_wait3A_166 = tpu.memref_slice %arg11[%dma_wait3A_163, %dma_wait3A_164, %dma_wait3A_165] : memref<4x128x64xf32, #tpu.memory_space<vmem>> -> memref<1x128x64xf32, #tpu.memory_space<vmem>>
    %dma_wait3A_167 = tpu.memref_squeeze %dma_wait3A_166 : memref<1x128x64xf32, #tpu.memory_space<vmem>> -> memref<128x64xf32, #tpu.memory_space<vmem>>
    %dma_wait3A_168 = arith.constant 0 : i32
    %dma_wait3A_169 = arith.constant 0 : i32
    %dma_wait3A_170 = tpu.memref_slice %arg7[%dma_wait3A_168, %dma_wait3A_169] : memref<802816x64xf32, #tpu.memory_space<hbm>> -> memref<128x64xf32, #tpu.memory_space<hbm>>
    %dma_wait3A_171 = arith.constant 0 : i32
    %dma_wait3A_172 = arith.constant 0 : i32
    %dma_wait3A_173 = tpu.memref_slice %arg7[%dma_wait3A_171, %dma_wait3A_172] : memref<802816x64xf32, #tpu.memory_space<hbm>> -> memref<128x64xf32, #tpu.memory_space<hbm>>
    %dma_wait3A_174 = arith.constant 0 : i32
    %dma_wait3A_175 = arith.constant 0 : i32
    %dma_wait3A_176 = tpu.memref_slice %arg11[%dma_wait3A_163, %dma_wait3A_174, %dma_wait3A_175] : memref<4x128x64xf32, #tpu.memory_space<vmem>> -> memref<1x128x64xf32, #tpu.memory_space<vmem>>
    %dma_wait3A_177 = tpu.memref_squeeze %dma_wait3A_176 : memref<1x128x64xf32, #tpu.memory_space<vmem>> -> memref<128x64xf32, #tpu.memory_space<vmem>>
    tpu.wait_dma2 semaphore(%arg29 : memref<!tpu.dma_semaphore, #tpu.memory_space<semaphore_mem>>) src(%dma_wait3A_177 : memref<128x64xf32, #tpu.memory_space<vmem>>) dst(%dma_wait3A_173 : memref<128x64xf32, #tpu.memory_space<hbm>>)
    %dma_wait3A_178 = arith.constant 2 : i32
    %dma_wait3A_179 = arith.constant 0 : i32
    %dma_wait3A_180 = arith.constant 0 : i32
    %dma_wait3A_181 = tpu.memref_slice %arg10[%dma_wait3A_178, %dma_wait3A_179, %dma_wait3A_180] : memref<4x128x64xf32, #tpu.memory_space<vmem>> -> memref<1x128x64xf32, #tpu.memory_space<vmem>>
    %dma_wait3A_182 = tpu.memref_squeeze %dma_wait3A_181 : memref<1x128x64xf32, #tpu.memory_space<vmem>> -> memref<128x64xf32, #tpu.memory_space<vmem>>
    %dma_wait3A_183 = arith.constant 0 : i32
    %dma_wait3A_184 = arith.constant 0 : i32
    %dma_wait3A_185 = tpu.memref_slice %arg6[%dma_wait3A_183, %dma_wait3A_184] : memref<802816x64xf32, #tpu.memory_space<hbm>> -> memref<128x64xf32, #tpu.memory_space<hbm>>
    %dma_wait3A_186 = arith.constant 0 : i32
    %dma_wait3A_187 = arith.constant 0 : i32
    %dma_wait3A_188 = tpu.memref_slice %arg6[%dma_wait3A_186, %dma_wait3A_187] : memref<802816x64xf32, #tpu.memory_space<hbm>> -> memref<128x64xf32, #tpu.memory_space<hbm>>
    %dma_wait3A_189 = arith.constant 0 : i32
    %dma_wait3A_190 = arith.constant 0 : i32
    %dma_wait3A_191 = tpu.memref_slice %arg10[%dma_wait3A_178, %dma_wait3A_189, %dma_wait3A_190] : memref<4x128x64xf32, #tpu.memory_space<vmem>> -> memref<1x128x64xf32, #tpu.memory_space<vmem>>
    %dma_wait3A_192 = tpu.memref_squeeze %dma_wait3A_191 : memref<1x128x64xf32, #tpu.memory_space<vmem>> -> memref<128x64xf32, #tpu.memory_space<vmem>>
    tpu.wait_dma2 semaphore(%arg26 : memref<!tpu.dma_semaphore, #tpu.memory_space<semaphore_mem>>) src(%dma_wait3A_192 : memref<128x64xf32, #tpu.memory_space<vmem>>) dst(%dma_wait3A_188 : memref<128x64xf32, #tpu.memory_space<hbm>>)
    %dma_wait3A_193 = arith.constant 2 : i32
    %dma_wait3A_194 = arith.constant 0 : i32
    %dma_wait3A_195 = arith.constant 0 : i32
    %dma_wait3A_196 = tpu.memref_slice %arg11[%dma_wait3A_193, %dma_wait3A_194, %dma_wait3A_195] : memref<4x128x64xf32, #tpu.memory_space<vmem>> -> memref<1x128x64xf32, #tpu.memory_space<vmem>>
    %dma_wait3A_197 = tpu.memref_squeeze %dma_wait3A_196 : memref<1x128x64xf32, #tpu.memory_space<vmem>> -> memref<128x64xf32, #tpu.memory_space<vmem>>
    %dma_wait3A_198 = arith.constant 0 : i32
    %dma_wait3A_199 = arith.constant 0 : i32
    %dma_wait3A_200 = tpu.memref_slice %arg7[%dma_wait3A_198, %dma_wait3A_199] : memref<802816x64xf32, #tpu.memory_space<hbm>> -> memref<128x64xf32, #tpu.memory_space<hbm>>
    %dma_wait3A_201 = arith.constant 0 : i32
    %dma_wait3A_202 = arith.constant 0 : i32
    %dma_wait3A_203 = tpu.memref_slice %arg7[%dma_wait3A_201, %dma_wait3A_202] : memref<802816x64xf32, #tpu.memory_space<hbm>> -> memref<128x64xf32, #tpu.memory_space<hbm>>
    %dma_wait3A_204 = arith.constant 0 : i32
    %dma_wait3A_205 = arith.constant 0 : i32
    %dma_wait3A_206 = tpu.memref_slice %arg11[%dma_wait3A_193, %dma_wait3A_204, %dma_wait3A_205] : memref<4x128x64xf32, #tpu.memory_space<vmem>> -> memref<1x128x64xf32, #tpu.memory_space<vmem>>
    %dma_wait3A_207 = tpu.memref_squeeze %dma_wait3A_206 : memref<1x128x64xf32, #tpu.memory_space<vmem>> -> memref<128x64xf32, #tpu.memory_space<vmem>>
    tpu.wait_dma2 semaphore(%arg30 : memref<!tpu.dma_semaphore, #tpu.memory_space<semaphore_mem>>) src(%dma_wait3A_207 : memref<128x64xf32, #tpu.memory_space<vmem>>) dst(%dma_wait3A_203 : memref<128x64xf32, #tpu.memory_space<hbm>>)
    %dma_wait3A_208 = arith.constant 3 : i32
    %dma_wait3A_209 = arith.constant 0 : i32
    %dma_wait3A_210 = arith.constant 0 : i32
    %dma_wait3A_211 = tpu.memref_slice %arg10[%dma_wait3A_208, %dma_wait3A_209, %dma_wait3A_210] : memref<4x128x64xf32, #tpu.memory_space<vmem>> -> memref<1x128x64xf32, #tpu.memory_space<vmem>>
    %dma_wait3A_212 = tpu.memref_squeeze %dma_wait3A_211 : memref<1x128x64xf32, #tpu.memory_space<vmem>> -> memref<128x64xf32, #tpu.memory_space<vmem>>
    %dma_wait3A_213 = arith.constant 0 : i32
    %dma_wait3A_214 = arith.constant 0 : i32
    %dma_wait3A_215 = tpu.memref_slice %arg6[%dma_wait3A_213, %dma_wait3A_214] : memref<802816x64xf32, #tpu.memory_space<hbm>> -> memref<128x64xf32, #tpu.memory_space<hbm>>
    %dma_wait3A_216 = arith.constant 0 : i32
    %dma_wait3A_217 = arith.constant 0 : i32
    %dma_wait3A_218 = tpu.memref_slice %arg6[%dma_wait3A_216, %dma_wait3A_217] : memref<802816x64xf32, #tpu.memory_space<hbm>> -> memref<128x64xf32, #tpu.memory_space<hbm>>
    %dma_wait3A_219 = arith.constant 0 : i32
    %dma_wait3A_220 = arith.constant 0 : i32
    %dma_wait3A_221 = tpu.memref_slice %arg10[%dma_wait3A_208, %dma_wait3A_219, %dma_wait3A_220] : memref<4x128x64xf32, #tpu.memory_space<vmem>> -> memref<1x128x64xf32, #tpu.memory_space<vmem>>
    %dma_wait3A_222 = tpu.memref_squeeze %dma_wait3A_221 : memref<1x128x64xf32, #tpu.memory_space<vmem>> -> memref<128x64xf32, #tpu.memory_space<vmem>>
    tpu.wait_dma2 semaphore(%arg27 : memref<!tpu.dma_semaphore, #tpu.memory_space<semaphore_mem>>) src(%dma_wait3A_222 : memref<128x64xf32, #tpu.memory_space<vmem>>) dst(%dma_wait3A_218 : memref<128x64xf32, #tpu.memory_space<hbm>>)
    %dma_wait3A_223 = arith.constant 3 : i32
    %dma_wait3A_224 = arith.constant 0 : i32
    %dma_wait3A_225 = arith.constant 0 : i32
    %dma_wait3A_226 = tpu.memref_slice %arg11[%dma_wait3A_223, %dma_wait3A_224, %dma_wait3A_225] : memref<4x128x64xf32, #tpu.memory_space<vmem>> -> memref<1x128x64xf32, #tpu.memory_space<vmem>>
    %dma_wait3A_227 = tpu.memref_squeeze %dma_wait3A_226 : memref<1x128x64xf32, #tpu.memory_space<vmem>> -> memref<128x64xf32, #tpu.memory_space<vmem>>
    %dma_wait3A_228 = arith.constant 0 : i32
    %dma_wait3A_229 = arith.constant 0 : i32
    %dma_wait3A_230 = tpu.memref_slice %arg7[%dma_wait3A_228, %dma_wait3A_229] : memref<802816x64xf32, #tpu.memory_space<hbm>> -> memref<128x64xf32, #tpu.memory_space<hbm>>
    %dma_wait3A_231 = arith.constant 0 : i32
    %dma_wait3A_232 = arith.constant 0 : i32
    %dma_wait3A_233 = tpu.memref_slice %arg7[%dma_wait3A_231, %dma_wait3A_232] : memref<802816x64xf32, #tpu.memory_space<hbm>> -> memref<128x64xf32, #tpu.memory_space<hbm>>
    %dma_wait3A_234 = arith.constant 0 : i32
    %dma_wait3A_235 = arith.constant 0 : i32
    %dma_wait3A_236 = tpu.memref_slice %arg11[%dma_wait3A_223, %dma_wait3A_234, %dma_wait3A_235] : memref<4x128x64xf32, #tpu.memory_space<vmem>> -> memref<1x128x64xf32, #tpu.memory_space<vmem>>
    %dma_wait3A_237 = tpu.memref_squeeze %dma_wait3A_236 : memref<1x128x64xf32, #tpu.memory_space<vmem>> -> memref<128x64xf32, #tpu.memory_space<vmem>>
    tpu.wait_dma2 semaphore(%arg31 : memref<!tpu.dma_semaphore, #tpu.memory_space<semaphore_mem>>) src(%dma_wait3A_237 : memref<128x64xf32, #tpu.memory_space<vmem>>) dst(%dma_wait3A_233 : memref<128x64xf32, #tpu.memory_space<hbm>>)
    return
  }
}

#map = affine_map<(d0, d1) -> (0)>
#map1 = affine_map<(d0, d1) -> (0, 0)>
#map2 = affine_map<(d0, d1) -> (0, 0, 0)>
module attributes {stable_mosaic.version = 14 : i64} {
  func.func @_agg_body(%arg0: i32, %arg1: i32, %arg2: memref<802816xi32, #tpu.memory_space<hbm>>, %arg3: memref<802816xi32, #tpu.memory_space<hbm>>, %arg4: memref<50000x64xf32, #tpu.memory_space<hbm>>, %arg5: memref<1568x64xf32, #tpu.memory_space<hbm>>, %arg6: memref<2x25088x64xf32, #tpu.memory_space<hbm>>, %arg7: memref<25088x64xf32, #tpu.memory_space<vmem_shared>>, %arg8: memref<2x128xi32, #tpu.memory_space<vmem>>, %arg9: memref<2x128xi32, #tpu.memory_space<vmem>>, %arg10: memref<2x128xi32, #tpu.memory_space<vmem>>, %arg11: memref<2x128x64xf32, #tpu.memory_space<vmem>>, %arg12: memref<!tpu.dma_semaphore, #tpu.memory_space<semaphore_mem>>, %arg13: memref<!tpu.dma_semaphore, #tpu.memory_space<semaphore_mem>>, %arg14: memref<!tpu.dma_semaphore, #tpu.memory_space<semaphore_mem>>, %arg15: memref<!tpu.dma_semaphore, #tpu.memory_space<semaphore_mem>>, %arg16: memref<!tpu.dma_semaphore, #tpu.memory_space<semaphore_mem>>, %arg17: memref<!tpu.dma_semaphore, #tpu.memory_space<semaphore_mem>>) attributes {dimension_semantics = [#tpu.dimension_semantics<core_parallel>, #tpu.dimension_semantics<subcore_parallel>], iteration_bounds = array<i64: 2, 16>, scalar_prefetch = 0 : i64, scratch_operands = 11 : i64, tpu.core_type = #tpu.core_type<sc_vector_subcore>, window_params = [{transform_indices = #map}, {transform_indices = #map}, {transform_indices = #map1}, {transform_indices = #map1}, {transform_indices = #map2}]} {
    %mul3A = arith.constant 1568 : i32
    %mul3A_0 = arith.muli %arg1, %mul3A : i32
    "tpu.region"() ({
      %run_scoped3A = tpu.sem_alloc : memref<!tpu.dma_semaphore, #tpu.memory_space<semaphore_mem>>
      %dma_start3A_80 = arith.constant 0 : i32
      %dma_start3A_81 = tpu.memref_slice %arg7[%mul3A_0, %dma_start3A_80] : memref<25088x64xf32, #tpu.memory_space<vmem_shared>> -> memref<1568x64xf32, #tpu.memory_space<vmem_shared>>
      tpu.enqueue_dma source(%arg5 : memref<1568x64xf32, #tpu.memory_space<hbm>>) target(%dma_start3A_81 : memref<1568x64xf32, #tpu.memory_space<vmem_shared>>) target_semaphore(%run_scoped3A : memref<!tpu.dma_semaphore, #tpu.memory_space<semaphore_mem>>)
      %dma_wait3A_82 = arith.constant 0 : i32
      %dma_wait3A_83 = tpu.memref_slice %arg7[%mul3A_0, %dma_wait3A_82] : memref<25088x64xf32, #tpu.memory_space<vmem_shared>> -> memref<1568x64xf32, #tpu.memory_space<vmem_shared>>
      tpu.wait_dma2 semaphore(%run_scoped3A : memref<!tpu.dma_semaphore, #tpu.memory_space<semaphore_mem>>) src(%arg5 : memref<1568x64xf32, #tpu.memory_space<hbm>>) dst(%dma_wait3A_83 : memref<1568x64xf32, #tpu.memory_space<vmem_shared>>)
      tpu.yield
    }) : () -> ()
    %barrier3A = arith.constant 0 : index
    tpu.barrier barrier_id(%barrier3A)
    %mul3A_1 = arith.constant 25000 : i32
    %mul3A_2 = arith.muli %arg0, %mul3A_1 : i32
    %mul3A_3 = arith.constant 50176 : i32
    %mul3A_4 = arith.muli %arg1, %mul3A_3 : i32
    %add3A = arith.constant 0 : i32
    %add3A_5 = arith.addi %mul3A_4, %add3A : i32
    %dma_start3A = arith.constant 0 : i32
    %dma_start3A_6 = arith.constant 0 : i32
    %dma_start3A_7 = tpu.memref_slice %arg8[%dma_start3A, %dma_start3A_6] : memref<2x128xi32, #tpu.memory_space<vmem>> -> memref<1x128xi32, #tpu.memory_space<vmem>>
    %dma_start3A_8 = tpu.memref_squeeze %dma_start3A_7 : memref<1x128xi32, #tpu.memory_space<vmem>> -> memref<128xi32, #tpu.memory_space<vmem>>
    %dma_start3A_9 = tpu.memref_slice %arg2[%add3A_5] : memref<802816xi32, #tpu.memory_space<hbm>> -> memref<128xi32, #tpu.memory_space<hbm>>
    %dma_start3A_10 = arith.constant 0 : i32
    %dma_start3A_11 = tpu.memref_slice %arg8[%dma_start3A, %dma_start3A_10] : memref<2x128xi32, #tpu.memory_space<vmem>> -> memref<1x128xi32, #tpu.memory_space<vmem>>
    %dma_start3A_12 = tpu.memref_squeeze %dma_start3A_11 : memref<1x128xi32, #tpu.memory_space<vmem>> -> memref<128xi32, #tpu.memory_space<vmem>>
    %dma_start3A_13 = tpu.memref_slice %arg2[%add3A_5] : memref<802816xi32, #tpu.memory_space<hbm>> -> memref<128xi32, #tpu.memory_space<hbm>>
    tpu.enqueue_dma source(%dma_start3A_13 : memref<128xi32, #tpu.memory_space<hbm>>) target(%dma_start3A_12 : memref<128xi32, #tpu.memory_space<vmem>>) target_semaphore(%arg12 : memref<!tpu.dma_semaphore, #tpu.memory_space<semaphore_mem>>)
    %dma_start3A_14 = arith.constant 0 : i32
    %dma_start3A_15 = arith.constant 0 : i32
    %dma_start3A_16 = tpu.memref_slice %arg9[%dma_start3A_14, %dma_start3A_15] : memref<2x128xi32, #tpu.memory_space<vmem>> -> memref<1x128xi32, #tpu.memory_space<vmem>>
    %dma_start3A_17 = tpu.memref_squeeze %dma_start3A_16 : memref<1x128xi32, #tpu.memory_space<vmem>> -> memref<128xi32, #tpu.memory_space<vmem>>
    %dma_start3A_18 = tpu.memref_slice %arg3[%add3A_5] : memref<802816xi32, #tpu.memory_space<hbm>> -> memref<128xi32, #tpu.memory_space<hbm>>
    %dma_start3A_19 = arith.constant 0 : i32
    %dma_start3A_20 = tpu.memref_slice %arg9[%dma_start3A_14, %dma_start3A_19] : memref<2x128xi32, #tpu.memory_space<vmem>> -> memref<1x128xi32, #tpu.memory_space<vmem>>
    %dma_start3A_21 = tpu.memref_squeeze %dma_start3A_20 : memref<1x128xi32, #tpu.memory_space<vmem>> -> memref<128xi32, #tpu.memory_space<vmem>>
    %dma_start3A_22 = tpu.memref_slice %arg3[%add3A_5] : memref<802816xi32, #tpu.memory_space<hbm>> -> memref<128xi32, #tpu.memory_space<hbm>>
    tpu.enqueue_dma source(%dma_start3A_22 : memref<128xi32, #tpu.memory_space<hbm>>) target(%dma_start3A_21 : memref<128xi32, #tpu.memory_space<vmem>>) target_semaphore(%arg12 : memref<!tpu.dma_semaphore, #tpu.memory_space<semaphore_mem>>)
    %scan3A = arith.constant 0 : i32
    %scan3A_23 = arith.constant 0 : i32
    %scan3A_24 = arith.constant 196 : i32
    %scan3A_25 = arith.addi %scan3A_23, %scan3A_24 : i32
    %scan3A_26 = arith.constant 1 : i32
    scf.for %scan3A_80 = %scan3A_23 to %scan3A_25 step %scan3A_26  : i32 {
      %mul3A_81 = arith.constant 2 : i32
      %mul3A_82 = arith.muli %scan3A_80, %mul3A_81 : i32
      %add3A_83 = arith.constant 0 : i32
      %add3A_84 = arith.addi %mul3A_82, %add3A_83 : i32
      %ge3A = arith.constant 2 : i32
      %ge3A_85 = arith.cmpi sge, %add3A_84, %ge3A : i32
      %convert_element_type3A = arith.extui %ge3A_85 : i1 to i32
      %cond3A = arith.constant 0 : i32
      %cond3A_86 = arith.cmpi ne, %convert_element_type3A, %cond3A : i32
      scf.if %cond3A_86 {
        %dma_wait3A_552 = arith.constant 0 : i32
        %dma_wait3A_553 = arith.constant 0 : i32
        %dma_wait3A_554 = arith.constant 0 : i32
        %dma_wait3A_555 = arith.constant 0 : i32
        %dma_wait3A_556 = tpu.memref_slice %arg11[%dma_wait3A_552, %dma_wait3A_554, %dma_wait3A_555] : memref<2x128x64xf32, #tpu.memory_space<vmem>> -> memref<1x128x64xf32, #tpu.memory_space<vmem>>
        %dma_wait3A_557 = tpu.memref_squeeze %dma_wait3A_556 : memref<1x128x64xf32, #tpu.memory_space<vmem>> -> memref<128x64xf32, #tpu.memory_space<vmem>>
        %dma_wait3A_558 = arith.constant 0 : i32
        %dma_wait3A_559 = tpu.memref_slice %arg10[%dma_wait3A_553, %dma_wait3A_558] : memref<2x128xi32, #tpu.memory_space<vmem>> -> memref<1x128xi32, #tpu.memory_space<vmem>>
        %dma_wait3A_560 = tpu.memref_squeeze %dma_wait3A_559 : memref<1x128xi32, #tpu.memory_space<vmem>> -> memref<128xi32, #tpu.memory_space<vmem>>
        %dma_wait3A_561 = arith.constant 0 : i32
        %dma_wait3A_562 = arith.constant 0 : i32
        %dma_wait3A_563 = tpu.memref_slice %arg7[%dma_wait3A_561, %dma_wait3A_562] : memref<25088x64xf32, #tpu.memory_space<vmem_shared>> -> memref<25088x64xf32, #tpu.memory_space<vmem_shared>>
        tpu.wait_indirect_dma semaphore(%arg16 : memref<!tpu.dma_semaphore, #tpu.memory_space<semaphore_mem>>) src(%dma_wait3A_557 : memref<128x64xf32, #tpu.memory_space<vmem>>) dst(%dma_wait3A_563 : memref<25088x64xf32, #tpu.memory_space<vmem_shared>>)
      } else {
      }
      %dma_wait3A_87 = arith.constant 0 : i32
      %dma_wait3A_88 = arith.constant 0 : i32
      %dma_wait3A_89 = tpu.memref_slice %arg8[%dma_wait3A_87, %dma_wait3A_88] : memref<2x128xi32, #tpu.memory_space<vmem>> -> memref<1x128xi32, #tpu.memory_space<vmem>>
      %dma_wait3A_90 = tpu.memref_squeeze %dma_wait3A_89 : memref<1x128xi32, #tpu.memory_space<vmem>> -> memref<128xi32, #tpu.memory_space<vmem>>
      %dma_wait3A_91 = arith.constant 0 : i32
      %dma_wait3A_92 = tpu.memref_slice %arg2[%dma_wait3A_91] : memref<802816xi32, #tpu.memory_space<hbm>> -> memref<128xi32, #tpu.memory_space<hbm>>
      %dma_wait3A_93 = arith.constant 0 : i32
      %dma_wait3A_94 = tpu.memref_slice %arg8[%dma_wait3A_87, %dma_wait3A_93] : memref<2x128xi32, #tpu.memory_space<vmem>> -> memref<1x128xi32, #tpu.memory_space<vmem>>
      %dma_wait3A_95 = tpu.memref_squeeze %dma_wait3A_94 : memref<1x128xi32, #tpu.memory_space<vmem>> -> memref<128xi32, #tpu.memory_space<vmem>>
      %dma_wait3A_96 = arith.constant 0 : i32
      %dma_wait3A_97 = tpu.memref_slice %arg2[%dma_wait3A_96] : memref<802816xi32, #tpu.memory_space<hbm>> -> memref<128xi32, #tpu.memory_space<hbm>>
      tpu.wait_dma2 semaphore(%arg12 : memref<!tpu.dma_semaphore, #tpu.memory_space<semaphore_mem>>) src(%dma_wait3A_97 : memref<128xi32, #tpu.memory_space<hbm>>) dst(%dma_wait3A_95 : memref<128xi32, #tpu.memory_space<vmem>>)
      %dma_wait3A_98 = arith.constant 0 : i32
      %dma_wait3A_99 = arith.constant 0 : i32
      %dma_wait3A_100 = tpu.memref_slice %arg9[%dma_wait3A_98, %dma_wait3A_99] : memref<2x128xi32, #tpu.memory_space<vmem>> -> memref<1x128xi32, #tpu.memory_space<vmem>>
      %dma_wait3A_101 = tpu.memref_squeeze %dma_wait3A_100 : memref<1x128xi32, #tpu.memory_space<vmem>> -> memref<128xi32, #tpu.memory_space<vmem>>
      %dma_wait3A_102 = arith.constant 0 : i32
      %dma_wait3A_103 = tpu.memref_slice %arg3[%dma_wait3A_102] : memref<802816xi32, #tpu.memory_space<hbm>> -> memref<128xi32, #tpu.memory_space<hbm>>
      %dma_wait3A_104 = arith.constant 0 : i32
      %dma_wait3A_105 = tpu.memref_slice %arg9[%dma_wait3A_98, %dma_wait3A_104] : memref<2x128xi32, #tpu.memory_space<vmem>> -> memref<1x128xi32, #tpu.memory_space<vmem>>
      %dma_wait3A_106 = tpu.memref_squeeze %dma_wait3A_105 : memref<1x128xi32, #tpu.memory_space<vmem>> -> memref<128xi32, #tpu.memory_space<vmem>>
      %dma_wait3A_107 = arith.constant 0 : i32
      %dma_wait3A_108 = tpu.memref_slice %arg3[%dma_wait3A_107] : memref<802816xi32, #tpu.memory_space<hbm>> -> memref<128xi32, #tpu.memory_space<hbm>>
      tpu.wait_dma2 semaphore(%arg12 : memref<!tpu.dma_semaphore, #tpu.memory_space<semaphore_mem>>) src(%dma_wait3A_108 : memref<128xi32, #tpu.memory_space<hbm>>) dst(%dma_wait3A_106 : memref<128xi32, #tpu.memory_space<vmem>>)
      %get3A = arith.constant 0 : i32
      %get3A_109 = arith.index_cast %get3A : i32 to index
      %get3A_110 = arith.constant 0 : index
      %get3A_111 = tpu.vector_load %arg9[%get3A_109, %get3A_110] {strides = array<i32>} : memref<2x128xi32, #tpu.memory_space<vmem>>, vector<1x16xi32>,
      %get3A_112 = vector.shape_cast %get3A_111 : vector<1x16xi32> to vector<16xi32>
      %sub3A = vector.broadcast %mul3A_2 : i32 to vector<16xi32>
      %sub3A_113 = arith.subi %get3A_112, %sub3A : vector<16xi32>
      %ge3A_114 = arith.constant 0 : i32
      %ge3A_115 = vector.broadcast %ge3A_114 : i32 to vector<16xi32>
      %ge3A_116 = arith.cmpi sge, %sub3A_113, %ge3A_115 : vector<16xi32>
      %lt3A = arith.constant 25000 : i32
      %lt3A_117 = vector.broadcast %lt3A : i32 to vector<16xi32>
      %lt3A_118 = arith.cmpi slt, %sub3A_113, %lt3A_117 : vector<16xi32>
      %and3A = arith.andi %ge3A_116, %lt3A_118 : vector<16xi1>
      %jit3A = arith.constant 25000 : i32
      %broadcast_in_dim3A = vector.broadcast %jit3A : i32 to vector<16xi32>
      %select_n3A = arith.select %and3A, %sub3A_113, %broadcast_in_dim3A : vector<16xi1>, vector<16xi32>
      %swap3A = arith.constant 0 : i32
      %swap3A_119 = arith.index_cast %swap3A : i32 to index
      %swap3A_120 = arith.constant 0 : index
      %swap3A_121 = tpu.vector_load %arg10[%swap3A_119, %swap3A_120] {strides = array<i32>} : memref<2x128xi32, #tpu.memory_space<vmem>>, vector<1x16xi32>,
      %swap3A_122 = vector.shape_cast %swap3A_121 : vector<1x16xi32> to vector<16xi32>
      %swap3A_123 = vector.shape_cast %select_n3A : vector<16xi32> to vector<1x16xi32>
      tpu.vector_store %arg10[%swap3A_119, %swap3A_120], %swap3A_123 {strides = array<i32>} : memref<2x128xi32, #tpu.memory_space<vmem>>, vector<1x16xi32>,
      %get3A_124 = arith.constant 0 : i32
      %get3A_125 = arith.index_cast %get3A_124 : i32 to index
      %get3A_126 = arith.constant 16 : index
      %get3A_127 = tpu.vector_load %arg9[%get3A_125, %get3A_126] {strides = array<i32>} : memref<2x128xi32, #tpu.memory_space<vmem>>, vector<1x16xi32>,
      %get3A_128 = vector.shape_cast %get3A_127 : vector<1x16xi32> to vector<16xi32>
      %sub3A_129 = vector.broadcast %mul3A_2 : i32 to vector<16xi32>
      %sub3A_130 = arith.subi %get3A_128, %sub3A_129 : vector<16xi32>
      %ge3A_131 = arith.constant 0 : i32
      %ge3A_132 = vector.broadcast %ge3A_131 : i32 to vector<16xi32>
      %ge3A_133 = arith.cmpi sge, %sub3A_130, %ge3A_132 : vector<16xi32>
      %lt3A_134 = arith.constant 25000 : i32
      %lt3A_135 = vector.broadcast %lt3A_134 : i32 to vector<16xi32>
      %lt3A_136 = arith.cmpi slt, %sub3A_130, %lt3A_135 : vector<16xi32>
      %and3A_137 = arith.andi %ge3A_133, %lt3A_136 : vector<16xi1>
      %jit3A_138 = arith.constant 25000 : i32
      %broadcast_in_dim3A_139 = vector.broadcast %jit3A_138 : i32 to vector<16xi32>
      %select_n3A_140 = arith.select %and3A_137, %sub3A_130, %broadcast_in_dim3A_139 : vector<16xi1>, vector<16xi32>
      %swap3A_141 = arith.constant 0 : i32
      %swap3A_142 = arith.index_cast %swap3A_141 : i32 to index
      %swap3A_143 = arith.constant 16 : index
      %swap3A_144 = tpu.vector_load %arg10[%swap3A_142, %swap3A_143] {strides = array<i32>} : memref<2x128xi32, #tpu.memory_space<vmem>>, vector<1x16xi32>,
      %swap3A_145 = vector.shape_cast %swap3A_144 : vector<1x16xi32> to vector<16xi32>
      %swap3A_146 = vector.shape_cast %select_n3A_140 : vector<16xi32> to vector<1x16xi32>
      tpu.vector_store %arg10[%swap3A_142, %swap3A_143], %swap3A_146 {strides = array<i32>} : memref<2x128xi32, #tpu.memory_space<vmem>>, vector<1x16xi32>,
      %get3A_147 = arith.constant 0 : i32
      %get3A_148 = arith.index_cast %get3A_147 : i32 to index
      %get3A_149 = arith.constant 32 : index
      %get3A_150 = tpu.vector_load %arg9[%get3A_148, %get3A_149] {strides = array<i32>} : memref<2x128xi32, #tpu.memory_space<vmem>>, vector<1x16xi32>,
      %get3A_151 = vector.shape_cast %get3A_150 : vector<1x16xi32> to vector<16xi32>
      %sub3A_152 = vector.broadcast %mul3A_2 : i32 to vector<16xi32>
      %sub3A_153 = arith.subi %get3A_151, %sub3A_152 : vector<16xi32>
      %ge3A_154 = arith.constant 0 : i32
      %ge3A_155 = vector.broadcast %ge3A_154 : i32 to vector<16xi32>
      %ge3A_156 = arith.cmpi sge, %sub3A_153, %ge3A_155 : vector<16xi32>
      %lt3A_157 = arith.constant 25000 : i32
      %lt3A_158 = vector.broadcast %lt3A_157 : i32 to vector<16xi32>
      %lt3A_159 = arith.cmpi slt, %sub3A_153, %lt3A_158 : vector<16xi32>
      %and3A_160 = arith.andi %ge3A_156, %lt3A_159 : vector<16xi1>
      %jit3A_161 = arith.constant 25000 : i32
      %broadcast_in_dim3A_162 = vector.broadcast %jit3A_161 : i32 to vector<16xi32>
      %select_n3A_163 = arith.select %and3A_160, %sub3A_153, %broadcast_in_dim3A_162 : vector<16xi1>, vector<16xi32>
      %swap3A_164 = arith.constant 0 : i32
      %swap3A_165 = arith.index_cast %swap3A_164 : i32 to index
      %swap3A_166 = arith.constant 32 : index
      %swap3A_167 = tpu.vector_load %arg10[%swap3A_165, %swap3A_166] {strides = array<i32>} : memref<2x128xi32, #tpu.memory_space<vmem>>, vector<1x16xi32>,
      %swap3A_168 = vector.shape_cast %swap3A_167 : vector<1x16xi32> to vector<16xi32>
      %swap3A_169 = vector.shape_cast %select_n3A_163 : vector<16xi32> to vector<1x16xi32>
      tpu.vector_store %arg10[%swap3A_165, %swap3A_166], %swap3A_169 {strides = array<i32>} : memref<2x128xi32, #tpu.memory_space<vmem>>, vector<1x16xi32>,
      %get3A_170 = arith.constant 0 : i32
      %get3A_171 = arith.index_cast %get3A_170 : i32 to index
      %get3A_172 = arith.constant 48 : index
      %get3A_173 = tpu.vector_load %arg9[%get3A_171, %get3A_172] {strides = array<i32>} : memref<2x128xi32, #tpu.memory_space<vmem>>, vector<1x16xi32>,
      %get3A_174 = vector.shape_cast %get3A_173 : vector<1x16xi32> to vector<16xi32>
      %sub3A_175 = vector.broadcast %mul3A_2 : i32 to vector<16xi32>
      %sub3A_176 = arith.subi %get3A_174, %sub3A_175 : vector<16xi32>
      %ge3A_177 = arith.constant 0 : i32
      %ge3A_178 = vector.broadcast %ge3A_177 : i32 to vector<16xi32>
      %ge3A_179 = arith.cmpi sge, %sub3A_176, %ge3A_178 : vector<16xi32>
      %lt3A_180 = arith.constant 25000 : i32
      %lt3A_181 = vector.broadcast %lt3A_180 : i32 to vector<16xi32>
      %lt3A_182 = arith.cmpi slt, %sub3A_176, %lt3A_181 : vector<16xi32>
      %and3A_183 = arith.andi %ge3A_179, %lt3A_182 : vector<16xi1>
      %jit3A_184 = arith.constant 25000 : i32
      %broadcast_in_dim3A_185 = vector.broadcast %jit3A_184 : i32 to vector<16xi32>
      %select_n3A_186 = arith.select %and3A_183, %sub3A_176, %broadcast_in_dim3A_185 : vector<16xi1>, vector<16xi32>
      %swap3A_187 = arith.constant 0 : i32
      %swap3A_188 = arith.index_cast %swap3A_187 : i32 to index
      %swap3A_189 = arith.constant 48 : index
      %swap3A_190 = tpu.vector_load %arg10[%swap3A_188, %swap3A_189] {strides = array<i32>} : memref<2x128xi32, #tpu.memory_space<vmem>>, vector<1x16xi32>,
      %swap3A_191 = vector.shape_cast %swap3A_190 : vector<1x16xi32> to vector<16xi32>
      %swap3A_192 = vector.shape_cast %select_n3A_186 : vector<16xi32> to vector<1x16xi32>
      tpu.vector_store %arg10[%swap3A_188, %swap3A_189], %swap3A_192 {strides = array<i32>} : memref<2x128xi32, #tpu.memory_space<vmem>>, vector<1x16xi32>,
      %get3A_193 = arith.constant 0 : i32
      %get3A_194 = arith.index_cast %get3A_193 : i32 to index
      %get3A_195 = arith.constant 64 : index
      %get3A_196 = tpu.vector_load %arg9[%get3A_194, %get3A_195] {strides = array<i32>} : memref<2x128xi32, #tpu.memory_space<vmem>>, vector<1x16xi32>,
      %get3A_197 = vector.shape_cast %get3A_196 : vector<1x16xi32> to vector<16xi32>
      %sub3A_198 = vector.broadcast %mul3A_2 : i32 to vector<16xi32>
      %sub3A_199 = arith.subi %get3A_197, %sub3A_198 : vector<16xi32>
      %ge3A_200 = arith.constant 0 : i32
      %ge3A_201 = vector.broadcast %ge3A_200 : i32 to vector<16xi32>
      %ge3A_202 = arith.cmpi sge, %sub3A_199, %ge3A_201 : vector<16xi32>
      %lt3A_203 = arith.constant 25000 : i32
      %lt3A_204 = vector.broadcast %lt3A_203 : i32 to vector<16xi32>
      %lt3A_205 = arith.cmpi slt, %sub3A_199, %lt3A_204 : vector<16xi32>
      %and3A_206 = arith.andi %ge3A_202, %lt3A_205 : vector<16xi1>
      %jit3A_207 = arith.constant 25000 : i32
      %broadcast_in_dim3A_208 = vector.broadcast %jit3A_207 : i32 to vector<16xi32>
      %select_n3A_209 = arith.select %and3A_206, %sub3A_199, %broadcast_in_dim3A_208 : vector<16xi1>, vector<16xi32>
      %swap3A_210 = arith.constant 0 : i32
      %swap3A_211 = arith.index_cast %swap3A_210 : i32 to index
      %swap3A_212 = arith.constant 64 : index
      %swap3A_213 = tpu.vector_load %arg10[%swap3A_211, %swap3A_212] {strides = array<i32>} : memref<2x128xi32, #tpu.memory_space<vmem>>, vector<1x16xi32>,
      %swap3A_214 = vector.shape_cast %swap3A_213 : vector<1x16xi32> to vector<16xi32>
      %swap3A_215 = vector.shape_cast %select_n3A_209 : vector<16xi32> to vector<1x16xi32>
      tpu.vector_store %arg10[%swap3A_211, %swap3A_212], %swap3A_215 {strides = array<i32>} : memref<2x128xi32, #tpu.memory_space<vmem>>, vector<1x16xi32>,
      %get3A_216 = arith.constant 0 : i32
      %get3A_217 = arith.index_cast %get3A_216 : i32 to index
      %get3A_218 = arith.constant 80 : index
      %get3A_219 = tpu.vector_load %arg9[%get3A_217, %get3A_218] {strides = array<i32>} : memref<2x128xi32, #tpu.memory_space<vmem>>, vector<1x16xi32>,
      %get3A_220 = vector.shape_cast %get3A_219 : vector<1x16xi32> to vector<16xi32>
      %sub3A_221 = vector.broadcast %mul3A_2 : i32 to vector<16xi32>
      %sub3A_222 = arith.subi %get3A_220, %sub3A_221 : vector<16xi32>
      %ge3A_223 = arith.constant 0 : i32
      %ge3A_224 = vector.broadcast %ge3A_223 : i32 to vector<16xi32>
      %ge3A_225 = arith.cmpi sge, %sub3A_222, %ge3A_224 : vector<16xi32>
      %lt3A_226 = arith.constant 25000 : i32
      %lt3A_227 = vector.broadcast %lt3A_226 : i32 to vector<16xi32>
      %lt3A_228 = arith.cmpi slt, %sub3A_222, %lt3A_227 : vector<16xi32>
      %and3A_229 = arith.andi %ge3A_225, %lt3A_228 : vector<16xi1>
      %jit3A_230 = arith.constant 25000 : i32
      %broadcast_in_dim3A_231 = vector.broadcast %jit3A_230 : i32 to vector<16xi32>
      %select_n3A_232 = arith.select %and3A_229, %sub3A_222, %broadcast_in_dim3A_231 : vector<16xi1>, vector<16xi32>
      %swap3A_233 = arith.constant 0 : i32
      %swap3A_234 = arith.index_cast %swap3A_233 : i32 to index
      %swap3A_235 = arith.constant 80 : index
      %swap3A_236 = tpu.vector_load %arg10[%swap3A_234, %swap3A_235] {strides = array<i32>} : memref<2x128xi32, #tpu.memory_space<vmem>>, vector<1x16xi32>,
      %swap3A_237 = vector.shape_cast %swap3A_236 : vector<1x16xi32> to vector<16xi32>
      %swap3A_238 = vector.shape_cast %select_n3A_232 : vector<16xi32> to vector<1x16xi32>
      tpu.vector_store %arg10[%swap3A_234, %swap3A_235], %swap3A_238 {strides = array<i32>} : memref<2x128xi32, #tpu.memory_space<vmem>>, vector<1x16xi32>,
      %get3A_239 = arith.constant 0 : i32
      %get3A_240 = arith.index_cast %get3A_239 : i32 to index
      %get3A_241 = arith.constant 96 : index
      %get3A_242 = tpu.vector_load %arg9[%get3A_240, %get3A_241] {strides = array<i32>} : memref<2x128xi32, #tpu.memory_space<vmem>>, vector<1x16xi32>,
      %get3A_243 = vector.shape_cast %get3A_242 : vector<1x16xi32> to vector<16xi32>
      %sub3A_244 = vector.broadcast %mul3A_2 : i32 to vector<16xi32>
      %sub3A_245 = arith.subi %get3A_243, %sub3A_244 : vector<16xi32>
      %ge3A_246 = arith.constant 0 : i32
      %ge3A_247 = vector.broadcast %ge3A_246 : i32 to vector<16xi32>
      %ge3A_248 = arith.cmpi sge, %sub3A_245, %ge3A_247 : vector<16xi32>
      %lt3A_249 = arith.constant 25000 : i32
      %lt3A_250 = vector.broadcast %lt3A_249 : i32 to vector<16xi32>
      %lt3A_251 = arith.cmpi slt, %sub3A_245, %lt3A_250 : vector<16xi32>
      %and3A_252 = arith.andi %ge3A_248, %lt3A_251 : vector<16xi1>
      %jit3A_253 = arith.constant 25000 : i32
      %broadcast_in_dim3A_254 = vector.broadcast %jit3A_253 : i32 to vector<16xi32>
      %select_n3A_255 = arith.select %and3A_252, %sub3A_245, %broadcast_in_dim3A_254 : vector<16xi1>, vector<16xi32>
      %swap3A_256 = arith.constant 0 : i32
      %swap3A_257 = arith.index_cast %swap3A_256 : i32 to index
      %swap3A_258 = arith.constant 96 : index
      %swap3A_259 = tpu.vector_load %arg10[%swap3A_257, %swap3A_258] {strides = array<i32>} : memref<2x128xi32, #tpu.memory_space<vmem>>, vector<1x16xi32>,
      %swap3A_260 = vector.shape_cast %swap3A_259 : vector<1x16xi32> to vector<16xi32>
      %swap3A_261 = vector.shape_cast %select_n3A_255 : vector<16xi32> to vector<1x16xi32>
      tpu.vector_store %arg10[%swap3A_257, %swap3A_258], %swap3A_261 {strides = array<i32>} : memref<2x128xi32, #tpu.memory_space<vmem>>, vector<1x16xi32>,
      %get3A_262 = arith.constant 0 : i32
      %get3A_263 = arith.index_cast %get3A_262 : i32 to index
      %get3A_264 = arith.constant 112 : index
      %get3A_265 = tpu.vector_load %arg9[%get3A_263, %get3A_264] {strides = array<i32>} : memref<2x128xi32, #tpu.memory_space<vmem>>, vector<1x16xi32>,
      %get3A_266 = vector.shape_cast %get3A_265 : vector<1x16xi32> to vector<16xi32>
      %sub3A_267 = vector.broadcast %mul3A_2 : i32 to vector<16xi32>
      %sub3A_268 = arith.subi %get3A_266, %sub3A_267 : vector<16xi32>
      %ge3A_269 = arith.constant 0 : i32
      %ge3A_270 = vector.broadcast %ge3A_269 : i32 to vector<16xi32>
      %ge3A_271 = arith.cmpi sge, %sub3A_268, %ge3A_270 : vector<16xi32>
      %lt3A_272 = arith.constant 25000 : i32
      %lt3A_273 = vector.broadcast %lt3A_272 : i32 to vector<16xi32>
      %lt3A_274 = arith.cmpi slt, %sub3A_268, %lt3A_273 : vector<16xi32>
      %and3A_275 = arith.andi %ge3A_271, %lt3A_274 : vector<16xi1>
      %jit3A_276 = arith.constant 25000 : i32
      %broadcast_in_dim3A_277 = vector.broadcast %jit3A_276 : i32 to vector<16xi32>
      %select_n3A_278 = arith.select %and3A_275, %sub3A_268, %broadcast_in_dim3A_277 : vector<16xi1>, vector<16xi32>
      %swap3A_279 = arith.constant 0 : i32
      %swap3A_280 = arith.index_cast %swap3A_279 : i32 to index
      %swap3A_281 = arith.constant 112 : index
      %swap3A_282 = tpu.vector_load %arg10[%swap3A_280, %swap3A_281] {strides = array<i32>} : memref<2x128xi32, #tpu.memory_space<vmem>>, vector<1x16xi32>,
      %swap3A_283 = vector.shape_cast %swap3A_282 : vector<1x16xi32> to vector<16xi32>
      %swap3A_284 = vector.shape_cast %select_n3A_278 : vector<16xi32> to vector<1x16xi32>
      tpu.vector_store %arg10[%swap3A_280, %swap3A_281], %swap3A_284 {strides = array<i32>} : memref<2x128xi32, #tpu.memory_space<vmem>>, vector<1x16xi32>,
      %dma_start3A_285 = arith.constant 0 : i32
      %dma_start3A_286 = arith.constant 0 : i32
      %dma_start3A_287 = arith.constant 0 : i32
      %dma_start3A_288 = arith.constant 0 : i32
      %dma_start3A_289 = tpu.memref_slice %arg11[%dma_start3A_286, %dma_start3A_287, %dma_start3A_288] : memref<2x128x64xf32, #tpu.memory_space<vmem>> -> memref<1x128x64xf32, #tpu.memory_space<vmem>>
      %dma_start3A_290 = tpu.memref_squeeze %dma_start3A_289 : memref<1x128x64xf32, #tpu.memory_space<vmem>> -> memref<128x64xf32, #tpu.memory_space<vmem>>
      %dma_start3A_291 = arith.constant 0 : i32
      %dma_start3A_292 = tpu.memref_slice %arg8[%dma_start3A_285, %dma_start3A_291] : memref<2x128xi32, #tpu.memory_space<vmem>> -> memref<1x128xi32, #tpu.memory_space<vmem>>
      %dma_start3A_293 = tpu.memref_squeeze %dma_start3A_292 : memref<1x128xi32, #tpu.memory_space<vmem>> -> memref<128xi32, #tpu.memory_space<vmem>>
      %dma_start3A_294 = arith.constant 0 : i32
      %dma_start3A_295 = arith.constant 0 : i32
      %dma_start3A_296 = tpu.memref_slice %arg4[%dma_start3A_294, %dma_start3A_295] : memref<50000x64xf32, #tpu.memory_space<hbm>> -> memref<50000x64xf32, #tpu.memory_space<hbm>>
      tpu.enqueue_indirect_dma source(%dma_start3A_296 : memref<50000x64xf32, #tpu.memory_space<hbm>>) target(%dma_start3A_290 : memref<128x64xf32, #tpu.memory_space<vmem>>) offsets(%dma_start3A_293 : memref<128xi32, #tpu.memory_space<vmem>>) semaphore(%arg14 : memref<!tpu.dma_semaphore, #tpu.memory_space<semaphore_mem>>)
      %ge3A_297 = arith.constant 1 : i32
      %ge3A_298 = arith.cmpi sge, %add3A_84, %ge3A_297 : i32
      %convert_element_type3A_299 = arith.extui %ge3A_298 : i1 to i32
      %cond3A_300 = arith.constant 0 : i32
      %cond3A_301 = arith.cmpi ne, %convert_element_type3A_299, %cond3A_300 : i32
      scf.if %cond3A_301 {
        %dma_wait3A_552 = arith.constant 1 : i32
        %dma_wait3A_553 = arith.constant 1 : i32
        %dma_wait3A_554 = arith.constant 0 : i32
        %dma_wait3A_555 = arith.constant 0 : i32
        %dma_wait3A_556 = tpu.memref_slice %arg11[%dma_wait3A_553, %dma_wait3A_554, %dma_wait3A_555] : memref<2x128x64xf32, #tpu.memory_space<vmem>> -> memref<1x128x64xf32, #tpu.memory_space<vmem>>
        %dma_wait3A_557 = tpu.memref_squeeze %dma_wait3A_556 : memref<1x128x64xf32, #tpu.memory_space<vmem>> -> memref<128x64xf32, #tpu.memory_space<vmem>>
        %dma_wait3A_558 = arith.constant 0 : i32
        %dma_wait3A_559 = tpu.memref_slice %arg8[%dma_wait3A_552, %dma_wait3A_558] : memref<2x128xi32, #tpu.memory_space<vmem>> -> memref<1x128xi32, #tpu.memory_space<vmem>>
        %dma_wait3A_560 = tpu.memref_squeeze %dma_wait3A_559 : memref<1x128xi32, #tpu.memory_space<vmem>> -> memref<128xi32, #tpu.memory_space<vmem>>
        %dma_wait3A_561 = arith.constant 0 : i32
        %dma_wait3A_562 = arith.constant 0 : i32
        %dma_wait3A_563 = tpu.memref_slice %arg4[%dma_wait3A_561, %dma_wait3A_562] : memref<50000x64xf32, #tpu.memory_space<hbm>> -> memref<50000x64xf32, #tpu.memory_space<hbm>>
        tpu.wait_indirect_dma semaphore(%arg15 : memref<!tpu.dma_semaphore, #tpu.memory_space<semaphore_mem>>) src(%dma_wait3A_563 : memref<50000x64xf32, #tpu.memory_space<hbm>>) dst(%dma_wait3A_557 : memref<128x64xf32, #tpu.memory_space<vmem>>)
        %dma_start3A_564 = arith.constant 1 : i32
        %dma_start3A_565 = arith.constant 1 : i32
        %dma_start3A_566 = arith.constant 0 : i32
        %dma_start3A_567 = arith.constant 0 : i32
        %dma_start3A_568 = tpu.memref_slice %arg11[%dma_start3A_564, %dma_start3A_566, %dma_start3A_567] : memref<2x128x64xf32, #tpu.memory_space<vmem>> -> memref<1x128x64xf32, #tpu.memory_space<vmem>>
        %dma_start3A_569 = tpu.memref_squeeze %dma_start3A_568 : memref<1x128x64xf32, #tpu.memory_space<vmem>> -> memref<128x64xf32, #tpu.memory_space<vmem>>
        %dma_start3A_570 = arith.constant 0 : i32
        %dma_start3A_571 = tpu.memref_slice %arg10[%dma_start3A_565, %dma_start3A_570] : memref<2x128xi32, #tpu.memory_space<vmem>> -> memref<1x128xi32, #tpu.memory_space<vmem>>
        %dma_start3A_572 = tpu.memref_squeeze %dma_start3A_571 : memref<1x128xi32, #tpu.memory_space<vmem>> -> memref<128xi32, #tpu.memory_space<vmem>>
        %dma_start3A_573 = arith.constant 0 : i32
        %dma_start3A_574 = arith.constant 0 : i32
        %dma_start3A_575 = tpu.memref_slice %arg7[%dma_start3A_573, %dma_start3A_574] : memref<25088x64xf32, #tpu.memory_space<vmem_shared>> -> memref<25088x64xf32, #tpu.memory_space<vmem_shared>>
        tpu.enqueue_indirect_dma source(%dma_start3A_569 : memref<128x64xf32, #tpu.memory_space<vmem>>) target(%dma_start3A_575 : memref<25088x64xf32, #tpu.memory_space<vmem_shared>>) offsets(%dma_start3A_572 : memref<128xi32, #tpu.memory_space<vmem>>) semaphore(%arg17 : memref<!tpu.dma_semaphore, #tpu.memory_space<semaphore_mem>>) {add = true}
      } else {
      }
      %add3A_302 = arith.constant 2 : i32
      %add3A_303 = arith.addi %add3A_84, %add3A_302 : i32
      %sub3A_304 = arith.constant 1 : i32
      %sub3A_305 = arith.subi %add3A_303, %sub3A_304 : i32
      %lt3A_306 = arith.constant 392 : i32
      %lt3A_307 = arith.cmpi slt, %sub3A_305, %lt3A_306 : i32
      %convert_element_type3A_308 = arith.extui %lt3A_307 : i1 to i32
      %cond3A_309 = arith.constant 0 : i32
      %cond3A_310 = arith.cmpi ne, %convert_element_type3A_308, %cond3A_309 : i32
      scf.if %cond3A_310 {
        %add3A_552 = arith.constant 2 : i32
        %add3A_553 = arith.addi %add3A_84, %add3A_552 : i32
        %sub3A_554 = arith.constant 1 : i32
        %sub3A_555 = arith.subi %add3A_553, %sub3A_554 : i32
        %mul3A_556 = arith.constant 128 : i32
        %mul3A_557 = arith.muli %sub3A_555, %mul3A_556 : i32
        %add3A_558 = arith.addi %mul3A_4, %mul3A_557 : i32
        %dma_start3A_559 = arith.constant 1 : i32
        %dma_start3A_560 = arith.constant 0 : i32
        %dma_start3A_561 = tpu.memref_slice %arg8[%dma_start3A_559, %dma_start3A_560] : memref<2x128xi32, #tpu.memory_space<vmem>> -> memref<1x128xi32, #tpu.memory_space<vmem>>
        %dma_start3A_562 = tpu.memref_squeeze %dma_start3A_561 : memref<1x128xi32, #tpu.memory_space<vmem>> -> memref<128xi32, #tpu.memory_space<vmem>>
        %dma_start3A_563 = tpu.memref_slice %arg2[%add3A_558] : memref<802816xi32, #tpu.memory_space<hbm>> -> memref<128xi32, #tpu.memory_space<hbm>>
        %dma_start3A_564 = arith.constant 0 : i32
        %dma_start3A_565 = tpu.memref_slice %arg8[%dma_start3A_559, %dma_start3A_564] : memref<2x128xi32, #tpu.memory_space<vmem>> -> memref<1x128xi32, #tpu.memory_space<vmem>>
        %dma_start3A_566 = tpu.memref_squeeze %dma_start3A_565 : memref<1x128xi32, #tpu.memory_space<vmem>> -> memref<128xi32, #tpu.memory_space<vmem>>
        %dma_start3A_567 = tpu.memref_slice %arg2[%add3A_558] : memref<802816xi32, #tpu.memory_space<hbm>> -> memref<128xi32, #tpu.memory_space<hbm>>
        tpu.enqueue_dma source(%dma_start3A_567 : memref<128xi32, #tpu.memory_space<hbm>>) target(%dma_start3A_566 : memref<128xi32, #tpu.memory_space<vmem>>) target_semaphore(%arg13 : memref<!tpu.dma_semaphore, #tpu.memory_space<semaphore_mem>>)
        %dma_start3A_568 = arith.constant 1 : i32
        %dma_start3A_569 = arith.constant 0 : i32
        %dma_start3A_570 = tpu.memref_slice %arg9[%dma_start3A_568, %dma_start3A_569] : memref<2x128xi32, #tpu.memory_space<vmem>> -> memref<1x128xi32, #tpu.memory_space<vmem>>
        %dma_start3A_571 = tpu.memref_squeeze %dma_start3A_570 : memref<1x128xi32, #tpu.memory_space<vmem>> -> memref<128xi32, #tpu.memory_space<vmem>>
        %dma_start3A_572 = tpu.memref_slice %arg3[%add3A_558] : memref<802816xi32, #tpu.memory_space<hbm>> -> memref<128xi32, #tpu.memory_space<hbm>>
        %dma_start3A_573 = arith.constant 0 : i32
        %dma_start3A_574 = tpu.memref_slice %arg9[%dma_start3A_568, %dma_start3A_573] : memref<2x128xi32, #tpu.memory_space<vmem>> -> memref<1x128xi32, #tpu.memory_space<vmem>>
        %dma_start3A_575 = tpu.memref_squeeze %dma_start3A_574 : memref<1x128xi32, #tpu.memory_space<vmem>> -> memref<128xi32, #tpu.memory_space<vmem>>
        %dma_start3A_576 = tpu.memref_slice %arg3[%add3A_558] : memref<802816xi32, #tpu.memory_space<hbm>> -> memref<128xi32, #tpu.memory_space<hbm>>
        tpu.enqueue_dma source(%dma_start3A_576 : memref<128xi32, #tpu.memory_space<hbm>>) target(%dma_start3A_575 : memref<128xi32, #tpu.memory_space<vmem>>) target_semaphore(%arg13 : memref<!tpu.dma_semaphore, #tpu.memory_space<semaphore_mem>>)
      } else {
      }
      %mul3A_311 = arith.constant 2 : i32
      %mul3A_312 = arith.muli %scan3A_80, %mul3A_311 : i32
      %add3A_313 = arith.constant 1 : i32
      %add3A_314 = arith.addi %mul3A_312, %add3A_313 : i32
      %ge3A_315 = arith.constant 2 : i32
      %ge3A_316 = arith.cmpi sge, %add3A_314, %ge3A_315 : i32
      %convert_element_type3A_317 = arith.extui %ge3A_316 : i1 to i32
      %cond3A_318 = arith.constant 0 : i32
      %cond3A_319 = arith.cmpi ne, %convert_element_type3A_317, %cond3A_318 : i32
      scf.if %cond3A_319 {
        %dma_wait3A_552 = arith.constant 1 : i32
        %dma_wait3A_553 = arith.constant 1 : i32
        %dma_wait3A_554 = arith.constant 0 : i32
        %dma_wait3A_555 = arith.constant 0 : i32
        %dma_wait3A_556 = tpu.memref_slice %arg11[%dma_wait3A_552, %dma_wait3A_554, %dma_wait3A_555] : memref<2x128x64xf32, #tpu.memory_space<vmem>> -> memref<1x128x64xf32, #tpu.memory_space<vmem>>
        %dma_wait3A_557 = tpu.memref_squeeze %dma_wait3A_556 : memref<1x128x64xf32, #tpu.memory_space<vmem>> -> memref<128x64xf32, #tpu.memory_space<vmem>>
        %dma_wait3A_558 = arith.constant 0 : i32
        %dma_wait3A_559 = tpu.memref_slice %arg10[%dma_wait3A_553, %dma_wait3A_558] : memref<2x128xi32, #tpu.memory_space<vmem>> -> memref<1x128xi32, #tpu.memory_space<vmem>>
        %dma_wait3A_560 = tpu.memref_squeeze %dma_wait3A_559 : memref<1x128xi32, #tpu.memory_space<vmem>> -> memref<128xi32, #tpu.memory_space<vmem>>
        %dma_wait3A_561 = arith.constant 0 : i32
        %dma_wait3A_562 = arith.constant 0 : i32
        %dma_wait3A_563 = tpu.memref_slice %arg7[%dma_wait3A_561, %dma_wait3A_562] : memref<25088x64xf32, #tpu.memory_space<vmem_shared>> -> memref<25088x64xf32, #tpu.memory_space<vmem_shared>>
        tpu.wait_indirect_dma semaphore(%arg17 : memref<!tpu.dma_semaphore, #tpu.memory_space<semaphore_mem>>) src(%dma_wait3A_557 : memref<128x64xf32, #tpu.memory_space<vmem>>) dst(%dma_wait3A_563 : memref<25088x64xf32, #tpu.memory_space<vmem_shared>>)
      } else {
      }
      %dma_wait3A_320 = arith.constant 1 : i32
      %dma_wait3A_321 = arith.constant 0 : i32
      %dma_wait3A_322 = tpu.memref_slice %arg8[%dma_wait3A_320, %dma_wait3A_321] : memref<2x128xi32, #tpu.memory_space<vmem>> -> memref<1x128xi32, #tpu.memory_space<vmem>>
      %dma_wait3A_323 = tpu.memref_squeeze %dma_wait3A_322 : memref<1x128xi32, #tpu.memory_space<vmem>> -> memref<128xi32, #tpu.memory_space<vmem>>
      %dma_wait3A_324 = arith.constant 0 : i32
      %dma_wait3A_325 = tpu.memref_slice %arg2[%dma_wait3A_324] : memref<802816xi32, #tpu.memory_space<hbm>> -> memref<128xi32, #tpu.memory_space<hbm>>
      %dma_wait3A_326 = arith.constant 0 : i32
      %dma_wait3A_327 = tpu.memref_slice %arg8[%dma_wait3A_320, %dma_wait3A_326] : memref<2x128xi32, #tpu.memory_space<vmem>> -> memref<1x128xi32, #tpu.memory_space<vmem>>
      %dma_wait3A_328 = tpu.memref_squeeze %dma_wait3A_327 : memref<1x128xi32, #tpu.memory_space<vmem>> -> memref<128xi32, #tpu.memory_space<vmem>>
      %dma_wait3A_329 = arith.constant 0 : i32
      %dma_wait3A_330 = tpu.memref_slice %arg2[%dma_wait3A_329] : memref<802816xi32, #tpu.memory_space<hbm>> -> memref<128xi32, #tpu.memory_space<hbm>>
      tpu.wait_dma2 semaphore(%arg13 : memref<!tpu.dma_semaphore, #tpu.memory_space<semaphore_mem>>) src(%dma_wait3A_330 : memref<128xi32, #tpu.memory_space<hbm>>) dst(%dma_wait3A_328 : memref<128xi32, #tpu.memory_space<vmem>>)
      %dma_wait3A_331 = arith.constant 1 : i32
      %dma_wait3A_332 = arith.constant 0 : i32
      %dma_wait3A_333 = tpu.memref_slice %arg9[%dma_wait3A_331, %dma_wait3A_332] : memref<2x128xi32, #tpu.memory_space<vmem>> -> memref<1x128xi32, #tpu.memory_space<vmem>>
      %dma_wait3A_334 = tpu.memref_squeeze %dma_wait3A_333 : memref<1x128xi32, #tpu.memory_space<vmem>> -> memref<128xi32, #tpu.memory_space<vmem>>
      %dma_wait3A_335 = arith.constant 0 : i32
      %dma_wait3A_336 = tpu.memref_slice %arg3[%dma_wait3A_335] : memref<802816xi32, #tpu.memory_space<hbm>> -> memref<128xi32, #tpu.memory_space<hbm>>
      %dma_wait3A_337 = arith.constant 0 : i32
      %dma_wait3A_338 = tpu.memref_slice %arg9[%dma_wait3A_331, %dma_wait3A_337] : memref<2x128xi32, #tpu.memory_space<vmem>> -> memref<1x128xi32, #tpu.memory_space<vmem>>
      %dma_wait3A_339 = tpu.memref_squeeze %dma_wait3A_338 : memref<1x128xi32, #tpu.memory_space<vmem>> -> memref<128xi32, #tpu.memory_space<vmem>>
      %dma_wait3A_340 = arith.constant 0 : i32
      %dma_wait3A_341 = tpu.memref_slice %arg3[%dma_wait3A_340] : memref<802816xi32, #tpu.memory_space<hbm>> -> memref<128xi32, #tpu.memory_space<hbm>>
      tpu.wait_dma2 semaphore(%arg13 : memref<!tpu.dma_semaphore, #tpu.memory_space<semaphore_mem>>) src(%dma_wait3A_341 : memref<128xi32, #tpu.memory_space<hbm>>) dst(%dma_wait3A_339 : memref<128xi32, #tpu.memory_space<vmem>>)
      %get3A_342 = arith.constant 1 : i32
      %get3A_343 = arith.index_cast %get3A_342 : i32 to index
      %get3A_344 = arith.constant 0 : index
      %get3A_345 = tpu.vector_load %arg9[%get3A_343, %get3A_344] {strides = array<i32>} : memref<2x128xi32, #tpu.memory_space<vmem>>, vector<1x16xi32>,
      %get3A_346 = vector.shape_cast %get3A_345 : vector<1x16xi32> to vector<16xi32>
      %sub3A_347 = vector.broadcast %mul3A_2 : i32 to vector<16xi32>
      %sub3A_348 = arith.subi %get3A_346, %sub3A_347 : vector<16xi32>
      %ge3A_349 = arith.constant 0 : i32
      %ge3A_350 = vector.broadcast %ge3A_349 : i32 to vector<16xi32>
      %ge3A_351 = arith.cmpi sge, %sub3A_348, %ge3A_350 : vector<16xi32>
      %lt3A_352 = arith.constant 25000 : i32
      %lt3A_353 = vector.broadcast %lt3A_352 : i32 to vector<16xi32>
      %lt3A_354 = arith.cmpi slt, %sub3A_348, %lt3A_353 : vector<16xi32>
      %and3A_355 = arith.andi %ge3A_351, %lt3A_354 : vector<16xi1>
      %jit3A_356 = arith.constant 25000 : i32
      %broadcast_in_dim3A_357 = vector.broadcast %jit3A_356 : i32 to vector<16xi32>
      %select_n3A_358 = arith.select %and3A_355, %sub3A_348, %broadcast_in_dim3A_357 : vector<16xi1>, vector<16xi32>
      %swap3A_359 = arith.constant 1 : i32
      %swap3A_360 = arith.index_cast %swap3A_359 : i32 to index
      %swap3A_361 = arith.constant 0 : index
      %swap3A_362 = tpu.vector_load %arg10[%swap3A_360, %swap3A_361] {strides = array<i32>} : memref<2x128xi32, #tpu.memory_space<vmem>>, vector<1x16xi32>,
      %swap3A_363 = vector.shape_cast %swap3A_362 : vector<1x16xi32> to vector<16xi32>
      %swap3A_364 = vector.shape_cast %select_n3A_358 : vector<16xi32> to vector<1x16xi32>
      tpu.vector_store %arg10[%swap3A_360, %swap3A_361], %swap3A_364 {strides = array<i32>} : memref<2x128xi32, #tpu.memory_space<vmem>>, vector<1x16xi32>,
      %get3A_365 = arith.constant 1 : i32
      %get3A_366 = arith.index_cast %get3A_365 : i32 to index
      %get3A_367 = arith.constant 16 : index
      %get3A_368 = tpu.vector_load %arg9[%get3A_366, %get3A_367] {strides = array<i32>} : memref<2x128xi32, #tpu.memory_space<vmem>>, vector<1x16xi32>,
      %get3A_369 = vector.shape_cast %get3A_368 : vector<1x16xi32> to vector<16xi32>
      %sub3A_370 = vector.broadcast %mul3A_2 : i32 to vector<16xi32>
      %sub3A_371 = arith.subi %get3A_369, %sub3A_370 : vector<16xi32>
      %ge3A_372 = arith.constant 0 : i32
      %ge3A_373 = vector.broadcast %ge3A_372 : i32 to vector<16xi32>
      %ge3A_374 = arith.cmpi sge, %sub3A_371, %ge3A_373 : vector<16xi32>
      %lt3A_375 = arith.constant 25000 : i32
      %lt3A_376 = vector.broadcast %lt3A_375 : i32 to vector<16xi32>
      %lt3A_377 = arith.cmpi slt, %sub3A_371, %lt3A_376 : vector<16xi32>
      %and3A_378 = arith.andi %ge3A_374, %lt3A_377 : vector<16xi1>
      %jit3A_379 = arith.constant 25000 : i32
      %broadcast_in_dim3A_380 = vector.broadcast %jit3A_379 : i32 to vector<16xi32>
      %select_n3A_381 = arith.select %and3A_378, %sub3A_371, %broadcast_in_dim3A_380 : vector<16xi1>, vector<16xi32>
      %swap3A_382 = arith.constant 1 : i32
      %swap3A_383 = arith.index_cast %swap3A_382 : i32 to index
      %swap3A_384 = arith.constant 16 : index
      %swap3A_385 = tpu.vector_load %arg10[%swap3A_383, %swap3A_384] {strides = array<i32>} : memref<2x128xi32, #tpu.memory_space<vmem>>, vector<1x16xi32>,
      %swap3A_386 = vector.shape_cast %swap3A_385 : vector<1x16xi32> to vector<16xi32>
      %swap3A_387 = vector.shape_cast %select_n3A_381 : vector<16xi32> to vector<1x16xi32>
      tpu.vector_store %arg10[%swap3A_383, %swap3A_384], %swap3A_387 {strides = array<i32>} : memref<2x128xi32, #tpu.memory_space<vmem>>, vector<1x16xi32>,
      %get3A_388 = arith.constant 1 : i32
      %get3A_389 = arith.index_cast %get3A_388 : i32 to index
      %get3A_390 = arith.constant 32 : index
      %get3A_391 = tpu.vector_load %arg9[%get3A_389, %get3A_390] {strides = array<i32>} : memref<2x128xi32, #tpu.memory_space<vmem>>, vector<1x16xi32>,
      %get3A_392 = vector.shape_cast %get3A_391 : vector<1x16xi32> to vector<16xi32>
      %sub3A_393 = vector.broadcast %mul3A_2 : i32 to vector<16xi32>
      %sub3A_394 = arith.subi %get3A_392, %sub3A_393 : vector<16xi32>
      %ge3A_395 = arith.constant 0 : i32
      %ge3A_396 = vector.broadcast %ge3A_395 : i32 to vector<16xi32>
      %ge3A_397 = arith.cmpi sge, %sub3A_394, %ge3A_396 : vector<16xi32>
      %lt3A_398 = arith.constant 25000 : i32
      %lt3A_399 = vector.broadcast %lt3A_398 : i32 to vector<16xi32>
      %lt3A_400 = arith.cmpi slt, %sub3A_394, %lt3A_399 : vector<16xi32>
      %and3A_401 = arith.andi %ge3A_397, %lt3A_400 : vector<16xi1>
      %jit3A_402 = arith.constant 25000 : i32
      %broadcast_in_dim3A_403 = vector.broadcast %jit3A_402 : i32 to vector<16xi32>
      %select_n3A_404 = arith.select %and3A_401, %sub3A_394, %broadcast_in_dim3A_403 : vector<16xi1>, vector<16xi32>
      %swap3A_405 = arith.constant 1 : i32
      %swap3A_406 = arith.index_cast %swap3A_405 : i32 to index
      %swap3A_407 = arith.constant 32 : index
      %swap3A_408 = tpu.vector_load %arg10[%swap3A_406, %swap3A_407] {strides = array<i32>} : memref<2x128xi32, #tpu.memory_space<vmem>>, vector<1x16xi32>,
      %swap3A_409 = vector.shape_cast %swap3A_408 : vector<1x16xi32> to vector<16xi32>
      %swap3A_410 = vector.shape_cast %select_n3A_404 : vector<16xi32> to vector<1x16xi32>
      tpu.vector_store %arg10[%swap3A_406, %swap3A_407], %swap3A_410 {strides = array<i32>} : memref<2x128xi32, #tpu.memory_space<vmem>>, vector<1x16xi32>,
      %get3A_411 = arith.constant 1 : i32
      %get3A_412 = arith.index_cast %get3A_411 : i32 to index
      %get3A_413 = arith.constant 48 : index
      %get3A_414 = tpu.vector_load %arg9[%get3A_412, %get3A_413] {strides = array<i32>} : memref<2x128xi32, #tpu.memory_space<vmem>>, vector<1x16xi32>,
      %get3A_415 = vector.shape_cast %get3A_414 : vector<1x16xi32> to vector<16xi32>
      %sub3A_416 = vector.broadcast %mul3A_2 : i32 to vector<16xi32>
      %sub3A_417 = arith.subi %get3A_415, %sub3A_416 : vector<16xi32>
      %ge3A_418 = arith.constant 0 : i32
      %ge3A_419 = vector.broadcast %ge3A_418 : i32 to vector<16xi32>
      %ge3A_420 = arith.cmpi sge, %sub3A_417, %ge3A_419 : vector<16xi32>
      %lt3A_421 = arith.constant 25000 : i32
      %lt3A_422 = vector.broadcast %lt3A_421 : i32 to vector<16xi32>
      %lt3A_423 = arith.cmpi slt, %sub3A_417, %lt3A_422 : vector<16xi32>
      %and3A_424 = arith.andi %ge3A_420, %lt3A_423 : vector<16xi1>
      %jit3A_425 = arith.constant 25000 : i32
      %broadcast_in_dim3A_426 = vector.broadcast %jit3A_425 : i32 to vector<16xi32>
      %select_n3A_427 = arith.select %and3A_424, %sub3A_417, %broadcast_in_dim3A_426 : vector<16xi1>, vector<16xi32>
      %swap3A_428 = arith.constant 1 : i32
      %swap3A_429 = arith.index_cast %swap3A_428 : i32 to index
      %swap3A_430 = arith.constant 48 : index
      %swap3A_431 = tpu.vector_load %arg10[%swap3A_429, %swap3A_430] {strides = array<i32>} : memref<2x128xi32, #tpu.memory_space<vmem>>, vector<1x16xi32>,
      %swap3A_432 = vector.shape_cast %swap3A_431 : vector<1x16xi32> to vector<16xi32>
      %swap3A_433 = vector.shape_cast %select_n3A_427 : vector<16xi32> to vector<1x16xi32>
      tpu.vector_store %arg10[%swap3A_429, %swap3A_430], %swap3A_433 {strides = array<i32>} : memref<2x128xi32, #tpu.memory_space<vmem>>, vector<1x16xi32>,
      %get3A_434 = arith.constant 1 : i32
      %get3A_435 = arith.index_cast %get3A_434 : i32 to index
      %get3A_436 = arith.constant 64 : index
      %get3A_437 = tpu.vector_load %arg9[%get3A_435, %get3A_436] {strides = array<i32>} : memref<2x128xi32, #tpu.memory_space<vmem>>, vector<1x16xi32>,
      %get3A_438 = vector.shape_cast %get3A_437 : vector<1x16xi32> to vector<16xi32>
      %sub3A_439 = vector.broadcast %mul3A_2 : i32 to vector<16xi32>
      %sub3A_440 = arith.subi %get3A_438, %sub3A_439 : vector<16xi32>
      %ge3A_441 = arith.constant 0 : i32
      %ge3A_442 = vector.broadcast %ge3A_441 : i32 to vector<16xi32>
      %ge3A_443 = arith.cmpi sge, %sub3A_440, %ge3A_442 : vector<16xi32>
      %lt3A_444 = arith.constant 25000 : i32
      %lt3A_445 = vector.broadcast %lt3A_444 : i32 to vector<16xi32>
      %lt3A_446 = arith.cmpi slt, %sub3A_440, %lt3A_445 : vector<16xi32>
      %and3A_447 = arith.andi %ge3A_443, %lt3A_446 : vector<16xi1>
      %jit3A_448 = arith.constant 25000 : i32
      %broadcast_in_dim3A_449 = vector.broadcast %jit3A_448 : i32 to vector<16xi32>
      %select_n3A_450 = arith.select %and3A_447, %sub3A_440, %broadcast_in_dim3A_449 : vector<16xi1>, vector<16xi32>
      %swap3A_451 = arith.constant 1 : i32
      %swap3A_452 = arith.index_cast %swap3A_451 : i32 to index
      %swap3A_453 = arith.constant 64 : index
      %swap3A_454 = tpu.vector_load %arg10[%swap3A_452, %swap3A_453] {strides = array<i32>} : memref<2x128xi32, #tpu.memory_space<vmem>>, vector<1x16xi32>,
      %swap3A_455 = vector.shape_cast %swap3A_454 : vector<1x16xi32> to vector<16xi32>
      %swap3A_456 = vector.shape_cast %select_n3A_450 : vector<16xi32> to vector<1x16xi32>
      tpu.vector_store %arg10[%swap3A_452, %swap3A_453], %swap3A_456 {strides = array<i32>} : memref<2x128xi32, #tpu.memory_space<vmem>>, vector<1x16xi32>,
      %get3A_457 = arith.constant 1 : i32
      %get3A_458 = arith.index_cast %get3A_457 : i32 to index
      %get3A_459 = arith.constant 80 : index
      %get3A_460 = tpu.vector_load %arg9[%get3A_458, %get3A_459] {strides = array<i32>} : memref<2x128xi32, #tpu.memory_space<vmem>>, vector<1x16xi32>,
      %get3A_461 = vector.shape_cast %get3A_460 : vector<1x16xi32> to vector<16xi32>
      %sub3A_462 = vector.broadcast %mul3A_2 : i32 to vector<16xi32>
      %sub3A_463 = arith.subi %get3A_461, %sub3A_462 : vector<16xi32>
      %ge3A_464 = arith.constant 0 : i32
      %ge3A_465 = vector.broadcast %ge3A_464 : i32 to vector<16xi32>
      %ge3A_466 = arith.cmpi sge, %sub3A_463, %ge3A_465 : vector<16xi32>
      %lt3A_467 = arith.constant 25000 : i32
      %lt3A_468 = vector.broadcast %lt3A_467 : i32 to vector<16xi32>
      %lt3A_469 = arith.cmpi slt, %sub3A_463, %lt3A_468 : vector<16xi32>
      %and3A_470 = arith.andi %ge3A_466, %lt3A_469 : vector<16xi1>
      %jit3A_471 = arith.constant 25000 : i32
      %broadcast_in_dim3A_472 = vector.broadcast %jit3A_471 : i32 to vector<16xi32>
      %select_n3A_473 = arith.select %and3A_470, %sub3A_463, %broadcast_in_dim3A_472 : vector<16xi1>, vector<16xi32>
      %swap3A_474 = arith.constant 1 : i32
      %swap3A_475 = arith.index_cast %swap3A_474 : i32 to index
      %swap3A_476 = arith.constant 80 : index
      %swap3A_477 = tpu.vector_load %arg10[%swap3A_475, %swap3A_476] {strides = array<i32>} : memref<2x128xi32, #tpu.memory_space<vmem>>, vector<1x16xi32>,
      %swap3A_478 = vector.shape_cast %swap3A_477 : vector<1x16xi32> to vector<16xi32>
      %swap3A_479 = vector.shape_cast %select_n3A_473 : vector<16xi32> to vector<1x16xi32>
      tpu.vector_store %arg10[%swap3A_475, %swap3A_476], %swap3A_479 {strides = array<i32>} : memref<2x128xi32, #tpu.memory_space<vmem>>, vector<1x16xi32>,
      %get3A_480 = arith.constant 1 : i32
      %get3A_481 = arith.index_cast %get3A_480 : i32 to index
      %get3A_482 = arith.constant 96 : index
      %get3A_483 = tpu.vector_load %arg9[%get3A_481, %get3A_482] {strides = array<i32>} : memref<2x128xi32, #tpu.memory_space<vmem>>, vector<1x16xi32>,
      %get3A_484 = vector.shape_cast %get3A_483 : vector<1x16xi32> to vector<16xi32>
      %sub3A_485 = vector.broadcast %mul3A_2 : i32 to vector<16xi32>
      %sub3A_486 = arith.subi %get3A_484, %sub3A_485 : vector<16xi32>
      %ge3A_487 = arith.constant 0 : i32
      %ge3A_488 = vector.broadcast %ge3A_487 : i32 to vector<16xi32>
      %ge3A_489 = arith.cmpi sge, %sub3A_486, %ge3A_488 : vector<16xi32>
      %lt3A_490 = arith.constant 25000 : i32
      %lt3A_491 = vector.broadcast %lt3A_490 : i32 to vector<16xi32>
      %lt3A_492 = arith.cmpi slt, %sub3A_486, %lt3A_491 : vector<16xi32>
      %and3A_493 = arith.andi %ge3A_489, %lt3A_492 : vector<16xi1>
      %jit3A_494 = arith.constant 25000 : i32
      %broadcast_in_dim3A_495 = vector.broadcast %jit3A_494 : i32 to vector<16xi32>
      %select_n3A_496 = arith.select %and3A_493, %sub3A_486, %broadcast_in_dim3A_495 : vector<16xi1>, vector<16xi32>
      %swap3A_497 = arith.constant 1 : i32
      %swap3A_498 = arith.index_cast %swap3A_497 : i32 to index
      %swap3A_499 = arith.constant 96 : index
      %swap3A_500 = tpu.vector_load %arg10[%swap3A_498, %swap3A_499] {strides = array<i32>} : memref<2x128xi32, #tpu.memory_space<vmem>>, vector<1x16xi32>,
      %swap3A_501 = vector.shape_cast %swap3A_500 : vector<1x16xi32> to vector<16xi32>
      %swap3A_502 = vector.shape_cast %select_n3A_496 : vector<16xi32> to vector<1x16xi32>
      tpu.vector_store %arg10[%swap3A_498, %swap3A_499], %swap3A_502 {strides = array<i32>} : memref<2x128xi32, #tpu.memory_space<vmem>>, vector<1x16xi32>,
      %get3A_503 = arith.constant 1 : i32
      %get3A_504 = arith.index_cast %get3A_503 : i32 to index
      %get3A_505 = arith.constant 112 : index
      %get3A_506 = tpu.vector_load %arg9[%get3A_504, %get3A_505] {strides = array<i32>} : memref<2x128xi32, #tpu.memory_space<vmem>>, vector<1x16xi32>,
      %get3A_507 = vector.shape_cast %get3A_506 : vector<1x16xi32> to vector<16xi32>
      %sub3A_508 = vector.broadcast %mul3A_2 : i32 to vector<16xi32>
      %sub3A_509 = arith.subi %get3A_507, %sub3A_508 : vector<16xi32>
      %ge3A_510 = arith.constant 0 : i32
      %ge3A_511 = vector.broadcast %ge3A_510 : i32 to vector<16xi32>
      %ge3A_512 = arith.cmpi sge, %sub3A_509, %ge3A_511 : vector<16xi32>
      %lt3A_513 = arith.constant 25000 : i32
      %lt3A_514 = vector.broadcast %lt3A_513 : i32 to vector<16xi32>
      %lt3A_515 = arith.cmpi slt, %sub3A_509, %lt3A_514 : vector<16xi32>
      %and3A_516 = arith.andi %ge3A_512, %lt3A_515 : vector<16xi1>
      %jit3A_517 = arith.constant 25000 : i32
      %broadcast_in_dim3A_518 = vector.broadcast %jit3A_517 : i32 to vector<16xi32>
      %select_n3A_519 = arith.select %and3A_516, %sub3A_509, %broadcast_in_dim3A_518 : vector<16xi1>, vector<16xi32>
      %swap3A_520 = arith.constant 1 : i32
      %swap3A_521 = arith.index_cast %swap3A_520 : i32 to index
      %swap3A_522 = arith.constant 112 : index
      %swap3A_523 = tpu.vector_load %arg10[%swap3A_521, %swap3A_522] {strides = array<i32>} : memref<2x128xi32, #tpu.memory_space<vmem>>, vector<1x16xi32>,
      %swap3A_524 = vector.shape_cast %swap3A_523 : vector<1x16xi32> to vector<16xi32>
      %swap3A_525 = vector.shape_cast %select_n3A_519 : vector<16xi32> to vector<1x16xi32>
      tpu.vector_store %arg10[%swap3A_521, %swap3A_522], %swap3A_525 {strides = array<i32>} : memref<2x128xi32, #tpu.memory_space<vmem>>, vector<1x16xi32>,
      %dma_start3A_526 = arith.constant 1 : i32
      %dma_start3A_527 = arith.constant 1 : i32
      %dma_start3A_528 = arith.constant 0 : i32
      %dma_start3A_529 = arith.constant 0 : i32
      %dma_start3A_530 = tpu.memref_slice %arg11[%dma_start3A_527, %dma_start3A_528, %dma_start3A_529] : memref<2x128x64xf32, #tpu.memory_space<vmem>> -> memref<1x128x64xf32, #tpu.memory_space<vmem>>
      %dma_start3A_531 = tpu.memref_squeeze %dma_start3A_530 : memref<1x128x64xf32, #tpu.memory_space<vmem>> -> memref<128x64xf32, #tpu.memory_space<vmem>>
      %dma_start3A_532 = arith.constant 0 : i32
      %dma_start3A_533 = tpu.memref_slice %arg8[%dma_start3A_526, %dma_start3A_532] : memref<2x128xi32, #tpu.memory_space<vmem>> -> memref<1x128xi32, #tpu.memory_space<vmem>>
      %dma_start3A_534 = tpu.memref_squeeze %dma_start3A_533 : memref<1x128xi32, #tpu.memory_space<vmem>> -> memref<128xi32, #tpu.memory_space<vmem>>
      %dma_start3A_535 = arith.constant 0 : i32
      %dma_start3A_536 = arith.constant 0 : i32
      %dma_start3A_537 = tpu.memref_slice %arg4[%dma_start3A_535, %dma_start3A_536] : memref<50000x64xf32, #tpu.memory_space<hbm>> -> memref<50000x64xf32, #tpu.memory_space<hbm>>
      tpu.enqueue_indirect_dma source(%dma_start3A_537 : memref<50000x64xf32, #tpu.memory_space<hbm>>) target(%dma_start3A_531 : memref<128x64xf32, #tpu.memory_space<vmem>>) offsets(%dma_start3A_534 : memref<128xi32, #tpu.memory_space<vmem>>) semaphore(%arg15 : memref<!tpu.dma_semaphore, #tpu.memory_space<semaphore_mem>>)
      %ge3A_538 = arith.constant 1 : i32
      %ge3A_539 = arith.cmpi sge, %add3A_314, %ge3A_538 : i32
      %convert_element_type3A_540 = arith.extui %ge3A_539 : i1 to i32
      %cond3A_541 = arith.constant 0 : i32
      %cond3A_542 = arith.cmpi ne, %convert_element_type3A_540, %cond3A_541 : i32
      scf.if %cond3A_542 {
        %dma_wait3A_552 = arith.constant 0 : i32
        %dma_wait3A_553 = arith.constant 0 : i32
        %dma_wait3A_554 = arith.constant 0 : i32
        %dma_wait3A_555 = arith.constant 0 : i32
        %dma_wait3A_556 = tpu.memref_slice %arg11[%dma_wait3A_553, %dma_wait3A_554, %dma_wait3A_555] : memref<2x128x64xf32, #tpu.memory_space<vmem>> -> memref<1x128x64xf32, #tpu.memory_space<vmem>>
        %dma_wait3A_557 = tpu.memref_squeeze %dma_wait3A_556 : memref<1x128x64xf32, #tpu.memory_space<vmem>> -> memref<128x64xf32, #tpu.memory_space<vmem>>
        %dma_wait3A_558 = arith.constant 0 : i32
        %dma_wait3A_559 = tpu.memref_slice %arg8[%dma_wait3A_552, %dma_wait3A_558] : memref<2x128xi32, #tpu.memory_space<vmem>> -> memref<1x128xi32, #tpu.memory_space<vmem>>
        %dma_wait3A_560 = tpu.memref_squeeze %dma_wait3A_559 : memref<1x128xi32, #tpu.memory_space<vmem>> -> memref<128xi32, #tpu.memory_space<vmem>>
        %dma_wait3A_561 = arith.constant 0 : i32
        %dma_wait3A_562 = arith.constant 0 : i32
        %dma_wait3A_563 = tpu.memref_slice %arg4[%dma_wait3A_561, %dma_wait3A_562] : memref<50000x64xf32, #tpu.memory_space<hbm>> -> memref<50000x64xf32, #tpu.memory_space<hbm>>
        tpu.wait_indirect_dma semaphore(%arg14 : memref<!tpu.dma_semaphore, #tpu.memory_space<semaphore_mem>>) src(%dma_wait3A_563 : memref<50000x64xf32, #tpu.memory_space<hbm>>) dst(%dma_wait3A_557 : memref<128x64xf32, #tpu.memory_space<vmem>>)
        %dma_start3A_564 = arith.constant 0 : i32
        %dma_start3A_565 = arith.constant 0 : i32
        %dma_start3A_566 = arith.constant 0 : i32
        %dma_start3A_567 = arith.constant 0 : i32
        %dma_start3A_568 = tpu.memref_slice %arg11[%dma_start3A_564, %dma_start3A_566, %dma_start3A_567] : memref<2x128x64xf32, #tpu.memory_space<vmem>> -> memref<1x128x64xf32, #tpu.memory_space<vmem>>
        %dma_start3A_569 = tpu.memref_squeeze %dma_start3A_568 : memref<1x128x64xf32, #tpu.memory_space<vmem>> -> memref<128x64xf32, #tpu.memory_space<vmem>>
        %dma_start3A_570 = arith.constant 0 : i32
        %dma_start3A_571 = tpu.memref_slice %arg10[%dma_start3A_565, %dma_start3A_570] : memref<2x128xi32, #tpu.memory_space<vmem>> -> memref<1x128xi32, #tpu.memory_space<vmem>>
        %dma_start3A_572 = tpu.memref_squeeze %dma_start3A_571 : memref<1x128xi32, #tpu.memory_space<vmem>> -> memref<128xi32, #tpu.memory_space<vmem>>
        %dma_start3A_573 = arith.constant 0 : i32
        %dma_start3A_574 = arith.constant 0 : i32
        %dma_start3A_575 = tpu.memref_slice %arg7[%dma_start3A_573, %dma_start3A_574] : memref<25088x64xf32, #tpu.memory_space<vmem_shared>> -> memref<25088x64xf32, #tpu.memory_space<vmem_shared>>
        tpu.enqueue_indirect_dma source(%dma_start3A_569 : memref<128x64xf32, #tpu.memory_space<vmem>>) target(%dma_start3A_575 : memref<25088x64xf32, #tpu.memory_space<vmem_shared>>) offsets(%dma_start3A_572 : memref<128xi32, #tpu.memory_space<vmem>>) semaphore(%arg16 : memref<!tpu.dma_semaphore, #tpu.memory_space<semaphore_mem>>) {add = true}
      } else {
      }
      %add3A_543 = arith.constant 2 : i32
      %add3A_544 = arith.addi %add3A_314, %add3A_543 : i32
      %sub3A_545 = arith.constant 1 : i32
      %sub3A_546 = arith.subi %add3A_544, %sub3A_545 : i32
      %lt3A_547 = arith.constant 392 : i32
      %lt3A_548 = arith.cmpi slt, %sub3A_546, %lt3A_547 : i32
      %convert_element_type3A_549 = arith.extui %lt3A_548 : i1 to i32
      %cond3A_550 = arith.constant 0 : i32
      %cond3A_551 = arith.cmpi ne, %convert_element_type3A_549, %cond3A_550 : i32
      scf.if %cond3A_551 {
        %add3A_552 = arith.constant 2 : i32
        %add3A_553 = arith.addi %add3A_314, %add3A_552 : i32
        %sub3A_554 = arith.constant 1 : i32
        %sub3A_555 = arith.subi %add3A_553, %sub3A_554 : i32
        %mul3A_556 = arith.constant 128 : i32
        %mul3A_557 = arith.muli %sub3A_555, %mul3A_556 : i32
        %add3A_558 = arith.addi %mul3A_4, %mul3A_557 : i32
        %dma_start3A_559 = arith.constant 0 : i32
        %dma_start3A_560 = arith.constant 0 : i32
        %dma_start3A_561 = tpu.memref_slice %arg8[%dma_start3A_559, %dma_start3A_560] : memref<2x128xi32, #tpu.memory_space<vmem>> -> memref<1x128xi32, #tpu.memory_space<vmem>>
        %dma_start3A_562 = tpu.memref_squeeze %dma_start3A_561 : memref<1x128xi32, #tpu.memory_space<vmem>> -> memref<128xi32, #tpu.memory_space<vmem>>
        %dma_start3A_563 = tpu.memref_slice %arg2[%add3A_558] : memref<802816xi32, #tpu.memory_space<hbm>> -> memref<128xi32, #tpu.memory_space<hbm>>
        %dma_start3A_564 = arith.constant 0 : i32
        %dma_start3A_565 = tpu.memref_slice %arg8[%dma_start3A_559, %dma_start3A_564] : memref<2x128xi32, #tpu.memory_space<vmem>> -> memref<1x128xi32, #tpu.memory_space<vmem>>
        %dma_start3A_566 = tpu.memref_squeeze %dma_start3A_565 : memref<1x128xi32, #tpu.memory_space<vmem>> -> memref<128xi32, #tpu.memory_space<vmem>>
        %dma_start3A_567 = tpu.memref_slice %arg2[%add3A_558] : memref<802816xi32, #tpu.memory_space<hbm>> -> memref<128xi32, #tpu.memory_space<hbm>>
        tpu.enqueue_dma source(%dma_start3A_567 : memref<128xi32, #tpu.memory_space<hbm>>) target(%dma_start3A_566 : memref<128xi32, #tpu.memory_space<vmem>>) target_semaphore(%arg12 : memref<!tpu.dma_semaphore, #tpu.memory_space<semaphore_mem>>)
        %dma_start3A_568 = arith.constant 0 : i32
        %dma_start3A_569 = arith.constant 0 : i32
        %dma_start3A_570 = tpu.memref_slice %arg9[%dma_start3A_568, %dma_start3A_569] : memref<2x128xi32, #tpu.memory_space<vmem>> -> memref<1x128xi32, #tpu.memory_space<vmem>>
        %dma_start3A_571 = tpu.memref_squeeze %dma_start3A_570 : memref<1x128xi32, #tpu.memory_space<vmem>> -> memref<128xi32, #tpu.memory_space<vmem>>
        %dma_start3A_572 = tpu.memref_slice %arg3[%add3A_558] : memref<802816xi32, #tpu.memory_space<hbm>> -> memref<128xi32, #tpu.memory_space<hbm>>
        %dma_start3A_573 = arith.constant 0 : i32
        %dma_start3A_574 = tpu.memref_slice %arg9[%dma_start3A_568, %dma_start3A_573] : memref<2x128xi32, #tpu.memory_space<vmem>> -> memref<1x128xi32, #tpu.memory_space<vmem>>
        %dma_start3A_575 = tpu.memref_squeeze %dma_start3A_574 : memref<1x128xi32, #tpu.memory_space<vmem>> -> memref<128xi32, #tpu.memory_space<vmem>>
        %dma_start3A_576 = tpu.memref_slice %arg3[%add3A_558] : memref<802816xi32, #tpu.memory_space<hbm>> -> memref<128xi32, #tpu.memory_space<hbm>>
        tpu.enqueue_dma source(%dma_start3A_576 : memref<128xi32, #tpu.memory_space<hbm>>) target(%dma_start3A_575 : memref<128xi32, #tpu.memory_space<vmem>>) target_semaphore(%arg12 : memref<!tpu.dma_semaphore, #tpu.memory_space<semaphore_mem>>)
      } else {
      }
    }
    %scan3A_27 = arith.constant 196 : i32
    %dma_wait3A = arith.constant 1 : i32
    %dma_wait3A_28 = arith.constant 1 : i32
    %dma_wait3A_29 = arith.constant 0 : i32
    %dma_wait3A_30 = arith.constant 0 : i32
    %dma_wait3A_31 = tpu.memref_slice %arg11[%dma_wait3A_28, %dma_wait3A_29, %dma_wait3A_30] : memref<2x128x64xf32, #tpu.memory_space<vmem>> -> memref<1x128x64xf32, #tpu.memory_space<vmem>>
    %dma_wait3A_32 = tpu.memref_squeeze %dma_wait3A_31 : memref<1x128x64xf32, #tpu.memory_space<vmem>> -> memref<128x64xf32, #tpu.memory_space<vmem>>
    %dma_wait3A_33 = arith.constant 0 : i32
    %dma_wait3A_34 = tpu.memref_slice %arg8[%dma_wait3A, %dma_wait3A_33] : memref<2x128xi32, #tpu.memory_space<vmem>> -> memref<1x128xi32, #tpu.memory_space<vmem>>
    %dma_wait3A_35 = tpu.memref_squeeze %dma_wait3A_34 : memref<1x128xi32, #tpu.memory_space<vmem>> -> memref<128xi32, #tpu.memory_space<vmem>>
    %dma_wait3A_36 = arith.constant 0 : i32
    %dma_wait3A_37 = arith.constant 0 : i32
    %dma_wait3A_38 = tpu.memref_slice %arg4[%dma_wait3A_36, %dma_wait3A_37] : memref<50000x64xf32, #tpu.memory_space<hbm>> -> memref<50000x64xf32, #tpu.memory_space<hbm>>
    tpu.wait_indirect_dma semaphore(%arg15 : memref<!tpu.dma_semaphore, #tpu.memory_space<semaphore_mem>>) src(%dma_wait3A_38 : memref<50000x64xf32, #tpu.memory_space<hbm>>) dst(%dma_wait3A_32 : memref<128x64xf32, #tpu.memory_space<vmem>>)
    %dma_start3A_39 = arith.constant 1 : i32
    %dma_start3A_40 = arith.constant 1 : i32
    %dma_start3A_41 = arith.constant 0 : i32
    %dma_start3A_42 = arith.constant 0 : i32
    %dma_start3A_43 = tpu.memref_slice %arg11[%dma_start3A_39, %dma_start3A_41, %dma_start3A_42] : memref<2x128x64xf32, #tpu.memory_space<vmem>> -> memref<1x128x64xf32, #tpu.memory_space<vmem>>
    %dma_start3A_44 = tpu.memref_squeeze %dma_start3A_43 : memref<1x128x64xf32, #tpu.memory_space<vmem>> -> memref<128x64xf32, #tpu.memory_space<vmem>>
    %dma_start3A_45 = arith.constant 0 : i32
    %dma_start3A_46 = tpu.memref_slice %arg10[%dma_start3A_40, %dma_start3A_45] : memref<2x128xi32, #tpu.memory_space<vmem>> -> memref<1x128xi32, #tpu.memory_space<vmem>>
    %dma_start3A_47 = tpu.memref_squeeze %dma_start3A_46 : memref<1x128xi32, #tpu.memory_space<vmem>> -> memref<128xi32, #tpu.memory_space<vmem>>
    %dma_start3A_48 = arith.constant 0 : i32
    %dma_start3A_49 = arith.constant 0 : i32
    %dma_start3A_50 = tpu.memref_slice %arg7[%dma_start3A_48, %dma_start3A_49] : memref<25088x64xf32, #tpu.memory_space<vmem_shared>> -> memref<25088x64xf32, #tpu.memory_space<vmem_shared>>
    tpu.enqueue_indirect_dma source(%dma_start3A_44 : memref<128x64xf32, #tpu.memory_space<vmem>>) target(%dma_start3A_50 : memref<25088x64xf32, #tpu.memory_space<vmem_shared>>) offsets(%dma_start3A_47 : memref<128xi32, #tpu.memory_space<vmem>>) semaphore(%arg17 : memref<!tpu.dma_semaphore, #tpu.memory_space<semaphore_mem>>) {add = true}
    %dma_wait3A_51 = arith.constant 0 : i32
    %dma_wait3A_52 = arith.constant 0 : i32
    %dma_wait3A_53 = arith.constant 0 : i32
    %dma_wait3A_54 = arith.constant 0 : i32
    %dma_wait3A_55 = tpu.memref_slice %arg11[%dma_wait3A_51, %dma_wait3A_53, %dma_wait3A_54] : memref<2x128x64xf32, #tpu.memory_space<vmem>> -> memref<1x128x64xf32, #tpu.memory_space<vmem>>
    %dma_wait3A_56 = tpu.memref_squeeze %dma_wait3A_55 : memref<1x128x64xf32, #tpu.memory_space<vmem>> -> memref<128x64xf32, #tpu.memory_space<vmem>>
    %dma_wait3A_57 = arith.constant 0 : i32
    %dma_wait3A_58 = tpu.memref_slice %arg10[%dma_wait3A_52, %dma_wait3A_57] : memref<2x128xi32, #tpu.memory_space<vmem>> -> memref<1x128xi32, #tpu.memory_space<vmem>>
    %dma_wait3A_59 = tpu.memref_squeeze %dma_wait3A_58 : memref<1x128xi32, #tpu.memory_space<vmem>> -> memref<128xi32, #tpu.memory_space<vmem>>
    %dma_wait3A_60 = arith.constant 0 : i32
    %dma_wait3A_61 = arith.constant 0 : i32
    %dma_wait3A_62 = tpu.memref_slice %arg7[%dma_wait3A_60, %dma_wait3A_61] : memref<25088x64xf32, #tpu.memory_space<vmem_shared>> -> memref<25088x64xf32, #tpu.memory_space<vmem_shared>>
    tpu.wait_indirect_dma semaphore(%arg16 : memref<!tpu.dma_semaphore, #tpu.memory_space<semaphore_mem>>) src(%dma_wait3A_56 : memref<128x64xf32, #tpu.memory_space<vmem>>) dst(%dma_wait3A_62 : memref<25088x64xf32, #tpu.memory_space<vmem_shared>>)
    %dma_wait3A_63 = arith.constant 1 : i32
    %dma_wait3A_64 = arith.constant 1 : i32
    %dma_wait3A_65 = arith.constant 0 : i32
    %dma_wait3A_66 = arith.constant 0 : i32
    %dma_wait3A_67 = tpu.memref_slice %arg11[%dma_wait3A_63, %dma_wait3A_65, %dma_wait3A_66] : memref<2x128x64xf32, #tpu.memory_space<vmem>> -> memref<1x128x64xf32, #tpu.memory_space<vmem>>
    %dma_wait3A_68 = tpu.memref_squeeze %dma_wait3A_67 : memref<1x128x64xf32, #tpu.memory_space<vmem>> -> memref<128x64xf32, #tpu.memory_space<vmem>>
    %dma_wait3A_69 = arith.constant 0 : i32
    %dma_wait3A_70 = tpu.memref_slice %arg10[%dma_wait3A_64, %dma_wait3A_69] : memref<2x128xi32, #tpu.memory_space<vmem>> -> memref<1x128xi32, #tpu.memory_space<vmem>>
    %dma_wait3A_71 = tpu.memref_squeeze %dma_wait3A_70 : memref<1x128xi32, #tpu.memory_space<vmem>> -> memref<128xi32, #tpu.memory_space<vmem>>
    %dma_wait3A_72 = arith.constant 0 : i32
    %dma_wait3A_73 = arith.constant 0 : i32
    %dma_wait3A_74 = tpu.memref_slice %arg7[%dma_wait3A_72, %dma_wait3A_73] : memref<25088x64xf32, #tpu.memory_space<vmem_shared>> -> memref<25088x64xf32, #tpu.memory_space<vmem_shared>>
    tpu.wait_indirect_dma semaphore(%arg17 : memref<!tpu.dma_semaphore, #tpu.memory_space<semaphore_mem>>) src(%dma_wait3A_68 : memref<128x64xf32, #tpu.memory_space<vmem>>) dst(%dma_wait3A_74 : memref<25088x64xf32, #tpu.memory_space<vmem_shared>>)
    %barrier3A_75 = arith.constant 0 : index
    tpu.barrier barrier_id(%barrier3A_75)
    %mul3A_76 = arith.constant 1568 : i32
    %mul3A_77 = arith.muli %arg1, %mul3A_76 : i32
    %mul3A_78 = arith.constant 1568 : i32
    %mul3A_79 = arith.muli %arg1, %mul3A_78 : i32
    "tpu.region"() ({
      %run_scoped3A = tpu.sem_alloc : memref<!tpu.dma_semaphore, #tpu.memory_space<semaphore_mem>>
      %dma_start3A_80 = arith.constant 0 : i32
      %dma_start3A_81 = tpu.memref_slice %arg6[%arg0, %mul3A_79, %dma_start3A_80] : memref<2x25088x64xf32, #tpu.memory_space<hbm>> -> memref<1x1568x64xf32, #tpu.memory_space<hbm>>
      %dma_start3A_82 = tpu.memref_squeeze %dma_start3A_81 : memref<1x1568x64xf32, #tpu.memory_space<hbm>> -> memref<1568x64xf32, #tpu.memory_space<hbm>>
      %dma_start3A_83 = arith.constant 0 : i32
      %dma_start3A_84 = tpu.memref_slice %arg7[%mul3A_77, %dma_start3A_83] : memref<25088x64xf32, #tpu.memory_space<vmem_shared>> -> memref<1568x64xf32, #tpu.memory_space<vmem_shared>>
      tpu.enqueue_dma source(%dma_start3A_84 : memref<1568x64xf32, #tpu.memory_space<vmem_shared>>) target(%dma_start3A_82 : memref<1568x64xf32, #tpu.memory_space<hbm>>) target_semaphore(%run_scoped3A : memref<!tpu.dma_semaphore, #tpu.memory_space<semaphore_mem>>)
      %dma_wait3A_85 = arith.constant 0 : i32
      %dma_wait3A_86 = tpu.memref_slice %arg6[%arg0, %mul3A_79, %dma_wait3A_85] : memref<2x25088x64xf32, #tpu.memory_space<hbm>> -> memref<1x1568x64xf32, #tpu.memory_space<hbm>>
      %dma_wait3A_87 = tpu.memref_squeeze %dma_wait3A_86 : memref<1x1568x64xf32, #tpu.memory_space<hbm>> -> memref<1568x64xf32, #tpu.memory_space<hbm>>
      %dma_wait3A_88 = arith.constant 0 : i32
      %dma_wait3A_89 = tpu.memref_slice %arg7[%mul3A_77, %dma_wait3A_88] : memref<25088x64xf32, #tpu.memory_space<vmem_shared>> -> memref<1568x64xf32, #tpu.memory_space<vmem_shared>>
      tpu.wait_dma2 semaphore(%run_scoped3A : memref<!tpu.dma_semaphore, #tpu.memory_space<semaphore_mem>>) src(%dma_wait3A_89 : memref<1568x64xf32, #tpu.memory_space<vmem_shared>>) dst(%dma_wait3A_87 : memref<1568x64xf32, #tpu.memory_space<hbm>>)
      tpu.yield
    }) : () -> ()
    return
  }
}

#map = affine_map<(d0, d1) -> (0)>
#map1 = affine_map<(d0, d1) -> (0, 0)>
#map2 = affine_map<(d0, d1) -> (0, 0, 0)>
module attributes {stable_mosaic.version = 14 : i64} {
  func.func @_agg_body(%arg0: i32, %arg1: i32, %arg2: memref<802816xi32, #tpu.memory_space<hbm>>, %arg3: memref<802816xi32, #tpu.memory_space<hbm>>, %arg4: memref<50000x64xf32, #tpu.memory_space<hbm>>, %arg5: memref<1568x64xf32, #tpu.memory_space<hbm>>, %arg6: memref<2x25088x64xf32, #tpu.memory_space<hbm>>, %arg7: memref<25088x64xf32, #tpu.memory_space<vmem_shared>>, %arg8: memref<2x128xi32, #tpu.memory_space<vmem>>, %arg9: memref<2x128xi32, #tpu.memory_space<vmem>>, %arg10: memref<2x128xi32, #tpu.memory_space<vmem>>, %arg11: memref<2x128x64xf32, #tpu.memory_space<vmem>>, %arg12: memref<!tpu.dma_semaphore, #tpu.memory_space<semaphore_mem>>, %arg13: memref<!tpu.dma_semaphore, #tpu.memory_space<semaphore_mem>>, %arg14: memref<!tpu.dma_semaphore, #tpu.memory_space<semaphore_mem>>, %arg15: memref<!tpu.dma_semaphore, #tpu.memory_space<semaphore_mem>>, %arg16: memref<!tpu.dma_semaphore, #tpu.memory_space<semaphore_mem>>, %arg17: memref<!tpu.dma_semaphore, #tpu.memory_space<semaphore_mem>>) attributes {dimension_semantics = [#tpu.dimension_semantics<core_parallel>, #tpu.dimension_semantics<subcore_parallel>], iteration_bounds = array<i64: 2, 16>, scalar_prefetch = 0 : i64, scratch_operands = 11 : i64, tpu.core_type = #tpu.core_type<sc_vector_subcore>, window_params = [{transform_indices = #map}, {transform_indices = #map}, {transform_indices = #map1}, {transform_indices = #map1}, {transform_indices = #map2}]} {
    %mul3A = arith.constant 1568 : i32
    %mul3A_0 = arith.muli %arg1, %mul3A : i32
    "tpu.region"() ({
      %run_scoped3A = tpu.sem_alloc : memref<!tpu.dma_semaphore, #tpu.memory_space<semaphore_mem>>
      %dma_start3A_80 = arith.constant 0 : i32
      %dma_start3A_81 = tpu.memref_slice %arg7[%mul3A_0, %dma_start3A_80] : memref<25088x64xf32, #tpu.memory_space<vmem_shared>> -> memref<1568x64xf32, #tpu.memory_space<vmem_shared>>
      tpu.enqueue_dma source(%arg5 : memref<1568x64xf32, #tpu.memory_space<hbm>>) target(%dma_start3A_81 : memref<1568x64xf32, #tpu.memory_space<vmem_shared>>) target_semaphore(%run_scoped3A : memref<!tpu.dma_semaphore, #tpu.memory_space<semaphore_mem>>)
      %dma_wait3A_82 = arith.constant 0 : i32
      %dma_wait3A_83 = tpu.memref_slice %arg7[%mul3A_0, %dma_wait3A_82] : memref<25088x64xf32, #tpu.memory_space<vmem_shared>> -> memref<1568x64xf32, #tpu.memory_space<vmem_shared>>
      tpu.wait_dma2 semaphore(%run_scoped3A : memref<!tpu.dma_semaphore, #tpu.memory_space<semaphore_mem>>) src(%arg5 : memref<1568x64xf32, #tpu.memory_space<hbm>>) dst(%dma_wait3A_83 : memref<1568x64xf32, #tpu.memory_space<vmem_shared>>)
      tpu.yield
    }) : () -> ()
    %barrier3A = arith.constant 0 : index
    tpu.barrier barrier_id(%barrier3A)
    %mul3A_1 = arith.constant 25000 : i32
    %mul3A_2 = arith.muli %arg0, %mul3A_1 : i32
    %mul3A_3 = arith.constant 50176 : i32
    %mul3A_4 = arith.muli %arg1, %mul3A_3 : i32
    %add3A = arith.constant 0 : i32
    %add3A_5 = arith.addi %mul3A_4, %add3A : i32
    %dma_start3A = arith.constant 0 : i32
    %dma_start3A_6 = arith.constant 0 : i32
    %dma_start3A_7 = tpu.memref_slice %arg8[%dma_start3A, %dma_start3A_6] : memref<2x128xi32, #tpu.memory_space<vmem>> -> memref<1x128xi32, #tpu.memory_space<vmem>>
    %dma_start3A_8 = tpu.memref_squeeze %dma_start3A_7 : memref<1x128xi32, #tpu.memory_space<vmem>> -> memref<128xi32, #tpu.memory_space<vmem>>
    %dma_start3A_9 = tpu.memref_slice %arg2[%add3A_5] : memref<802816xi32, #tpu.memory_space<hbm>> -> memref<128xi32, #tpu.memory_space<hbm>>
    %dma_start3A_10 = arith.constant 0 : i32
    %dma_start3A_11 = tpu.memref_slice %arg8[%dma_start3A, %dma_start3A_10] : memref<2x128xi32, #tpu.memory_space<vmem>> -> memref<1x128xi32, #tpu.memory_space<vmem>>
    %dma_start3A_12 = tpu.memref_squeeze %dma_start3A_11 : memref<1x128xi32, #tpu.memory_space<vmem>> -> memref<128xi32, #tpu.memory_space<vmem>>
    %dma_start3A_13 = tpu.memref_slice %arg2[%add3A_5] : memref<802816xi32, #tpu.memory_space<hbm>> -> memref<128xi32, #tpu.memory_space<hbm>>
    tpu.enqueue_dma source(%dma_start3A_13 : memref<128xi32, #tpu.memory_space<hbm>>) target(%dma_start3A_12 : memref<128xi32, #tpu.memory_space<vmem>>) target_semaphore(%arg12 : memref<!tpu.dma_semaphore, #tpu.memory_space<semaphore_mem>>)
    %dma_start3A_14 = arith.constant 0 : i32
    %dma_start3A_15 = arith.constant 0 : i32
    %dma_start3A_16 = tpu.memref_slice %arg9[%dma_start3A_14, %dma_start3A_15] : memref<2x128xi32, #tpu.memory_space<vmem>> -> memref<1x128xi32, #tpu.memory_space<vmem>>
    %dma_start3A_17 = tpu.memref_squeeze %dma_start3A_16 : memref<1x128xi32, #tpu.memory_space<vmem>> -> memref<128xi32, #tpu.memory_space<vmem>>
    %dma_start3A_18 = tpu.memref_slice %arg3[%add3A_5] : memref<802816xi32, #tpu.memory_space<hbm>> -> memref<128xi32, #tpu.memory_space<hbm>>
    %dma_start3A_19 = arith.constant 0 : i32
    %dma_start3A_20 = tpu.memref_slice %arg9[%dma_start3A_14, %dma_start3A_19] : memref<2x128xi32, #tpu.memory_space<vmem>> -> memref<1x128xi32, #tpu.memory_space<vmem>>
    %dma_start3A_21 = tpu.memref_squeeze %dma_start3A_20 : memref<1x128xi32, #tpu.memory_space<vmem>> -> memref<128xi32, #tpu.memory_space<vmem>>
    %dma_start3A_22 = tpu.memref_slice %arg3[%add3A_5] : memref<802816xi32, #tpu.memory_space<hbm>> -> memref<128xi32, #tpu.memory_space<hbm>>
    tpu.enqueue_dma source(%dma_start3A_22 : memref<128xi32, #tpu.memory_space<hbm>>) target(%dma_start3A_21 : memref<128xi32, #tpu.memory_space<vmem>>) target_semaphore(%arg12 : memref<!tpu.dma_semaphore, #tpu.memory_space<semaphore_mem>>)
    %scan3A = arith.constant 0 : i32
    %scan3A_23 = arith.constant 0 : i32
    %scan3A_24 = arith.constant 196 : i32
    %scan3A_25 = arith.addi %scan3A_23, %scan3A_24 : i32
    %scan3A_26 = arith.constant 1 : i32
    scf.for %scan3A_80 = %scan3A_23 to %scan3A_25 step %scan3A_26  : i32 {
      %mul3A_81 = arith.constant 2 : i32
      %mul3A_82 = arith.muli %scan3A_80, %mul3A_81 : i32
      %add3A_83 = arith.constant 0 : i32
      %add3A_84 = arith.addi %mul3A_82, %add3A_83 : i32
      %ge3A = arith.constant 2 : i32
      %ge3A_85 = arith.cmpi sge, %add3A_84, %ge3A : i32
      %convert_element_type3A = arith.extui %ge3A_85 : i1 to i32
      %cond3A = arith.constant 0 : i32
      %cond3A_86 = arith.cmpi ne, %convert_element_type3A, %cond3A : i32
      scf.if %cond3A_86 {
        %dma_wait3A_552 = arith.constant 0 : i32
        %dma_wait3A_553 = arith.constant 0 : i32
        %dma_wait3A_554 = arith.constant 0 : i32
        %dma_wait3A_555 = arith.constant 0 : i32
        %dma_wait3A_556 = tpu.memref_slice %arg11[%dma_wait3A_552, %dma_wait3A_554, %dma_wait3A_555] : memref<2x128x64xf32, #tpu.memory_space<vmem>> -> memref<1x128x64xf32, #tpu.memory_space<vmem>>
        %dma_wait3A_557 = tpu.memref_squeeze %dma_wait3A_556 : memref<1x128x64xf32, #tpu.memory_space<vmem>> -> memref<128x64xf32, #tpu.memory_space<vmem>>
        %dma_wait3A_558 = arith.constant 0 : i32
        %dma_wait3A_559 = tpu.memref_slice %arg10[%dma_wait3A_553, %dma_wait3A_558] : memref<2x128xi32, #tpu.memory_space<vmem>> -> memref<1x128xi32, #tpu.memory_space<vmem>>
        %dma_wait3A_560 = tpu.memref_squeeze %dma_wait3A_559 : memref<1x128xi32, #tpu.memory_space<vmem>> -> memref<128xi32, #tpu.memory_space<vmem>>
        %dma_wait3A_561 = arith.constant 0 : i32
        %dma_wait3A_562 = arith.constant 0 : i32
        %dma_wait3A_563 = tpu.memref_slice %arg7[%dma_wait3A_561, %dma_wait3A_562] : memref<25088x64xf32, #tpu.memory_space<vmem_shared>> -> memref<25088x64xf32, #tpu.memory_space<vmem_shared>>
        tpu.wait_indirect_dma semaphore(%arg16 : memref<!tpu.dma_semaphore, #tpu.memory_space<semaphore_mem>>) src(%dma_wait3A_557 : memref<128x64xf32, #tpu.memory_space<vmem>>) dst(%dma_wait3A_563 : memref<25088x64xf32, #tpu.memory_space<vmem_shared>>)
      } else {
      }
      %dma_wait3A_87 = arith.constant 0 : i32
      %dma_wait3A_88 = arith.constant 0 : i32
      %dma_wait3A_89 = tpu.memref_slice %arg8[%dma_wait3A_87, %dma_wait3A_88] : memref<2x128xi32, #tpu.memory_space<vmem>> -> memref<1x128xi32, #tpu.memory_space<vmem>>
      %dma_wait3A_90 = tpu.memref_squeeze %dma_wait3A_89 : memref<1x128xi32, #tpu.memory_space<vmem>> -> memref<128xi32, #tpu.memory_space<vmem>>
      %dma_wait3A_91 = arith.constant 0 : i32
      %dma_wait3A_92 = tpu.memref_slice %arg2[%dma_wait3A_91] : memref<802816xi32, #tpu.memory_space<hbm>> -> memref<128xi32, #tpu.memory_space<hbm>>
      %dma_wait3A_93 = arith.constant 0 : i32
      %dma_wait3A_94 = tpu.memref_slice %arg8[%dma_wait3A_87, %dma_wait3A_93] : memref<2x128xi32, #tpu.memory_space<vmem>> -> memref<1x128xi32, #tpu.memory_space<vmem>>
      %dma_wait3A_95 = tpu.memref_squeeze %dma_wait3A_94 : memref<1x128xi32, #tpu.memory_space<vmem>> -> memref<128xi32, #tpu.memory_space<vmem>>
      %dma_wait3A_96 = arith.constant 0 : i32
      %dma_wait3A_97 = tpu.memref_slice %arg2[%dma_wait3A_96] : memref<802816xi32, #tpu.memory_space<hbm>> -> memref<128xi32, #tpu.memory_space<hbm>>
      tpu.wait_dma2 semaphore(%arg12 : memref<!tpu.dma_semaphore, #tpu.memory_space<semaphore_mem>>) src(%dma_wait3A_97 : memref<128xi32, #tpu.memory_space<hbm>>) dst(%dma_wait3A_95 : memref<128xi32, #tpu.memory_space<vmem>>)
      %dma_wait3A_98 = arith.constant 0 : i32
      %dma_wait3A_99 = arith.constant 0 : i32
      %dma_wait3A_100 = tpu.memref_slice %arg9[%dma_wait3A_98, %dma_wait3A_99] : memref<2x128xi32, #tpu.memory_space<vmem>> -> memref<1x128xi32, #tpu.memory_space<vmem>>
      %dma_wait3A_101 = tpu.memref_squeeze %dma_wait3A_100 : memref<1x128xi32, #tpu.memory_space<vmem>> -> memref<128xi32, #tpu.memory_space<vmem>>
      %dma_wait3A_102 = arith.constant 0 : i32
      %dma_wait3A_103 = tpu.memref_slice %arg3[%dma_wait3A_102] : memref<802816xi32, #tpu.memory_space<hbm>> -> memref<128xi32, #tpu.memory_space<hbm>>
      %dma_wait3A_104 = arith.constant 0 : i32
      %dma_wait3A_105 = tpu.memref_slice %arg9[%dma_wait3A_98, %dma_wait3A_104] : memref<2x128xi32, #tpu.memory_space<vmem>> -> memref<1x128xi32, #tpu.memory_space<vmem>>
      %dma_wait3A_106 = tpu.memref_squeeze %dma_wait3A_105 : memref<1x128xi32, #tpu.memory_space<vmem>> -> memref<128xi32, #tpu.memory_space<vmem>>
      %dma_wait3A_107 = arith.constant 0 : i32
      %dma_wait3A_108 = tpu.memref_slice %arg3[%dma_wait3A_107] : memref<802816xi32, #tpu.memory_space<hbm>> -> memref<128xi32, #tpu.memory_space<hbm>>
      tpu.wait_dma2 semaphore(%arg12 : memref<!tpu.dma_semaphore, #tpu.memory_space<semaphore_mem>>) src(%dma_wait3A_108 : memref<128xi32, #tpu.memory_space<hbm>>) dst(%dma_wait3A_106 : memref<128xi32, #tpu.memory_space<vmem>>)
      %get3A = arith.constant 0 : i32
      %get3A_109 = arith.index_cast %get3A : i32 to index
      %get3A_110 = arith.constant 0 : index
      %get3A_111 = tpu.vector_load %arg9[%get3A_109, %get3A_110] {strides = array<i32>} : memref<2x128xi32, #tpu.memory_space<vmem>>, vector<1x16xi32>,
      %get3A_112 = vector.shape_cast %get3A_111 : vector<1x16xi32> to vector<16xi32>
      %sub3A = vector.broadcast %mul3A_2 : i32 to vector<16xi32>
      %sub3A_113 = arith.subi %get3A_112, %sub3A : vector<16xi32>
      %ge3A_114 = arith.constant 0 : i32
      %ge3A_115 = vector.broadcast %ge3A_114 : i32 to vector<16xi32>
      %ge3A_116 = arith.cmpi sge, %sub3A_113, %ge3A_115 : vector<16xi32>
      %lt3A = arith.constant 25000 : i32
      %lt3A_117 = vector.broadcast %lt3A : i32 to vector<16xi32>
      %lt3A_118 = arith.cmpi slt, %sub3A_113, %lt3A_117 : vector<16xi32>
      %and3A = arith.andi %ge3A_116, %lt3A_118 : vector<16xi1>
      %jit3A = arith.constant 25000 : i32
      %broadcast_in_dim3A = vector.broadcast %jit3A : i32 to vector<16xi32>
      %select_n3A = arith.select %and3A, %sub3A_113, %broadcast_in_dim3A : vector<16xi1>, vector<16xi32>
      %swap3A = arith.constant 0 : i32
      %swap3A_119 = arith.index_cast %swap3A : i32 to index
      %swap3A_120 = arith.constant 0 : index
      %swap3A_121 = tpu.vector_load %arg10[%swap3A_119, %swap3A_120] {strides = array<i32>} : memref<2x128xi32, #tpu.memory_space<vmem>>, vector<1x16xi32>,
      %swap3A_122 = vector.shape_cast %swap3A_121 : vector<1x16xi32> to vector<16xi32>
      %swap3A_123 = vector.shape_cast %select_n3A : vector<16xi32> to vector<1x16xi32>
      tpu.vector_store %arg10[%swap3A_119, %swap3A_120], %swap3A_123 {strides = array<i32>} : memref<2x128xi32, #tpu.memory_space<vmem>>, vector<1x16xi32>,
      %get3A_124 = arith.constant 0 : i32
      %get3A_125 = arith.index_cast %get3A_124 : i32 to index
      %get3A_126 = arith.constant 16 : index
      %get3A_127 = tpu.vector_load %arg9[%get3A_125, %get3A_126] {strides = array<i32>} : memref<2x128xi32, #tpu.memory_space<vmem>>, vector<1x16xi32>,
      %get3A_128 = vector.shape_cast %get3A_127 : vector<1x16xi32> to vector<16xi32>
      %sub3A_129 = vector.broadcast %mul3A_2 : i32 to vector<16xi32>
      %sub3A_130 = arith.subi %get3A_128, %sub3A_129 : vector<16xi32>
      %ge3A_131 = arith.constant 0 : i32
      %ge3A_132 = vector.broadcast %ge3A_131 : i32 to vector<16xi32>
      %ge3A_133 = arith.cmpi sge, %sub3A_130, %ge3A_132 : vector<16xi32>
      %lt3A_134 = arith.constant 25000 : i32
      %lt3A_135 = vector.broadcast %lt3A_134 : i32 to vector<16xi32>
      %lt3A_136 = arith.cmpi slt, %sub3A_130, %lt3A_135 : vector<16xi32>
      %and3A_137 = arith.andi %ge3A_133, %lt3A_136 : vector<16xi1>
      %jit3A_138 = arith.constant 25000 : i32
      %broadcast_in_dim3A_139 = vector.broadcast %jit3A_138 : i32 to vector<16xi32>
      %select_n3A_140 = arith.select %and3A_137, %sub3A_130, %broadcast_in_dim3A_139 : vector<16xi1>, vector<16xi32>
      %swap3A_141 = arith.constant 0 : i32
      %swap3A_142 = arith.index_cast %swap3A_141 : i32 to index
      %swap3A_143 = arith.constant 16 : index
      %swap3A_144 = tpu.vector_load %arg10[%swap3A_142, %swap3A_143] {strides = array<i32>} : memref<2x128xi32, #tpu.memory_space<vmem>>, vector<1x16xi32>,
      %swap3A_145 = vector.shape_cast %swap3A_144 : vector<1x16xi32> to vector<16xi32>
      %swap3A_146 = vector.shape_cast %select_n3A_140 : vector<16xi32> to vector<1x16xi32>
      tpu.vector_store %arg10[%swap3A_142, %swap3A_143], %swap3A_146 {strides = array<i32>} : memref<2x128xi32, #tpu.memory_space<vmem>>, vector<1x16xi32>,
      %get3A_147 = arith.constant 0 : i32
      %get3A_148 = arith.index_cast %get3A_147 : i32 to index
      %get3A_149 = arith.constant 32 : index
      %get3A_150 = tpu.vector_load %arg9[%get3A_148, %get3A_149] {strides = array<i32>} : memref<2x128xi32, #tpu.memory_space<vmem>>, vector<1x16xi32>,
      %get3A_151 = vector.shape_cast %get3A_150 : vector<1x16xi32> to vector<16xi32>
      %sub3A_152 = vector.broadcast %mul3A_2 : i32 to vector<16xi32>
      %sub3A_153 = arith.subi %get3A_151, %sub3A_152 : vector<16xi32>
      %ge3A_154 = arith.constant 0 : i32
      %ge3A_155 = vector.broadcast %ge3A_154 : i32 to vector<16xi32>
      %ge3A_156 = arith.cmpi sge, %sub3A_153, %ge3A_155 : vector<16xi32>
      %lt3A_157 = arith.constant 25000 : i32
      %lt3A_158 = vector.broadcast %lt3A_157 : i32 to vector<16xi32>
      %lt3A_159 = arith.cmpi slt, %sub3A_153, %lt3A_158 : vector<16xi32>
      %and3A_160 = arith.andi %ge3A_156, %lt3A_159 : vector<16xi1>
      %jit3A_161 = arith.constant 25000 : i32
      %broadcast_in_dim3A_162 = vector.broadcast %jit3A_161 : i32 to vector<16xi32>
      %select_n3A_163 = arith.select %and3A_160, %sub3A_153, %broadcast_in_dim3A_162 : vector<16xi1>, vector<16xi32>
      %swap3A_164 = arith.constant 0 : i32
      %swap3A_165 = arith.index_cast %swap3A_164 : i32 to index
      %swap3A_166 = arith.constant 32 : index
      %swap3A_167 = tpu.vector_load %arg10[%swap3A_165, %swap3A_166] {strides = array<i32>} : memref<2x128xi32, #tpu.memory_space<vmem>>, vector<1x16xi32>,
      %swap3A_168 = vector.shape_cast %swap3A_167 : vector<1x16xi32> to vector<16xi32>
      %swap3A_169 = vector.shape_cast %select_n3A_163 : vector<16xi32> to vector<1x16xi32>
      tpu.vector_store %arg10[%swap3A_165, %swap3A_166], %swap3A_169 {strides = array<i32>} : memref<2x128xi32, #tpu.memory_space<vmem>>, vector<1x16xi32>,
      %get3A_170 = arith.constant 0 : i32
      %get3A_171 = arith.index_cast %get3A_170 : i32 to index
      %get3A_172 = arith.constant 48 : index
      %get3A_173 = tpu.vector_load %arg9[%get3A_171, %get3A_172] {strides = array<i32>} : memref<2x128xi32, #tpu.memory_space<vmem>>, vector<1x16xi32>,
      %get3A_174 = vector.shape_cast %get3A_173 : vector<1x16xi32> to vector<16xi32>
      %sub3A_175 = vector.broadcast %mul3A_2 : i32 to vector<16xi32>
      %sub3A_176 = arith.subi %get3A_174, %sub3A_175 : vector<16xi32>
      %ge3A_177 = arith.constant 0 : i32
      %ge3A_178 = vector.broadcast %ge3A_177 : i32 to vector<16xi32>
      %ge3A_179 = arith.cmpi sge, %sub3A_176, %ge3A_178 : vector<16xi32>
      %lt3A_180 = arith.constant 25000 : i32
      %lt3A_181 = vector.broadcast %lt3A_180 : i32 to vector<16xi32>
      %lt3A_182 = arith.cmpi slt, %sub3A_176, %lt3A_181 : vector<16xi32>
      %and3A_183 = arith.andi %ge3A_179, %lt3A_182 : vector<16xi1>
      %jit3A_184 = arith.constant 25000 : i32
      %broadcast_in_dim3A_185 = vector.broadcast %jit3A_184 : i32 to vector<16xi32>
      %select_n3A_186 = arith.select %and3A_183, %sub3A_176, %broadcast_in_dim3A_185 : vector<16xi1>, vector<16xi32>
      %swap3A_187 = arith.constant 0 : i32
      %swap3A_188 = arith.index_cast %swap3A_187 : i32 to index
      %swap3A_189 = arith.constant 48 : index
      %swap3A_190 = tpu.vector_load %arg10[%swap3A_188, %swap3A_189] {strides = array<i32>} : memref<2x128xi32, #tpu.memory_space<vmem>>, vector<1x16xi32>,
      %swap3A_191 = vector.shape_cast %swap3A_190 : vector<1x16xi32> to vector<16xi32>
      %swap3A_192 = vector.shape_cast %select_n3A_186 : vector<16xi32> to vector<1x16xi32>
      tpu.vector_store %arg10[%swap3A_188, %swap3A_189], %swap3A_192 {strides = array<i32>} : memref<2x128xi32, #tpu.memory_space<vmem>>, vector<1x16xi32>,
      %get3A_193 = arith.constant 0 : i32
      %get3A_194 = arith.index_cast %get3A_193 : i32 to index
      %get3A_195 = arith.constant 64 : index
      %get3A_196 = tpu.vector_load %arg9[%get3A_194, %get3A_195] {strides = array<i32>} : memref<2x128xi32, #tpu.memory_space<vmem>>, vector<1x16xi32>,
      %get3A_197 = vector.shape_cast %get3A_196 : vector<1x16xi32> to vector<16xi32>
      %sub3A_198 = vector.broadcast %mul3A_2 : i32 to vector<16xi32>
      %sub3A_199 = arith.subi %get3A_197, %sub3A_198 : vector<16xi32>
      %ge3A_200 = arith.constant 0 : i32
      %ge3A_201 = vector.broadcast %ge3A_200 : i32 to vector<16xi32>
      %ge3A_202 = arith.cmpi sge, %sub3A_199, %ge3A_201 : vector<16xi32>
      %lt3A_203 = arith.constant 25000 : i32
      %lt3A_204 = vector.broadcast %lt3A_203 : i32 to vector<16xi32>
      %lt3A_205 = arith.cmpi slt, %sub3A_199, %lt3A_204 : vector<16xi32>
      %and3A_206 = arith.andi %ge3A_202, %lt3A_205 : vector<16xi1>
      %jit3A_207 = arith.constant 25000 : i32
      %broadcast_in_dim3A_208 = vector.broadcast %jit3A_207 : i32 to vector<16xi32>
      %select_n3A_209 = arith.select %and3A_206, %sub3A_199, %broadcast_in_dim3A_208 : vector<16xi1>, vector<16xi32>
      %swap3A_210 = arith.constant 0 : i32
      %swap3A_211 = arith.index_cast %swap3A_210 : i32 to index
      %swap3A_212 = arith.constant 64 : index
      %swap3A_213 = tpu.vector_load %arg10[%swap3A_211, %swap3A_212] {strides = array<i32>} : memref<2x128xi32, #tpu.memory_space<vmem>>, vector<1x16xi32>,
      %swap3A_214 = vector.shape_cast %swap3A_213 : vector<1x16xi32> to vector<16xi32>
      %swap3A_215 = vector.shape_cast %select_n3A_209 : vector<16xi32> to vector<1x16xi32>
      tpu.vector_store %arg10[%swap3A_211, %swap3A_212], %swap3A_215 {strides = array<i32>} : memref<2x128xi32, #tpu.memory_space<vmem>>, vector<1x16xi32>,
      %get3A_216 = arith.constant 0 : i32
      %get3A_217 = arith.index_cast %get3A_216 : i32 to index
      %get3A_218 = arith.constant 80 : index
      %get3A_219 = tpu.vector_load %arg9[%get3A_217, %get3A_218] {strides = array<i32>} : memref<2x128xi32, #tpu.memory_space<vmem>>, vector<1x16xi32>,
      %get3A_220 = vector.shape_cast %get3A_219 : vector<1x16xi32> to vector<16xi32>
      %sub3A_221 = vector.broadcast %mul3A_2 : i32 to vector<16xi32>
      %sub3A_222 = arith.subi %get3A_220, %sub3A_221 : vector<16xi32>
      %ge3A_223 = arith.constant 0 : i32
      %ge3A_224 = vector.broadcast %ge3A_223 : i32 to vector<16xi32>
      %ge3A_225 = arith.cmpi sge, %sub3A_222, %ge3A_224 : vector<16xi32>
      %lt3A_226 = arith.constant 25000 : i32
      %lt3A_227 = vector.broadcast %lt3A_226 : i32 to vector<16xi32>
      %lt3A_228 = arith.cmpi slt, %sub3A_222, %lt3A_227 : vector<16xi32>
      %and3A_229 = arith.andi %ge3A_225, %lt3A_228 : vector<16xi1>
      %jit3A_230 = arith.constant 25000 : i32
      %broadcast_in_dim3A_231 = vector.broadcast %jit3A_230 : i32 to vector<16xi32>
      %select_n3A_232 = arith.select %and3A_229, %sub3A_222, %broadcast_in_dim3A_231 : vector<16xi1>, vector<16xi32>
      %swap3A_233 = arith.constant 0 : i32
      %swap3A_234 = arith.index_cast %swap3A_233 : i32 to index
      %swap3A_235 = arith.constant 80 : index
      %swap3A_236 = tpu.vector_load %arg10[%swap3A_234, %swap3A_235] {strides = array<i32>} : memref<2x128xi32, #tpu.memory_space<vmem>>, vector<1x16xi32>,
      %swap3A_237 = vector.shape_cast %swap3A_236 : vector<1x16xi32> to vector<16xi32>
      %swap3A_238 = vector.shape_cast %select_n3A_232 : vector<16xi32> to vector<1x16xi32>
      tpu.vector_store %arg10[%swap3A_234, %swap3A_235], %swap3A_238 {strides = array<i32>} : memref<2x128xi32, #tpu.memory_space<vmem>>, vector<1x16xi32>,
      %get3A_239 = arith.constant 0 : i32
      %get3A_240 = arith.index_cast %get3A_239 : i32 to index
      %get3A_241 = arith.constant 96 : index
      %get3A_242 = tpu.vector_load %arg9[%get3A_240, %get3A_241] {strides = array<i32>} : memref<2x128xi32, #tpu.memory_space<vmem>>, vector<1x16xi32>,
      %get3A_243 = vector.shape_cast %get3A_242 : vector<1x16xi32> to vector<16xi32>
      %sub3A_244 = vector.broadcast %mul3A_2 : i32 to vector<16xi32>
      %sub3A_245 = arith.subi %get3A_243, %sub3A_244 : vector<16xi32>
      %ge3A_246 = arith.constant 0 : i32
      %ge3A_247 = vector.broadcast %ge3A_246 : i32 to vector<16xi32>
      %ge3A_248 = arith.cmpi sge, %sub3A_245, %ge3A_247 : vector<16xi32>
      %lt3A_249 = arith.constant 25000 : i32
      %lt3A_250 = vector.broadcast %lt3A_249 : i32 to vector<16xi32>
      %lt3A_251 = arith.cmpi slt, %sub3A_245, %lt3A_250 : vector<16xi32>
      %and3A_252 = arith.andi %ge3A_248, %lt3A_251 : vector<16xi1>
      %jit3A_253 = arith.constant 25000 : i32
      %broadcast_in_dim3A_254 = vector.broadcast %jit3A_253 : i32 to vector<16xi32>
      %select_n3A_255 = arith.select %and3A_252, %sub3A_245, %broadcast_in_dim3A_254 : vector<16xi1>, vector<16xi32>
      %swap3A_256 = arith.constant 0 : i32
      %swap3A_257 = arith.index_cast %swap3A_256 : i32 to index
      %swap3A_258 = arith.constant 96 : index
      %swap3A_259 = tpu.vector_load %arg10[%swap3A_257, %swap3A_258] {strides = array<i32>} : memref<2x128xi32, #tpu.memory_space<vmem>>, vector<1x16xi32>,
      %swap3A_260 = vector.shape_cast %swap3A_259 : vector<1x16xi32> to vector<16xi32>
      %swap3A_261 = vector.shape_cast %select_n3A_255 : vector<16xi32> to vector<1x16xi32>
      tpu.vector_store %arg10[%swap3A_257, %swap3A_258], %swap3A_261 {strides = array<i32>} : memref<2x128xi32, #tpu.memory_space<vmem>>, vector<1x16xi32>,
      %get3A_262 = arith.constant 0 : i32
      %get3A_263 = arith.index_cast %get3A_262 : i32 to index
      %get3A_264 = arith.constant 112 : index
      %get3A_265 = tpu.vector_load %arg9[%get3A_263, %get3A_264] {strides = array<i32>} : memref<2x128xi32, #tpu.memory_space<vmem>>, vector<1x16xi32>,
      %get3A_266 = vector.shape_cast %get3A_265 : vector<1x16xi32> to vector<16xi32>
      %sub3A_267 = vector.broadcast %mul3A_2 : i32 to vector<16xi32>
      %sub3A_268 = arith.subi %get3A_266, %sub3A_267 : vector<16xi32>
      %ge3A_269 = arith.constant 0 : i32
      %ge3A_270 = vector.broadcast %ge3A_269 : i32 to vector<16xi32>
      %ge3A_271 = arith.cmpi sge, %sub3A_268, %ge3A_270 : vector<16xi32>
      %lt3A_272 = arith.constant 25000 : i32
      %lt3A_273 = vector.broadcast %lt3A_272 : i32 to vector<16xi32>
      %lt3A_274 = arith.cmpi slt, %sub3A_268, %lt3A_273 : vector<16xi32>
      %and3A_275 = arith.andi %ge3A_271, %lt3A_274 : vector<16xi1>
      %jit3A_276 = arith.constant 25000 : i32
      %broadcast_in_dim3A_277 = vector.broadcast %jit3A_276 : i32 to vector<16xi32>
      %select_n3A_278 = arith.select %and3A_275, %sub3A_268, %broadcast_in_dim3A_277 : vector<16xi1>, vector<16xi32>
      %swap3A_279 = arith.constant 0 : i32
      %swap3A_280 = arith.index_cast %swap3A_279 : i32 to index
      %swap3A_281 = arith.constant 112 : index
      %swap3A_282 = tpu.vector_load %arg10[%swap3A_280, %swap3A_281] {strides = array<i32>} : memref<2x128xi32, #tpu.memory_space<vmem>>, vector<1x16xi32>,
      %swap3A_283 = vector.shape_cast %swap3A_282 : vector<1x16xi32> to vector<16xi32>
      %swap3A_284 = vector.shape_cast %select_n3A_278 : vector<16xi32> to vector<1x16xi32>
      tpu.vector_store %arg10[%swap3A_280, %swap3A_281], %swap3A_284 {strides = array<i32>} : memref<2x128xi32, #tpu.memory_space<vmem>>, vector<1x16xi32>,
      %dma_start3A_285 = arith.constant 0 : i32
      %dma_start3A_286 = arith.constant 0 : i32
      %dma_start3A_287 = arith.constant 0 : i32
      %dma_start3A_288 = arith.constant 0 : i32
      %dma_start3A_289 = tpu.memref_slice %arg11[%dma_start3A_286, %dma_start3A_287, %dma_start3A_288] : memref<2x128x64xf32, #tpu.memory_space<vmem>> -> memref<1x128x64xf32, #tpu.memory_space<vmem>>
      %dma_start3A_290 = tpu.memref_squeeze %dma_start3A_289 : memref<1x128x64xf32, #tpu.memory_space<vmem>> -> memref<128x64xf32, #tpu.memory_space<vmem>>
      %dma_start3A_291 = arith.constant 0 : i32
      %dma_start3A_292 = tpu.memref_slice %arg8[%dma_start3A_285, %dma_start3A_291] : memref<2x128xi32, #tpu.memory_space<vmem>> -> memref<1x128xi32, #tpu.memory_space<vmem>>
      %dma_start3A_293 = tpu.memref_squeeze %dma_start3A_292 : memref<1x128xi32, #tpu.memory_space<vmem>> -> memref<128xi32, #tpu.memory_space<vmem>>
      %dma_start3A_294 = arith.constant 0 : i32
      %dma_start3A_295 = arith.constant 0 : i32
      %dma_start3A_296 = tpu.memref_slice %arg4[%dma_start3A_294, %dma_start3A_295] : memref<50000x64xf32, #tpu.memory_space<hbm>> -> memref<50000x64xf32, #tpu.memory_space<hbm>>
      tpu.enqueue_indirect_dma source(%dma_start3A_296 : memref<50000x64xf32, #tpu.memory_space<hbm>>) target(%dma_start3A_290 : memref<128x64xf32, #tpu.memory_space<vmem>>) offsets(%dma_start3A_293 : memref<128xi32, #tpu.memory_space<vmem>>) semaphore(%arg14 : memref<!tpu.dma_semaphore, #tpu.memory_space<semaphore_mem>>)
      %ge3A_297 = arith.constant 1 : i32
      %ge3A_298 = arith.cmpi sge, %add3A_84, %ge3A_297 : i32
      %convert_element_type3A_299 = arith.extui %ge3A_298 : i1 to i32
      %cond3A_300 = arith.constant 0 : i32
      %cond3A_301 = arith.cmpi ne, %convert_element_type3A_299, %cond3A_300 : i32
      scf.if %cond3A_301 {
        %dma_wait3A_552 = arith.constant 1 : i32
        %dma_wait3A_553 = arith.constant 1 : i32
        %dma_wait3A_554 = arith.constant 0 : i32
        %dma_wait3A_555 = arith.constant 0 : i32
        %dma_wait3A_556 = tpu.memref_slice %arg11[%dma_wait3A_553, %dma_wait3A_554, %dma_wait3A_555] : memref<2x128x64xf32, #tpu.memory_space<vmem>> -> memref<1x128x64xf32, #tpu.memory_space<vmem>>
        %dma_wait3A_557 = tpu.memref_squeeze %dma_wait3A_556 : memref<1x128x64xf32, #tpu.memory_space<vmem>> -> memref<128x64xf32, #tpu.memory_space<vmem>>
        %dma_wait3A_558 = arith.constant 0 : i32
        %dma_wait3A_559 = tpu.memref_slice %arg8[%dma_wait3A_552, %dma_wait3A_558] : memref<2x128xi32, #tpu.memory_space<vmem>> -> memref<1x128xi32, #tpu.memory_space<vmem>>
        %dma_wait3A_560 = tpu.memref_squeeze %dma_wait3A_559 : memref<1x128xi32, #tpu.memory_space<vmem>> -> memref<128xi32, #tpu.memory_space<vmem>>
        %dma_wait3A_561 = arith.constant 0 : i32
        %dma_wait3A_562 = arith.constant 0 : i32
        %dma_wait3A_563 = tpu.memref_slice %arg4[%dma_wait3A_561, %dma_wait3A_562] : memref<50000x64xf32, #tpu.memory_space<hbm>> -> memref<50000x64xf32, #tpu.memory_space<hbm>>
        tpu.wait_indirect_dma semaphore(%arg15 : memref<!tpu.dma_semaphore, #tpu.memory_space<semaphore_mem>>) src(%dma_wait3A_563 : memref<50000x64xf32, #tpu.memory_space<hbm>>) dst(%dma_wait3A_557 : memref<128x64xf32, #tpu.memory_space<vmem>>)
        %dma_start3A_564 = arith.constant 1 : i32
        %dma_start3A_565 = arith.constant 1 : i32
        %dma_start3A_566 = arith.constant 0 : i32
        %dma_start3A_567 = arith.constant 0 : i32
        %dma_start3A_568 = tpu.memref_slice %arg11[%dma_start3A_564, %dma_start3A_566, %dma_start3A_567] : memref<2x128x64xf32, #tpu.memory_space<vmem>> -> memref<1x128x64xf32, #tpu.memory_space<vmem>>
        %dma_start3A_569 = tpu.memref_squeeze %dma_start3A_568 : memref<1x128x64xf32, #tpu.memory_space<vmem>> -> memref<128x64xf32, #tpu.memory_space<vmem>>
        %dma_start3A_570 = arith.constant 0 : i32
        %dma_start3A_571 = tpu.memref_slice %arg10[%dma_start3A_565, %dma_start3A_570] : memref<2x128xi32, #tpu.memory_space<vmem>> -> memref<1x128xi32, #tpu.memory_space<vmem>>
        %dma_start3A_572 = tpu.memref_squeeze %dma_start3A_571 : memref<1x128xi32, #tpu.memory_space<vmem>> -> memref<128xi32, #tpu.memory_space<vmem>>
        %dma_start3A_573 = arith.constant 0 : i32
        %dma_start3A_574 = arith.constant 0 : i32
        %dma_start3A_575 = tpu.memref_slice %arg7[%dma_start3A_573, %dma_start3A_574] : memref<25088x64xf32, #tpu.memory_space<vmem_shared>> -> memref<25088x64xf32, #tpu.memory_space<vmem_shared>>
        tpu.enqueue_indirect_dma source(%dma_start3A_569 : memref<128x64xf32, #tpu.memory_space<vmem>>) target(%dma_start3A_575 : memref<25088x64xf32, #tpu.memory_space<vmem_shared>>) offsets(%dma_start3A_572 : memref<128xi32, #tpu.memory_space<vmem>>) semaphore(%arg17 : memref<!tpu.dma_semaphore, #tpu.memory_space<semaphore_mem>>) {add = true}
      } else {
      }
      %add3A_302 = arith.constant 2 : i32
      %add3A_303 = arith.addi %add3A_84, %add3A_302 : i32
      %sub3A_304 = arith.constant 1 : i32
      %sub3A_305 = arith.subi %add3A_303, %sub3A_304 : i32
      %lt3A_306 = arith.constant 392 : i32
      %lt3A_307 = arith.cmpi slt, %sub3A_305, %lt3A_306 : i32
      %convert_element_type3A_308 = arith.extui %lt3A_307 : i1 to i32
      %cond3A_309 = arith.constant 0 : i32
      %cond3A_310 = arith.cmpi ne, %convert_element_type3A_308, %cond3A_309 : i32
      scf.if %cond3A_310 {
        %add3A_552 = arith.constant 2 : i32
        %add3A_553 = arith.addi %add3A_84, %add3A_552 : i32
        %sub3A_554 = arith.constant 1 : i32
        %sub3A_555 = arith.subi %add3A_553, %sub3A_554 : i32
        %mul3A_556 = arith.constant 128 : i32
        %mul3A_557 = arith.muli %sub3A_555, %mul3A_556 : i32
        %add3A_558 = arith.addi %mul3A_4, %mul3A_557 : i32
        %dma_start3A_559 = arith.constant 1 : i32
        %dma_start3A_560 = arith.constant 0 : i32
        %dma_start3A_561 = tpu.memref_slice %arg8[%dma_start3A_559, %dma_start3A_560] : memref<2x128xi32, #tpu.memory_space<vmem>> -> memref<1x128xi32, #tpu.memory_space<vmem>>
        %dma_start3A_562 = tpu.memref_squeeze %dma_start3A_561 : memref<1x128xi32, #tpu.memory_space<vmem>> -> memref<128xi32, #tpu.memory_space<vmem>>
        %dma_start3A_563 = tpu.memref_slice %arg2[%add3A_558] : memref<802816xi32, #tpu.memory_space<hbm>> -> memref<128xi32, #tpu.memory_space<hbm>>
        %dma_start3A_564 = arith.constant 0 : i32
        %dma_start3A_565 = tpu.memref_slice %arg8[%dma_start3A_559, %dma_start3A_564] : memref<2x128xi32, #tpu.memory_space<vmem>> -> memref<1x128xi32, #tpu.memory_space<vmem>>
        %dma_start3A_566 = tpu.memref_squeeze %dma_start3A_565 : memref<1x128xi32, #tpu.memory_space<vmem>> -> memref<128xi32, #tpu.memory_space<vmem>>
        %dma_start3A_567 = tpu.memref_slice %arg2[%add3A_558] : memref<802816xi32, #tpu.memory_space<hbm>> -> memref<128xi32, #tpu.memory_space<hbm>>
        tpu.enqueue_dma source(%dma_start3A_567 : memref<128xi32, #tpu.memory_space<hbm>>) target(%dma_start3A_566 : memref<128xi32, #tpu.memory_space<vmem>>) target_semaphore(%arg13 : memref<!tpu.dma_semaphore, #tpu.memory_space<semaphore_mem>>)
        %dma_start3A_568 = arith.constant 1 : i32
        %dma_start3A_569 = arith.constant 0 : i32
        %dma_start3A_570 = tpu.memref_slice %arg9[%dma_start3A_568, %dma_start3A_569] : memref<2x128xi32, #tpu.memory_space<vmem>> -> memref<1x128xi32, #tpu.memory_space<vmem>>
        %dma_start3A_571 = tpu.memref_squeeze %dma_start3A_570 : memref<1x128xi32, #tpu.memory_space<vmem>> -> memref<128xi32, #tpu.memory_space<vmem>>
        %dma_start3A_572 = tpu.memref_slice %arg3[%add3A_558] : memref<802816xi32, #tpu.memory_space<hbm>> -> memref<128xi32, #tpu.memory_space<hbm>>
        %dma_start3A_573 = arith.constant 0 : i32
        %dma_start3A_574 = tpu.memref_slice %arg9[%dma_start3A_568, %dma_start3A_573] : memref<2x128xi32, #tpu.memory_space<vmem>> -> memref<1x128xi32, #tpu.memory_space<vmem>>
        %dma_start3A_575 = tpu.memref_squeeze %dma_start3A_574 : memref<1x128xi32, #tpu.memory_space<vmem>> -> memref<128xi32, #tpu.memory_space<vmem>>
        %dma_start3A_576 = tpu.memref_slice %arg3[%add3A_558] : memref<802816xi32, #tpu.memory_space<hbm>> -> memref<128xi32, #tpu.memory_space<hbm>>
        tpu.enqueue_dma source(%dma_start3A_576 : memref<128xi32, #tpu.memory_space<hbm>>) target(%dma_start3A_575 : memref<128xi32, #tpu.memory_space<vmem>>) target_semaphore(%arg13 : memref<!tpu.dma_semaphore, #tpu.memory_space<semaphore_mem>>)
      } else {
      }
      %mul3A_311 = arith.constant 2 : i32
      %mul3A_312 = arith.muli %scan3A_80, %mul3A_311 : i32
      %add3A_313 = arith.constant 1 : i32
      %add3A_314 = arith.addi %mul3A_312, %add3A_313 : i32
      %ge3A_315 = arith.constant 2 : i32
      %ge3A_316 = arith.cmpi sge, %add3A_314, %ge3A_315 : i32
      %convert_element_type3A_317 = arith.extui %ge3A_316 : i1 to i32
      %cond3A_318 = arith.constant 0 : i32
      %cond3A_319 = arith.cmpi ne, %convert_element_type3A_317, %cond3A_318 : i32
      scf.if %cond3A_319 {
        %dma_wait3A_552 = arith.constant 1 : i32
        %dma_wait3A_553 = arith.constant 1 : i32
        %dma_wait3A_554 = arith.constant 0 : i32
        %dma_wait3A_555 = arith.constant 0 : i32
        %dma_wait3A_556 = tpu.memref_slice %arg11[%dma_wait3A_552, %dma_wait3A_554, %dma_wait3A_555] : memref<2x128x64xf32, #tpu.memory_space<vmem>> -> memref<1x128x64xf32, #tpu.memory_space<vmem>>
        %dma_wait3A_557 = tpu.memref_squeeze %dma_wait3A_556 : memref<1x128x64xf32, #tpu.memory_space<vmem>> -> memref<128x64xf32, #tpu.memory_space<vmem>>
        %dma_wait3A_558 = arith.constant 0 : i32
        %dma_wait3A_559 = tpu.memref_slice %arg10[%dma_wait3A_553, %dma_wait3A_558] : memref<2x128xi32, #tpu.memory_space<vmem>> -> memref<1x128xi32, #tpu.memory_space<vmem>>
        %dma_wait3A_560 = tpu.memref_squeeze %dma_wait3A_559 : memref<1x128xi32, #tpu.memory_space<vmem>> -> memref<128xi32, #tpu.memory_space<vmem>>
        %dma_wait3A_561 = arith.constant 0 : i32
        %dma_wait3A_562 = arith.constant 0 : i32
        %dma_wait3A_563 = tpu.memref_slice %arg7[%dma_wait3A_561, %dma_wait3A_562] : memref<25088x64xf32, #tpu.memory_space<vmem_shared>> -> memref<25088x64xf32, #tpu.memory_space<vmem_shared>>
        tpu.wait_indirect_dma semaphore(%arg17 : memref<!tpu.dma_semaphore, #tpu.memory_space<semaphore_mem>>) src(%dma_wait3A_557 : memref<128x64xf32, #tpu.memory_space<vmem>>) dst(%dma_wait3A_563 : memref<25088x64xf32, #tpu.memory_space<vmem_shared>>)
      } else {
      }
      %dma_wait3A_320 = arith.constant 1 : i32
      %dma_wait3A_321 = arith.constant 0 : i32
      %dma_wait3A_322 = tpu.memref_slice %arg8[%dma_wait3A_320, %dma_wait3A_321] : memref<2x128xi32, #tpu.memory_space<vmem>> -> memref<1x128xi32, #tpu.memory_space<vmem>>
      %dma_wait3A_323 = tpu.memref_squeeze %dma_wait3A_322 : memref<1x128xi32, #tpu.memory_space<vmem>> -> memref<128xi32, #tpu.memory_space<vmem>>
      %dma_wait3A_324 = arith.constant 0 : i32
      %dma_wait3A_325 = tpu.memref_slice %arg2[%dma_wait3A_324] : memref<802816xi32, #tpu.memory_space<hbm>> -> memref<128xi32, #tpu.memory_space<hbm>>
      %dma_wait3A_326 = arith.constant 0 : i32
      %dma_wait3A_327 = tpu.memref_slice %arg8[%dma_wait3A_320, %dma_wait3A_326] : memref<2x128xi32, #tpu.memory_space<vmem>> -> memref<1x128xi32, #tpu.memory_space<vmem>>
      %dma_wait3A_328 = tpu.memref_squeeze %dma_wait3A_327 : memref<1x128xi32, #tpu.memory_space<vmem>> -> memref<128xi32, #tpu.memory_space<vmem>>
      %dma_wait3A_329 = arith.constant 0 : i32
      %dma_wait3A_330 = tpu.memref_slice %arg2[%dma_wait3A_329] : memref<802816xi32, #tpu.memory_space<hbm>> -> memref<128xi32, #tpu.memory_space<hbm>>
      tpu.wait_dma2 semaphore(%arg13 : memref<!tpu.dma_semaphore, #tpu.memory_space<semaphore_mem>>) src(%dma_wait3A_330 : memref<128xi32, #tpu.memory_space<hbm>>) dst(%dma_wait3A_328 : memref<128xi32, #tpu.memory_space<vmem>>)
      %dma_wait3A_331 = arith.constant 1 : i32
      %dma_wait3A_332 = arith.constant 0 : i32
      %dma_wait3A_333 = tpu.memref_slice %arg9[%dma_wait3A_331, %dma_wait3A_332] : memref<2x128xi32, #tpu.memory_space<vmem>> -> memref<1x128xi32, #tpu.memory_space<vmem>>
      %dma_wait3A_334 = tpu.memref_squeeze %dma_wait3A_333 : memref<1x128xi32, #tpu.memory_space<vmem>> -> memref<128xi32, #tpu.memory_space<vmem>>
      %dma_wait3A_335 = arith.constant 0 : i32
      %dma_wait3A_336 = tpu.memref_slice %arg3[%dma_wait3A_335] : memref<802816xi32, #tpu.memory_space<hbm>> -> memref<128xi32, #tpu.memory_space<hbm>>
      %dma_wait3A_337 = arith.constant 0 : i32
      %dma_wait3A_338 = tpu.memref_slice %arg9[%dma_wait3A_331, %dma_wait3A_337] : memref<2x128xi32, #tpu.memory_space<vmem>> -> memref<1x128xi32, #tpu.memory_space<vmem>>
      %dma_wait3A_339 = tpu.memref_squeeze %dma_wait3A_338 : memref<1x128xi32, #tpu.memory_space<vmem>> -> memref<128xi32, #tpu.memory_space<vmem>>
      %dma_wait3A_340 = arith.constant 0 : i32
      %dma_wait3A_341 = tpu.memref_slice %arg3[%dma_wait3A_340] : memref<802816xi32, #tpu.memory_space<hbm>> -> memref<128xi32, #tpu.memory_space<hbm>>
      tpu.wait_dma2 semaphore(%arg13 : memref<!tpu.dma_semaphore, #tpu.memory_space<semaphore_mem>>) src(%dma_wait3A_341 : memref<128xi32, #tpu.memory_space<hbm>>) dst(%dma_wait3A_339 : memref<128xi32, #tpu.memory_space<vmem>>)
      %get3A_342 = arith.constant 1 : i32
      %get3A_343 = arith.index_cast %get3A_342 : i32 to index
      %get3A_344 = arith.constant 0 : index
      %get3A_345 = tpu.vector_load %arg9[%get3A_343, %get3A_344] {strides = array<i32>} : memref<2x128xi32, #tpu.memory_space<vmem>>, vector<1x16xi32>,
      %get3A_346 = vector.shape_cast %get3A_345 : vector<1x16xi32> to vector<16xi32>
      %sub3A_347 = vector.broadcast %mul3A_2 : i32 to vector<16xi32>
      %sub3A_348 = arith.subi %get3A_346, %sub3A_347 : vector<16xi32>
      %ge3A_349 = arith.constant 0 : i32
      %ge3A_350 = vector.broadcast %ge3A_349 : i32 to vector<16xi32>
      %ge3A_351 = arith.cmpi sge, %sub3A_348, %ge3A_350 : vector<16xi32>
      %lt3A_352 = arith.constant 25000 : i32
      %lt3A_353 = vector.broadcast %lt3A_352 : i32 to vector<16xi32>
      %lt3A_354 = arith.cmpi slt, %sub3A_348, %lt3A_353 : vector<16xi32>
      %and3A_355 = arith.andi %ge3A_351, %lt3A_354 : vector<16xi1>
      %jit3A_356 = arith.constant 25000 : i32
      %broadcast_in_dim3A_357 = vector.broadcast %jit3A_356 : i32 to vector<16xi32>
      %select_n3A_358 = arith.select %and3A_355, %sub3A_348, %broadcast_in_dim3A_357 : vector<16xi1>, vector<16xi32>
      %swap3A_359 = arith.constant 1 : i32
      %swap3A_360 = arith.index_cast %swap3A_359 : i32 to index
      %swap3A_361 = arith.constant 0 : index
      %swap3A_362 = tpu.vector_load %arg10[%swap3A_360, %swap3A_361] {strides = array<i32>} : memref<2x128xi32, #tpu.memory_space<vmem>>, vector<1x16xi32>,
      %swap3A_363 = vector.shape_cast %swap3A_362 : vector<1x16xi32> to vector<16xi32>
      %swap3A_364 = vector.shape_cast %select_n3A_358 : vector<16xi32> to vector<1x16xi32>
      tpu.vector_store %arg10[%swap3A_360, %swap3A_361], %swap3A_364 {strides = array<i32>} : memref<2x128xi32, #tpu.memory_space<vmem>>, vector<1x16xi32>,
      %get3A_365 = arith.constant 1 : i32
      %get3A_366 = arith.index_cast %get3A_365 : i32 to index
      %get3A_367 = arith.constant 16 : index
      %get3A_368 = tpu.vector_load %arg9[%get3A_366, %get3A_367] {strides = array<i32>} : memref<2x128xi32, #tpu.memory_space<vmem>>, vector<1x16xi32>,
      %get3A_369 = vector.shape_cast %get3A_368 : vector<1x16xi32> to vector<16xi32>
      %sub3A_370 = vector.broadcast %mul3A_2 : i32 to vector<16xi32>
      %sub3A_371 = arith.subi %get3A_369, %sub3A_370 : vector<16xi32>
      %ge3A_372 = arith.constant 0 : i32
      %ge3A_373 = vector.broadcast %ge3A_372 : i32 to vector<16xi32>
      %ge3A_374 = arith.cmpi sge, %sub3A_371, %ge3A_373 : vector<16xi32>
      %lt3A_375 = arith.constant 25000 : i32
      %lt3A_376 = vector.broadcast %lt3A_375 : i32 to vector<16xi32>
      %lt3A_377 = arith.cmpi slt, %sub3A_371, %lt3A_376 : vector<16xi32>
      %and3A_378 = arith.andi %ge3A_374, %lt3A_377 : vector<16xi1>
      %jit3A_379 = arith.constant 25000 : i32
      %broadcast_in_dim3A_380 = vector.broadcast %jit3A_379 : i32 to vector<16xi32>
      %select_n3A_381 = arith.select %and3A_378, %sub3A_371, %broadcast_in_dim3A_380 : vector<16xi1>, vector<16xi32>
      %swap3A_382 = arith.constant 1 : i32
      %swap3A_383 = arith.index_cast %swap3A_382 : i32 to index
      %swap3A_384 = arith.constant 16 : index
      %swap3A_385 = tpu.vector_load %arg10[%swap3A_383, %swap3A_384] {strides = array<i32>} : memref<2x128xi32, #tpu.memory_space<vmem>>, vector<1x16xi32>,
      %swap3A_386 = vector.shape_cast %swap3A_385 : vector<1x16xi32> to vector<16xi32>
      %swap3A_387 = vector.shape_cast %select_n3A_381 : vector<16xi32> to vector<1x16xi32>
      tpu.vector_store %arg10[%swap3A_383, %swap3A_384], %swap3A_387 {strides = array<i32>} : memref<2x128xi32, #tpu.memory_space<vmem>>, vector<1x16xi32>,
      %get3A_388 = arith.constant 1 : i32
      %get3A_389 = arith.index_cast %get3A_388 : i32 to index
      %get3A_390 = arith.constant 32 : index
      %get3A_391 = tpu.vector_load %arg9[%get3A_389, %get3A_390] {strides = array<i32>} : memref<2x128xi32, #tpu.memory_space<vmem>>, vector<1x16xi32>,
      %get3A_392 = vector.shape_cast %get3A_391 : vector<1x16xi32> to vector<16xi32>
      %sub3A_393 = vector.broadcast %mul3A_2 : i32 to vector<16xi32>
      %sub3A_394 = arith.subi %get3A_392, %sub3A_393 : vector<16xi32>
      %ge3A_395 = arith.constant 0 : i32
      %ge3A_396 = vector.broadcast %ge3A_395 : i32 to vector<16xi32>
      %ge3A_397 = arith.cmpi sge, %sub3A_394, %ge3A_396 : vector<16xi32>
      %lt3A_398 = arith.constant 25000 : i32
      %lt3A_399 = vector.broadcast %lt3A_398 : i32 to vector<16xi32>
      %lt3A_400 = arith.cmpi slt, %sub3A_394, %lt3A_399 : vector<16xi32>
      %and3A_401 = arith.andi %ge3A_397, %lt3A_400 : vector<16xi1>
      %jit3A_402 = arith.constant 25000 : i32
      %broadcast_in_dim3A_403 = vector.broadcast %jit3A_402 : i32 to vector<16xi32>
      %select_n3A_404 = arith.select %and3A_401, %sub3A_394, %broadcast_in_dim3A_403 : vector<16xi1>, vector<16xi32>
      %swap3A_405 = arith.constant 1 : i32
      %swap3A_406 = arith.index_cast %swap3A_405 : i32 to index
      %swap3A_407 = arith.constant 32 : index
      %swap3A_408 = tpu.vector_load %arg10[%swap3A_406, %swap3A_407] {strides = array<i32>} : memref<2x128xi32, #tpu.memory_space<vmem>>, vector<1x16xi32>,
      %swap3A_409 = vector.shape_cast %swap3A_408 : vector<1x16xi32> to vector<16xi32>
      %swap3A_410 = vector.shape_cast %select_n3A_404 : vector<16xi32> to vector<1x16xi32>
      tpu.vector_store %arg10[%swap3A_406, %swap3A_407], %swap3A_410 {strides = array<i32>} : memref<2x128xi32, #tpu.memory_space<vmem>>, vector<1x16xi32>,
      %get3A_411 = arith.constant 1 : i32
      %get3A_412 = arith.index_cast %get3A_411 : i32 to index
      %get3A_413 = arith.constant 48 : index
      %get3A_414 = tpu.vector_load %arg9[%get3A_412, %get3A_413] {strides = array<i32>} : memref<2x128xi32, #tpu.memory_space<vmem>>, vector<1x16xi32>,
      %get3A_415 = vector.shape_cast %get3A_414 : vector<1x16xi32> to vector<16xi32>
      %sub3A_416 = vector.broadcast %mul3A_2 : i32 to vector<16xi32>
      %sub3A_417 = arith.subi %get3A_415, %sub3A_416 : vector<16xi32>
      %ge3A_418 = arith.constant 0 : i32
      %ge3A_419 = vector.broadcast %ge3A_418 : i32 to vector<16xi32>
      %ge3A_420 = arith.cmpi sge, %sub3A_417, %ge3A_419 : vector<16xi32>
      %lt3A_421 = arith.constant 25000 : i32
      %lt3A_422 = vector.broadcast %lt3A_421 : i32 to vector<16xi32>
      %lt3A_423 = arith.cmpi slt, %sub3A_417, %lt3A_422 : vector<16xi32>
      %and3A_424 = arith.andi %ge3A_420, %lt3A_423 : vector<16xi1>
      %jit3A_425 = arith.constant 25000 : i32
      %broadcast_in_dim3A_426 = vector.broadcast %jit3A_425 : i32 to vector<16xi32>
      %select_n3A_427 = arith.select %and3A_424, %sub3A_417, %broadcast_in_dim3A_426 : vector<16xi1>, vector<16xi32>
      %swap3A_428 = arith.constant 1 : i32
      %swap3A_429 = arith.index_cast %swap3A_428 : i32 to index
      %swap3A_430 = arith.constant 48 : index
      %swap3A_431 = tpu.vector_load %arg10[%swap3A_429, %swap3A_430] {strides = array<i32>} : memref<2x128xi32, #tpu.memory_space<vmem>>, vector<1x16xi32>,
      %swap3A_432 = vector.shape_cast %swap3A_431 : vector<1x16xi32> to vector<16xi32>
      %swap3A_433 = vector.shape_cast %select_n3A_427 : vector<16xi32> to vector<1x16xi32>
      tpu.vector_store %arg10[%swap3A_429, %swap3A_430], %swap3A_433 {strides = array<i32>} : memref<2x128xi32, #tpu.memory_space<vmem>>, vector<1x16xi32>,
      %get3A_434 = arith.constant 1 : i32
      %get3A_435 = arith.index_cast %get3A_434 : i32 to index
      %get3A_436 = arith.constant 64 : index
      %get3A_437 = tpu.vector_load %arg9[%get3A_435, %get3A_436] {strides = array<i32>} : memref<2x128xi32, #tpu.memory_space<vmem>>, vector<1x16xi32>,
      %get3A_438 = vector.shape_cast %get3A_437 : vector<1x16xi32> to vector<16xi32>
      %sub3A_439 = vector.broadcast %mul3A_2 : i32 to vector<16xi32>
      %sub3A_440 = arith.subi %get3A_438, %sub3A_439 : vector<16xi32>
      %ge3A_441 = arith.constant 0 : i32
      %ge3A_442 = vector.broadcast %ge3A_441 : i32 to vector<16xi32>
      %ge3A_443 = arith.cmpi sge, %sub3A_440, %ge3A_442 : vector<16xi32>
      %lt3A_444 = arith.constant 25000 : i32
      %lt3A_445 = vector.broadcast %lt3A_444 : i32 to vector<16xi32>
      %lt3A_446 = arith.cmpi slt, %sub3A_440, %lt3A_445 : vector<16xi32>
      %and3A_447 = arith.andi %ge3A_443, %lt3A_446 : vector<16xi1>
      %jit3A_448 = arith.constant 25000 : i32
      %broadcast_in_dim3A_449 = vector.broadcast %jit3A_448 : i32 to vector<16xi32>
      %select_n3A_450 = arith.select %and3A_447, %sub3A_440, %broadcast_in_dim3A_449 : vector<16xi1>, vector<16xi32>
      %swap3A_451 = arith.constant 1 : i32
      %swap3A_452 = arith.index_cast %swap3A_451 : i32 to index
      %swap3A_453 = arith.constant 64 : index
      %swap3A_454 = tpu.vector_load %arg10[%swap3A_452, %swap3A_453] {strides = array<i32>} : memref<2x128xi32, #tpu.memory_space<vmem>>, vector<1x16xi32>,
      %swap3A_455 = vector.shape_cast %swap3A_454 : vector<1x16xi32> to vector<16xi32>
      %swap3A_456 = vector.shape_cast %select_n3A_450 : vector<16xi32> to vector<1x16xi32>
      tpu.vector_store %arg10[%swap3A_452, %swap3A_453], %swap3A_456 {strides = array<i32>} : memref<2x128xi32, #tpu.memory_space<vmem>>, vector<1x16xi32>,
      %get3A_457 = arith.constant 1 : i32
      %get3A_458 = arith.index_cast %get3A_457 : i32 to index
      %get3A_459 = arith.constant 80 : index
      %get3A_460 = tpu.vector_load %arg9[%get3A_458, %get3A_459] {strides = array<i32>} : memref<2x128xi32, #tpu.memory_space<vmem>>, vector<1x16xi32>,
      %get3A_461 = vector.shape_cast %get3A_460 : vector<1x16xi32> to vector<16xi32>
      %sub3A_462 = vector.broadcast %mul3A_2 : i32 to vector<16xi32>
      %sub3A_463 = arith.subi %get3A_461, %sub3A_462 : vector<16xi32>
      %ge3A_464 = arith.constant 0 : i32
      %ge3A_465 = vector.broadcast %ge3A_464 : i32 to vector<16xi32>
      %ge3A_466 = arith.cmpi sge, %sub3A_463, %ge3A_465 : vector<16xi32>
      %lt3A_467 = arith.constant 25000 : i32
      %lt3A_468 = vector.broadcast %lt3A_467 : i32 to vector<16xi32>
      %lt3A_469 = arith.cmpi slt, %sub3A_463, %lt3A_468 : vector<16xi32>
      %and3A_470 = arith.andi %ge3A_466, %lt3A_469 : vector<16xi1>
      %jit3A_471 = arith.constant 25000 : i32
      %broadcast_in_dim3A_472 = vector.broadcast %jit3A_471 : i32 to vector<16xi32>
      %select_n3A_473 = arith.select %and3A_470, %sub3A_463, %broadcast_in_dim3A_472 : vector<16xi1>, vector<16xi32>
      %swap3A_474 = arith.constant 1 : i32
      %swap3A_475 = arith.index_cast %swap3A_474 : i32 to index
      %swap3A_476 = arith.constant 80 : index
      %swap3A_477 = tpu.vector_load %arg10[%swap3A_475, %swap3A_476] {strides = array<i32>} : memref<2x128xi32, #tpu.memory_space<vmem>>, vector<1x16xi32>,
      %swap3A_478 = vector.shape_cast %swap3A_477 : vector<1x16xi32> to vector<16xi32>
      %swap3A_479 = vector.shape_cast %select_n3A_473 : vector<16xi32> to vector<1x16xi32>
      tpu.vector_store %arg10[%swap3A_475, %swap3A_476], %swap3A_479 {strides = array<i32>} : memref<2x128xi32, #tpu.memory_space<vmem>>, vector<1x16xi32>,
      %get3A_480 = arith.constant 1 : i32
      %get3A_481 = arith.index_cast %get3A_480 : i32 to index
      %get3A_482 = arith.constant 96 : index
      %get3A_483 = tpu.vector_load %arg9[%get3A_481, %get3A_482] {strides = array<i32>} : memref<2x128xi32, #tpu.memory_space<vmem>>, vector<1x16xi32>,
      %get3A_484 = vector.shape_cast %get3A_483 : vector<1x16xi32> to vector<16xi32>
      %sub3A_485 = vector.broadcast %mul3A_2 : i32 to vector<16xi32>
      %sub3A_486 = arith.subi %get3A_484, %sub3A_485 : vector<16xi32>
      %ge3A_487 = arith.constant 0 : i32
      %ge3A_488 = vector.broadcast %ge3A_487 : i32 to vector<16xi32>
      %ge3A_489 = arith.cmpi sge, %sub3A_486, %ge3A_488 : vector<16xi32>
      %lt3A_490 = arith.constant 25000 : i32
      %lt3A_491 = vector.broadcast %lt3A_490 : i32 to vector<16xi32>
      %lt3A_492 = arith.cmpi slt, %sub3A_486, %lt3A_491 : vector<16xi32>
      %and3A_493 = arith.andi %ge3A_489, %lt3A_492 : vector<16xi1>
      %jit3A_494 = arith.constant 25000 : i32
      %broadcast_in_dim3A_495 = vector.broadcast %jit3A_494 : i32 to vector<16xi32>
      %select_n3A_496 = arith.select %and3A_493, %sub3A_486, %broadcast_in_dim3A_495 : vector<16xi1>, vector<16xi32>
      %swap3A_497 = arith.constant 1 : i32
      %swap3A_498 = arith.index_cast %swap3A_497 : i32 to index
      %swap3A_499 = arith.constant 96 : index
      %swap3A_500 = tpu.vector_load %arg10[%swap3A_498, %swap3A_499] {strides = array<i32>} : memref<2x128xi32, #tpu.memory_space<vmem>>, vector<1x16xi32>,
      %swap3A_501 = vector.shape_cast %swap3A_500 : vector<1x16xi32> to vector<16xi32>
      %swap3A_502 = vector.shape_cast %select_n3A_496 : vector<16xi32> to vector<1x16xi32>
      tpu.vector_store %arg10[%swap3A_498, %swap3A_499], %swap3A_502 {strides = array<i32>} : memref<2x128xi32, #tpu.memory_space<vmem>>, vector<1x16xi32>,
      %get3A_503 = arith.constant 1 : i32
      %get3A_504 = arith.index_cast %get3A_503 : i32 to index
      %get3A_505 = arith.constant 112 : index
      %get3A_506 = tpu.vector_load %arg9[%get3A_504, %get3A_505] {strides = array<i32>} : memref<2x128xi32, #tpu.memory_space<vmem>>, vector<1x16xi32>,
      %get3A_507 = vector.shape_cast %get3A_506 : vector<1x16xi32> to vector<16xi32>
      %sub3A_508 = vector.broadcast %mul3A_2 : i32 to vector<16xi32>
      %sub3A_509 = arith.subi %get3A_507, %sub3A_508 : vector<16xi32>
      %ge3A_510 = arith.constant 0 : i32
      %ge3A_511 = vector.broadcast %ge3A_510 : i32 to vector<16xi32>
      %ge3A_512 = arith.cmpi sge, %sub3A_509, %ge3A_511 : vector<16xi32>
      %lt3A_513 = arith.constant 25000 : i32
      %lt3A_514 = vector.broadcast %lt3A_513 : i32 to vector<16xi32>
      %lt3A_515 = arith.cmpi slt, %sub3A_509, %lt3A_514 : vector<16xi32>
      %and3A_516 = arith.andi %ge3A_512, %lt3A_515 : vector<16xi1>
      %jit3A_517 = arith.constant 25000 : i32
      %broadcast_in_dim3A_518 = vector.broadcast %jit3A_517 : i32 to vector<16xi32>
      %select_n3A_519 = arith.select %and3A_516, %sub3A_509, %broadcast_in_dim3A_518 : vector<16xi1>, vector<16xi32>
      %swap3A_520 = arith.constant 1 : i32
      %swap3A_521 = arith.index_cast %swap3A_520 : i32 to index
      %swap3A_522 = arith.constant 112 : index
      %swap3A_523 = tpu.vector_load %arg10[%swap3A_521, %swap3A_522] {strides = array<i32>} : memref<2x128xi32, #tpu.memory_space<vmem>>, vector<1x16xi32>,
      %swap3A_524 = vector.shape_cast %swap3A_523 : vector<1x16xi32> to vector<16xi32>
      %swap3A_525 = vector.shape_cast %select_n3A_519 : vector<16xi32> to vector<1x16xi32>
      tpu.vector_store %arg10[%swap3A_521, %swap3A_522], %swap3A_525 {strides = array<i32>} : memref<2x128xi32, #tpu.memory_space<vmem>>, vector<1x16xi32>,
      %dma_start3A_526 = arith.constant 1 : i32
      %dma_start3A_527 = arith.constant 1 : i32
      %dma_start3A_528 = arith.constant 0 : i32
      %dma_start3A_529 = arith.constant 0 : i32
      %dma_start3A_530 = tpu.memref_slice %arg11[%dma_start3A_527, %dma_start3A_528, %dma_start3A_529] : memref<2x128x64xf32, #tpu.memory_space<vmem>> -> memref<1x128x64xf32, #tpu.memory_space<vmem>>
      %dma_start3A_531 = tpu.memref_squeeze %dma_start3A_530 : memref<1x128x64xf32, #tpu.memory_space<vmem>> -> memref<128x64xf32, #tpu.memory_space<vmem>>
      %dma_start3A_532 = arith.constant 0 : i32
      %dma_start3A_533 = tpu.memref_slice %arg8[%dma_start3A_526, %dma_start3A_532] : memref<2x128xi32, #tpu.memory_space<vmem>> -> memref<1x128xi32, #tpu.memory_space<vmem>>
      %dma_start3A_534 = tpu.memref_squeeze %dma_start3A_533 : memref<1x128xi32, #tpu.memory_space<vmem>> -> memref<128xi32, #tpu.memory_space<vmem>>
      %dma_start3A_535 = arith.constant 0 : i32
      %dma_start3A_536 = arith.constant 0 : i32
      %dma_start3A_537 = tpu.memref_slice %arg4[%dma_start3A_535, %dma_start3A_536] : memref<50000x64xf32, #tpu.memory_space<hbm>> -> memref<50000x64xf32, #tpu.memory_space<hbm>>
      tpu.enqueue_indirect_dma source(%dma_start3A_537 : memref<50000x64xf32, #tpu.memory_space<hbm>>) target(%dma_start3A_531 : memref<128x64xf32, #tpu.memory_space<vmem>>) offsets(%dma_start3A_534 : memref<128xi32, #tpu.memory_space<vmem>>) semaphore(%arg15 : memref<!tpu.dma_semaphore, #tpu.memory_space<semaphore_mem>>)
      %ge3A_538 = arith.constant 1 : i32
      %ge3A_539 = arith.cmpi sge, %add3A_314, %ge3A_538 : i32
      %convert_element_type3A_540 = arith.extui %ge3A_539 : i1 to i32
      %cond3A_541 = arith.constant 0 : i32
      %cond3A_542 = arith.cmpi ne, %convert_element_type3A_540, %cond3A_541 : i32
      scf.if %cond3A_542 {
        %dma_wait3A_552 = arith.constant 0 : i32
        %dma_wait3A_553 = arith.constant 0 : i32
        %dma_wait3A_554 = arith.constant 0 : i32
        %dma_wait3A_555 = arith.constant 0 : i32
        %dma_wait3A_556 = tpu.memref_slice %arg11[%dma_wait3A_553, %dma_wait3A_554, %dma_wait3A_555] : memref<2x128x64xf32, #tpu.memory_space<vmem>> -> memref<1x128x64xf32, #tpu.memory_space<vmem>>
        %dma_wait3A_557 = tpu.memref_squeeze %dma_wait3A_556 : memref<1x128x64xf32, #tpu.memory_space<vmem>> -> memref<128x64xf32, #tpu.memory_space<vmem>>
        %dma_wait3A_558 = arith.constant 0 : i32
        %dma_wait3A_559 = tpu.memref_slice %arg8[%dma_wait3A_552, %dma_wait3A_558] : memref<2x128xi32, #tpu.memory_space<vmem>> -> memref<1x128xi32, #tpu.memory_space<vmem>>
        %dma_wait3A_560 = tpu.memref_squeeze %dma_wait3A_559 : memref<1x128xi32, #tpu.memory_space<vmem>> -> memref<128xi32, #tpu.memory_space<vmem>>
        %dma_wait3A_561 = arith.constant 0 : i32
        %dma_wait3A_562 = arith.constant 0 : i32
        %dma_wait3A_563 = tpu.memref_slice %arg4[%dma_wait3A_561, %dma_wait3A_562] : memref<50000x64xf32, #tpu.memory_space<hbm>> -> memref<50000x64xf32, #tpu.memory_space<hbm>>
        tpu.wait_indirect_dma semaphore(%arg14 : memref<!tpu.dma_semaphore, #tpu.memory_space<semaphore_mem>>) src(%dma_wait3A_563 : memref<50000x64xf32, #tpu.memory_space<hbm>>) dst(%dma_wait3A_557 : memref<128x64xf32, #tpu.memory_space<vmem>>)
        %dma_start3A_564 = arith.constant 0 : i32
        %dma_start3A_565 = arith.constant 0 : i32
        %dma_start3A_566 = arith.constant 0 : i32
        %dma_start3A_567 = arith.constant 0 : i32
        %dma_start3A_568 = tpu.memref_slice %arg11[%dma_start3A_564, %dma_start3A_566, %dma_start3A_567] : memref<2x128x64xf32, #tpu.memory_space<vmem>> -> memref<1x128x64xf32, #tpu.memory_space<vmem>>
        %dma_start3A_569 = tpu.memref_squeeze %dma_start3A_568 : memref<1x128x64xf32, #tpu.memory_space<vmem>> -> memref<128x64xf32, #tpu.memory_space<vmem>>
        %dma_start3A_570 = arith.constant 0 : i32
        %dma_start3A_571 = tpu.memref_slice %arg10[%dma_start3A_565, %dma_start3A_570] : memref<2x128xi32, #tpu.memory_space<vmem>> -> memref<1x128xi32, #tpu.memory_space<vmem>>
        %dma_start3A_572 = tpu.memref_squeeze %dma_start3A_571 : memref<1x128xi32, #tpu.memory_space<vmem>> -> memref<128xi32, #tpu.memory_space<vmem>>
        %dma_start3A_573 = arith.constant 0 : i32
        %dma_start3A_574 = arith.constant 0 : i32
        %dma_start3A_575 = tpu.memref_slice %arg7[%dma_start3A_573, %dma_start3A_574] : memref<25088x64xf32, #tpu.memory_space<vmem_shared>> -> memref<25088x64xf32, #tpu.memory_space<vmem_shared>>
        tpu.enqueue_indirect_dma source(%dma_start3A_569 : memref<128x64xf32, #tpu.memory_space<vmem>>) target(%dma_start3A_575 : memref<25088x64xf32, #tpu.memory_space<vmem_shared>>) offsets(%dma_start3A_572 : memref<128xi32, #tpu.memory_space<vmem>>) semaphore(%arg16 : memref<!tpu.dma_semaphore, #tpu.memory_space<semaphore_mem>>) {add = true}
      } else {
      }
      %add3A_543 = arith.constant 2 : i32
      %add3A_544 = arith.addi %add3A_314, %add3A_543 : i32
      %sub3A_545 = arith.constant 1 : i32
      %sub3A_546 = arith.subi %add3A_544, %sub3A_545 : i32
      %lt3A_547 = arith.constant 392 : i32
      %lt3A_548 = arith.cmpi slt, %sub3A_546, %lt3A_547 : i32
      %convert_element_type3A_549 = arith.extui %lt3A_548 : i1 to i32
      %cond3A_550 = arith.constant 0 : i32
      %cond3A_551 = arith.cmpi ne, %convert_element_type3A_549, %cond3A_550 : i32
      scf.if %cond3A_551 {
        %add3A_552 = arith.constant 2 : i32
        %add3A_553 = arith.addi %add3A_314, %add3A_552 : i32
        %sub3A_554 = arith.constant 1 : i32
        %sub3A_555 = arith.subi %add3A_553, %sub3A_554 : i32
        %mul3A_556 = arith.constant 128 : i32
        %mul3A_557 = arith.muli %sub3A_555, %mul3A_556 : i32
        %add3A_558 = arith.addi %mul3A_4, %mul3A_557 : i32
        %dma_start3A_559 = arith.constant 0 : i32
        %dma_start3A_560 = arith.constant 0 : i32
        %dma_start3A_561 = tpu.memref_slice %arg8[%dma_start3A_559, %dma_start3A_560] : memref<2x128xi32, #tpu.memory_space<vmem>> -> memref<1x128xi32, #tpu.memory_space<vmem>>
        %dma_start3A_562 = tpu.memref_squeeze %dma_start3A_561 : memref<1x128xi32, #tpu.memory_space<vmem>> -> memref<128xi32, #tpu.memory_space<vmem>>
        %dma_start3A_563 = tpu.memref_slice %arg2[%add3A_558] : memref<802816xi32, #tpu.memory_space<hbm>> -> memref<128xi32, #tpu.memory_space<hbm>>
        %dma_start3A_564 = arith.constant 0 : i32
        %dma_start3A_565 = tpu.memref_slice %arg8[%dma_start3A_559, %dma_start3A_564] : memref<2x128xi32, #tpu.memory_space<vmem>> -> memref<1x128xi32, #tpu.memory_space<vmem>>
        %dma_start3A_566 = tpu.memref_squeeze %dma_start3A_565 : memref<1x128xi32, #tpu.memory_space<vmem>> -> memref<128xi32, #tpu.memory_space<vmem>>
        %dma_start3A_567 = tpu.memref_slice %arg2[%add3A_558] : memref<802816xi32, #tpu.memory_space<hbm>> -> memref<128xi32, #tpu.memory_space<hbm>>
        tpu.enqueue_dma source(%dma_start3A_567 : memref<128xi32, #tpu.memory_space<hbm>>) target(%dma_start3A_566 : memref<128xi32, #tpu.memory_space<vmem>>) target_semaphore(%arg12 : memref<!tpu.dma_semaphore, #tpu.memory_space<semaphore_mem>>)
        %dma_start3A_568 = arith.constant 0 : i32
        %dma_start3A_569 = arith.constant 0 : i32
        %dma_start3A_570 = tpu.memref_slice %arg9[%dma_start3A_568, %dma_start3A_569] : memref<2x128xi32, #tpu.memory_space<vmem>> -> memref<1x128xi32, #tpu.memory_space<vmem>>
        %dma_start3A_571 = tpu.memref_squeeze %dma_start3A_570 : memref<1x128xi32, #tpu.memory_space<vmem>> -> memref<128xi32, #tpu.memory_space<vmem>>
        %dma_start3A_572 = tpu.memref_slice %arg3[%add3A_558] : memref<802816xi32, #tpu.memory_space<hbm>> -> memref<128xi32, #tpu.memory_space<hbm>>
        %dma_start3A_573 = arith.constant 0 : i32
        %dma_start3A_574 = tpu.memref_slice %arg9[%dma_start3A_568, %dma_start3A_573] : memref<2x128xi32, #tpu.memory_space<vmem>> -> memref<1x128xi32, #tpu.memory_space<vmem>>
        %dma_start3A_575 = tpu.memref_squeeze %dma_start3A_574 : memref<1x128xi32, #tpu.memory_space<vmem>> -> memref<128xi32, #tpu.memory_space<vmem>>
        %dma_start3A_576 = tpu.memref_slice %arg3[%add3A_558] : memref<802816xi32, #tpu.memory_space<hbm>> -> memref<128xi32, #tpu.memory_space<hbm>>
        tpu.enqueue_dma source(%dma_start3A_576 : memref<128xi32, #tpu.memory_space<hbm>>) target(%dma_start3A_575 : memref<128xi32, #tpu.memory_space<vmem>>) target_semaphore(%arg12 : memref<!tpu.dma_semaphore, #tpu.memory_space<semaphore_mem>>)
      } else {
      }
    }
    %scan3A_27 = arith.constant 196 : i32
    %dma_wait3A = arith.constant 1 : i32
    %dma_wait3A_28 = arith.constant 1 : i32
    %dma_wait3A_29 = arith.constant 0 : i32
    %dma_wait3A_30 = arith.constant 0 : i32
    %dma_wait3A_31 = tpu.memref_slice %arg11[%dma_wait3A_28, %dma_wait3A_29, %dma_wait3A_30] : memref<2x128x64xf32, #tpu.memory_space<vmem>> -> memref<1x128x64xf32, #tpu.memory_space<vmem>>
    %dma_wait3A_32 = tpu.memref_squeeze %dma_wait3A_31 : memref<1x128x64xf32, #tpu.memory_space<vmem>> -> memref<128x64xf32, #tpu.memory_space<vmem>>
    %dma_wait3A_33 = arith.constant 0 : i32
    %dma_wait3A_34 = tpu.memref_slice %arg8[%dma_wait3A, %dma_wait3A_33] : memref<2x128xi32, #tpu.memory_space<vmem>> -> memref<1x128xi32, #tpu.memory_space<vmem>>
    %dma_wait3A_35 = tpu.memref_squeeze %dma_wait3A_34 : memref<1x128xi32, #tpu.memory_space<vmem>> -> memref<128xi32, #tpu.memory_space<vmem>>
    %dma_wait3A_36 = arith.constant 0 : i32
    %dma_wait3A_37 = arith.constant 0 : i32
    %dma_wait3A_38 = tpu.memref_slice %arg4[%dma_wait3A_36, %dma_wait3A_37] : memref<50000x64xf32, #tpu.memory_space<hbm>> -> memref<50000x64xf32, #tpu.memory_space<hbm>>
    tpu.wait_indirect_dma semaphore(%arg15 : memref<!tpu.dma_semaphore, #tpu.memory_space<semaphore_mem>>) src(%dma_wait3A_38 : memref<50000x64xf32, #tpu.memory_space<hbm>>) dst(%dma_wait3A_32 : memref<128x64xf32, #tpu.memory_space<vmem>>)
    %dma_start3A_39 = arith.constant 1 : i32
    %dma_start3A_40 = arith.constant 1 : i32
    %dma_start3A_41 = arith.constant 0 : i32
    %dma_start3A_42 = arith.constant 0 : i32
    %dma_start3A_43 = tpu.memref_slice %arg11[%dma_start3A_39, %dma_start3A_41, %dma_start3A_42] : memref<2x128x64xf32, #tpu.memory_space<vmem>> -> memref<1x128x64xf32, #tpu.memory_space<vmem>>
    %dma_start3A_44 = tpu.memref_squeeze %dma_start3A_43 : memref<1x128x64xf32, #tpu.memory_space<vmem>> -> memref<128x64xf32, #tpu.memory_space<vmem>>
    %dma_start3A_45 = arith.constant 0 : i32
    %dma_start3A_46 = tpu.memref_slice %arg10[%dma_start3A_40, %dma_start3A_45] : memref<2x128xi32, #tpu.memory_space<vmem>> -> memref<1x128xi32, #tpu.memory_space<vmem>>
    %dma_start3A_47 = tpu.memref_squeeze %dma_start3A_46 : memref<1x128xi32, #tpu.memory_space<vmem>> -> memref<128xi32, #tpu.memory_space<vmem>>
    %dma_start3A_48 = arith.constant 0 : i32
    %dma_start3A_49 = arith.constant 0 : i32
    %dma_start3A_50 = tpu.memref_slice %arg7[%dma_start3A_48, %dma_start3A_49] : memref<25088x64xf32, #tpu.memory_space<vmem_shared>> -> memref<25088x64xf32, #tpu.memory_space<vmem_shared>>
    tpu.enqueue_indirect_dma source(%dma_start3A_44 : memref<128x64xf32, #tpu.memory_space<vmem>>) target(%dma_start3A_50 : memref<25088x64xf32, #tpu.memory_space<vmem_shared>>) offsets(%dma_start3A_47 : memref<128xi32, #tpu.memory_space<vmem>>) semaphore(%arg17 : memref<!tpu.dma_semaphore, #tpu.memory_space<semaphore_mem>>) {add = true}
    %dma_wait3A_51 = arith.constant 0 : i32
    %dma_wait3A_52 = arith.constant 0 : i32
    %dma_wait3A_53 = arith.constant 0 : i32
    %dma_wait3A_54 = arith.constant 0 : i32
    %dma_wait3A_55 = tpu.memref_slice %arg11[%dma_wait3A_51, %dma_wait3A_53, %dma_wait3A_54] : memref<2x128x64xf32, #tpu.memory_space<vmem>> -> memref<1x128x64xf32, #tpu.memory_space<vmem>>
    %dma_wait3A_56 = tpu.memref_squeeze %dma_wait3A_55 : memref<1x128x64xf32, #tpu.memory_space<vmem>> -> memref<128x64xf32, #tpu.memory_space<vmem>>
    %dma_wait3A_57 = arith.constant 0 : i32
    %dma_wait3A_58 = tpu.memref_slice %arg10[%dma_wait3A_52, %dma_wait3A_57] : memref<2x128xi32, #tpu.memory_space<vmem>> -> memref<1x128xi32, #tpu.memory_space<vmem>>
    %dma_wait3A_59 = tpu.memref_squeeze %dma_wait3A_58 : memref<1x128xi32, #tpu.memory_space<vmem>> -> memref<128xi32, #tpu.memory_space<vmem>>
    %dma_wait3A_60 = arith.constant 0 : i32
    %dma_wait3A_61 = arith.constant 0 : i32
    %dma_wait3A_62 = tpu.memref_slice %arg7[%dma_wait3A_60, %dma_wait3A_61] : memref<25088x64xf32, #tpu.memory_space<vmem_shared>> -> memref<25088x64xf32, #tpu.memory_space<vmem_shared>>
    tpu.wait_indirect_dma semaphore(%arg16 : memref<!tpu.dma_semaphore, #tpu.memory_space<semaphore_mem>>) src(%dma_wait3A_56 : memref<128x64xf32, #tpu.memory_space<vmem>>) dst(%dma_wait3A_62 : memref<25088x64xf32, #tpu.memory_space<vmem_shared>>)
    %dma_wait3A_63 = arith.constant 1 : i32
    %dma_wait3A_64 = arith.constant 1 : i32
    %dma_wait3A_65 = arith.constant 0 : i32
    %dma_wait3A_66 = arith.constant 0 : i32
    %dma_wait3A_67 = tpu.memref_slice %arg11[%dma_wait3A_63, %dma_wait3A_65, %dma_wait3A_66] : memref<2x128x64xf32, #tpu.memory_space<vmem>> -> memref<1x128x64xf32, #tpu.memory_space<vmem>>
    %dma_wait3A_68 = tpu.memref_squeeze %dma_wait3A_67 : memref<1x128x64xf32, #tpu.memory_space<vmem>> -> memref<128x64xf32, #tpu.memory_space<vmem>>
    %dma_wait3A_69 = arith.constant 0 : i32
    %dma_wait3A_70 = tpu.memref_slice %arg10[%dma_wait3A_64, %dma_wait3A_69] : memref<2x128xi32, #tpu.memory_space<vmem>> -> memref<1x128xi32, #tpu.memory_space<vmem>>
    %dma_wait3A_71 = tpu.memref_squeeze %dma_wait3A_70 : memref<1x128xi32, #tpu.memory_space<vmem>> -> memref<128xi32, #tpu.memory_space<vmem>>
    %dma_wait3A_72 = arith.constant 0 : i32
    %dma_wait3A_73 = arith.constant 0 : i32
    %dma_wait3A_74 = tpu.memref_slice %arg7[%dma_wait3A_72, %dma_wait3A_73] : memref<25088x64xf32, #tpu.memory_space<vmem_shared>> -> memref<25088x64xf32, #tpu.memory_space<vmem_shared>>
    tpu.wait_indirect_dma semaphore(%arg17 : memref<!tpu.dma_semaphore, #tpu.memory_space<semaphore_mem>>) src(%dma_wait3A_68 : memref<128x64xf32, #tpu.memory_space<vmem>>) dst(%dma_wait3A_74 : memref<25088x64xf32, #tpu.memory_space<vmem_shared>>)
    %barrier3A_75 = arith.constant 0 : index
    tpu.barrier barrier_id(%barrier3A_75)
    %mul3A_76 = arith.constant 1568 : i32
    %mul3A_77 = arith.muli %arg1, %mul3A_76 : i32
    %mul3A_78 = arith.constant 1568 : i32
    %mul3A_79 = arith.muli %arg1, %mul3A_78 : i32
    "tpu.region"() ({
      %run_scoped3A = tpu.sem_alloc : memref<!tpu.dma_semaphore, #tpu.memory_space<semaphore_mem>>
      %dma_start3A_80 = arith.constant 0 : i32
      %dma_start3A_81 = tpu.memref_slice %arg6[%arg0, %mul3A_79, %dma_start3A_80] : memref<2x25088x64xf32, #tpu.memory_space<hbm>> -> memref<1x1568x64xf32, #tpu.memory_space<hbm>>
      %dma_start3A_82 = tpu.memref_squeeze %dma_start3A_81 : memref<1x1568x64xf32, #tpu.memory_space<hbm>> -> memref<1568x64xf32, #tpu.memory_space<hbm>>
      %dma_start3A_83 = arith.constant 0 : i32
      %dma_start3A_84 = tpu.memref_slice %arg7[%mul3A_77, %dma_start3A_83] : memref<25088x64xf32, #tpu.memory_space<vmem_shared>> -> memref<1568x64xf32, #tpu.memory_space<vmem_shared>>
      tpu.enqueue_dma source(%dma_start3A_84 : memref<1568x64xf32, #tpu.memory_space<vmem_shared>>) target(%dma_start3A_82 : memref<1568x64xf32, #tpu.memory_space<hbm>>) target_semaphore(%run_scoped3A : memref<!tpu.dma_semaphore, #tpu.memory_space<semaphore_mem>>)
      %dma_wait3A_85 = arith.constant 0 : i32
      %dma_wait3A_86 = tpu.memref_slice %arg6[%arg0, %mul3A_79, %dma_wait3A_85] : memref<2x25088x64xf32, #tpu.memory_space<hbm>> -> memref<1x1568x64xf32, #tpu.memory_space<hbm>>
      %dma_wait3A_87 = tpu.memref_squeeze %dma_wait3A_86 : memref<1x1568x64xf32, #tpu.memory_space<hbm>> -> memref<1568x64xf32, #tpu.memory_space<hbm>>
      %dma_wait3A_88 = arith.constant 0 : i32
      %dma_wait3A_89 = tpu.memref_slice %arg7[%mul3A_77, %dma_wait3A_88] : memref<25088x64xf32, #tpu.memory_space<vmem_shared>> -> memref<1568x64xf32, #tpu.memory_space<vmem_shared>>
      tpu.wait_dma2 semaphore(%run_scoped3A : memref<!tpu.dma_semaphore, #tpu.memory_space<semaphore_mem>>) src(%dma_wait3A_89 : memref<1568x64xf32, #tpu.memory_space<vmem_shared>>) dst(%dma_wait3A_87 : memref<1568x64xf32, #tpu.memory_space<hbm>>)
      tpu.yield
    }) : () -> ()
    return
  }
}

module attributes {stable_mosaic.version = 14 : i64} {
  func.func @_cnn_body(%arg0: i32, %arg1: memref<200x50xi32, #tpu.memory_space<vmem>>, %arg2: memref<200x1xf32, #tpu.memory_space<vmem>>, %arg3: memref<18x32xf32, #tpu.memory_space<vmem>>, %arg4: memref<1x32xf32, #tpu.memory_space<vmem>>, %arg5: memref<32x64xf32, #tpu.memory_space<vmem>>, %arg6: memref<1x64xf32, #tpu.memory_space<vmem>>, %arg7: memref<200x64xf32, #tpu.memory_space<vmem>>) attributes {dimension_semantics = [#tpu.dimension_semantics<arbitrary>], iteration_bounds = array<i64: 250>, scalar_prefetch = 0 : i64, scratch_operands = 0 : i64, tpu.core_type = #tpu.core_type<tc>, window_params = [{transform_indices = @transform_0, window_bounds = array<i64: 200, 50>}, {transform_indices = @transform_1, window_bounds = array<i64: 200, 1>}, {pipeline_mode = #tpu.pipeline_mode<synchronous>, transform_indices = @transform_2, window_bounds = array<i64: 18, 32>}, {pipeline_mode = #tpu.pipeline_mode<synchronous>, transform_indices = @transform_3, window_bounds = array<i64: 1, 32>}, {pipeline_mode = #tpu.pipeline_mode<synchronous>, transform_indices = @transform_4, window_bounds = array<i64: 32, 64>}, {pipeline_mode = #tpu.pipeline_mode<synchronous>, transform_indices = @transform_5, window_bounds = array<i64: 1, 64>}, {transform_indices = @transform_6, window_bounds = array<i64: 200, 64>}]} {
    %get3A = arith.constant 0 : index
    %get3A_0 = arith.constant 0 : index
    %get3A_1 = vector.load %arg1[%get3A, %get3A_0] : memref<200x50xi32, #tpu.memory_space<vmem>>, vector<200x50xi32>
    %broadcast_in_dim3A = arith.constant 100 : i32
    %broadcast_in_dim3A_2 = vector.broadcast %broadcast_in_dim3A : i32 to vector<200x1xi32>
    %slice3A = vector.extract_strided_slice %get3A_1 {offsets = [0, 0], sizes = [200, 49], strides = [1, 1]} : vector<200x50xi32> to vector<200x49xi32>
    %concatenate3A = tpu.concatenate %broadcast_in_dim3A_2, %slice3A in 1 : vector<200x1xi32>, vector<200x49xi32> -> vector<200x50xi32>
    %add3A = arith.constant 6 : i32
    %add3A_3 = vector.broadcast %add3A : i32 to vector<200x50xi32>
    %add3A_4 = arith.addi %get3A_1, %add3A_3 : vector<200x50xi32>
    %slice3A_5 = vector.extract_strided_slice %get3A_1 {offsets = [0, 1], sizes = [200, 49], strides = [1, 1]} : vector<200x50xi32> to vector<200x49xi32>
    %add3A_6 = arith.constant 12 : i32
    %add3A_7 = vector.broadcast %add3A_6 : i32 to vector<200x49xi32>
    %add3A_8 = arith.addi %slice3A_5, %add3A_7 : vector<200x49xi32>
    %concatenate3A_9 = tpu.concatenate %add3A_8, %broadcast_in_dim3A_2 in 1 : vector<200x49xi32>, vector<200x1xi32> -> vector<200x50xi32>
    %iota3A = tpu.iota {dimensions = array<i32: 2>} : vector<200x50x18xi32>
    %broadcast_in_dim3A_10 = vector.shape_cast %concatenate3A : vector<200x50xi32> to vector<200x50x1xi32>
    %eq3A = vector.broadcast %broadcast_in_dim3A_10 : vector<200x50x1xi32> to vector<200x50x18xi32>
    %eq3A_11 = arith.cmpi eq, %eq3A, %iota3A : vector<200x50x18xi32>
    %convert_element_type3A = arith.extui %eq3A_11 : vector<200x50x18xi1> to vector<200x50x18xi32>
    %convert_element_type3A_12 = arith.sitofp %convert_element_type3A : vector<200x50x18xi32> to vector<200x50x18xf32>
    %broadcast_in_dim3A_13 = vector.shape_cast %add3A_4 : vector<200x50xi32> to vector<200x50x1xi32>
    %eq3A_14 = vector.broadcast %broadcast_in_dim3A_13 : vector<200x50x1xi32> to vector<200x50x18xi32>
    %eq3A_15 = arith.cmpi eq, %eq3A_14, %iota3A : vector<200x50x18xi32>
    %convert_element_type3A_16 = arith.extui %eq3A_15 : vector<200x50x18xi1> to vector<200x50x18xi32>
    %convert_element_type3A_17 = arith.sitofp %convert_element_type3A_16 : vector<200x50x18xi32> to vector<200x50x18xf32>
    %add3A_18 = arith.addf %convert_element_type3A_12, %convert_element_type3A_17 : vector<200x50x18xf32>
    %broadcast_in_dim3A_19 = vector.shape_cast %concatenate3A_9 : vector<200x50xi32> to vector<200x50x1xi32>
    %eq3A_20 = vector.broadcast %broadcast_in_dim3A_19 : vector<200x50x1xi32> to vector<200x50x18xi32>
    %eq3A_21 = arith.cmpi eq, %eq3A_20, %iota3A : vector<200x50x18xi32>
    %convert_element_type3A_22 = arith.extui %eq3A_21 : vector<200x50x18xi1> to vector<200x50x18xi32>
    %convert_element_type3A_23 = arith.sitofp %convert_element_type3A_22 : vector<200x50x18xi32> to vector<200x50x18xf32>
    %add3A_24 = arith.addf %add3A_18, %convert_element_type3A_23 : vector<200x50x18xf32>
    %reshape3A = vector.shape_cast %add3A_24 : vector<200x50x18xf32> to vector<10000x18xf32>
    %get3A_25 = arith.constant 0 : index
    %get3A_26 = arith.constant 0 : index
    %get3A_27 = vector.load %arg3[%get3A_25, %get3A_26] : memref<18x32xf32, #tpu.memory_space<vmem>>, vector<18x32xf32>
    %dot_general3A = arith.constant dense<0.000000e+00> : vector<10000x32xf32>
    %dot_general3A_28 = tpu.matmul %reshape3A, %get3A_27, %dot_general3A {dimension_numbers = #tpu.dot_dimension_numbers<[1], [0], [0], [1], [0, 0, 1, 1], [], []>, transpose_lhs_hint = false} : vector<10000x18xf32>, vector<18x32xf32>, vector<10000x32xf32> -> vector<10000x32xf32>
    %get3A_29 = arith.constant 0 : index
    %get3A_30 = arith.constant 0 : index
    %get3A_31 = vector.load %arg4[%get3A_29, %get3A_30] : memref<1x32xf32, #tpu.memory_space<vmem>>, vector<1x32xf32>
    %add3A_32 = vector.broadcast %get3A_31 : vector<1x32xf32> to vector<10000x32xf32>
    %add3A_33 = arith.addf %dot_general3A_28, %add3A_32 : vector<10000x32xf32>
    %max3A = arith.constant 0.000000e+00 : f32
    %max3A_34 = vector.broadcast %max3A : f32 to vector<10000x32xf32>
    %max3A_35 = arith.maximumf %add3A_33, %max3A_34 : vector<10000x32xf32>
    %reshape3A_36 = vector.shape_cast %max3A_35 : vector<10000x32xf32> to vector<200x50x32xf32>
    %reduce_sum3A = arith.constant dense<0.000000e+00> : vector<200x32xf32>
    %reduce_sum3A_37 = vector.multi_reduction <add>, %reshape3A_36, %reduce_sum3A [1] : vector<200x50x32xf32> to vector<200x32xf32>
    %mul3A = arith.constant 2.000000e-02 : f32
    %mul3A_38 = vector.broadcast %mul3A : f32 to vector<200x32xf32>
    %mul3A_39 = arith.mulf %reduce_sum3A_37, %mul3A_38 : vector<200x32xf32>
    %get3A_40 = arith.constant 0 : index
    %get3A_41 = arith.constant 0 : index
    %get3A_42 = vector.load %arg5[%get3A_40, %get3A_41] : memref<32x64xf32, #tpu.memory_space<vmem>>, vector<32x64xf32>
    %dot_general3A_43 = arith.constant dense<0.000000e+00> : vector<200x64xf32>
    %dot_general3A_44 = tpu.matmul %mul3A_39, %get3A_42, %dot_general3A_43 {dimension_numbers = #tpu.dot_dimension_numbers<[1], [0], [0], [1], [0, 0, 1, 1], [], []>, transpose_lhs_hint = false} : vector<200x32xf32>, vector<32x64xf32>, vector<200x64xf32> -> vector<200x64xf32>
    %get3A_45 = arith.constant 0 : index
    %get3A_46 = arith.constant 0 : index
    %get3A_47 = vector.load %arg2[%get3A_45, %get3A_46] : memref<200x1xf32, #tpu.memory_space<vmem>>, vector<200x1xf32>
    %get3A_48 = arith.constant 0 : index
    %get3A_49 = arith.constant 0 : index
    %get3A_50 = vector.load %arg6[%get3A_48, %get3A_49] : memref<1x64xf32, #tpu.memory_space<vmem>>, vector<1x64xf32>
    %mul3A_51 = vector.broadcast %get3A_47 : vector<200x1xf32> to vector<200x64xf32>
    %mul3A_52 = vector.broadcast %get3A_50 : vector<1x64xf32> to vector<200x64xf32>
    %mul3A_53 = arith.mulf %mul3A_51, %mul3A_52 : vector<200x64xf32>
    %add3A_54 = arith.addf %dot_general3A_44, %mul3A_53 : vector<200x64xf32>
    %swap3A = arith.constant 0 : index
    %swap3A_55 = arith.constant 0 : index
    %swap3A_56 = vector.load %arg7[%swap3A, %swap3A_55] : memref<200x64xf32, #tpu.memory_space<vmem>>, vector<200x64xf32>
    tpu.vector_store %arg7[%swap3A, %swap3A_55], %add3A_54 {strides = array<i32>} : memref<200x64xf32, #tpu.memory_space<vmem>>, vector<200x64xf32>,
    return
  }
  func.func @transform_0(%arg0: i32) -> (i32, i32) {
    %c0_i32 = arith.constant 0 : i32
    %c0_i32_0 = arith.constant 0 : i32
    return %arg0, %c0_i32 : i32, i32
  }
  func.func @transform_1(%arg0: i32) -> (i32, i32) {
    %c0_i32 = arith.constant 0 : i32
    %c0_i32_0 = arith.constant 0 : i32
    return %arg0, %c0_i32 : i32, i32
  }
  func.func @transform_2(%arg0: i32) -> (i32, i32) {
    %c0_i32 = arith.constant 0 : i32
    %c0_i32_0 = arith.constant 0 : i32
    %c0_i32_1 = arith.constant 0 : i32
    return %c0_i32, %c0_i32_0 : i32, i32
  }
  func.func @transform_3(%arg0: i32) -> (i32, i32) {
    %c0_i32 = arith.constant 0 : i32
    %c0_i32_0 = arith.constant 0 : i32
    %c0_i32_1 = arith.constant 0 : i32
    return %c0_i32, %c0_i32_0 : i32, i32
  }
  func.func @transform_4(%arg0: i32) -> (i32, i32) {
    %c0_i32 = arith.constant 0 : i32
    %c0_i32_0 = arith.constant 0 : i32
    %c0_i32_1 = arith.constant 0 : i32
    return %c0_i32, %c0_i32_0 : i32, i32
  }
  func.func @transform_5(%arg0: i32) -> (i32, i32) {
    %c0_i32 = arith.constant 0 : i32
    %c0_i32_0 = arith.constant 0 : i32
    %c0_i32_1 = arith.constant 0 : i32
    return %c0_i32, %c0_i32_0 : i32, i32
  }
  func.func @transform_6(%arg0: i32) -> (i32, i32) {
    %c0_i32 = arith.constant 0 : i32
    %c0_i32_0 = arith.constant 0 : i32
    return %arg0, %c0_i32 : i32, i32
  }
}

module attributes {stable_mosaic.version = 14 : i64} {
  func.func @_scale_body(%arg0: i32, %arg1: memref<2x1000x16xf32, #tpu.memory_space<vmem>>, %arg2: memref<1000x64xf32, #tpu.memory_space<vmem>>, %arg3: memref<1000x64xf32, #tpu.memory_space<vmem>>, %arg4: memref<1000x1xf32, #tpu.memory_space<vmem>>) attributes {dimension_semantics = [#tpu.dimension_semantics<arbitrary>], iteration_bounds = array<i64: 50>, scalar_prefetch = 0 : i64, scratch_operands = 0 : i64, tpu.core_type = #tpu.core_type<tc>, window_params = [{transform_indices = @transform_0, window_bounds = array<i64: 2, 1000, 16>}, {transform_indices = @transform_1, window_bounds = array<i64: 1000, 64>}, {transform_indices = @transform_2, window_bounds = array<i64: 1000, 64>}, {transform_indices = @transform_3, window_bounds = array<i64: 1000, 1>}]} {
    %get3A = arith.constant 0 : index
    %get3A_0 = arith.constant 0 : index
    %get3A_1 = arith.constant 0 : index
    %get3A_2 = vector.load %arg1[%get3A, %get3A_0, %get3A_1] : memref<2x1000x16xf32, #tpu.memory_space<vmem>>, vector<2x1000x16xf32>
    %slice3A = vector.extract_strided_slice %get3A_2 {offsets = [0, 0, 0], sizes = [1, 1000, 1], strides = [1, 1, 1]} : vector<2x1000x16xf32> to vector<1x1000x1xf32>
    %squeeze3A = vector.shape_cast %slice3A : vector<1x1000x1xf32> to vector<1000x1xf32>
    %slice3A_3 = vector.extract_strided_slice %get3A_2 {offsets = [1, 0, 0], sizes = [1, 1000, 1], strides = [1, 1, 1]} : vector<2x1000x16xf32> to vector<1x1000x1xf32>
    %squeeze3A_4 = vector.shape_cast %slice3A_3 : vector<1x1000x1xf32> to vector<1000x1xf32>
    %add3A = arith.addf %squeeze3A, %squeeze3A_4 : vector<1000x1xf32>
    %add3A_5 = arith.constant 1.000000e+00 : f32
    %add3A_6 = vector.broadcast %add3A_5 : f32 to vector<1000x1xf32>
    %add3A_7 = arith.addf %add3A, %add3A_6 : vector<1000x1xf32>
    %rsqrt3A = math.rsqrt %add3A_7 : vector<1000x1xf32>
    %swap3A = arith.constant 0 : index
    %swap3A_8 = arith.constant 0 : index
    %swap3A_9 = vector.load %arg4[%swap3A, %swap3A_8] : memref<1000x1xf32, #tpu.memory_space<vmem>>, vector<1000x1xf32>
    tpu.vector_store %arg4[%swap3A, %swap3A_8], %rsqrt3A {strides = array<i32>} : memref<1000x1xf32, #tpu.memory_space<vmem>>, vector<1000x1xf32>,
    %get3A_10 = arith.constant 0 : index
    %get3A_11 = arith.constant 0 : index
    %get3A_12 = vector.load %arg2[%get3A_10, %get3A_11] : memref<1000x64xf32, #tpu.memory_space<vmem>>, vector<1000x64xf32>
    %mul3A = vector.broadcast %rsqrt3A : vector<1000x1xf32> to vector<1000x64xf32>
    %mul3A_13 = arith.mulf %get3A_12, %mul3A : vector<1000x64xf32>
    %swap3A_14 = arith.constant 0 : index
    %swap3A_15 = arith.constant 0 : index
    %swap3A_16 = vector.load %arg3[%swap3A_14, %swap3A_15] : memref<1000x64xf32, #tpu.memory_space<vmem>>, vector<1000x64xf32>
    tpu.vector_store %arg3[%swap3A_14, %swap3A_15], %mul3A_13 {strides = array<i32>} : memref<1000x64xf32, #tpu.memory_space<vmem>>, vector<1000x64xf32>,
    return
  }
  func.func @transform_0(%arg0: i32) -> (i32, i32, i32) {
    %c0_i32 = arith.constant 0 : i32
    %c0_i32_0 = arith.constant 0 : i32
    %c0_i32_1 = arith.constant 0 : i32
    return %c0_i32, %arg0, %c0_i32_0 : i32, i32, i32
  }
  func.func @transform_1(%arg0: i32) -> (i32, i32) {
    %c0_i32 = arith.constant 0 : i32
    %c0_i32_0 = arith.constant 0 : i32
    return %arg0, %c0_i32 : i32, i32
  }
  func.func @transform_2(%arg0: i32) -> (i32, i32) {
    %c0_i32 = arith.constant 0 : i32
    %c0_i32_0 = arith.constant 0 : i32
    return %arg0, %c0_i32 : i32, i32
  }
  func.func @transform_3(%arg0: i32) -> (i32, i32) {
    %c0_i32 = arith.constant 0 : i32
    %c0_i32_0 = arith.constant 0 : i32
    return %arg0, %c0_i32 : i32, i32
  }
}

module attributes {stable_mosaic.version = 14 : i64} {
  func.func @_layer_body(%arg0: i32, %arg1: memref<1x1000x64xf32, #tpu.memory_space<vmem>>, %arg2: memref<1000x64xf32, #tpu.memory_space<vmem>>, %arg3: memref<1000x1xf32, #tpu.memory_space<vmem>>, %arg4: memref<64x64xf32, #tpu.memory_space<vmem>>, %arg5: memref<1x64xf32, #tpu.memory_space<vmem>>, %arg6: memref<1000x64xf32, #tpu.memory_space<vmem>>) attributes {dimension_semantics = [#tpu.dimension_semantics<arbitrary>], iteration_bounds = array<i64: 50>, scalar_prefetch = 0 : i64, scratch_operands = 0 : i64, tpu.core_type = #tpu.core_type<tc>, window_params = [{transform_indices = @transform_0, window_bounds = array<i64: 1, 1000, 64>}, {transform_indices = @transform_1, window_bounds = array<i64: 1000, 64>}, {transform_indices = @transform_2, window_bounds = array<i64: 1000, 1>}, {pipeline_mode = #tpu.pipeline_mode<synchronous>, transform_indices = @transform_3, window_bounds = array<i64: 64, 64>}, {pipeline_mode = #tpu.pipeline_mode<synchronous>, transform_indices = @transform_4, window_bounds = array<i64: 1, 64>}, {transform_indices = @transform_5, window_bounds = array<i64: 1000, 64>}]} {
    %get3A = arith.constant 0 : index
    %get3A_0 = arith.constant 0 : index
    %get3A_1 = vector.load %arg3[%get3A, %get3A_0] : memref<1000x1xf32, #tpu.memory_space<vmem>>, vector<1000x1xf32>
    %get3A_2 = arith.constant 0 : index
    %get3A_3 = arith.constant 0 : index
    %get3A_4 = arith.constant 0 : index
    %get3A_5 = vector.load %arg1[%get3A_2, %get3A_3, %get3A_4] : memref<1x1000x64xf32, #tpu.memory_space<vmem>>, vector<1x1000x64xf32>
    %get3A_6 = vector.shape_cast %get3A_5 : vector<1x1000x64xf32> to vector<1000x64xf32>
    %get3A_7 = arith.constant 0 : index
    %get3A_8 = arith.constant 0 : index
    %get3A_9 = vector.load %arg2[%get3A_7, %get3A_8] : memref<1000x64xf32, #tpu.memory_space<vmem>>, vector<1000x64xf32>
    %add3A = arith.addf %get3A_6, %get3A_9 : vector<1000x64xf32>
    %mul3A = vector.broadcast %get3A_1 : vector<1000x1xf32> to vector<1000x64xf32>
    %mul3A_10 = arith.mulf %mul3A, %add3A : vector<1000x64xf32>
    %get3A_11 = arith.constant 0 : index
    %get3A_12 = arith.constant 0 : index
    %get3A_13 = vector.load %arg5[%get3A_11, %get3A_12] : memref<1x64xf32, #tpu.memory_space<vmem>>, vector<1x64xf32>
    %add3A_14 = vector.broadcast %get3A_13 : vector<1x64xf32> to vector<1000x64xf32>
    %add3A_15 = arith.addf %mul3A_10, %add3A_14 : vector<1000x64xf32>
    %max3A = arith.constant 0.000000e+00 : f32
    %max3A_16 = vector.broadcast %max3A : f32 to vector<1000x64xf32>
    %max3A_17 = arith.maximumf %add3A_15, %max3A_16 : vector<1000x64xf32>
    %get3A_18 = arith.constant 0 : index
    %get3A_19 = arith.constant 0 : index
    %get3A_20 = vector.load %arg4[%get3A_18, %get3A_19] : memref<64x64xf32, #tpu.memory_space<vmem>>, vector<64x64xf32>
    %dot_general3A = arith.constant dense<0.000000e+00> : vector<1000x64xf32>
    %dot_general3A_21 = tpu.matmul %max3A_17, %get3A_20, %dot_general3A {dimension_numbers = #tpu.dot_dimension_numbers<[1], [0], [0], [1], [0, 0, 1, 1], [], []>, transpose_lhs_hint = false} : vector<1000x64xf32>, vector<64x64xf32>, vector<1000x64xf32> -> vector<1000x64xf32>
    %mul3A_22 = vector.broadcast %get3A_1 : vector<1000x1xf32> to vector<1000x64xf32>
    %mul3A_23 = arith.mulf %dot_general3A_21, %mul3A_22 : vector<1000x64xf32>
    %swap3A = arith.constant 0 : index
    %swap3A_24 = arith.constant 0 : index
    %swap3A_25 = vector.load %arg6[%swap3A, %swap3A_24] : memref<1000x64xf32, #tpu.memory_space<vmem>>, vector<1000x64xf32>
    tpu.vector_store %arg6[%swap3A, %swap3A_24], %mul3A_23 {strides = array<i32>} : memref<1000x64xf32, #tpu.memory_space<vmem>>, vector<1000x64xf32>,
    return
  }
  func.func @transform_0(%arg0: i32) -> (i32, i32, i32) {
    %jit3A = arith.constant 25 : i32
    %div3A = arith.divsi %arg0, %jit3A : i32
    %sign3A = arith.constant 0 : i32
    %sign3A_0 = arith.cmpi sgt, %arg0, %sign3A : i32
    %sign3A_1 = arith.extui %sign3A_0 : i1 to i32
    %sign3A_2 = arith.constant 0 : i32
    %sign3A_3 = arith.cmpi slt, %arg0, %sign3A_2 : i32
    %sign3A_4 = arith.extui %sign3A_3 : i1 to i32
    %sign3A_5 = arith.subi %sign3A_1, %sign3A_4 : i32
    %sign3A_6 = arith.constant 0 : i32
    %sign3A_7 = arith.cmpi sgt, %jit3A, %sign3A_6 : i32
    %sign3A_8 = arith.extui %sign3A_7 : i1 to i32
    %sign3A_9 = arith.constant 0 : i32
    %sign3A_10 = arith.cmpi slt, %jit3A, %sign3A_9 : i32
    %sign3A_11 = arith.extui %sign3A_10 : i1 to i32
    %sign3A_12 = arith.subi %sign3A_8, %sign3A_11 : i32
    %ne3A = arith.cmpi ne, %sign3A_5, %sign3A_12 : i32
    %rem3A = arith.remsi %arg0, %jit3A : i32
    %ne3A_13 = arith.constant 0 : i32
    %ne3A_14 = arith.cmpi ne, %rem3A, %ne3A_13 : i32
    %and3A = arith.andi %ne3A, %ne3A_14 : i1
    %sub3A = arith.constant 1 : i32
    %sub3A_15 = arith.subi %div3A, %sub3A : i32
    %select_n3A = arith.select %and3A, %sub3A_15, %div3A : i32
    %jit3A_16 = arith.constant 25 : i32
    %eq3A = arith.constant 0 : i32
    %eq3A_17 = arith.cmpi eq, %jit3A_16, %eq3A : i32
    %jit3A_18 = arith.constant 1 : i32
    %select_n3A_19 = arith.select %eq3A_17, %jit3A_18, %jit3A_16 : i32
    %rem3A_20 = arith.remsi %arg0, %select_n3A_19 : i32
    %ne3A_21 = arith.constant 0 : i32
    %ne3A_22 = arith.cmpi ne, %rem3A_20, %ne3A_21 : i32
    %lt3A = arith.constant 0 : i32
    %lt3A_23 = arith.cmpi slt, %rem3A_20, %lt3A : i32
    %lt3A_24 = arith.constant 0 : i32
    %lt3A_25 = arith.cmpi slt, %select_n3A_19, %lt3A_24 : i32
    %ne3A_26 = arith.xori %lt3A_23, %lt3A_25 : i1
    %and3A_27 = arith.andi %ne3A_26, %ne3A_22 : i1
    %add3A = arith.addi %rem3A_20, %select_n3A_19 : i32
    %select_n3A_28 = arith.select %and3A_27, %add3A, %rem3A_20 : i32
    %c0_i32 = arith.constant 0 : i32
    %c0_i32_29 = arith.constant 0 : i32
    return %select_n3A, %select_n3A_28, %c0_i32 : i32, i32, i32
  }
  func.func @transform_1(%arg0: i32) -> (i32, i32) {
    %c0_i32 = arith.constant 0 : i32
    %c0_i32_0 = arith.constant 0 : i32
    return %arg0, %c0_i32 : i32, i32
  }
  func.func @transform_2(%arg0: i32) -> (i32, i32) {
    %c0_i32 = arith.constant 0 : i32
    %c0_i32_0 = arith.constant 0 : i32
    return %arg0, %c0_i32 : i32, i32
  }
  func.func @transform_3(%arg0: i32) -> (i32, i32) {
    %c0_i32 = arith.constant 0 : i32
    %c0_i32_0 = arith.constant 0 : i32
    %c0_i32_1 = arith.constant 0 : i32
    return %c0_i32, %c0_i32_0 : i32, i32
  }
  func.func @transform_4(%arg0: i32) -> (i32, i32) {
    %c0_i32 = arith.constant 0 : i32
    %c0_i32_0 = arith.constant 0 : i32
    %c0_i32_1 = arith.constant 0 : i32
    return %c0_i32, %c0_i32_0 : i32, i32
  }
  func.func @transform_5(%arg0: i32) -> (i32, i32) {
    %c0_i32 = arith.constant 0 : i32
    %c0_i32_0 = arith.constant 0 : i32
    return %arg0, %c0_i32 : i32, i32
  }
}

module attributes {stable_mosaic.version = 14 : i64} {
  func.func @_proj_body(%arg0: i32, %arg1: memref<1x1000x64xf32, #tpu.memory_space<vmem>>, %arg2: memref<1000x64xf32, #tpu.memory_space<vmem>>, %arg3: memref<1000x1xf32, #tpu.memory_space<vmem>>, %arg4: memref<64x64xf32, #tpu.memory_space<vmem>>, %arg5: memref<64x64xf32, #tpu.memory_space<vmem>>, %arg6: memref<1x64xf32, #tpu.memory_space<vmem>>, %arg7: memref<1x64xf32, #tpu.memory_space<vmem>>, %arg8: memref<1000x64xf32, #tpu.memory_space<vmem>>, %arg9: memref<1000x64xf32, #tpu.memory_space<vmem>>) attributes {dimension_semantics = [#tpu.dimension_semantics<arbitrary>], iteration_bounds = array<i64: 50>, scalar_prefetch = 0 : i64, scratch_operands = 0 : i64, tpu.core_type = #tpu.core_type<tc>, window_params = [{transform_indices = @transform_0, window_bounds = array<i64: 1, 1000, 64>}, {transform_indices = @transform_1, window_bounds = array<i64: 1000, 64>}, {transform_indices = @transform_2, window_bounds = array<i64: 1000, 1>}, {pipeline_mode = #tpu.pipeline_mode<synchronous>, transform_indices = @transform_3, window_bounds = array<i64: 64, 64>}, {pipeline_mode = #tpu.pipeline_mode<synchronous>, transform_indices = @transform_4, window_bounds = array<i64: 64, 64>}, {pipeline_mode = #tpu.pipeline_mode<synchronous>, transform_indices = @transform_5, window_bounds = array<i64: 1, 64>}, {pipeline_mode = #tpu.pipeline_mode<synchronous>, transform_indices = @transform_6, window_bounds = array<i64: 1, 64>}, {transform_indices = @transform_7, window_bounds = array<i64: 1000, 64>}, {transform_indices = @transform_8, window_bounds = array<i64: 1000, 64>}]} {
    %get3A = arith.constant 0 : index
    %get3A_0 = arith.constant 0 : index
    %get3A_1 = vector.load %arg3[%get3A, %get3A_0] : memref<1000x1xf32, #tpu.memory_space<vmem>>, vector<1000x1xf32>
    %get3A_2 = arith.constant 0 : index
    %get3A_3 = arith.constant 0 : index
    %get3A_4 = arith.constant 0 : index
    %get3A_5 = vector.load %arg1[%get3A_2, %get3A_3, %get3A_4] : memref<1x1000x64xf32, #tpu.memory_space<vmem>>, vector<1x1000x64xf32>
    %get3A_6 = vector.shape_cast %get3A_5 : vector<1x1000x64xf32> to vector<1000x64xf32>
    %get3A_7 = arith.constant 0 : index
    %get3A_8 = arith.constant 0 : index
    %get3A_9 = vector.load %arg2[%get3A_7, %get3A_8] : memref<1000x64xf32, #tpu.memory_space<vmem>>, vector<1000x64xf32>
    %add3A = arith.addf %get3A_6, %get3A_9 : vector<1000x64xf32>
    %mul3A = vector.broadcast %get3A_1 : vector<1000x1xf32> to vector<1000x64xf32>
    %mul3A_10 = arith.mulf %mul3A, %add3A : vector<1000x64xf32>
    %get3A_11 = arith.constant 0 : index
    %get3A_12 = arith.constant 0 : index
    %get3A_13 = vector.load %arg6[%get3A_11, %get3A_12] : memref<1x64xf32, #tpu.memory_space<vmem>>, vector<1x64xf32>
    %add3A_14 = vector.broadcast %get3A_13 : vector<1x64xf32> to vector<1000x64xf32>
    %add3A_15 = arith.addf %mul3A_10, %add3A_14 : vector<1000x64xf32>
    %max3A = arith.constant 0.000000e+00 : f32
    %max3A_16 = vector.broadcast %max3A : f32 to vector<1000x64xf32>
    %max3A_17 = arith.maximumf %add3A_15, %max3A_16 : vector<1000x64xf32>
    %get3A_18 = arith.constant 0 : index
    %get3A_19 = arith.constant 0 : index
    %get3A_20 = vector.load %arg4[%get3A_18, %get3A_19] : memref<64x64xf32, #tpu.memory_space<vmem>>, vector<64x64xf32>
    %dot_general3A = arith.constant dense<0.000000e+00> : vector<1000x64xf32>
    %dot_general3A_21 = tpu.matmul %max3A_17, %get3A_20, %dot_general3A {dimension_numbers = #tpu.dot_dimension_numbers<[1], [0], [0], [1], [0, 0, 1, 1], [], []>, transpose_lhs_hint = false} : vector<1000x64xf32>, vector<64x64xf32>, vector<1000x64xf32> -> vector<1000x64xf32>
    %swap3A = arith.constant 0 : index
    %swap3A_22 = arith.constant 0 : index
    %swap3A_23 = vector.load %arg8[%swap3A, %swap3A_22] : memref<1000x64xf32, #tpu.memory_space<vmem>>, vector<1000x64xf32>
    tpu.vector_store %arg8[%swap3A, %swap3A_22], %dot_general3A_21 {strides = array<i32>} : memref<1000x64xf32, #tpu.memory_space<vmem>>, vector<1000x64xf32>,
    %get3A_24 = arith.constant 0 : index
    %get3A_25 = arith.constant 0 : index
    %get3A_26 = vector.load %arg5[%get3A_24, %get3A_25] : memref<64x64xf32, #tpu.memory_space<vmem>>, vector<64x64xf32>
    %dot_general3A_27 = arith.constant dense<0.000000e+00> : vector<1000x64xf32>
    %dot_general3A_28 = tpu.matmul %max3A_17, %get3A_26, %dot_general3A_27 {dimension_numbers = #tpu.dot_dimension_numbers<[1], [0], [0], [1], [0, 0, 1, 1], [], []>, transpose_lhs_hint = false} : vector<1000x64xf32>, vector<64x64xf32>, vector<1000x64xf32> -> vector<1000x64xf32>
    %get3A_29 = arith.constant 0 : index
    %get3A_30 = arith.constant 0 : index
    %get3A_31 = vector.load %arg7[%get3A_29, %get3A_30] : memref<1x64xf32, #tpu.memory_space<vmem>>, vector<1x64xf32>
    %add3A_32 = vector.broadcast %get3A_31 : vector<1x64xf32> to vector<1000x64xf32>
    %add3A_33 = arith.addf %dot_general3A_28, %add3A_32 : vector<1000x64xf32>
    %swap3A_34 = arith.constant 0 : index
    %swap3A_35 = arith.constant 0 : index
    %swap3A_36 = vector.load %arg9[%swap3A_34, %swap3A_35] : memref<1000x64xf32, #tpu.memory_space<vmem>>, vector<1000x64xf32>
    tpu.vector_store %arg9[%swap3A_34, %swap3A_35], %add3A_33 {strides = array<i32>} : memref<1000x64xf32, #tpu.memory_space<vmem>>, vector<1000x64xf32>,
    return
  }
  func.func @transform_0(%arg0: i32) -> (i32, i32, i32) {
    %jit3A = arith.constant 25 : i32
    %div3A = arith.divsi %arg0, %jit3A : i32
    %sign3A = arith.constant 0 : i32
    %sign3A_0 = arith.cmpi sgt, %arg0, %sign3A : i32
    %sign3A_1 = arith.extui %sign3A_0 : i1 to i32
    %sign3A_2 = arith.constant 0 : i32
    %sign3A_3 = arith.cmpi slt, %arg0, %sign3A_2 : i32
    %sign3A_4 = arith.extui %sign3A_3 : i1 to i32
    %sign3A_5 = arith.subi %sign3A_1, %sign3A_4 : i32
    %sign3A_6 = arith.constant 0 : i32
    %sign3A_7 = arith.cmpi sgt, %jit3A, %sign3A_6 : i32
    %sign3A_8 = arith.extui %sign3A_7 : i1 to i32
    %sign3A_9 = arith.constant 0 : i32
    %sign3A_10 = arith.cmpi slt, %jit3A, %sign3A_9 : i32
    %sign3A_11 = arith.extui %sign3A_10 : i1 to i32
    %sign3A_12 = arith.subi %sign3A_8, %sign3A_11 : i32
    %ne3A = arith.cmpi ne, %sign3A_5, %sign3A_12 : i32
    %rem3A = arith.remsi %arg0, %jit3A : i32
    %ne3A_13 = arith.constant 0 : i32
    %ne3A_14 = arith.cmpi ne, %rem3A, %ne3A_13 : i32
    %and3A = arith.andi %ne3A, %ne3A_14 : i1
    %sub3A = arith.constant 1 : i32
    %sub3A_15 = arith.subi %div3A, %sub3A : i32
    %select_n3A = arith.select %and3A, %sub3A_15, %div3A : i32
    %jit3A_16 = arith.constant 25 : i32
    %eq3A = arith.constant 0 : i32
    %eq3A_17 = arith.cmpi eq, %jit3A_16, %eq3A : i32
    %jit3A_18 = arith.constant 1 : i32
    %select_n3A_19 = arith.select %eq3A_17, %jit3A_18, %jit3A_16 : i32
    %rem3A_20 = arith.remsi %arg0, %select_n3A_19 : i32
    %ne3A_21 = arith.constant 0 : i32
    %ne3A_22 = arith.cmpi ne, %rem3A_20, %ne3A_21 : i32
    %lt3A = arith.constant 0 : i32
    %lt3A_23 = arith.cmpi slt, %rem3A_20, %lt3A : i32
    %lt3A_24 = arith.constant 0 : i32
    %lt3A_25 = arith.cmpi slt, %select_n3A_19, %lt3A_24 : i32
    %ne3A_26 = arith.xori %lt3A_23, %lt3A_25 : i1
    %and3A_27 = arith.andi %ne3A_26, %ne3A_22 : i1
    %add3A = arith.addi %rem3A_20, %select_n3A_19 : i32
    %select_n3A_28 = arith.select %and3A_27, %add3A, %rem3A_20 : i32
    %c0_i32 = arith.constant 0 : i32
    %c0_i32_29 = arith.constant 0 : i32
    return %select_n3A, %select_n3A_28, %c0_i32 : i32, i32, i32
  }
  func.func @transform_1(%arg0: i32) -> (i32, i32) {
    %c0_i32 = arith.constant 0 : i32
    %c0_i32_0 = arith.constant 0 : i32
    return %arg0, %c0_i32 : i32, i32
  }
  func.func @transform_2(%arg0: i32) -> (i32, i32) {
    %c0_i32 = arith.constant 0 : i32
    %c0_i32_0 = arith.constant 0 : i32
    return %arg0, %c0_i32 : i32, i32
  }
  func.func @transform_3(%arg0: i32) -> (i32, i32) {
    %c0_i32 = arith.constant 0 : i32
    %c0_i32_0 = arith.constant 0 : i32
    %c0_i32_1 = arith.constant 0 : i32
    return %c0_i32, %c0_i32_0 : i32, i32
  }
  func.func @transform_4(%arg0: i32) -> (i32, i32) {
    %c0_i32 = arith.constant 0 : i32
    %c0_i32_0 = arith.constant 0 : i32
    %c0_i32_1 = arith.constant 0 : i32
    return %c0_i32, %c0_i32_0 : i32, i32
  }
  func.func @transform_5(%arg0: i32) -> (i32, i32) {
    %c0_i32 = arith.constant 0 : i32
    %c0_i32_0 = arith.constant 0 : i32
    %c0_i32_1 = arith.constant 0 : i32
    return %c0_i32, %c0_i32_0 : i32, i32
  }
  func.func @transform_6(%arg0: i32) -> (i32, i32) {
    %c0_i32 = arith.constant 0 : i32
    %c0_i32_0 = arith.constant 0 : i32
    %c0_i32_1 = arith.constant 0 : i32
    return %c0_i32, %c0_i32_0 : i32, i32
  }
  func.func @transform_7(%arg0: i32) -> (i32, i32) {
    %c0_i32 = arith.constant 0 : i32
    %c0_i32_0 = arith.constant 0 : i32
    return %arg0, %c0_i32 : i32, i32
  }
  func.func @transform_8(%arg0: i32) -> (i32, i32) {
    %c0_i32 = arith.constant 0 : i32
    %c0_i32_0 = arith.constant 0 : i32
    return %arg0, %c0_i32 : i32, i32
  }
}

module attributes {stable_mosaic.version = 14 : i64} {
  func.func @_emlp_body(%arg0: i32, %arg1: memref<2048x64xf32, #tpu.memory_space<vmem>>, %arg2: memref<2048x64xf32, #tpu.memory_space<vmem>>, %arg3: memref<2048x8xf32, #tpu.memory_space<vmem>>, %arg4: memref<8x64xf32, #tpu.memory_space<vmem>>, %arg5: memref<64x1xf32, #tpu.memory_space<vmem>>, %arg6: memref<1x1xf32, #tpu.memory_space<vmem>>, %arg7: memref<2048x1xf32, #tpu.memory_space<vmem>>) attributes {dimension_semantics = [#tpu.dimension_semantics<arbitrary>], iteration_bounds = array<i64: 392>, scalar_prefetch = 0 : i64, scratch_operands = 0 : i64, tpu.core_type = #tpu.core_type<tc>, window_params = [{transform_indices = @transform_0, window_bounds = array<i64: 2048, 64>}, {transform_indices = @transform_1, window_bounds = array<i64: 2048, 64>}, {transform_indices = @transform_2, window_bounds = array<i64: 2048, 8>}, {pipeline_mode = #tpu.pipeline_mode<synchronous>, transform_indices = @transform_3, window_bounds = array<i64: 8, 64>}, {pipeline_mode = #tpu.pipeline_mode<synchronous>, transform_indices = @transform_4, window_bounds = array<i64: 64, 1>}, {pipeline_mode = #tpu.pipeline_mode<synchronous>, transform_indices = @transform_5, window_bounds = array<i64: 1, 1>}, {transform_indices = @transform_6, window_bounds = array<i64: 2048, 1>}]} {
    %get3A = arith.constant 0 : index
    %get3A_0 = arith.constant 0 : index
    %get3A_1 = vector.load %arg1[%get3A, %get3A_0] : memref<2048x64xf32, #tpu.memory_space<vmem>>, vector<2048x64xf32>
    %get3A_2 = arith.constant 0 : index
    %get3A_3 = arith.constant 0 : index
    %get3A_4 = vector.load %arg2[%get3A_2, %get3A_3] : memref<2048x64xf32, #tpu.memory_space<vmem>>, vector<2048x64xf32>
    %add3A = arith.addf %get3A_1, %get3A_4 : vector<2048x64xf32>
    %get3A_5 = arith.constant 0 : index
    %get3A_6 = arith.constant 0 : index
    %get3A_7 = vector.load %arg3[%get3A_5, %get3A_6] : memref<2048x8xf32, #tpu.memory_space<vmem>>, vector<2048x8xf32>
    %get3A_8 = arith.constant 0 : index
    %get3A_9 = arith.constant 0 : index
    %get3A_10 = vector.load %arg4[%get3A_8, %get3A_9] : memref<8x64xf32, #tpu.memory_space<vmem>>, vector<8x64xf32>
    %dot_general3A = arith.constant dense<0.000000e+00> : vector<2048x64xf32>
    %dot_general3A_11 = tpu.matmul %get3A_7, %get3A_10, %dot_general3A {dimension_numbers = #tpu.dot_dimension_numbers<[1], [0], [0], [1], [0, 0, 1, 1], [], []>, transpose_lhs_hint = false} : vector<2048x8xf32>, vector<8x64xf32>, vector<2048x64xf32> -> vector<2048x64xf32>
    %add3A_12 = arith.addf %add3A, %dot_general3A_11 : vector<2048x64xf32>
    %max3A = arith.constant 0.000000e+00 : f32
    %max3A_13 = vector.broadcast %max3A : f32 to vector<2048x64xf32>
    %max3A_14 = arith.maximumf %add3A_12, %max3A_13 : vector<2048x64xf32>
    %get3A_15 = arith.constant 0 : index
    %get3A_16 = arith.constant 0 : index
    %get3A_17 = vector.load %arg5[%get3A_15, %get3A_16] : memref<64x1xf32, #tpu.memory_space<vmem>>, vector<64x1xf32>
    %dot_general3A_18 = arith.constant dense<0.000000e+00> : vector<2048x1xf32>
    %dot_general3A_19 = tpu.matmul %max3A_14, %get3A_17, %dot_general3A_18 {dimension_numbers = #tpu.dot_dimension_numbers<[1], [0], [0], [1], [0, 0, 1, 1], [], []>, transpose_lhs_hint = false} : vector<2048x64xf32>, vector<64x1xf32>, vector<2048x1xf32> -> vector<2048x1xf32>
    %get3A_20 = arith.constant 0 : index
    %get3A_21 = arith.constant 0 : index
    %get3A_22 = vector.load %arg6[%get3A_20, %get3A_21] : memref<1x1xf32, #tpu.memory_space<vmem>>, vector<1x1xf32>
    %add3A_23 = vector.broadcast %get3A_22 : vector<1x1xf32> to vector<2048x1xf32>
    %add3A_24 = arith.addf %dot_general3A_19, %add3A_23 : vector<2048x1xf32>
    %swap3A = arith.constant 0 : index
    %swap3A_25 = arith.constant 0 : index
    %swap3A_26 = vector.load %arg7[%swap3A, %swap3A_25] : memref<2048x1xf32, #tpu.memory_space<vmem>>, vector<2048x1xf32>
    tpu.vector_store %arg7[%swap3A, %swap3A_25], %add3A_24 {strides = array<i32>} : memref<2048x1xf32, #tpu.memory_space<vmem>>, vector<2048x1xf32>,
    return
  }
  func.func @transform_0(%arg0: i32) -> (i32, i32) {
    %c0_i32 = arith.constant 0 : i32
    %c0_i32_0 = arith.constant 0 : i32
    return %arg0, %c0_i32 : i32, i32
  }
  func.func @transform_1(%arg0: i32) -> (i32, i32) {
    %c0_i32 = arith.constant 0 : i32
    %c0_i32_0 = arith.constant 0 : i32
    return %arg0, %c0_i32 : i32, i32
  }
  func.func @transform_2(%arg0: i32) -> (i32, i32) {
    %c0_i32 = arith.constant 0 : i32
    %c0_i32_0 = arith.constant 0 : i32
    return %arg0, %c0_i32 : i32, i32
  }
  func.func @transform_3(%arg0: i32) -> (i32, i32) {
    %c0_i32 = arith.constant 0 : i32
    %c0_i32_0 = arith.constant 0 : i32
    %c0_i32_1 = arith.constant 0 : i32
    return %c0_i32, %c0_i32_0 : i32, i32
  }
  func.func @transform_4(%arg0: i32) -> (i32, i32) {
    %c0_i32 = arith.constant 0 : i32
    %c0_i32_0 = arith.constant 0 : i32
    %c0_i32_1 = arith.constant 0 : i32
    return %c0_i32, %c0_i32_0 : i32, i32
  }
  func.func @transform_5(%arg0: i32) -> (i32, i32) {
    %c0_i32 = arith.constant 0 : i32
    %c0_i32_0 = arith.constant 0 : i32
    %c0_i32_1 = arith.constant 0 : i32
    return %c0_i32, %c0_i32_0 : i32, i32
  }
  func.func @transform_6(%arg0: i32) -> (i32, i32) {
    %c0_i32 = arith.constant 0 : i32
    %c0_i32_0 = arith.constant 0 : i32
    return %arg0, %c0_i32 : i32, i32
  }
}

</mosaic_0001>

<sc_bundles>
// kernel: kernel.11.cloned.1.call-start
scs
__scs_entry_jumppad:
0x0: {  	(pc) =	sbr.rel $0x88, $3  }
0x1: {  	(tag) =	ssettag $0x0;
	lr =	simm.s32 $0x1  }
0x2: {  	[smem:$0x3F93] =	sst lr;
	_ =	strace $0xD0000000  }
0x3: {  	_ = 	snop  }
0x4: {  	_ = 	snop  }
0x5: {  	_ = 	snop  }
0x6: {  	_ = 	snop  }
0x7: {  	_ = 	snop  }
__scs_overlays_trampoline_lowered:
0x8: {  	[smem:$0x3FA2] =	sst s0  }
0x9: {  	[smem:$0x3FA3] =	sst s1  }
0xa: {  	[smem:$0x3FA4] =	sst s2  }
0xb: {  	[smem:$0x3FA5] =	sst s3  }
0xc: {  	[smem:$0x3FA6] =	sst s4  }
0xd: {  	[smem:$0x3FA7] =	sst s5  }
0xe: {  	[smem:$0x3FA8] =	sst s6  }
0xf: {  	[smem:$0x3FA9] =	sst s7  }
0x10: {  	[smem:$0x3FAA] =	sst s8  }
0x11: {  	[smem:$0x3FAB] =	sst s9;
	s0 =	simm.s32 @!p0 $0x0  }
0x12: {  	s1 =	sld [smem:$0x3F91];
	s0 =	simm.s32 @p0 $0x1  }
0x13: {  	[smem:$0x3FAC] =	sst s0;
	s0 =	simm.s32 @!p1 $0x0  }
0x14: {  	s2 =	sld [smem:$0x3F90];
	s0 =	simm.s32 @p1 $0x1  }
0x15: {  	[smem:$0x3FAD] =	sst s0;
	s0 =	simm.s32 @!p2 $0x0  }
0x16: {  	s3 =	sld [smem:$0x3FDB];
	s0 =	simm.s32 @p2 $0x1  }
0x17: {  	s4 =	simm.s32 $0x1BF5;
	[smem:$0x3FAF] =	sst s0  }
0x18: {  	s0 =	sld [smem:$0x3F92];
	_ =	swait.ge [sflag:s4], $0x0  }
0x19: {  	s7 =	sld [smem:$0x3F93]  }
0x1a: {  	s8 =	sadd.s32 $0xFFFFE003, lr  }
0x1b: {  	s9 =	sadd.s32 $0xFFFFFEF7, lr;
	s5 =	simm.s32 $0xFFFFFFFF;
	p2 =	slt.u32 s8, $0xFFFFF086  }
0x1c: {  	p1 =	slt.u32 s9, $0xF7A;
	s5 =	simm.s32 @!p2 $0x0  }
0x1d: {  	s5 =	simm.s32 @p1 $0x1;
	p0 =	seq.s32 s7, s2  }
0x1e: {  	s7 =	smul.u32 @!p0 $0xF7A, s2;
	p2 =	seq.s32 @!p0 s5, $0x0  }
0x1f: {  	s9 =	smul.u32 $0xF7A, s1;
	s8 =	simm.s32 @!p0 $0x1BF5;
	p2 =	por !p2, p0  }
0x20: {  	[sflag:s8] =	ssyncset.s32 @!p0 $0xFFFFF086;
	s6 =	sadd.s32 @!p0 s3, s7;
	s7 =	simm.s32 @!p0 $0x108  }
0x21: {  	s3 =	sadd.s32 s3, s9;
	s6 =	sadd.s32 @!p0 $0x88, s6;
	s7 =	simm.s32 @p2 $0x1082  }
0x22: {  	[simem:s7], [sflag:s8] =	dma.local @!p0 [hbm:s6], $0xF7A  }
0x23: {  	s9 =	sor.u32 $0xD0000000, s2;
	s6 =	simm.s32 $0x108;
	_ =	swait.ge @!p0 [sflag:s8], $0x0  }
0x24: {  	s3 =	sadd.s32 $0x88, s3;
	s6 =	simm.s32 @!p1 $0x1082;
	[sflag:s4] =	ssyncset.s32 $0xFFFFF086  }
0x25: {  	[simem:s6], [sflag:s4] =	dma.local [hbm:s3], $0xF7A  }
0x26: {  	[smem:$0x3F93] =	sst s1;
	(tag) =	ssettag s2;
	_ =	strace s9  }
0x27: {  	s1 =	sld [smem:$0x3FA3]  }
0x28: {  	s2 =	sld [smem:$0x3FA4]  }
0x29: {  	s4 =	sld [smem:$0x3FA6]  }
0x2a: {  	p0 =	seq.s32 s5, $0x0;
	s5 =	sld [smem:$0x3FA7]  }
0x2b: {  	s6 =	sld [smem:$0x3FA8]  }
0x2c: {  	s7 =	sld [smem:$0x3FA9]  }
0x2d: {  	s3 =	simm.s32 $0x108;
	s8 =	sld [smem:$0x3FAA]  }
0x2e: {  	s3 =	simm.s32 @!p0 $0x1082;
	s9 =	sld [smem:$0x3FAB]  }
0x2f: {  	lr =	sadd.s32 s0, s3;
	s0 =	sld [smem:$0x3FA2]  }
0x30: {  	s3 =	sld [smem:$0x3FA5]  }
0x31: {  	[smem:$0x3FAE] =	sst s10  }
0x32: {  	s10 =	sld [smem:$0x3FAC];
	_ =	sdelay $0x3  }
0x33: {  	p0 =	seq.s32 s10, $0x1;
	s10 =	sld [smem:$0x3FAE];
	_ =	sdelay $0x3  }
0x34: {  	[smem:$0x3FAE] =	sst s10  }
0x35: {  	s10 =	sld [smem:$0x3FAD];
	_ =	sdelay $0x3  }
0x36: {  	p1 =	seq.s32 s10, $0x1;
	s10 =	sld [smem:$0x3FAE];
	_ =	sdelay $0x3  }
0x37: {  	[smem:$0x3FAE] =	sst s10  }
0x38: {  	s10 =	sld [smem:$0x3FAF]  }
0x39: {  	_ = 	snop;
	(pc) =	sbr.ind lr, $3  }
0x3a: {  	_ = 	snop  }
0x3b: {  	_ = 	snop  }
0x3c: {  	p2 =	seq.s32 s10, $0x1;
	s10 =	sld [smem:$0x3FAE]  }
0x3d: {  	_ =	shalt  }
0x3e: {  	_ =	shalt  }
0x3f: {  	_ =	shalt  }
0x40: {  	_ =	shalt  }
0x41: {  	_ =	shalt  }
0x42: {  	_ =	shalt  }
0x43: {  	_ =	shalt  }
0x44: {  	_ =	shalt  }
0x45: {  	_ =	shalt  }
0x46: {  	_ =	shalt  }
0x47: {  	_ =	shalt  }
0x48: {  	_ =	shalt  }
0x49: {  	_ =	shalt  }
0x4a: {  	_ =	shalt  }
0x4b: {  	_ =	shalt  }
0x4c: {  	_ =	shalt  }
0x4d: {  	_ =	shalt  }
0x4e: {  	_ =	shalt  }
0x4f: {  	_ =	shalt  }
0x50: {  	_ =	shalt  }
0x51: {  	_ =	shalt  }
0x52: {  	_ =	shalt  }
0x53: {  	_ =	shalt  }
0x54: {  	_ =	shalt  }
0x55: {  	_ =	shalt  }
0x56: {  	_ =	shalt  }
0x57: {  	_ =	shalt  }
0x58: {  	_ =	shalt  }
0x59: {  	_ =	shalt  }
0x5a: {  	_ =	shalt  }
0x5b: {  	_ =	shalt  }
0x5c: {  	_ =	shalt  }
0x5d: {  	_ =	shalt  }
0x5e: {  	_ =	shalt  }
0x5f: {  	_ =	shalt  }
0x60: {  	_ =	shalt  }
0x61: {  	_ =	shalt  }
0x62: {  	_ =	shalt  }
0x63: {  	_ =	shalt  }
0x64: {  	_ =	shalt  }
0x65: {  	_ =	shalt  }
0x66: {  	_ =	shalt  }
0x67: {  	_ =	shalt  }
0x68: {  	_ =	shalt  }
0x69: {  	_ =	shalt  }
0x6a: {  	_ =	shalt  }
0x6b: {  	_ =	shalt  }
0x6c: {  	_ =	shalt  }
0x6d: {  	_ =	shalt  }
0x6e: {  	_ =	shalt  }
0x6f: {  	_ =	shalt  }
0x70: {  	_ =	shalt  }
0x71: {  	_ =	shalt  }
0x72: {  	_ =	shalt  }
0x73: {  	_ =	shalt  }
0x74: {  	_ =	shalt  }
0x75: {  	_ =	shalt  }
0x76: {  	_ =	shalt  }
0x77: {  	_ =	shalt  }
0x78: {  	_ =	shalt  }
0x79: {  	_ =	shalt  }
0x7a: {  	_ =	shalt  }
0x7b: {  	_ =	shalt  }
0x7c: {  	_ =	shalt  }
0x7d: {  	_ =	shalt  }
0x7e: {  	_ =	shalt  }
0x7f: {  	_ =	shalt  }
0x80: {  	_ =	shalt  }
0x81: {  	_ =	shalt  }
0x82: {  	_ =	shalt  }
0x83: {  	_ =	shalt  }
0x84: {  	_ =	shalt  }
0x85: {  	_ =	shalt  }
0x86: {  	_ =	shalt  }
0x87: {  	_ =	shalt  }
.Lfunc_end0:
.L_simem_size_0:
called_computation_lowered:
.L_overlay_start_0:
0x88: {  	s2 =	sld [smem:$0x3FD9]  }
0x89: {  	s3 =	sld [smem:$0x3FFE];
	_ =	sdelay $0x1  }
0x8a: {  	s1 =	srdreg.scid  }
0x8b: {  	s0 =	sand.u32 $0x1, s1  }
0x8c: {  	s17 =	sshll.u32 s0, $0xA;
	s2 =	sadd.s32 s3, s2  }
0x8d: {  	s2 =	sadd.s32 s2, s17  }
0x8e: {  	[smem:$0x3FBA] =	sst s2  }
0x8f: {  	_ = 	snop  }
0x90: {  	s2 =	sld [smem:$0x3FD0];
	(tm) =	ssettm $0x1  }
0x91: {  	s18 =	sld [smem:$0x3FFB];
	_ =	sdelay $0x3  }
0x92: {  	_ =	strace s18  }
0x93: {  	s3 =	sld [smem:$0x3FFC];
	_ =	sdelay $0x3  }
0x94: {  	_ =	strace s3  }
0x95: {  	s3 =	sld [smem:$0x3FFD];
	_ =	sdelay $0x3  }
0x96: {  	_ =	strace s3  }
0x97: {  	_ =	strace $0x8FFFFFFF  }
0x98: {  	s19 =	sld [smem:$0x3FDB];
	_ =	sdelay $0x1  }
0x99: {  	s4 =	simm.s32 $_scs_section_size  }
0x9a: {  	s5 =	simm.s32 $_size__tile_overlayer_lowered;
	s6 =	simm.s32 $_tile_overlayer_lowered  }
0x9b: {  	s22 =	simm.s32 $0x1BFF;
	s21 =	sshll.u32 s6, $0x1;
	s3 =	sadd.s32 s4, s19  }
0x9c: {  	s7 =	simm.s32 $0x0;
	s20 =	sshll.u32 s5, $0x1;
	s5 =	sadd.s32 s21, s3  }
0x9d: {  	[timem:s7], [sflag:s22] =	dma.local [hbm:s5], s20  }
0x9e: {  	_ =	swait.ge [sflag:s22], s20  }
0x9f: {  	s4 =	ssub.s32 $0x0, s20;
	[sflag:s22] =	ssyncset.done $0x0  }
0xa0: {  	[sflag:s22] =	ssyncadd.s32 s4;
	_ =	sdelay $0x1  }
0xa1: {  	s23 =	simm.s32 $0x1B8B  }
0xa2: {  	_ =	swait.ge [sflag:s23], $0x1  }
0xa3: {  	[sflag:s23] =	ssyncset.done $0x0  }
0xa4: {  	s25 =	simm.s32 $0x1B8E;
	s24 =	sld [smem:$0x3FFE];
	[sflag:s23] =	ssyncadd.s32 $0xFFFFFFFF  }
0xa5: {  	s26 =	simm.s32 $execute0_lowered;
	[smem:$0x3FD2] =	sst s25  }
0xa6: {  	s5 =	sshll.u32 s26, $0x1;
	_ =	strace $0x80000046;
	[dreg:$0x1] =	wrdreg $0xFFFFFFFF  }
0xa7: {  	s28 =	simm.s32 $_size_execute0_lowered;
	s3 =	sadd.s32 s3, s5;
	[dreg:$0x0] =	wrdreg $0x0  }
0xa8: {  	s5 =	sshll.u32 s28, $0x1;
	[dreg:$0x2] =	wrdreg s3  }
0xa9: {  	[dreg:$0x3] =	wrdreg s5  }
0xaa: {  	[dreg:$0x4] =	wrdreg $0xC0  }
0xab: {  	_ =	task [dreg:s7], $0x5FFFF  }
0xac: {  	[dreg:$0x1] =	wrdreg $0xFFFFFFFF  }
0xad: {  	[dreg:$0x0] =	wrdreg $0x60  }
0xae: {  	[dreg:$0x2] =	wrdreg s24  }
0xaf: {  	[dreg:$0x3] =	wrdreg s2  }
0xb0: {  	[dreg:$0x4] =	wrdreg $0x0  }
0xb1: {  	[dreg:$0x5] =	wrdreg $0x9  }
0xb2: {  	_ =	task.clear_ibuf [dreg:s7], $0x6FFFF;
	_ =	strace $0x90000046  }
0xb3: {  	s29 =	simm.s32 $0x9;
	_ =	strace $0x80000048  }
0xb4: {  	_ =	swait.ge [sflag:s29], $0x1  }
0xb5: {  	[sflag:s29] =	ssyncadd.s32 $0xFFFFFFFF  }
0xb6: {  	_ =	strace $0x90000048  }
0xb7: {  	_ =	sfence  }
0xb8: {  	s30 =	sld [smem:$0x0];
	_ =	sdelay $0x2  }
0xb9: {  	s31 =	sshll.u32 s1, $0xD;
	s1 =	sshrl.u32 s1, $0x2  }
0xba: {  	s3 =	sand.u32 $0x4000, s31;
	s1 =	sadd.s32 s1, s30  }
0xbb: {  	s0 =	sor.u32 s3, s0;
	s1 =	sshll.u32 s1, $0x11  }
0xbc: {  	s0 =	sor.u32 s1, s0  }
0xbd: {  	s0 =	sadd.s32 $0x8F2B, s0  }
0xbe: {  	[sflag:s0] =	ssyncadd.remote.s32 $0x1  }
0xbf: {  	_ =	sfence.sel $0xFFFF  }
0xc0: {  	[dreg:$0x0] =	wrdreg $0xFFFFFFFF;
	(pc) =	sbr.abs _section_cstart, $3  }
0xc1: {  	[dreg:$0x1] =	wrdreg $0xFFFFFFFF  }
0xc2: {  	_ =	task.clear_ibuf [dreg:s7], $0x2FFFF;
	_ =	strace $0x9FFFFFFF  }
0xc3: {  	(tm) =	ssettm $0x7FFFFFFF  }
tec
execute0_lowered:
.L_overlay_start_1:
0x0: {  	(tag) =	ssettag $0x1  }
0x1: {  	s0 =	rddreg [dreg:$0x0]  }
0x2: {  	s3 =	rddreg [dreg:$0x2]  }
0x3: {  	s1 =	srdreg.scid;
	s10 =	stileid.u32;
	s4 =	simm.s32 $0x0  }
0x4: {  	s28 =	simm.s32 $0x80;
	s29 =	simm.s32 $0xCD00;
	s30 =	simm.s32 $0x2  }
0x5: {  	s31 =	simm.s32 $0x5;
	s1 =	sand.u32 $0x1, s1;
	s2 =	smul.u32 $0xC380, s10  }
0x6: {  	[smem:$0x7FF] =	sst s4;
	s8 =	sadd.s32 $0x5400, s0;
	s14 =	sadd.s32 $0x1DC00, s0  }
0x7: {  	s17 =	sshll.u32 s10, $0x6;
	s5 =	smul.u32 $0xC3800, s1;
	_ =	strace $0x80000047  }
0x8: {  	s6 =	sshll.u32 s1, $0x4;
	s7 =	ssub.s32 $0x2, s1;
	s1 =	smul.u32 $0x62000, s1  }
0x9: {  	[dreg:$0x4] =	wrdreg s14;
	s6 =	sor.u32 s10, s6;
	s10 =	smul.u32 $0x6200, s10  }
0xa: {  	s15 =	sshrl.u32 s7, $0x1;
	s5 =	sadd.s32 s2, s5;
	s9 =	smul.u32 $0x6200, s6  }
0xb: {  	s2 =	sadd.s32 s2, s3;
	s5 =	sshrl.u32 s5, $0x3;
	s1 =	sadd.s32 s10, s1  }
0xc: {  	s0 =	sadd.s32 s5, s0;
	s5 =	ssub.s32 s7, s15;
	s16 =	sshrl.u32 s9, $0x3  }
0xd: {  	s7 =	sor.u32 $0x1C09, s17;
	s9 =	sor.u32 $0x180, s9;
	s22 =	sadd.s32 $0x500, s1  }
0xe: {  	s24 =	sadd.s32 $0x480, s1;
	s25 =	sadd.s32 $0x400, s1;
	s1 =	sadd.s32 $0x380, s1  }
0xf: {  	s6 =	sadd.s32 s8, s16;
	s0 =	sadd.s32 $0x1DE00, s0;
	s19 =	smax.u32 s5, $0x1  }
0x10: {  	s20 =	sshrl.u32 s9, $0x3;
	s5 =	sshrl.u32 s25, $0x3;
	s26 =	sshrl.u32 s1, $0x3  }
0x11: {  	s25 =	simm.s32 $0xCC80;
	s1 =	simm.s32 $0x6;
	[dreg:$0x7] =	wrdreg s0  }
0x12: {  	s9 =	simm.s32 $0x0;
	s11 =	sadd.s32 $0x10, s6;
	[dreg:$0x8] =	wrdreg s19  }
0x13: {  	s18 =	sadd.s32 $0x20, s6;
	s0 =	sadd.s32 s8, s20;
	[dreg:$0x5] =	wrdreg s11  }
0x14: {  	s21 =	sadd.s32 $0x40, s6;
	s23 =	sadd.s32 $0x50, s6;
	[dreg:$0x6] =	wrdreg s18  }
0x15: {  	s15 =	sadd.s32 $0x60, s6;
	s19 =	sadd.s32 s26, s8;
	[dreg:$0x9] =	wrdreg s0  }
0x16: {  	s20 =	sshrl.u32 s2, $0x3;
	s26 =	simm.s32 $0x1;
	[dreg:$0xa] =	wrdreg s21  }
.Ltmp0:
0x17: {  	s2 =	simm.s32 $0x4;
	[dreg:$0xb] =	wrdreg s23;
	(pc) =	sbr.rel .LBB2_1-.Ltmp0, $4  }
0x18: {  	s0 =	sshrl.u32 s22, $0x3;
	s18 =	sadd.s32 s5, s8;
	s21 =	simm.s32 $0x9  }
0x19: {  	s22 =	simm.s32 $0xC380;
	s23 =	simm.s32 $0xCB80;
	s5 =	simm.s32 $0x7  }
0x1a: {  	s16 =	sadd.s32 s0, s8;
	s0 =	sshrl.u32 s24, $0x3;
	s24 =	simm.s32 $0xCC00  }
0x1b: {  	s17 =	sadd.s32 s0, s8;
	s0 =	simm.s32 $0x3;
	s8 =	simm.s32 $0x8  }
.LBB2_4:
0x1c: {  	_ =	swait.ge [sflag:s8], $0x800  }
0x1d: {  	[sflag:s8] =	ssyncset.done $0x0  }
0x1e: {  	[sflag:s8] =	ssyncadd.s32 $0xFFFFF800  }
0x1f: {  	[bflag:$0x0] =	sbarrier.arrive $0xFFFF  }
0x20: {  	s10 =	rddreg [dreg:$0x7]  }
0x21: {  	[hbm:s10], [sflag:s7] =	dma.local [spmem:s20], $0x1870  }
0x22: {  	_ =	swait.ge [sflag:s21], $0x1870  }
0x23: {  	s9 =	sadd.s32 $0x1, s9;
	s14 =	rddreg [dreg:$0x8]  }
0x24: {  	p0 =	sne.s32 s9, s14  }
.Ltmp1:
0x25: {  	_ = 	snop;
	(pc) =	sbr.rel @!p0 .LBB2_5-.Ltmp1, $3  }
0x26: {  	_ =	sdelay $0x1  }
0x27: {  	[sflag:s21] =	ssyncset.done $0x0  }
0x28: {  	[sflag:s21] =	ssyncadd.s32 $0xFFFFE790  }
.LBB2_1:
0x29: {  	s10 =	rddreg [dreg:$0x1]  }
0x2a: {  	[spmem:s20], [sflag:s7] =	dma.local [hbm:s10], $0x1870  }
0x2b: {  	_ =	swait.ge [sflag:s21], $0x1870  }
0x2c: {  	[sflag:s21] =	ssyncset.done $0x0  }
0x2d: {  	s13 =	rddreg [dreg:$0x4];
	[sflag:s21] =	ssyncadd.s32 $0xFFFFE790  }
0x2e: {  	[tilespmem:s22], [sflag:$0x9] =	stream.linear.gather [hbm4b:s13+s4], $0x800, $0x38;
	[tilespmem:$0xCD80] =	vst v63  }
0x2f: {  	_ =	swait.ge [sflag:s21], $0x800  }
0x30: {  	[sflag:s21] =	ssyncset.done $0x0  }
0x31: {  	[sflag:s21] =	ssyncadd.s32 $0xFFFFF800  }
0x32: {  	[bflag:$0x0] =	sbarrier.arrive $0xFFFF  }
0x33: {  	[tilespmem:s23], [sflag:$0x1] =	stream.linear.gather [hbm4b:s6+s4], $0x80, $0x38;
	[tilespmem:$0xCD80] =	vst v63  }
0x34: {  	s14 =	rddreg [dreg:$0x5]  }
0x35: {  	[tilespmem:s24], [sflag:$0x2] =	stream.linear.gather [hbm4b:s14+s4], $0x80, $0x38;
	[tilespmem:$0xCD80] =	vst v63  }
0x36: {  	s11 =	rddreg [dreg:$0x6]  }
0x37: {  	[tilespmem:s25], [sflag:$0x3] =	stream.linear.gather [hbm4b:s11+s4], $0x80, $0x38;
	[tilespmem:$0xCD80] =	vst v63  }
0x38: {  	_ =	swait.ge [sflag:s26], $0x80  }
0x39: {  	[sflag:s26] =	ssyncset.done $0x0  }
0x3a: {  	[sflag:s26] =	ssyncadd.s32 $0xFFFFFF80  }
0x3b: {  	[spmem:s3] =	stream.indirect.scatter.add.f32 [tilespmem:s22], [sflag:$0x5], $0x10, s23, s28, $0xb8;
	[tilespmem:$0xCD80] =	vst v63  }
0x3c: {  	s12 =	rddreg [dreg:$0x9]  }
0x3d: {  	[tilespmem:s29], [sflag:$0x4] =	stream.linear.gather [hbm4b:s12+s4], $0x80, $0x38;
	[tilespmem:$0xCD80] =	vst v63  }
0x3e: {  	_ =	swait.ge [sflag:s30], $0x80  }
0x3f: {  	[sflag:s30] =	ssyncset.done $0x0  }
0x40: {  	[sflag:s30] =	ssyncadd.s32 $0xFFFFFF80  }
0x41: {  	[spmem:s3] =	stream.indirect.scatter.add.f32 [tilespmem:s22], [sflag:$0x6], $0x10, s24, s28, $0xb8;
	[tilespmem:$0xCD80] =	vst v63  }
0x42: {  	_ =	swait.ge [sflag:s31], $0x800  }
0x43: {  	[sflag:s31] =	ssyncset.done $0x0  }
0x44: {  	s13 =	rddreg [dreg:$0xa];
	[sflag:s31] =	ssyncadd.s32 $0xFFFFF800  }
0x45: {  	[tilespmem:s23], [sflag:$0x1] =	stream.linear.gather [hbm4b:s13+s4], $0x80, $0x38;
	[tilespmem:$0xCD80] =	vst v63  }
0x46: {  	_ =	swait.ge [sflag:s0], $0x80  }
0x47: {  	[sflag:s0] =	ssyncset.done $0x0  }
0x48: {  	[sflag:s0] =	ssyncadd.s32 $0xFFFFFF80  }
0x49: {  	[spmem:s3] =	stream.indirect.scatter.add.f32 [tilespmem:s22], [sflag:$0x7], $0x10, s25, s28, $0xb8;
	[tilespmem:$0xCD80] =	vst v63  }
0x4a: {  	_ =	swait.ge [sflag:s1], $0x800  }
0x4b: {  	[sflag:s1] =	ssyncset.done $0x0  }
0x4c: {  	s14 =	rddreg [dreg:$0xb];
	[sflag:s1] =	ssyncadd.s32 $0xFFFFF800  }
0x4d: {  	[tilespmem:s24], [sflag:$0x2] =	stream.linear.gather [hbm4b:s14+s4], $0x80, $0x38;
	[tilespmem:$0xCD80] =	vst v63  }
0x4e: {  	_ =	swait.ge [sflag:s2], $0x80  }
0x4f: {  	[sflag:s2] =	ssyncset.done $0x0  }
0x50: {  	[sflag:s2] =	ssyncadd.s32 $0xFFFFFF80  }
0x51: {  	[spmem:s3] =	stream.indirect.scatter.add.f32 [tilespmem:s22], [sflag:$0x8], $0x10, s29, s28, $0xb8;
	[tilespmem:$0xCD80] =	vst v63  }
0x52: {  	_ =	swait.ge [sflag:s5], $0x800  }
0x53: {  	[sflag:s5] =	ssyncset.done $0x0  }
0x54: {  	s10 =	simm.s32 $0x0;
	[sflag:s5] =	ssyncadd.s32 $0xFFFFF800  }
0x55: {  	[tilespmem:s25], [sflag:$0x3] =	stream.linear.gather [hbm4b:s15+s4], $0x80, $0x38;
	[tilespmem:$0xCD80] =	vst v63  }
.LBB2_2:
0x56: {  	_ =	swait.ge [sflag:s26], $0x80  }
0x57: {  	[sflag:s26] =	ssyncset.done $0x0  }
0x58: {  	[sflag:s26] =	ssyncadd.s32 $0xFFFFFF80  }
0x59: {  	[spmem:s3] =	stream.indirect.scatter.add.f32 [tilespmem:s22], [sflag:$0x5], $0x10, s23, s28, $0xb8;
	[tilespmem:$0xCD80] =	vst v63  }
0x5a: {  	_ =	swait.ge [sflag:s8], $0x800  }
0x5b: {  	[sflag:s8] =	ssyncset.done $0x0  }
0x5c: {  	s11 =	sadd.s32 s10, s19;
	[sflag:s8] =	ssyncadd.s32 $0xFFFFF800  }
0x5d: {  	[tilespmem:s29], [sflag:$0x4] =	stream.linear.gather [hbm4b:s11+s4], $0x80, $0x38;
	[tilespmem:$0xCD80] =	vst v63  }
0x5e: {  	_ =	swait.ge [sflag:s30], $0x80  }
0x5f: {  	[sflag:s30] =	ssyncset.done $0x0  }
0x60: {  	[sflag:s30] =	ssyncadd.s32 $0xFFFFFF80  }
0x61: {  	[spmem:s3] =	stream.indirect.scatter.add.f32 [tilespmem:s22], [sflag:$0x6], $0x10, s24, s28, $0xb8;
	[tilespmem:$0xCD80] =	vst v63  }
0x62: {  	_ =	swait.ge [sflag:s31], $0x800  }
0x63: {  	p0 =	seq.s32 s10, $0xBC0;
	[sflag:s31] =	ssyncset.done $0x0  }
0x64: {  	s11 =	simm.s32 @p0 $0x3;
	[sflag:s31] =	ssyncadd.s32 $0xFFFFF800  }
0x65: {  	_ =	swait.ge @p0 [sflag:s11], $0x80  }
0x66: {  	s12 =	simm.s32 @p0 $0xCC80;
	[sflag:s11] =	ssyncset.done @p0 $0x0  }
0x67: {  	s13 =	simm.s32 @p0 $0xC380;
	[sflag:s11] =	ssyncadd.s32 @p0 $0xFFFFFF80;
	s11 =	simm.s32 @p0 $0x80  }
0x68: {  	[spmem:s3] =	stream.indirect.scatter.add.f32 @p0 [tilespmem:s13], [sflag:$0x7], $0x10, s12, s11, $0xb8;
	[tilespmem:$0xCD80] =	vst v63  }
0x69: {  	s11 =	simm.s32 @p0 $0x6  }
0x6a: {  	_ =	swait.ge @p0 [sflag:s11], $0x800  }
0x6b: {  	s12 =	simm.s32 @!p0 $0x0;
	[sflag:s11] =	ssyncset.done @p0 $0x0  }
0x6c: {  	s13 =	simm.s32 @!p0 $0xCB80;
	[sflag:s11] =	ssyncadd.s32 @p0 $0xFFFFF800;
	s11 =	sadd.s32 @!p0 s10, s18  }
0x6d: {  	[tilespmem:s13], [sflag:$0x1] =	stream.linear.gather @!p0 [hbm4b:s11+s12], $0x80, $0x38;
	[tilespmem:$0xCD80] =	vst v63  }
0x6e: {  	s11 =	simm.s32 @!p0 $0x3  }
0x6f: {  	_ =	swait.ge @!p0 [sflag:s11], $0x80  }
0x70: {  	s14 =	simm.s32 @!p0 $0xC380;
	[sflag:s11] =	ssyncset.done @!p0 $0x0  }
0x71: {  	s13 =	simm.s32 @!p0 $0xCC80;
	[sflag:s11] =	ssyncadd.s32 @!p0 $0xFFFFFF80;
	s11 =	simm.s32 @!p0 $0x80  }
0x72: {  	[spmem:s3] =	stream.indirect.scatter.add.f32 @!p0 [tilespmem:s14], [sflag:$0x7], $0x10, s13, s11, $0xb8;
	[tilespmem:$0xCD80] =	vst v63  }
0x73: {  	s11 =	simm.s32 @!p0 $0x6  }
0x74: {  	_ =	swait.ge @!p0 [sflag:s11], $0x800  }
0x75: {  	[sflag:s11] =	ssyncset.done @!p0 $0x0  }
0x76: {  	s13 =	simm.s32 @!p0 $0xCC00;
	[sflag:s11] =	ssyncadd.s32 @!p0 $0xFFFFF800;
	s11 =	sadd.s32 @!p0 s10, s17  }
0x77: {  	[tilespmem:s13], [sflag:$0x2] =	stream.linear.gather @!p0 [hbm4b:s11+s12], $0x80, $0x38;
	[tilespmem:$0xCD80] =	vst v63  }
0x78: {  	_ =	swait.ge [sflag:s2], $0x80  }
0x79: {  	[sflag:s2] =	ssyncset.done $0x0  }
.Ltmp2:
0x7a: {  	[sflag:s2] =	ssyncadd.s32 $0xFFFFFF80;
	(pc) =	sbr.rel @p0 .LBB2_4-.Ltmp2, $4  }
0x7b: {  	[spmem:s3] =	stream.indirect.scatter.add.f32 [tilespmem:s22], [sflag:$0x8], $0x10, s29, s28, $0xb8;
	[tilespmem:$0xCD80] =	vst v63  }
0x7c: {  	_ =	swait.ge [sflag:s5], $0x800  }
0x7d: {  	[sflag:s5] =	ssyncset.done $0x0  }
0x7e: {  	[sflag:s5] =	ssyncadd.s32 $0xFFFFF800  }
.Ltmp3:
0x7f: {  	(pc) =	sbr.rel .LBB2_2-.Ltmp3, $3  }
0x80: {  	_ =	sdelay $0x1  }
0x81: {  	s11 =	sadd.s32 s10, s16;
	s10 =	sadd.s32 $0x40, s10  }
0x82: {  	[tilespmem:s25], [sflag:$0x3] =	stream.linear.gather [hbm4b:s11+s4], $0x80, $0x38;
	[tilespmem:$0xCD80] =	vst v63  }
.LBB2_5:
0x83: {  	_ =	sfence.sel $0x180000  }
0x84: {  	[bflag:$0x0] =	sbarrier.arrive $0xFFFF  }
0x85: {  	_ =	strace $0x90000047  }
0x86: {  	s0 =	stileid.u32;
	[bflag:$0x2] =	sbarrier.arrive $0xFFFF  }
0x87: {  	p0 =	sne.s32 s0, $0x0;
	s0 =	rddreg [dreg:$0x3]  }
0x88: {  	s0 =	sadd.s32 @!p0 $0x100000, s0  }
0x89: {  	[sflag:s0] =	ssyncadd.tile.s32 @!p0 $0x1;
	_ =	shalt  }
.Lfunc_end2:
_tile_overlayer_lowered:
.L_overlay_start_2:
0x8a: {  	(tag) =	ssettag $0x2  }
0x8b: {  	s0 =	rddreg [dreg:$0x0];
	s2 =	stileid.u32  }
0x8c: {  	s1 =	rddreg [dreg:$0x1];
	p0 =	sne.s32 s2, $0x0  }
0x8d: {  	s3 =	rddreg [dreg:$0x2];
	[bflag:$0x3] =	sbarrier.arrive $0xFFFF;
	s2 =	simm.s32 @!p0 $0x1C09  }
0x8e: {  	[timem:s3], [sflag:s2] =	dma.local @!p0 [hbm:s0], s1  }
0x8f: {  	s0 =	simm.s32 @!p0 $0x9  }
0x90: {  	_ =	swait.ge @!p0 [sflag:s0], s1  }
0x91: {  	s1 =	ssub.s32 @!p0 $0x0, s1;
	[sflag:s0] =	ssyncset.done @!p0 $0x0  }
0x92: {  	[sflag:s0] =	ssyncadd.s32 @!p0 s1  }
0x93: {  	[bflag:$0x3] =	sbarrier.arrive $0xFFFF  }
0x94: {  	_ =	shalt  }

// kernel: kernel.14.cloned.1.call-start
scs
__scs_entry_jumppad:
0x0: {  	(pc) =	sbr.rel $0x88, $3  }
0x1: {  	(tag) =	ssettag $0x0;
	lr =	simm.s32 $0x1  }
0x2: {  	[smem:$0x3F93] =	sst lr;
	_ =	strace $0xD0000000  }
0x3: {  	_ = 	snop  }
0x4: {  	_ = 	snop  }
0x5: {  	_ = 	snop  }
0x6: {  	_ = 	snop  }
0x7: {  	_ = 	snop  }
__scs_overlays_trampoline_lowered:
0x8: {  	[smem:$0x3FA2] =	sst s0  }
0x9: {  	[smem:$0x3FA3] =	sst s1  }
0xa: {  	[smem:$0x3FA4] =	sst s2  }
0xb: {  	[smem:$0x3FA5] =	sst s3  }
0xc: {  	[smem:$0x3FA6] =	sst s4  }
0xd: {  	[smem:$0x3FA7] =	sst s5  }
0xe: {  	[smem:$0x3FA8] =	sst s6  }
0xf: {  	[smem:$0x3FA9] =	sst s7  }
0x10: {  	[smem:$0x3FAA] =	sst s8  }
0x11: {  	[smem:$0x3FAB] =	sst s9;
	s0 =	simm.s32 @!p0 $0x0  }
0x12: {  	s1 =	sld [smem:$0x3F91];
	s0 =	simm.s32 @p0 $0x1  }
0x13: {  	[smem:$0x3FAC] =	sst s0;
	s0 =	simm.s32 @!p1 $0x0  }
0x14: {  	s2 =	sld [smem:$0x3F90];
	s0 =	simm.s32 @p1 $0x1  }
0x15: {  	[smem:$0x3FAD] =	sst s0;
	s0 =	simm.s32 @!p2 $0x0  }
0x16: {  	s3 =	sld [smem:$0x3FDB];
	s0 =	simm.s32 @p2 $0x1  }
0x17: {  	s4 =	simm.s32 $0x1BF5;
	[smem:$0x3FAF] =	sst s0  }
0x18: {  	s0 =	sld [smem:$0x3F92];
	_ =	swait.ge [sflag:s4], $0x0  }
0x19: {  	s7 =	sld [smem:$0x3F93]  }
0x1a: {  	s8 =	sadd.s32 $0xFFFFE003, lr  }
0x1b: {  	s9 =	sadd.s32 $0xFFFFFEF7, lr;
	s5 =	simm.s32 $0xFFFFFFFF;
	p2 =	slt.u32 s8, $0xFFFFF086  }
0x1c: {  	p1 =	slt.u32 s9, $0xF7A;
	s5 =	simm.s32 @!p2 $0x0  }
0x1d: {  	s5 =	simm.s32 @p1 $0x1;
	p0 =	seq.s32 s7, s2  }
0x1e: {  	s7 =	smul.u32 @!p0 $0xF7A, s2;
	p2 =	seq.s32 @!p0 s5, $0x0  }
0x1f: {  	s9 =	smul.u32 $0xF7A, s1;
	s8 =	simm.s32 @!p0 $0x1BF5;
	p2 =	por !p2, p0  }
0x20: {  	[sflag:s8] =	ssyncset.s32 @!p0 $0xFFFFF086;
	s6 =	sadd.s32 @!p0 s3, s7;
	s7 =	simm.s32 @!p0 $0x108  }
0x21: {  	s3 =	sadd.s32 s3, s9;
	s6 =	sadd.s32 @!p0 $0x88, s6;
	s7 =	simm.s32 @p2 $0x1082  }
0x22: {  	[simem:s7], [sflag:s8] =	dma.local @!p0 [hbm:s6], $0xF7A  }
0x23: {  	s9 =	sor.u32 $0xD0000000, s2;
	s6 =	simm.s32 $0x108;
	_ =	swait.ge @!p0 [sflag:s8], $0x0  }
0x24: {  	s3 =	sadd.s32 $0x88, s3;
	s6 =	simm.s32 @!p1 $0x1082;
	[sflag:s4] =	ssyncset.s32 $0xFFFFF086  }
0x25: {  	[simem:s6], [sflag:s4] =	dma.local [hbm:s3], $0xF7A  }
0x26: {  	[smem:$0x3F93] =	sst s1;
	(tag) =	ssettag s2;
	_ =	strace s9  }
0x27: {  	s1 =	sld [smem:$0x3FA3]  }
0x28: {  	s2 =	sld [smem:$0x3FA4]  }
0x29: {  	s4 =	sld [smem:$0x3FA6]  }
0x2a: {  	p0 =	seq.s32 s5, $0x0;
	s5 =	sld [smem:$0x3FA7]  }
0x2b: {  	s6 =	sld [smem:$0x3FA8]  }
0x2c: {  	s7 =	sld [smem:$0x3FA9]  }
0x2d: {  	s3 =	simm.s32 $0x108;
	s8 =	sld [smem:$0x3FAA]  }
0x2e: {  	s3 =	simm.s32 @!p0 $0x1082;
	s9 =	sld [smem:$0x3FAB]  }
0x2f: {  	lr =	sadd.s32 s0, s3;
	s0 =	sld [smem:$0x3FA2]  }
0x30: {  	s3 =	sld [smem:$0x3FA5]  }
0x31: {  	[smem:$0x3FAE] =	sst s10  }
0x32: {  	s10 =	sld [smem:$0x3FAC];
	_ =	sdelay $0x3  }
0x33: {  	p0 =	seq.s32 s10, $0x1;
	s10 =	sld [smem:$0x3FAE];
	_ =	sdelay $0x3  }
0x34: {  	[smem:$0x3FAE] =	sst s10  }
0x35: {  	s10 =	sld [smem:$0x3FAD];
	_ =	sdelay $0x3  }
0x36: {  	p1 =	seq.s32 s10, $0x1;
	s10 =	sld [smem:$0x3FAE];
	_ =	sdelay $0x3  }
0x37: {  	[smem:$0x3FAE] =	sst s10  }
0x38: {  	s10 =	sld [smem:$0x3FAF]  }
0x39: {  	_ = 	snop;
	(pc) =	sbr.ind lr, $3  }
0x3a: {  	_ = 	snop  }
0x3b: {  	_ = 	snop  }
0x3c: {  	p2 =	seq.s32 s10, $0x1;
	s10 =	sld [smem:$0x3FAE]  }
0x3d: {  	_ =	shalt  }
0x3e: {  	_ =	shalt  }
0x3f: {  	_ =	shalt  }
0x40: {  	_ =	shalt  }
0x41: {  	_ =	shalt  }
0x42: {  	_ =	shalt  }
0x43: {  	_ =	shalt  }
0x44: {  	_ =	shalt  }
0x45: {  	_ =	shalt  }
0x46: {  	_ =	shalt  }
0x47: {  	_ =	shalt  }
0x48: {  	_ =	shalt  }
0x49: {  	_ =	shalt  }
0x4a: {  	_ =	shalt  }
0x4b: {  	_ =	shalt  }
0x4c: {  	_ =	shalt  }
0x4d: {  	_ =	shalt  }
0x4e: {  	_ =	shalt  }
0x4f: {  	_ =	shalt  }
0x50: {  	_ =	shalt  }
0x51: {  	_ =	shalt  }
0x52: {  	_ =	shalt  }
0x53: {  	_ =	shalt  }
0x54: {  	_ =	shalt  }
0x55: {  	_ =	shalt  }
0x56: {  	_ =	shalt  }
0x57: {  	_ =	shalt  }
0x58: {  	_ =	shalt  }
0x59: {  	_ =	shalt  }
0x5a: {  	_ =	shalt  }
0x5b: {  	_ =	shalt  }
0x5c: {  	_ =	shalt  }
0x5d: {  	_ =	shalt  }
0x5e: {  	_ =	shalt  }
0x5f: {  	_ =	shalt  }
0x60: {  	_ =	shalt  }
0x61: {  	_ =	shalt  }
0x62: {  	_ =	shalt  }
0x63: {  	_ =	shalt  }
0x64: {  	_ =	shalt  }
0x65: {  	_ =	shalt  }
0x66: {  	_ =	shalt  }
0x67: {  	_ =	shalt  }
0x68: {  	_ =	shalt  }
0x69: {  	_ =	shalt  }
0x6a: {  	_ =	shalt  }
0x6b: {  	_ =	shalt  }
0x6c: {  	_ =	shalt  }
0x6d: {  	_ =	shalt  }
0x6e: {  	_ =	shalt  }
0x6f: {  	_ =	shalt  }
0x70: {  	_ =	shalt  }
0x71: {  	_ =	shalt  }
0x72: {  	_ =	shalt  }
0x73: {  	_ =	shalt  }
0x74: {  	_ =	shalt  }
0x75: {  	_ =	shalt  }
0x76: {  	_ =	shalt  }
0x77: {  	_ =	shalt  }
0x78: {  	_ =	shalt  }
0x79: {  	_ =	shalt  }
0x7a: {  	_ =	shalt  }
0x7b: {  	_ =	shalt  }
0x7c: {  	_ =	shalt  }
0x7d: {  	_ =	shalt  }
0x7e: {  	_ =	shalt  }
0x7f: {  	_ =	shalt  }
0x80: {  	_ =	shalt  }
0x81: {  	_ =	shalt  }
0x82: {  	_ =	shalt  }
0x83: {  	_ =	shalt  }
0x84: {  	_ =	shalt  }
0x85: {  	_ =	shalt  }
0x86: {  	_ =	shalt  }
0x87: {  	_ =	shalt  }
.Lfunc_end0:
.L_simem_size_0:
called_computation.1_lowered:
.L_overlay_start_0:
0x88: {  	s2 =	sld [smem:$0x3FD9]  }
0x89: {  	s3 =	sld [smem:$0x3FFE];
	_ =	sdelay $0x1  }
0x8a: {  	s1 =	srdreg.scid  }
0x8b: {  	s0 =	sand.u32 $0x1, s1  }
0x8c: {  	s17 =	sshll.u32 s0, $0xA;
	s2 =	sadd.s32 s3, s2  }
0x8d: {  	s2 =	sadd.s32 s2, s17  }
0x8e: {  	[smem:$0x3FBA] =	sst s2  }
0x8f: {  	_ = 	snop  }
0x90: {  	s2 =	sld [smem:$0x3FD0];
	(tm) =	ssettm $0x1  }
0x91: {  	s18 =	sld [smem:$0x3FFB];
	_ =	sdelay $0x3  }
0x92: {  	_ =	strace s18  }
0x93: {  	s3 =	sld [smem:$0x3FFC];
	_ =	sdelay $0x3  }
0x94: {  	_ =	strace s3  }
0x95: {  	s3 =	sld [smem:$0x3FFD];
	_ =	sdelay $0x3  }
0x96: {  	_ =	strace s3  }
0x97: {  	_ =	strace $0x8FFFFFFF  }
0x98: {  	s19 =	sld [smem:$0x3FDB];
	_ =	sdelay $0x1  }
0x99: {  	s4 =	simm.s32 $_scs_section_size  }
0x9a: {  	s5 =	simm.s32 $_size__tile_overlayer_lowered;
	s6 =	simm.s32 $_tile_overlayer_lowered  }
0x9b: {  	s22 =	simm.s32 $0x1BFF;
	s21 =	sshll.u32 s6, $0x1;
	s3 =	sadd.s32 s4, s19  }
0x9c: {  	s7 =	simm.s32 $0x0;
	s20 =	sshll.u32 s5, $0x1;
	s5 =	sadd.s32 s21, s3  }
0x9d: {  	[timem:s7], [sflag:s22] =	dma.local [hbm:s5], s20  }
0x9e: {  	_ =	swait.ge [sflag:s22], s20  }
0x9f: {  	s4 =	ssub.s32 $0x0, s20;
	[sflag:s22] =	ssyncset.done $0x0  }
0xa0: {  	[sflag:s22] =	ssyncadd.s32 s4;
	_ =	sdelay $0x1  }
0xa1: {  	s23 =	simm.s32 $0x1B8B  }
0xa2: {  	_ =	swait.ge [sflag:s23], $0x1  }
0xa3: {  	[sflag:s23] =	ssyncset.done $0x0  }
0xa4: {  	s25 =	simm.s32 $0x1B8E;
	s24 =	sld [smem:$0x3FFE];
	[sflag:s23] =	ssyncadd.s32 $0xFFFFFFFF  }
0xa5: {  	s26 =	simm.s32 $execute0_lowered;
	[smem:$0x3FD2] =	sst s25  }
0xa6: {  	s5 =	sshll.u32 s26, $0x1;
	_ =	strace $0x80000049;
	[dreg:$0x1] =	wrdreg $0xFFFFFFFF  }
0xa7: {  	s28 =	simm.s32 $_size_execute0_lowered;
	s3 =	sadd.s32 s3, s5;
	[dreg:$0x0] =	wrdreg $0x0  }
0xa8: {  	s5 =	sshll.u32 s28, $0x1;
	[dreg:$0x2] =	wrdreg s3  }
0xa9: {  	[dreg:$0x3] =	wrdreg s5  }
0xaa: {  	[dreg:$0x4] =	wrdreg $0xC0  }
0xab: {  	_ =	task [dreg:s7], $0x5FFFF  }
0xac: {  	[dreg:$0x1] =	wrdreg $0xFFFFFFFF  }
0xad: {  	[dreg:$0x0] =	wrdreg $0x60  }
0xae: {  	[dreg:$0x2] =	wrdreg s24  }
0xaf: {  	[dreg:$0x3] =	wrdreg s2  }
0xb0: {  	[dreg:$0x4] =	wrdreg $0x0  }
0xb1: {  	[dreg:$0x5] =	wrdreg $0x9  }
0xb2: {  	_ =	task.clear_ibuf [dreg:s7], $0x6FFFF;
	_ =	strace $0x90000049  }
0xb3: {  	s29 =	simm.s32 $0x9;
	_ =	strace $0x8000004B  }
0xb4: {  	_ =	swait.ge [sflag:s29], $0x1  }
0xb5: {  	[sflag:s29] =	ssyncadd.s32 $0xFFFFFFFF  }
0xb6: {  	_ =	strace $0x9000004B  }
0xb7: {  	_ =	sfence  }
0xb8: {  	s30 =	sld [smem:$0x0];
	_ =	sdelay $0x2  }
0xb9: {  	s31 =	sshll.u32 s1, $0xD;
	s1 =	sshrl.u32 s1, $0x2  }
0xba: {  	s3 =	sand.u32 $0x4000, s31;
	s1 =	sadd.s32 s1, s30  }
0xbb: {  	s0 =	sor.u32 s3, s0;
	s1 =	sshll.u32 s1, $0x11  }
0xbc: {  	s0 =	sor.u32 s1, s0  }
0xbd: {  	s0 =	sadd.s32 $0x8F2B, s0  }
0xbe: {  	[sflag:s0] =	ssyncadd.remote.s32 $0x1  }
0xbf: {  	_ =	sfence.sel $0xFFFF  }
0xc0: {  	[dreg:$0x0] =	wrdreg $0xFFFFFFFF;
	(pc) =	sbr.abs _section_cstart, $3  }
0xc1: {  	[dreg:$0x1] =	wrdreg $0xFFFFFFFF  }
0xc2: {  	_ =	task.clear_ibuf [dreg:s7], $0x2FFFF;
	_ =	strace $0x9FFFFFFF  }
0xc3: {  	(tm) =	ssettm $0x7FFFFFFF  }
tec
execute0_lowered:
.L_overlay_start_1:
0x0: {  	(tag) =	ssettag $0x1  }
0x1: {  	s0 =	rddreg [dreg:$0x0]  }
0x2: {  	s3 =	rddreg [dreg:$0x2]  }
0x3: {  	s1 =	srdreg.scid;
	s9 =	stileid.u32;
	s4 =	simm.s32 $0x0  }
0x4: {  	s14 =	simm.s32 $0x7;
	s15 =	simm.s32 $0x18800;
	s16 =	simm.s32 $0x18900  }
0x5: {  	s17 =	simm.s32 $0x1;
	s18 =	simm.s32 $0x80;
	s19 =	simm.s32 $0x18B00  }
0x6: {  	s20 =	simm.s32 $0x18880;
	s21 =	simm.s32 $0x18980;
	s22 =	simm.s32 $0x2  }
0x7: {  	s23 =	simm.s32 $0x1AB00;
	s24 =	simm.s32 $0x3;
	s29 =	simm.s32 $0x5  }
0x8: {  	s30 =	simm.s32 $0x6;
	s31 =	simm.s32 $0x0;
	s2 =	smul.u32 $0x18800, s9  }
0x9: {  	s1 =	sand.u32 $0x1, s1;
	[smem:$0x7FF] =	sst s4;
	s25 =	smul.u32 $0xC400, s9  }
0xa: {  	s12 =	sadd.s32 $0x1D5800, s0;
	s11 =	sadd.s32 $0x5400, s0;
	s13 =	smul.u32 $0x1880, s9  }
0xb: {  	s26 =	sshll.u32 s9, $0x6;
	s5 =	smul.u32 $0x188000, s1;
	s7 =	ssub.s32 $0x2, s1  }
0xc: {  	_ =	strace $0x8000004A;
	s1 =	smul.u32 $0x61A8, s1;
	s8 =	sshrl.u32 s7, $0x1  }
0xd: {  	s28 =	sshrl.u32 s25, $0x3;
	s25 =	simm.s32 $0x18A00;
	s6 =	sadd.s32 s2, s5  }
.Ltmp0:
0xe: {  	s5 =	sadd.s32 $0x1EE000, s0;
	s10 =	ssub.s32 s7, s8;
	(pc) =	sbr.rel .LBB2_1-.Ltmp0, $4  }
0xf: {  	s2 =	sadd.s32 s2, s3;
	s7 =	sadd.s32 s12, s28;
	s8 =	sadd.s32 s11, s28  }
0x10: {  	s11 =	sadd.s32 s13, s11;
	s12 =	sadd.s32 s13, s12;
	s6 =	sshrl.u32 s6, $0x3  }
0x11: {  	s10 =	smax.u32 s10, $0x1;
	s13 =	sshrl.u32 s2, $0x3;
	s0 =	sadd.s32 s6, s0  }
0x12: {  	v0 =	vmov s1;
	s6 =	sor.u32 $0x1C07, s26;
	s26 =	simm.s32 $0x4;
	s9 =	sadd.s32 $0x24FC00, s0  }
.LBB2_4:
0x13: {  	_ =	swait.ge [sflag:s26], $0x2000  }
0x14: {  	[sflag:s26] =	ssyncset.done $0x0  }
0x15: {  	s0 =	simm.s32 $0x18A80;
	[sflag:s26] =	ssyncadd.s32 $0xFFFFE000  }
0x16: {  	[spmem:s3] =	stream.indirect.scatter.add.f32 [tilespmem:s23], [sflag:$0x6], $0x40, s0, s18, $0xb8;
	[tilespmem:$0x1CB00] =	vst v63  }
0x17: {  	_ =	swait.ge [sflag:s29], $0x2000  }
0x18: {  	[sflag:s29] =	ssyncset.done $0x0  }
0x19: {  	[sflag:s29] =	ssyncadd.s32 $0xFFFFE000  }
0x1a: {  	_ =	swait.ge [sflag:s30], $0x2000  }
0x1b: {  	s31 =	sadd.s32 $0x1, s31;
	[sflag:s30] =	ssyncset.done $0x0  }
0x1c: {  	p0 =	sne.s32 s31, s10;
	[sflag:s30] =	ssyncadd.s32 $0xFFFFE000  }
.Ltmp1:
0x1d: {  	[bflag:$0x0] =	sbarrier.arrive $0xFFFF;
	(pc) =	sbr.rel @!p0 .LBB2_5-.Ltmp1, $4  }
0x1e: {  	[hbm:s9], [sflag:s6] =	dma.local [spmem:s13], $0x3100  }
0x1f: {  	_ =	swait.ge [sflag:s14], $0x3100  }
0x20: {  	[sflag:s14] =	ssyncset.done $0x0  }
0x21: {  	[sflag:s14] =	ssyncadd.s32 $0xFFFFCF00  }
.LBB2_1:
0x22: {  	s0 =	rddreg [dreg:$0x1]  }
0x23: {  	[spmem:s13], [sflag:s6] =	dma.local [hbm:s0], $0x3100  }
0x24: {  	_ =	swait.ge [sflag:s14], $0x3100  }
0x25: {  	[sflag:s14] =	ssyncset.done $0x0  }
0x26: {  	[sflag:s14] =	ssyncadd.s32 $0xFFFFCF00  }
0x27: {  	[bflag:$0x0] =	sbarrier.arrive $0xFFFF  }
0x28: {  	[tilespmem:s15], [sflag:$0x1] =	stream.linear.gather [hbm4b:s7+s4], $0x80, $0x38;
	[tilespmem:$0x1CB00] =	vst v63  }
0x29: {  	s0 =	simm.s32 $0x0  }
0x2a: {  	[tilespmem:s16], [sflag:$0x1] =	stream.linear.gather [hbm4b:s8+s4], $0x80, $0x38;
	[tilespmem:$0x1CB00] =	vst v63  }
.LBB2_2:
0x2b: {  	p0 =	seq.s32 s0, $0x0  }
0x2c: {  	s1 =	simm.s32 @!p0 $0x5  }
0x2d: {  	_ =	swait.ge @!p0 [sflag:s1], $0x2000  }
0x2e: {  	[sflag:s1] =	ssyncset.done @!p0 $0x0  }
0x2f: {  	[sflag:s1] =	ssyncadd.s32 @!p0 $0xFFFFE000  }
0x30: {  	_ =	swait.ge [sflag:s17], $0x80  }
0x31: {  	[sflag:s17] =	ssyncset.done $0x0  }
0x32: {  	[sflag:s17] =	ssyncadd.s32 $0xFFFFFF80  }
0x33: {  	_ =	swait.ge [sflag:s17], $0x80  }
0x34: {  	[sflag:s17] =	ssyncset.done $0x0  }
0x35: {  	[sflag:s17] =	ssyncadd.s32 $0xFFFFFF80  }
0x36: {  	v1 =	vld [tilespmem:$0x18900]  }
0x37: {  	v2 =	vld [tilespmem:$0x18910]  }
0x38: {  	v3 =	vld [tilespmem:$0x18920]  }
0x39: {  	v4 =	vld [tilespmem:$0x18930]  }
0x3a: {  	v5 =	vld [tilespmem:$0x18940]  }
0x3b: {  	v6 =	vld [tilespmem:$0x18950];
	v1 =	vsub.s32 v1, v0  }
0x3c: {  	v7 =	vld [tilespmem:$0x18960];
	v2 =	vsub.s32 v2, v0;
	v1 =	vmin.u32 v1, $0x61A8  }
0x3d: {  	[tilespmem:$0x18A00] =	vst v1;
	v1 =	vmin.u32 v2, $0x61A8;
	v2 =	vsub.s32 v3, v0;
	v3 =	vld [tilespmem:$0x18970]  }
0x3e: {  	[tilespmem:$0x18A10] =	vst v1;
	v1 =	vmin.u32 v2, $0x61A8;
	v2 =	vsub.s32 v4, v0  }
0x3f: {  	[tilespmem:$0x18A20] =	vst v1;
	v1 =	vmin.u32 v2, $0x61A8;
	v2 =	vsub.s32 v5, v0  }
0x40: {  	[tilespmem:$0x18A30] =	vst v1;
	v1 =	vmin.u32 v2, $0x61A8;
	v2 =	vsub.s32 v6, v0  }
0x41: {  	[tilespmem:$0x18A40] =	vst v1;
	v1 =	vmin.u32 v2, $0x61A8;
	v2 =	vsub.s32 v7, v0  }
0x42: {  	[tilespmem:$0x18A50] =	vst v1;
	v1 =	vmin.u32 v2, $0x61A8;
	v2 =	vsub.s32 v3, v0  }
0x43: {  	[tilespmem:$0x18A60] =	vst v1;
	v1 =	vmin.u32 v2, $0x61A8  }
0x44: {  	s1 =	simm.s32 @!p0 $0x4;
	[tilespmem:$0x18A70] =	vst v1  }
0x45: {  	[tilespmem:s19], [sflag:$0x3] =	stream.indirect.gather [hbm4b:s5+s18], $0x40, s15, s18, $0xb8;
	[tilespmem:$0x1CB00] =	vst v63  }
0x46: {  	_ =	swait.ge @!p0 [sflag:s1], $0x2000  }
0x47: {  	s2 =	simm.s32 @!p0 $0x18A80;
	[sflag:s1] =	ssyncset.done @!p0 $0x0  }
0x48: {  	s28 =	simm.s32 @!p0 $0x1AB00;
	[sflag:s1] =	ssyncadd.s32 @!p0 $0xFFFFE000;
	s1 =	simm.s32 @!p0 $0x80  }
0x49: {  	[spmem:s3] =	stream.indirect.scatter.add.f32 @!p0 [tilespmem:s28], [sflag:$0x6], $0x40, s2, s1, $0xb8;
	[tilespmem:$0x1CB00] =	vst v63  }
0x4a: {  	s1 =	sadd.s32 s0, s12  }
0x4b: {  	s2 =	sadd.s32 s0, s11;
	s28 =	sadd.s32 $0x10, s1  }
0x4c: {  	[tilespmem:s20], [sflag:$0x2] =	stream.linear.gather [hbm4b:s28+s4], $0x80, $0x38;
	[tilespmem:$0x1CB00] =	vst v63  }
0x4d: {  	s28 =	sadd.s32 $0x10, s2  }
0x4e: {  	[tilespmem:s21], [sflag:$0x2] =	stream.linear.gather [hbm4b:s28+s4], $0x80, $0x38;
	[tilespmem:$0x1CB00] =	vst v63  }
0x4f: {  	s28 =	simm.s32 @!p0 $0x6  }
0x50: {  	_ =	swait.ge @!p0 [sflag:s28], $0x2000  }
0x51: {  	[sflag:s28] =	ssyncset.done @!p0 $0x0  }
0x52: {  	[sflag:s28] =	ssyncadd.s32 @!p0 $0xFFFFE000  }
0x53: {  	_ =	swait.ge [sflag:s22], $0x80  }
0x54: {  	[sflag:s22] =	ssyncset.done $0x0  }
0x55: {  	[sflag:s22] =	ssyncadd.s32 $0xFFFFFF80  }
0x56: {  	_ =	swait.ge [sflag:s22], $0x80  }
0x57: {  	[sflag:s22] =	ssyncset.done $0x0  }
0x58: {  	[sflag:s22] =	ssyncadd.s32 $0xFFFFFF80  }
0x59: {  	v1 =	vld [tilespmem:$0x18980]  }
0x5a: {  	v2 =	vld [tilespmem:$0x18990]  }
0x5b: {  	v3 =	vld [tilespmem:$0x189A0]  }
0x5c: {  	v60 =	vld [tilespmem:$0x189B0]  }
0x5d: {  	v61 =	vld [tilespmem:$0x189C0]  }
0x5e: {  	v62 =	vld [tilespmem:$0x189D0];
	v1 =	vsub.s32 v1, v0  }
0x5f: {  	v63 =	vld [tilespmem:$0x189E0];
	v2 =	vsub.s32 v2, v0;
	v1 =	vmin.u32 v1, $0x61A8  }
0x60: {  	[tilespmem:$0x18A80] =	vst v1;
	v1 =	vmin.u32 v2, $0x61A8;
	v2 =	vsub.s32 v3, v0;
	v3 =	vld [tilespmem:$0x189F0]  }
0x61: {  	[tilespmem:$0x18A90] =	vst v1;
	v1 =	vmin.u32 v2, $0x61A8;
	v2 =	vsub.s32 v60, v0  }
0x62: {  	[tilespmem:$0x18AA0] =	vst v1;
	v1 =	vmin.u32 v2, $0x61A8;
	v2 =	vsub.s32 v61, v0  }
0x63: {  	[tilespmem:$0x18AB0] =	vst v1;
	v1 =	vmin.u32 v2, $0x61A8;
	v2 =	vsub.s32 v62, v0  }
0x64: {  	[tilespmem:$0x18AC0] =	vst v1;
	v1 =	vmin.u32 v2, $0x61A8;
	v2 =	vsub.s32 v63, v0  }
0x65: {  	[tilespmem:$0x18AD0] =	vst v1;
	v1 =	vmin.u32 v2, $0x61A8;
	v2 =	vsub.s32 v3, v0  }
0x66: {  	[tilespmem:$0x18AE0] =	vst v1;
	v1 =	vmin.u32 v2, $0x61A8  }
0x67: {  	p0 =	seq.s32 s0, $0x1860;
	[tilespmem:$0x18AF0] =	vst v1  }
0x68: {  	[tilespmem:s23], [sflag:$0x4] =	stream.indirect.gather [hbm4b:s5+s18], $0x40, s20, s18, $0xb8;
	[tilespmem:$0x1CB00] =	vst v63  }
.Ltmp2:
0x69: {  	_ = 	snop;
	(pc) =	sbr.rel @p0 .LBB2_4-.Ltmp2, $4  }
0x6a: {  	_ =	swait.ge [sflag:s24], $0x2000  }
0x6b: {  	[sflag:s24] =	ssyncset.done $0x0  }
0x6c: {  	[sflag:s24] =	ssyncadd.s32 $0xFFFFE000  }
0x6d: {  	[spmem:s3] =	stream.indirect.scatter.add.f32 [tilespmem:s19], [sflag:$0x5], $0x40, s25, s18, $0xb8;
	[tilespmem:$0x1CB00] =	vst v63  }
.Ltmp3:
0x6e: {  	(pc) =	sbr.rel .LBB2_2-.Ltmp3, $4  }
0x6f: {  	s1 =	sadd.s32 $0x20, s1  }
0x70: {  	[tilespmem:s15], [sflag:$0x1] =	stream.linear.gather [hbm4b:s1+s4], $0x80, $0x38;
	[tilespmem:$0x1CB00] =	vst v63  }
0x71: {  	s28 =	sadd.s32 $0x20, s2;
	s0 =	sadd.s32 $0x20, s0  }
0x72: {  	[tilespmem:s16], [sflag:$0x1] =	stream.linear.gather [hbm4b:s28+s4], $0x80, $0x38;
	[tilespmem:$0x1CB00] =	vst v63  }
.LBB2_5:
0x73: {  	_ =	sfence.sel $0x180000  }
0x74: {  	[bflag:$0x0] =	sbarrier.arrive $0xFFFF  }
0x75: {  	_ =	strace $0x9000004A  }
0x76: {  	s0 =	stileid.u32;
	[bflag:$0x2] =	sbarrier.arrive $0xFFFF  }
0x77: {  	p0 =	sne.s32 s0, $0x0;
	s0 =	rddreg [dreg:$0x3]  }
0x78: {  	s0 =	sadd.s32 @!p0 $0x100000, s0  }
0x79: {  	[sflag:s0] =	ssyncadd.tile.s32 @!p0 $0x1;
	_ =	shalt  }
.Lfunc_end2:
_tile_overlayer_lowered:
.L_overlay_start_2:
0x7a: {  	(tag) =	ssettag $0x2  }
0x7b: {  	s0 =	rddreg [dreg:$0x0];
	s2 =	stileid.u32  }
0x7c: {  	s1 =	rddreg [dreg:$0x1];
	p0 =	sne.s32 s2, $0x0  }
0x7d: {  	s3 =	rddreg [dreg:$0x2];
	[bflag:$0x3] =	sbarrier.arrive $0xFFFF;
	s2 =	simm.s32 @!p0 $0x1C07  }
0x7e: {  	[timem:s3], [sflag:s2] =	dma.local @!p0 [hbm:s0], s1  }
0x7f: {  	s0 =	simm.s32 @!p0 $0x7  }
0x80: {  	_ =	swait.ge @!p0 [sflag:s0], s1  }
0x81: {  	s1 =	ssub.s32 @!p0 $0x0, s1;
	[sflag:s0] =	ssyncset.done @!p0 $0x0  }
0x82: {  	[sflag:s0] =	ssyncadd.s32 @!p0 s1  }
0x83: {  	[bflag:$0x3] =	sbarrier.arrive $0xFFFF  }
0x84: {  	_ =	shalt  }

// kernel: kernel.17.cloned.1.call-start
scs
__scs_entry_jumppad:
0x0: {  	(pc) =	sbr.rel $0x88, $3  }
0x1: {  	(tag) =	ssettag $0x0;
	lr =	simm.s32 $0x1  }
0x2: {  	[smem:$0x3F93] =	sst lr;
	_ =	strace $0xD0000000  }
0x3: {  	_ = 	snop  }
0x4: {  	_ = 	snop  }
0x5: {  	_ = 	snop  }
0x6: {  	_ = 	snop  }
0x7: {  	_ = 	snop  }
__scs_overlays_trampoline_lowered:
0x8: {  	[smem:$0x3FA2] =	sst s0  }
0x9: {  	[smem:$0x3FA3] =	sst s1  }
0xa: {  	[smem:$0x3FA4] =	sst s2  }
0xb: {  	[smem:$0x3FA5] =	sst s3  }
0xc: {  	[smem:$0x3FA6] =	sst s4  }
0xd: {  	[smem:$0x3FA7] =	sst s5  }
0xe: {  	[smem:$0x3FA8] =	sst s6  }
0xf: {  	[smem:$0x3FA9] =	sst s7  }
0x10: {  	[smem:$0x3FAA] =	sst s8  }
0x11: {  	[smem:$0x3FAB] =	sst s9;
	s0 =	simm.s32 @!p0 $0x0  }
0x12: {  	s1 =	sld [smem:$0x3F91];
	s0 =	simm.s32 @p0 $0x1  }
0x13: {  	[smem:$0x3FAC] =	sst s0;
	s0 =	simm.s32 @!p1 $0x0  }
0x14: {  	s2 =	sld [smem:$0x3F90];
	s0 =	simm.s32 @p1 $0x1  }
0x15: {  	[smem:$0x3FAD] =	sst s0;
	s0 =	simm.s32 @!p2 $0x0  }
0x16: {  	s3 =	sld [smem:$0x3FDB];
	s0 =	simm.s32 @p2 $0x1  }
0x17: {  	s4 =	simm.s32 $0x1BF5;
	[smem:$0x3FAF] =	sst s0  }
0x18: {  	s0 =	sld [smem:$0x3F92];
	_ =	swait.ge [sflag:s4], $0x0  }
0x19: {  	s7 =	sld [smem:$0x3F93]  }
0x1a: {  	s8 =	sadd.s32 $0xFFFFE003, lr  }
0x1b: {  	s9 =	sadd.s32 $0xFFFFFEF7, lr;
	s5 =	simm.s32 $0xFFFFFFFF;
	p2 =	slt.u32 s8, $0xFFFFF086  }
0x1c: {  	p1 =	slt.u32 s9, $0xF7A;
	s5 =	simm.s32 @!p2 $0x0  }
0x1d: {  	s5 =	simm.s32 @p1 $0x1;
	p0 =	seq.s32 s7, s2  }
0x1e: {  	s7 =	smul.u32 @!p0 $0xF7A, s2;
	p2 =	seq.s32 @!p0 s5, $0x0  }
0x1f: {  	s9 =	smul.u32 $0xF7A, s1;
	s8 =	simm.s32 @!p0 $0x1BF5;
	p2 =	por !p2, p0  }
0x20: {  	[sflag:s8] =	ssyncset.s32 @!p0 $0xFFFFF086;
	s6 =	sadd.s32 @!p0 s3, s7;
	s7 =	simm.s32 @!p0 $0x108  }
0x21: {  	s3 =	sadd.s32 s3, s9;
	s6 =	sadd.s32 @!p0 $0x88, s6;
	s7 =	simm.s32 @p2 $0x1082  }
0x22: {  	[simem:s7], [sflag:s8] =	dma.local @!p0 [hbm:s6], $0xF7A  }
0x23: {  	s9 =	sor.u32 $0xD0000000, s2;
	s6 =	simm.s32 $0x108;
	_ =	swait.ge @!p0 [sflag:s8], $0x0  }
0x24: {  	s3 =	sadd.s32 $0x88, s3;
	s6 =	simm.s32 @!p1 $0x1082;
	[sflag:s4] =	ssyncset.s32 $0xFFFFF086  }
0x25: {  	[simem:s6], [sflag:s4] =	dma.local [hbm:s3], $0xF7A  }
0x26: {  	[smem:$0x3F93] =	sst s1;
	(tag) =	ssettag s2;
	_ =	strace s9  }
0x27: {  	s1 =	sld [smem:$0x3FA3]  }
0x28: {  	s2 =	sld [smem:$0x3FA4]  }
0x29: {  	s4 =	sld [smem:$0x3FA6]  }
0x2a: {  	p0 =	seq.s32 s5, $0x0;
	s5 =	sld [smem:$0x3FA7]  }
0x2b: {  	s6 =	sld [smem:$0x3FA8]  }
0x2c: {  	s7 =	sld [smem:$0x3FA9]  }
0x2d: {  	s3 =	simm.s32 $0x108;
	s8 =	sld [smem:$0x3FAA]  }
0x2e: {  	s3 =	simm.s32 @!p0 $0x1082;
	s9 =	sld [smem:$0x3FAB]  }
0x2f: {  	lr =	sadd.s32 s0, s3;
	s0 =	sld [smem:$0x3FA2]  }
0x30: {  	s3 =	sld [smem:$0x3FA5]  }
0x31: {  	[smem:$0x3FAE] =	sst s10  }
0x32: {  	s10 =	sld [smem:$0x3FAC];
	_ =	sdelay $0x3  }
0x33: {  	p0 =	seq.s32 s10, $0x1;
	s10 =	sld [smem:$0x3FAE];
	_ =	sdelay $0x3  }
0x34: {  	[smem:$0x3FAE] =	sst s10  }
0x35: {  	s10 =	sld [smem:$0x3FAD];
	_ =	sdelay $0x3  }
0x36: {  	p1 =	seq.s32 s10, $0x1;
	s10 =	sld [smem:$0x3FAE];
	_ =	sdelay $0x3  }
0x37: {  	[smem:$0x3FAE] =	sst s10  }
0x38: {  	s10 =	sld [smem:$0x3FAF]  }
0x39: {  	_ = 	snop;
	(pc) =	sbr.ind lr, $3  }
0x3a: {  	_ = 	snop  }
0x3b: {  	_ = 	snop  }
0x3c: {  	p2 =	seq.s32 s10, $0x1;
	s10 =	sld [smem:$0x3FAE]  }
0x3d: {  	_ =	shalt  }
0x3e: {  	_ =	shalt  }
0x3f: {  	_ =	shalt  }
0x40: {  	_ =	shalt  }
0x41: {  	_ =	shalt  }
0x42: {  	_ =	shalt  }
0x43: {  	_ =	shalt  }
0x44: {  	_ =	shalt  }
0x45: {  	_ =	shalt  }
0x46: {  	_ =	shalt  }
0x47: {  	_ =	shalt  }
0x48: {  	_ =	shalt  }
0x49: {  	_ =	shalt  }
0x4a: {  	_ =	shalt  }
0x4b: {  	_ =	shalt  }
0x4c: {  	_ =	shalt  }
0x4d: {  	_ =	shalt  }
0x4e: {  	_ =	shalt  }
0x4f: {  	_ =	shalt  }
0x50: {  	_ =	shalt  }
0x51: {  	_ =	shalt  }
0x52: {  	_ =	shalt  }
0x53: {  	_ =	shalt  }
0x54: {  	_ =	shalt  }
0x55: {  	_ =	shalt  }
0x56: {  	_ =	shalt  }
0x57: {  	_ =	shalt  }
0x58: {  	_ =	shalt  }
0x59: {  	_ =	shalt  }
0x5a: {  	_ =	shalt  }
0x5b: {  	_ =	shalt  }
0x5c: {  	_ =	shalt  }
0x5d: {  	_ =	shalt  }
0x5e: {  	_ =	shalt  }
0x5f: {  	_ =	shalt  }
0x60: {  	_ =	shalt  }
0x61: {  	_ =	shalt  }
0x62: {  	_ =	shalt  }
0x63: {  	_ =	shalt  }
0x64: {  	_ =	shalt  }
0x65: {  	_ =	shalt  }
0x66: {  	_ =	shalt  }
0x67: {  	_ =	shalt  }
0x68: {  	_ =	shalt  }
0x69: {  	_ =	shalt  }
0x6a: {  	_ =	shalt  }
0x6b: {  	_ =	shalt  }
0x6c: {  	_ =	shalt  }
0x6d: {  	_ =	shalt  }
0x6e: {  	_ =	shalt  }
0x6f: {  	_ =	shalt  }
0x70: {  	_ =	shalt  }
0x71: {  	_ =	shalt  }
0x72: {  	_ =	shalt  }
0x73: {  	_ =	shalt  }
0x74: {  	_ =	shalt  }
0x75: {  	_ =	shalt  }
0x76: {  	_ =	shalt  }
0x77: {  	_ =	shalt  }
0x78: {  	_ =	shalt  }
0x79: {  	_ =	shalt  }
0x7a: {  	_ =	shalt  }
0x7b: {  	_ =	shalt  }
0x7c: {  	_ =	shalt  }
0x7d: {  	_ =	shalt  }
0x7e: {  	_ =	shalt  }
0x7f: {  	_ =	shalt  }
0x80: {  	_ =	shalt  }
0x81: {  	_ =	shalt  }
0x82: {  	_ =	shalt  }
0x83: {  	_ =	shalt  }
0x84: {  	_ =	shalt  }
0x85: {  	_ =	shalt  }
0x86: {  	_ =	shalt  }
0x87: {  	_ =	shalt  }
.Lfunc_end0:
.L_simem_size_0:
called_computation.2_lowered:
.L_overlay_start_0:
0x88: {  	s2 =	sld [smem:$0x3FD9]  }
0x89: {  	s3 =	sld [smem:$0x3FFE];
	_ =	sdelay $0x1  }
0x8a: {  	s1 =	srdreg.scid  }
0x8b: {  	s0 =	sand.u32 $0x1, s1  }
0x8c: {  	s17 =	sshll.u32 s0, $0xA;
	s2 =	sadd.s32 s3, s2  }
0x8d: {  	s2 =	sadd.s32 s2, s17  }
0x8e: {  	[smem:$0x3FBA] =	sst s2  }
0x8f: {  	_ = 	snop  }
0x90: {  	s2 =	sld [smem:$0x3FD0];
	(tm) =	ssettm $0x1  }
0x91: {  	s18 =	sld [smem:$0x3FFB];
	_ =	sdelay $0x3  }
0x92: {  	_ =	strace s18  }
0x93: {  	s3 =	sld [smem:$0x3FFC];
	_ =	sdelay $0x3  }
0x94: {  	_ =	strace s3  }
0x95: {  	s3 =	sld [smem:$0x3FFD];
	_ =	sdelay $0x3  }
0x96: {  	_ =	strace s3  }
0x97: {  	_ =	strace $0x8FFFFFFF  }
0x98: {  	s19 =	sld [smem:$0x3FDB];
	_ =	sdelay $0x1  }
0x99: {  	s4 =	simm.s32 $_scs_section_size  }
0x9a: {  	s5 =	simm.s32 $_size__tile_overlayer_lowered;
	s6 =	simm.s32 $_tile_overlayer_lowered  }
0x9b: {  	s22 =	simm.s32 $0x1BFF;
	s21 =	sshll.u32 s6, $0x1;
	s3 =	sadd.s32 s4, s19  }
0x9c: {  	s7 =	simm.s32 $0x0;
	s20 =	sshll.u32 s5, $0x1;
	s5 =	sadd.s32 s21, s3  }
0x9d: {  	[timem:s7], [sflag:s22] =	dma.local [hbm:s5], s20  }
0x9e: {  	_ =	swait.ge [sflag:s22], s20  }
0x9f: {  	s4 =	ssub.s32 $0x0, s20;
	[sflag:s22] =	ssyncset.done $0x0  }
0xa0: {  	[sflag:s22] =	ssyncadd.s32 s4;
	_ =	sdelay $0x1  }
0xa1: {  	s23 =	simm.s32 $0x1B8B  }
0xa2: {  	_ =	swait.ge [sflag:s23], $0x1  }
0xa3: {  	[sflag:s23] =	ssyncset.done $0x0  }
0xa4: {  	s25 =	simm.s32 $0x1B8E;
	s24 =	sld [smem:$0x3FFE];
	[sflag:s23] =	ssyncadd.s32 $0xFFFFFFFF  }
0xa5: {  	s26 =	simm.s32 $execute0_lowered;
	[smem:$0x3FD2] =	sst s25  }
0xa6: {  	s5 =	sshll.u32 s26, $0x1;
	_ =	strace $0x8000004C;
	[dreg:$0x1] =	wrdreg $0xFFFFFFFF  }
0xa7: {  	s28 =	simm.s32 $_size_execute0_lowered;
	s3 =	sadd.s32 s3, s5;
	[dreg:$0x0] =	wrdreg $0x0  }
0xa8: {  	s5 =	sshll.u32 s28, $0x1;
	[dreg:$0x2] =	wrdreg s3  }
0xa9: {  	[dreg:$0x3] =	wrdreg s5  }
0xaa: {  	[dreg:$0x4] =	wrdreg $0xC0  }
0xab: {  	_ =	task [dreg:s7], $0x5FFFF  }
0xac: {  	[dreg:$0x1] =	wrdreg $0xFFFFFFFF  }
0xad: {  	[dreg:$0x0] =	wrdreg $0x60  }
0xae: {  	[dreg:$0x2] =	wrdreg s24  }
0xaf: {  	[dreg:$0x3] =	wrdreg s2  }
0xb0: {  	[dreg:$0x4] =	wrdreg $0x0  }
0xb1: {  	[dreg:$0x5] =	wrdreg $0x9  }
0xb2: {  	_ =	task.clear_ibuf [dreg:s7], $0x6FFFF;
	_ =	strace $0x9000004C  }
0xb3: {  	s29 =	simm.s32 $0x9;
	_ =	strace $0x8000004E  }
0xb4: {  	_ =	swait.ge [sflag:s29], $0x1  }
0xb5: {  	[sflag:s29] =	ssyncadd.s32 $0xFFFFFFFF  }
0xb6: {  	_ =	strace $0x9000004E  }
0xb7: {  	_ =	sfence  }
0xb8: {  	s30 =	sld [smem:$0x0];
	_ =	sdelay $0x2  }
0xb9: {  	s31 =	sshll.u32 s1, $0xD;
	s1 =	sshrl.u32 s1, $0x2  }
0xba: {  	s3 =	sand.u32 $0x4000, s31;
	s1 =	sadd.s32 s1, s30  }
0xbb: {  	s0 =	sor.u32 s3, s0;
	s1 =	sshll.u32 s1, $0x11  }
0xbc: {  	s0 =	sor.u32 s1, s0  }
0xbd: {  	s0 =	sadd.s32 $0x8F2B, s0  }
0xbe: {  	[sflag:s0] =	ssyncadd.remote.s32 $0x1  }
0xbf: {  	_ =	sfence.sel $0xFFFF  }
0xc0: {  	[dreg:$0x0] =	wrdreg $0xFFFFFFFF;
	(pc) =	sbr.abs _section_cstart, $3  }
0xc1: {  	[dreg:$0x1] =	wrdreg $0xFFFFFFFF  }
0xc2: {  	_ =	task.clear_ibuf [dreg:s7], $0x2FFFF;
	_ =	strace $0x9FFFFFFF  }
0xc3: {  	(tm) =	ssettm $0x7FFFFFFF  }
tec
execute0_lowered:
.L_overlay_start_1:
0x0: {  	(tag) =	ssettag $0x1  }
0x1: {  	s0 =	rddreg [dreg:$0x0]  }
0x2: {  	s3 =	rddreg [dreg:$0x2]  }
0x3: {  	s1 =	srdreg.scid;
	s9 =	stileid.u32;
	s4 =	simm.s32 $0x0  }
0x4: {  	s14 =	simm.s32 $0x7;
	s15 =	simm.s32 $0x18800;
	s16 =	simm.s32 $0x18900  }
0x5: {  	s17 =	simm.s32 $0x1;
	s18 =	simm.s32 $0x80;
	s19 =	simm.s32 $0x18B00  }
0x6: {  	s20 =	simm.s32 $0x18880;
	s21 =	simm.s32 $0x18980;
	s22 =	simm.s32 $0x2  }
0x7: {  	s23 =	simm.s32 $0x1AB00;
	s24 =	simm.s32 $0x3;
	s29 =	simm.s32 $0x5  }
0x8: {  	s30 =	simm.s32 $0x6;
	s31 =	simm.s32 $0x0;
	s2 =	smul.u32 $0x18800, s9  }
0x9: {  	s1 =	sand.u32 $0x1, s1;
	[smem:$0x7FF] =	sst s4;
	s25 =	smul.u32 $0xC400, s9  }
0xa: {  	s12 =	sadd.s32 $0x1D5800, s0;
	s11 =	sadd.s32 $0x5400, s0;
	s13 =	smul.u32 $0x1880, s9  }
0xb: {  	s26 =	sshll.u32 s9, $0x6;
	s5 =	smul.u32 $0x188000, s1;
	s7 =	ssub.s32 $0x2, s1  }
0xc: {  	_ =	strace $0x8000004D;
	s1 =	smul.u32 $0x61A8, s1;
	s8 =	sshrl.u32 s7, $0x1  }
0xd: {  	s28 =	sshrl.u32 s25, $0x3;
	s25 =	simm.s32 $0x18A00;
	s6 =	sadd.s32 s2, s5  }
.Ltmp0:
0xe: {  	s5 =	sadd.s32 $0x1DC00, s0;
	s10 =	ssub.s32 s7, s8;
	(pc) =	sbr.rel .LBB2_1-.Ltmp0, $4  }
0xf: {  	s2 =	sadd.s32 s2, s3;
	s7 =	sadd.s32 s12, s28;
	s8 =	sadd.s32 s11, s28  }
0x10: {  	s11 =	sadd.s32 s13, s11;
	s12 =	sadd.s32 s13, s12;
	s6 =	sshrl.u32 s6, $0x3  }
0x11: {  	s10 =	smax.u32 s10, $0x1;
	s13 =	sshrl.u32 s2, $0x3;
	s0 =	sadd.s32 s6, s0  }
0x12: {  	v0 =	vmov s1;
	s6 =	sor.u32 $0x1C07, s26;
	s26 =	simm.s32 $0x4;
	s9 =	sadd.s32 $0x2B1600, s0  }
.LBB2_4:
0x13: {  	_ =	swait.ge [sflag:s26], $0x2000  }
0x14: {  	[sflag:s26] =	ssyncset.done $0x0  }
0x15: {  	s0 =	simm.s32 $0x18A80;
	[sflag:s26] =	ssyncadd.s32 $0xFFFFE000  }
0x16: {  	[spmem:s3] =	stream.indirect.scatter.add.f32 [tilespmem:s23], [sflag:$0x6], $0x40, s0, s18, $0xb8;
	[tilespmem:$0x1CB00] =	vst v63  }
0x17: {  	_ =	swait.ge [sflag:s29], $0x2000  }
0x18: {  	[sflag:s29] =	ssyncset.done $0x0  }
0x19: {  	[sflag:s29] =	ssyncadd.s32 $0xFFFFE000  }
0x1a: {  	_ =	swait.ge [sflag:s30], $0x2000  }
0x1b: {  	s31 =	sadd.s32 $0x1, s31;
	[sflag:s30] =	ssyncset.done $0x0  }
0x1c: {  	p0 =	sne.s32 s31, s10;
	[sflag:s30] =	ssyncadd.s32 $0xFFFFE000  }
.Ltmp1:
0x1d: {  	[bflag:$0x0] =	sbarrier.arrive $0xFFFF;
	(pc) =	sbr.rel @!p0 .LBB2_5-.Ltmp1, $4  }
0x1e: {  	[hbm:s9], [sflag:s6] =	dma.local [spmem:s13], $0x3100  }
0x1f: {  	_ =	swait.ge [sflag:s14], $0x3100  }
0x20: {  	[sflag:s14] =	ssyncset.done $0x0  }
0x21: {  	[sflag:s14] =	ssyncadd.s32 $0xFFFFCF00  }
.LBB2_1:
0x22: {  	s0 =	rddreg [dreg:$0x1]  }
0x23: {  	[spmem:s13], [sflag:s6] =	dma.local [hbm:s0], $0x3100  }
0x24: {  	_ =	swait.ge [sflag:s14], $0x3100  }
0x25: {  	[sflag:s14] =	ssyncset.done $0x0  }
0x26: {  	[sflag:s14] =	ssyncadd.s32 $0xFFFFCF00  }
0x27: {  	[bflag:$0x0] =	sbarrier.arrive $0xFFFF  }
0x28: {  	[tilespmem:s15], [sflag:$0x1] =	stream.linear.gather [hbm4b:s7+s4], $0x80, $0x38;
	[tilespmem:$0x1CB00] =	vst v63  }
0x29: {  	s0 =	simm.s32 $0x0  }
0x2a: {  	[tilespmem:s16], [sflag:$0x1] =	stream.linear.gather [hbm4b:s8+s4], $0x80, $0x38;
	[tilespmem:$0x1CB00] =	vst v63  }
.LBB2_2:
0x2b: {  	p0 =	seq.s32 s0, $0x0  }
0x2c: {  	s1 =	simm.s32 @!p0 $0x5  }
0x2d: {  	_ =	swait.ge @!p0 [sflag:s1], $0x2000  }
0x2e: {  	[sflag:s1] =	ssyncset.done @!p0 $0x0  }
0x2f: {  	[sflag:s1] =	ssyncadd.s32 @!p0 $0xFFFFE000  }
0x30: {  	_ =	swait.ge [sflag:s17], $0x80  }
0x31: {  	[sflag:s17] =	ssyncset.done $0x0  }
0x32: {  	[sflag:s17] =	ssyncadd.s32 $0xFFFFFF80  }
0x33: {  	_ =	swait.ge [sflag:s17], $0x80  }
0x34: {  	[sflag:s17] =	ssyncset.done $0x0  }
0x35: {  	[sflag:s17] =	ssyncadd.s32 $0xFFFFFF80  }
0x36: {  	v1 =	vld [tilespmem:$0x18900]  }
0x37: {  	v2 =	vld [tilespmem:$0x18910]  }
0x38: {  	v3 =	vld [tilespmem:$0x18920]  }
0x39: {  	v4 =	vld [tilespmem:$0x18930]  }
0x3a: {  	v5 =	vld [tilespmem:$0x18940]  }
0x3b: {  	v6 =	vld [tilespmem:$0x18950];
	v1 =	vsub.s32 v1, v0  }
0x3c: {  	v7 =	vld [tilespmem:$0x18960];
	v2 =	vsub.s32 v2, v0;
	v1 =	vmin.u32 v1, $0x61A8  }
0x3d: {  	[tilespmem:$0x18A00] =	vst v1;
	v1 =	vmin.u32 v2, $0x61A8;
	v2 =	vsub.s32 v3, v0;
	v3 =	vld [tilespmem:$0x18970]  }
0x3e: {  	[tilespmem:$0x18A10] =	vst v1;
	v1 =	vmin.u32 v2, $0x61A8;
	v2 =	vsub.s32 v4, v0  }
0x3f: {  	[tilespmem:$0x18A20] =	vst v1;
	v1 =	vmin.u32 v2, $0x61A8;
	v2 =	vsub.s32 v5, v0  }
0x40: {  	[tilespmem:$0x18A30] =	vst v1;
	v1 =	vmin.u32 v2, $0x61A8;
	v2 =	vsub.s32 v6, v0  }
0x41: {  	[tilespmem:$0x18A40] =	vst v1;
	v1 =	vmin.u32 v2, $0x61A8;
	v2 =	vsub.s32 v7, v0  }
0x42: {  	[tilespmem:$0x18A50] =	vst v1;
	v1 =	vmin.u32 v2, $0x61A8;
	v2 =	vsub.s32 v3, v0  }
0x43: {  	[tilespmem:$0x18A60] =	vst v1;
	v1 =	vmin.u32 v2, $0x61A8  }
0x44: {  	s1 =	simm.s32 @!p0 $0x4;
	[tilespmem:$0x18A70] =	vst v1  }
0x45: {  	[tilespmem:s19], [sflag:$0x3] =	stream.indirect.gather [hbm4b:s5+s18], $0x40, s15, s18, $0xb8;
	[tilespmem:$0x1CB00] =	vst v63  }
0x46: {  	_ =	swait.ge @!p0 [sflag:s1], $0x2000  }
0x47: {  	s2 =	simm.s32 @!p0 $0x18A80;
	[sflag:s1] =	ssyncset.done @!p0 $0x0  }
0x48: {  	s28 =	simm.s32 @!p0 $0x1AB00;
	[sflag:s1] =	ssyncadd.s32 @!p0 $0xFFFFE000;
	s1 =	simm.s32 @!p0 $0x80  }
0x49: {  	[spmem:s3] =	stream.indirect.scatter.add.f32 @!p0 [tilespmem:s28], [sflag:$0x6], $0x40, s2, s1, $0xb8;
	[tilespmem:$0x1CB00] =	vst v63  }
0x4a: {  	s1 =	sadd.s32 s0, s12  }
0x4b: {  	s2 =	sadd.s32 s0, s11;
	s28 =	sadd.s32 $0x10, s1  }
0x4c: {  	[tilespmem:s20], [sflag:$0x2] =	stream.linear.gather [hbm4b:s28+s4], $0x80, $0x38;
	[tilespmem:$0x1CB00] =	vst v63  }
0x4d: {  	s28 =	sadd.s32 $0x10, s2  }
0x4e: {  	[tilespmem:s21], [sflag:$0x2] =	stream.linear.gather [hbm4b:s28+s4], $0x80, $0x38;
	[tilespmem:$0x1CB00] =	vst v63  }
0x4f: {  	s28 =	simm.s32 @!p0 $0x6  }
0x50: {  	_ =	swait.ge @!p0 [sflag:s28], $0x2000  }
0x51: {  	[sflag:s28] =	ssyncset.done @!p0 $0x0  }
0x52: {  	[sflag:s28] =	ssyncadd.s32 @!p0 $0xFFFFE000  }
0x53: {  	_ =	swait.ge [sflag:s22], $0x80  }
0x54: {  	[sflag:s22] =	ssyncset.done $0x0  }
0x55: {  	[sflag:s22] =	ssyncadd.s32 $0xFFFFFF80  }
0x56: {  	_ =	swait.ge [sflag:s22], $0x80  }
0x57: {  	[sflag:s22] =	ssyncset.done $0x0  }
0x58: {  	[sflag:s22] =	ssyncadd.s32 $0xFFFFFF80  }
0x59: {  	v1 =	vld [tilespmem:$0x18980]  }
0x5a: {  	v2 =	vld [tilespmem:$0x18990]  }
0x5b: {  	v3 =	vld [tilespmem:$0x189A0]  }
0x5c: {  	v60 =	vld [tilespmem:$0x189B0]  }
0x5d: {  	v61 =	vld [tilespmem:$0x189C0]  }
0x5e: {  	v62 =	vld [tilespmem:$0x189D0];
	v1 =	vsub.s32 v1, v0  }
0x5f: {  	v63 =	vld [tilespmem:$0x189E0];
	v2 =	vsub.s32 v2, v0;
	v1 =	vmin.u32 v1, $0x61A8  }
0x60: {  	[tilespmem:$0x18A80] =	vst v1;
	v1 =	vmin.u32 v2, $0x61A8;
	v2 =	vsub.s32 v3, v0;
	v3 =	vld [tilespmem:$0x189F0]  }
0x61: {  	[tilespmem:$0x18A90] =	vst v1;
	v1 =	vmin.u32 v2, $0x61A8;
	v2 =	vsub.s32 v60, v0  }
0x62: {  	[tilespmem:$0x18AA0] =	vst v1;
	v1 =	vmin.u32 v2, $0x61A8;
	v2 =	vsub.s32 v61, v0  }
0x63: {  	[tilespmem:$0x18AB0] =	vst v1;
	v1 =	vmin.u32 v2, $0x61A8;
	v2 =	vsub.s32 v62, v0  }
0x64: {  	[tilespmem:$0x18AC0] =	vst v1;
	v1 =	vmin.u32 v2, $0x61A8;
	v2 =	vsub.s32 v63, v0  }
0x65: {  	[tilespmem:$0x18AD0] =	vst v1;
	v1 =	vmin.u32 v2, $0x61A8;
	v2 =	vsub.s32 v3, v0  }
0x66: {  	[tilespmem:$0x18AE0] =	vst v1;
	v1 =	vmin.u32 v2, $0x61A8  }
0x67: {  	p0 =	seq.s32 s0, $0x1860;
	[tilespmem:$0x18AF0] =	vst v1  }
0x68: {  	[tilespmem:s23], [sflag:$0x4] =	stream.indirect.gather [hbm4b:s5+s18], $0x40, s20, s18, $0xb8;
	[tilespmem:$0x1CB00] =	vst v63  }
.Ltmp2:
0x69: {  	_ = 	snop;
	(pc) =	sbr.rel @p0 .LBB2_4-.Ltmp2, $4  }
0x6a: {  	_ =	swait.ge [sflag:s24], $0x2000  }
0x6b: {  	[sflag:s24] =	ssyncset.done $0x0  }
0x6c: {  	[sflag:s24] =	ssyncadd.s32 $0xFFFFE000  }
0x6d: {  	[spmem:s3] =	stream.indirect.scatter.add.f32 [tilespmem:s19], [sflag:$0x5], $0x40, s25, s18, $0xb8;
	[tilespmem:$0x1CB00] =	vst v63  }
.Ltmp3:
0x6e: {  	(pc) =	sbr.rel .LBB2_2-.Ltmp3, $4  }
0x6f: {  	s1 =	sadd.s32 $0x20, s1  }
0x70: {  	[tilespmem:s15], [sflag:$0x1] =	stream.linear.gather [hbm4b:s1+s4], $0x80, $0x38;
	[tilespmem:$0x1CB00] =	vst v63  }
0x71: {  	s28 =	sadd.s32 $0x20, s2;
	s0 =	sadd.s32 $0x20, s0  }
0x72: {  	[tilespmem:s16], [sflag:$0x1] =	stream.linear.gather [hbm4b:s28+s4], $0x80, $0x38;
	[tilespmem:$0x1CB00] =	vst v63  }
.LBB2_5:
0x73: {  	_ =	sfence.sel $0x180000  }
0x74: {  	[bflag:$0x0] =	sbarrier.arrive $0xFFFF  }
0x75: {  	_ =	strace $0x9000004D  }
0x76: {  	s0 =	stileid.u32;
	[bflag:$0x2] =	sbarrier.arrive $0xFFFF  }
0x77: {  	p0 =	sne.s32 s0, $0x0;
	s0 =	rddreg [dreg:$0x3]  }
0x78: {  	s0 =	sadd.s32 @!p0 $0x100000, s0  }
0x79: {  	[sflag:s0] =	ssyncadd.tile.s32 @!p0 $0x1;
	_ =	shalt  }
.Lfunc_end2:
_tile_overlayer_lowered:
.L_overlay_start_2:
0x7a: {  	(tag) =	ssettag $0x2  }
0x7b: {  	s0 =	rddreg [dreg:$0x0];
	s2 =	stileid.u32  }
0x7c: {  	s1 =	rddreg [dreg:$0x1];
	p0 =	sne.s32 s2, $0x0  }
0x7d: {  	s3 =	rddreg [dreg:$0x2];
	[bflag:$0x3] =	sbarrier.arrive $0xFFFF;
	s2 =	simm.s32 @!p0 $0x1C07  }
0x7e: {  	[timem:s3], [sflag:s2] =	dma.local @!p0 [hbm:s0], s1  }
0x7f: {  	s0 =	simm.s32 @!p0 $0x7  }
0x80: {  	_ =	swait.ge @!p0 [sflag:s0], s1  }
0x81: {  	s1 =	ssub.s32 @!p0 $0x0, s1;
	[sflag:s0] =	ssyncset.done @!p0 $0x0  }
0x82: {  	[sflag:s0] =	ssyncadd.s32 @!p0 s1  }
0x83: {  	[bflag:$0x3] =	sbarrier.arrive $0xFFFF  }
0x84: {  	_ =	shalt  }

// kernel: kernel.20.cloned.1.call-start
scs
__scs_entry_jumppad:
0x0: {  	(pc) =	sbr.rel $0x88, $3  }
0x1: {  	(tag) =	ssettag $0x0;
	lr =	simm.s32 $0x1  }
0x2: {  	[smem:$0x3F93] =	sst lr;
	_ =	strace $0xD0000000  }
0x3: {  	_ = 	snop  }
0x4: {  	_ = 	snop  }
0x5: {  	_ = 	snop  }
0x6: {  	_ = 	snop  }
0x7: {  	_ = 	snop  }
__scs_overlays_trampoline_lowered:
0x8: {  	[smem:$0x3FA2] =	sst s0  }
0x9: {  	[smem:$0x3FA3] =	sst s1  }
0xa: {  	[smem:$0x3FA4] =	sst s2  }
0xb: {  	[smem:$0x3FA5] =	sst s3  }
0xc: {  	[smem:$0x3FA6] =	sst s4  }
0xd: {  	[smem:$0x3FA7] =	sst s5  }
0xe: {  	[smem:$0x3FA8] =	sst s6  }
0xf: {  	[smem:$0x3FA9] =	sst s7  }
0x10: {  	[smem:$0x3FAA] =	sst s8  }
0x11: {  	[smem:$0x3FAB] =	sst s9;
	s0 =	simm.s32 @!p0 $0x0  }
0x12: {  	s1 =	sld [smem:$0x3F91];
	s0 =	simm.s32 @p0 $0x1  }
0x13: {  	[smem:$0x3FAC] =	sst s0;
	s0 =	simm.s32 @!p1 $0x0  }
0x14: {  	s2 =	sld [smem:$0x3F90];
	s0 =	simm.s32 @p1 $0x1  }
0x15: {  	[smem:$0x3FAD] =	sst s0;
	s0 =	simm.s32 @!p2 $0x0  }
0x16: {  	s3 =	sld [smem:$0x3FDB];
	s0 =	simm.s32 @p2 $0x1  }
0x17: {  	s4 =	simm.s32 $0x1BF5;
	[smem:$0x3FAF] =	sst s0  }
0x18: {  	s0 =	sld [smem:$0x3F92];
	_ =	swait.ge [sflag:s4], $0x0  }
0x19: {  	s7 =	sld [smem:$0x3F93]  }
0x1a: {  	s8 =	sadd.s32 $0xFFFFE003, lr  }
0x1b: {  	s9 =	sadd.s32 $0xFFFFFEF7, lr;
	s5 =	simm.s32 $0xFFFFFFFF;
	p2 =	slt.u32 s8, $0xFFFFF086  }
0x1c: {  	p1 =	slt.u32 s9, $0xF7A;
	s5 =	simm.s32 @!p2 $0x0  }
0x1d: {  	s5 =	simm.s32 @p1 $0x1;
	p0 =	seq.s32 s7, s2  }
0x1e: {  	s7 =	smul.u32 @!p0 $0xF7A, s2;
	p2 =	seq.s32 @!p0 s5, $0x0  }
0x1f: {  	s9 =	smul.u32 $0xF7A, s1;
	s8 =	simm.s32 @!p0 $0x1BF5;
	p2 =	por !p2, p0  }
0x20: {  	[sflag:s8] =	ssyncset.s32 @!p0 $0xFFFFF086;
	s6 =	sadd.s32 @!p0 s3, s7;
	s7 =	simm.s32 @!p0 $0x108  }
0x21: {  	s3 =	sadd.s32 s3, s9;
	s6 =	sadd.s32 @!p0 $0x88, s6;
	s7 =	simm.s32 @p2 $0x1082  }
0x22: {  	[simem:s7], [sflag:s8] =	dma.local @!p0 [hbm:s6], $0xF7A  }
0x23: {  	s9 =	sor.u32 $0xD0000000, s2;
	s6 =	simm.s32 $0x108;
	_ =	swait.ge @!p0 [sflag:s8], $0x0  }
0x24: {  	s3 =	sadd.s32 $0x88, s3;
	s6 =	simm.s32 @!p1 $0x1082;
	[sflag:s4] =	ssyncset.s32 $0xFFFFF086  }
0x25: {  	[simem:s6], [sflag:s4] =	dma.local [hbm:s3], $0xF7A  }
0x26: {  	[smem:$0x3F93] =	sst s1;
	(tag) =	ssettag s2;
	_ =	strace s9  }
0x27: {  	s1 =	sld [smem:$0x3FA3]  }
0x28: {  	s2 =	sld [smem:$0x3FA4]  }
0x29: {  	s4 =	sld [smem:$0x3FA6]  }
0x2a: {  	p0 =	seq.s32 s5, $0x0;
	s5 =	sld [smem:$0x3FA7]  }
0x2b: {  	s6 =	sld [smem:$0x3FA8]  }
0x2c: {  	s7 =	sld [smem:$0x3FA9]  }
0x2d: {  	s3 =	simm.s32 $0x108;
	s8 =	sld [smem:$0x3FAA]  }
0x2e: {  	s3 =	simm.s32 @!p0 $0x1082;
	s9 =	sld [smem:$0x3FAB]  }
0x2f: {  	lr =	sadd.s32 s0, s3;
	s0 =	sld [smem:$0x3FA2]  }
0x30: {  	s3 =	sld [smem:$0x3FA5]  }
0x31: {  	[smem:$0x3FAE] =	sst s10  }
0x32: {  	s10 =	sld [smem:$0x3FAC];
	_ =	sdelay $0x3  }
0x33: {  	p0 =	seq.s32 s10, $0x1;
	s10 =	sld [smem:$0x3FAE];
	_ =	sdelay $0x3  }
0x34: {  	[smem:$0x3FAE] =	sst s10  }
0x35: {  	s10 =	sld [smem:$0x3FAD];
	_ =	sdelay $0x3  }
0x36: {  	p1 =	seq.s32 s10, $0x1;
	s10 =	sld [smem:$0x3FAE];
	_ =	sdelay $0x3  }
0x37: {  	[smem:$0x3FAE] =	sst s10  }
0x38: {  	s10 =	sld [smem:$0x3FAF]  }
0x39: {  	_ = 	snop;
	(pc) =	sbr.ind lr, $3  }
0x3a: {  	_ = 	snop  }
0x3b: {  	_ = 	snop  }
0x3c: {  	p2 =	seq.s32 s10, $0x1;
	s10 =	sld [smem:$0x3FAE]  }
0x3d: {  	_ =	shalt  }
0x3e: {  	_ =	shalt  }
0x3f: {  	_ =	shalt  }
0x40: {  	_ =	shalt  }
0x41: {  	_ =	shalt  }
0x42: {  	_ =	shalt  }
0x43: {  	_ =	shalt  }
0x44: {  	_ =	shalt  }
0x45: {  	_ =	shalt  }
0x46: {  	_ =	shalt  }
0x47: {  	_ =	shalt  }
0x48: {  	_ =	shalt  }
0x49: {  	_ =	shalt  }
0x4a: {  	_ =	shalt  }
0x4b: {  	_ =	shalt  }
0x4c: {  	_ =	shalt  }
0x4d: {  	_ =	shalt  }
0x4e: {  	_ =	shalt  }
0x4f: {  	_ =	shalt  }
0x50: {  	_ =	shalt  }
0x51: {  	_ =	shalt  }
0x52: {  	_ =	shalt  }
0x53: {  	_ =	shalt  }
0x54: {  	_ =	shalt  }
0x55: {  	_ =	shalt  }
0x56: {  	_ =	shalt  }
0x57: {  	_ =	shalt  }
0x58: {  	_ =	shalt  }
0x59: {  	_ =	shalt  }
0x5a: {  	_ =	shalt  }
0x5b: {  	_ =	shalt  }
0x5c: {  	_ =	shalt  }
0x5d: {  	_ =	shalt  }
0x5e: {  	_ =	shalt  }
0x5f: {  	_ =	shalt  }
0x60: {  	_ =	shalt  }
0x61: {  	_ =	shalt  }
0x62: {  	_ =	shalt  }
0x63: {  	_ =	shalt  }
0x64: {  	_ =	shalt  }
0x65: {  	_ =	shalt  }
0x66: {  	_ =	shalt  }
0x67: {  	_ =	shalt  }
0x68: {  	_ =	shalt  }
0x69: {  	_ =	shalt  }
0x6a: {  	_ =	shalt  }
0x6b: {  	_ =	shalt  }
0x6c: {  	_ =	shalt  }
0x6d: {  	_ =	shalt  }
0x6e: {  	_ =	shalt  }
0x6f: {  	_ =	shalt  }
0x70: {  	_ =	shalt  }
0x71: {  	_ =	shalt  }
0x72: {  	_ =	shalt  }
0x73: {  	_ =	shalt  }
0x74: {  	_ =	shalt  }
0x75: {  	_ =	shalt  }
0x76: {  	_ =	shalt  }
0x77: {  	_ =	shalt  }
0x78: {  	_ =	shalt  }
0x79: {  	_ =	shalt  }
0x7a: {  	_ =	shalt  }
0x7b: {  	_ =	shalt  }
0x7c: {  	_ =	shalt  }
0x7d: {  	_ =	shalt  }
0x7e: {  	_ =	shalt  }
0x7f: {  	_ =	shalt  }
0x80: {  	_ =	shalt  }
0x81: {  	_ =	shalt  }
0x82: {  	_ =	shalt  }
0x83: {  	_ =	shalt  }
0x84: {  	_ =	shalt  }
0x85: {  	_ =	shalt  }
0x86: {  	_ =	shalt  }
0x87: {  	_ =	shalt  }
.Lfunc_end0:
.L_simem_size_0:
called_computation.3_lowered:
.L_overlay_start_0:
0x88: {  	s2 =	sld [smem:$0x3FD9]  }
0x89: {  	s3 =	sld [smem:$0x3FFE];
	_ =	sdelay $0x1  }
0x8a: {  	s1 =	srdreg.scid  }
0x8b: {  	s0 =	sand.u32 $0x1, s1  }
0x8c: {  	s16 =	sshll.u32 s0, $0xA;
	s2 =	sadd.s32 s3, s2  }
0x8d: {  	s2 =	sadd.s32 s2, s16  }
0x8e: {  	[smem:$0x3FBA] =	sst s2  }
0x8f: {  	_ = 	snop  }
0x90: {  	(tm) =	ssettm $0x1  }
0x91: {  	s17 =	sld [smem:$0x3FFB];
	_ =	sdelay $0x3  }
0x92: {  	_ =	strace s17  }
0x93: {  	s2 =	sld [smem:$0x3FFC];
	_ =	sdelay $0x3  }
0x94: {  	_ =	strace s2  }
0x95: {  	s2 =	sld [smem:$0x3FFD];
	_ =	sdelay $0x3  }
0x96: {  	_ =	strace s2  }
0x97: {  	_ =	strace $0x8FFFFFFF  }
0x98: {  	s18 =	sld [smem:$0x3FDB];
	_ =	sdelay $0x1  }
0x99: {  	s19 =	simm.s32 $_scs_section_size  }
0x9a: {  	s4 =	simm.s32 $_size__tile_overlayer_lowered;
	s5 =	simm.s32 $_tile_overlayer_lowered  }
0x9b: {  	s22 =	simm.s32 $0x1BFF;
	s21 =	sshll.u32 s5, $0x1;
	s2 =	sadd.s32 s19, s18  }
0x9c: {  	s6 =	simm.s32 $0x0;
	s20 =	sshll.u32 s4, $0x1;
	s4 =	sadd.s32 s21, s2  }
0x9d: {  	[timem:s6], [sflag:s22] =	dma.local [hbm:s4], s20  }
0x9e: {  	_ =	swait.ge [sflag:s22], s20  }
0x9f: {  	s3 =	ssub.s32 $0x0, s20;
	[sflag:s22] =	ssyncset.done $0x0  }
0xa0: {  	[sflag:s22] =	ssyncadd.s32 s3;
	_ =	sdelay $0x1  }
0xa1: {  	s23 =	simm.s32 $0x1B8B  }
0xa2: {  	_ =	swait.ge [sflag:s23], $0x1  }
0xa3: {  	[sflag:s23] =	ssyncset.done $0x0  }
0xa4: {  	s25 =	simm.s32 $0x1B8E;
	s24 =	sld [smem:$0x3FFE];
	[sflag:s23] =	ssyncadd.s32 $0xFFFFFFFF  }
0xa5: {  	s26 =	simm.s32 $execute0_lowered;
	[smem:$0x3FD2] =	sst s25  }
0xa6: {  	s4 =	sshll.u32 s26, $0x1;
	_ =	strace $0x8000004F;
	[dreg:$0x1] =	wrdreg $0xFFFFFFFF  }
0xa7: {  	s28 =	simm.s32 $_size_execute0_lowered;
	s2 =	sadd.s32 s2, s4;
	[dreg:$0x0] =	wrdreg $0x0  }
0xa8: {  	s4 =	sshll.u32 s28, $0x1;
	[dreg:$0x2] =	wrdreg s2  }
0xa9: {  	[dreg:$0x3] =	wrdreg s4  }
0xaa: {  	[dreg:$0x4] =	wrdreg $0xC0  }
0xab: {  	_ =	task [dreg:s6], $0x5FFFF  }
0xac: {  	[dreg:$0x1] =	wrdreg $0xFFFFFFFF  }
0xad: {  	[dreg:$0x0] =	wrdreg $0x60  }
0xae: {  	[dreg:$0x2] =	wrdreg s24  }
0xaf: {  	[dreg:$0x3] =	wrdreg $0x9  }
0xb0: {  	_ =	task.clear_ibuf [dreg:s6], $0x4FFFF;
	_ =	strace $0x9000004F  }
0xb1: {  	s29 =	simm.s32 $0x9;
	_ =	strace $0x80000051  }
0xb2: {  	_ =	swait.ge [sflag:s29], $0x1  }
0xb3: {  	[sflag:s29] =	ssyncadd.s32 $0xFFFFFFFF  }
0xb4: {  	_ =	strace $0x90000051  }
0xb5: {  	_ =	sfence  }
0xb6: {  	s30 =	sld [smem:$0x0];
	_ =	sdelay $0x2  }
0xb7: {  	s31 =	sshll.u32 s1, $0xD;
	s1 =	sshrl.u32 s1, $0x2  }
0xb8: {  	s3 =	sand.u32 $0x4000, s31;
	s1 =	sadd.s32 s1, s30  }
0xb9: {  	s0 =	sor.u32 s3, s0;
	s1 =	sshll.u32 s1, $0x11  }
0xba: {  	s0 =	sor.u32 s1, s0  }
0xbb: {  	s0 =	sadd.s32 $0x8F2B, s0  }
0xbc: {  	[sflag:s0] =	ssyncadd.remote.s32 $0x1  }
0xbd: {  	_ =	sfence.sel $0xFFFF  }
0xbe: {  	[dreg:$0x0] =	wrdreg $0xFFFFFFFF;
	(pc) =	sbr.abs _section_cstart, $3  }
0xbf: {  	[dreg:$0x1] =	wrdreg $0xFFFFFFFF  }
0xc0: {  	_ =	task.clear_ibuf [dreg:s6], $0x2FFFF;
	_ =	strace $0x9FFFFFFF  }
0xc1: {  	(tm) =	ssettm $0x7FFFFFFF  }
tec
execute0_lowered:
.L_overlay_start_1:
0x0: {  	(tag) =	ssettag $0x1  }
0x1: {  	s0 =	rddreg [dreg:$0x0];
	s1 =	simm.s32 $0x0  }
0x2: {  	s2 =	srdreg.scid;
	s10 =	stileid.u32;
	s31 =	simm.s32 $0x80  }
0x3: {  	s30 =	simm.s32 $0x9;
	[smem:$0x7FF] =	sst s1;
	s2 =	sand.u32 $0x1, s2  }
0x4: {  	s11 =	sadd.s32 $0x1D5800, s0;
	s12 =	sadd.s32 $0x5400, s0;
	s5 =	sadd.s32 $0xE1200, s0  }
0x5: {  	s6 =	sadd.s32 $0x142E00, s0;
	s13 =	sadd.s32 $0x80E000, s0;
	s9 =	smul.u32 $0x188000, s10  }
0x6: {  	s14 =	sadd.s32 $0x1EE000, s0;
	_ =	strace $0x80000050;
	s21 =	smul.u32 $0x1880000, s2  }
0x7: {  	s3 =	sshll.u32 s2, $0x4;
	[dreg:$0x2] =	wrdreg s11;
	s26 =	smul.u32 $0x62000, s2  }
0x8: {  	s4 =	ssub.s32 $0x2, s2;
	[dreg:$0x3] =	wrdreg s12;
	s15 =	smul.u32 $0x310000, s2  }
0x9: {  	[dreg:$0x4] =	wrdreg s13;
	s3 =	sor.u32 s10, s3;
	s8 =	sshrl.u32 s4, $0x1  }
0xa: {  	s7 =	smul.u32 $0x6200, s3;
	s16 =	ssub.s32 s4, s8;
	s24 =	sadd.s32 s9, s21  }
0xb: {  	[dreg:$0x5] =	wrdreg s14;
	s0 =	smax.u32 s16, $0x1;
	s16 =	sshrl.u32 s24, $0x3  }
0xc: {  	s17 =	sshrl.u32 s7, $0x3;
	[dreg:$0xe] =	wrdreg s0;
	s2 =	sadd.s32 s16, s13  }
0xd: {  	s25 =	sor.u32 $0x4000, s24;
	s7 =	sadd.s32 s11, s17;
	[dreg:$0x12] =	wrdreg s2  }
0xe: {  	s9 =	sshrl.u32 s25, $0x3;
	s19 =	sadd.s32 s12, s17;
	[dreg:$0x6] =	wrdreg s7  }
0xf: {  	s18 =	sor.u32 $0x10, s17;
	s0 =	sadd.s32 s9, s13;
	[dreg:$0x7] =	wrdreg s19  }
0x10: {  	s3 =	smul.u32 $0x188000, s3;
	s20 =	sadd.s32 s11, s18;
	[dreg:$0x10] =	wrdreg s0  }
0x11: {  	s4 =	sor.u32 $0x20, s17;
	s7 =	sadd.s32 s12, s18;
	[dreg:$0x8] =	wrdreg s20  }
0x12: {  	s3 =	sshrl.u32 s3, $0x3;
	s22 =	sadd.s32 s11, s4;
	[dreg:$0x9] =	wrdreg s7  }
0x13: {  	s3 =	sadd.s32 $0x30C00, s3;
	s4 =	sadd.s32 s12, s4;
	[dreg:$0xa] =	wrdreg s22  }
0x14: {  	s29 =	simm.s32 $0x14;
	s23 =	sadd.s32 s13, s3;
	[dreg:$0xb] =	wrdreg s4  }
0x15: {  	s17 =	smul.u32 $0x31000, s10;
	s3 =	sadd.s32 s14, s3;
	[dreg:$0xc] =	wrdreg s23  }
0x16: {  	s11 =	smul.u32 $0x6200, s10;
	s12 =	sadd.s32 s9, s14;
	[dreg:$0xd] =	wrdreg s3  }
0x17: {  	s18 =	sadd.s32 s16, s14;
	s10 =	simm.s32 $0x1;
	[dreg:$0xf] =	wrdreg s12  }
0x18: {  	[dreg:$0x11] =	wrdreg s18;
	s0 =	sadd.s32 s17, s15;
	s17 =	simm.s32 $0x100  }
0x19: {  	s15 =	simm.s32 $0x2;
	s4 =	simm.s32 $0xA;
	s18 =	simm.s32 $0x4  }
0x1a: {  	s7 =	simm.s32 $0x0;
	s3 =	sadd.s32 s11, s26;
	s0 =	sadd.s32 $0x1FFFFC00, s0  }
0x1b: {  	s19 =	sadd.s32 $0x300, s3;
	s20 =	sadd.s32 $0x280, s3;
	s21 =	sshll.u32 s3, $0x3  }
0x1c: {  	s26 =	sor.u32 $0x180, s3;
	s3 =	sadd.s32 $0x200, s3;
	[dreg:$0x16] =	wrdreg s0  }
0x1d: {  	s0 =	simm.s32 $0x3;
	s22 =	sshrl.u32 s19, $0x3;
	s23 =	sshrl.u32 s20, $0x3  }
.Ltmp0:
0x1e: {  	s24 =	sor.u32 $0x400, s21;
	[dreg:$0x15] =	wrdreg s3;
	(pc) =	sbr.rel .LBB2_1-.Ltmp0, $4  }
0x1f: {  	s28 =	sshrl.u32 s26, $0x3;
	s26 =	simm.s32 $0x5;
	s3 =	simm.s32 $0x6  }
0x20: {  	s19 =	simm.s32 $0x7;
	s20 =	simm.s32 $0xB;
	s25 =	sadd.s32 s24, s13  }
0x21: {  	s21 =	simm.s32 $0xF;
	s2 =	sadd.s32 s24, s14;
	[dreg:$0x13] =	wrdreg s25  }
0x22: {  	s24 =	simm.s32 $0x13;
	[dreg:$0x14] =	wrdreg s2;
	s25 =	simm.s32 $0x10  }
.LBB2_4:
0x23: {  	s2 =	simm.s32 $0x8  }
0x24: {  	_ =	swait.ge [sflag:s2], $0x2000  }
0x25: {  	[sflag:s2] =	ssyncset.done $0x0  }
0x26: {  	s14 =	simm.s32 $0xC;
	[sflag:s2] =	ssyncadd.s32 $0xFFFFE000  }
0x27: {  	_ =	swait.ge [sflag:s14], $0x2000  }
0x28: {  	[sflag:s14] =	ssyncset.done $0x0  }
0x29: {  	s7 =	simm.s32 $0x6400;
	s16 =	rddreg [dreg:$0xc];
	[sflag:s14] =	ssyncadd.s32 $0xFFFFE000  }
0x2a: {  	[hbm4b:s16+s1] =	stream.linear.scatter [tilespmem:s7], [sflag:$0x10], $0x2000, $0x38;
	[tilespmem:$0x10400] =	vst v63  }
0x2b: {  	s8 =	simm.s32 $0xE400;
	s9 =	simm.s32 $0xD;
	s7 =	rddreg [dreg:$0xd]  }
0x2c: {  	[hbm4b:s7+s1] =	stream.linear.scatter [tilespmem:s8], [sflag:$0x14], $0x2000, $0x38;
	[tilespmem:$0x10400] =	vst v63  }
0x2d: {  	_ =	swait.ge [sflag:s9], $0x2000  }
0x2e: {  	[sflag:s9] =	ssyncset.done $0x0  }
0x2f: {  	s11 =	simm.s32 $0x11;
	[sflag:s9] =	ssyncadd.s32 $0xFFFFE000  }
0x30: {  	_ =	swait.ge [sflag:s11], $0x2000  }
0x31: {  	[sflag:s11] =	ssyncset.done $0x0  }
0x32: {  	s12 =	simm.s32 $0xE;
	[sflag:s11] =	ssyncadd.s32 $0xFFFFE000  }
0x33: {  	_ =	swait.ge [sflag:s12], $0x2000  }
0x34: {  	[sflag:s12] =	ssyncset.done $0x0  }
0x35: {  	s13 =	simm.s32 $0x12;
	[sflag:s12] =	ssyncadd.s32 $0xFFFFE000  }
0x36: {  	_ =	swait.ge [sflag:s13], $0x2000  }
0x37: {  	[sflag:s13] =	ssyncset.done $0x0  }
0x38: {  	[sflag:s13] =	ssyncadd.s32 $0xFFFFE000  }
0x39: {  	_ =	swait.ge [sflag:s21], $0x2000  }
0x3a: {  	[sflag:s21] =	ssyncset.done $0x0  }
0x3b: {  	[sflag:s21] =	ssyncadd.s32 $0xFFFFE000  }
0x3c: {  	_ =	swait.ge [sflag:s24], $0x2000  }
0x3d: {  	[sflag:s24] =	ssyncset.done $0x0  }
0x3e: {  	[sflag:s24] =	ssyncadd.s32 $0xFFFFE000  }
0x3f: {  	_ =	swait.ge [sflag:s25], $0x2000  }
0x40: {  	[sflag:s25] =	ssyncset.done $0x0  }
0x41: {  	[sflag:s25] =	ssyncadd.s32 $0xFFFFE000  }
0x42: {  	_ =	swait.ge [sflag:s29], $0x2000  }
0x43: {  	s14 =	rddreg [dreg:$0x17]  }
0x44: {  	s16 =	rddreg [dreg:$0xe];
	s7 =	sadd.s32 $0x1, s14  }
0x45: {  	p0 =	sne.s32 s7, s16  }
.Ltmp1:
0x46: {  	_ = 	snop;
	(pc) =	sbr.rel @!p0 .LBB2_5-.Ltmp1, $3  }
0x47: {  	_ =	sdelay $0x1  }
0x48: {  	[sflag:s29] =	ssyncset.done $0x0  }
0x49: {  	[sflag:s29] =	ssyncadd.s32 $0xFFFFE000  }
.LBB2_1:
0x4a: {  	[dreg:$0x17] =	wrdreg s7  }
0x4b: {  	s2 =	rddreg [dreg:$0x6]  }
0x4c: {  	s8 =	rddreg [dreg:$0x7]  }
0x4d: {  	s11 =	rddreg [dreg:$0x8]  }
0x4e: {  	s12 =	rddreg [dreg:$0x9]  }
0x4f: {  	[tilespmem:s1], [sflag:$0x1] =	stream.linear.gather [hbm4b:s2+s1], $0x80, $0x38;
	[tilespmem:$0x10400] =	vst v63  }
0x50: {  	s9 =	simm.s32 $0x200;
	s14 =	rddreg [dreg:$0xa]  }
0x51: {  	[tilespmem:s9], [sflag:$0x1] =	stream.linear.gather [hbm4b:s8+s1], $0x80, $0x38;
	[tilespmem:$0x10400] =	vst v63  }
0x52: {  	s16 =	rddreg [dreg:$0xb]  }
0x53: {  	[tilespmem:s31], [sflag:$0x2] =	stream.linear.gather [hbm4b:s11+s1], $0x80, $0x38;
	[tilespmem:$0x10400] =	vst v63  }
0x54: {  	s13 =	simm.s32 $0x280;
	s2 =	rddreg [dreg:$0x15]  }
0x55: {  	[tilespmem:s13], [sflag:$0x2] =	stream.linear.gather [hbm4b:s12+s1], $0x80, $0x38;
	[tilespmem:$0x10400] =	vst v63  }
0x56: {  	s9 =	rddreg [dreg:$0x2]  }
0x57: {  	[tilespmem:s17], [sflag:$0x3] =	stream.linear.gather [hbm4b:s14+s1], $0x80, $0x38;
	[tilespmem:$0x10400] =	vst v63  }
0x58: {  	s11 =	rddreg [dreg:$0x3];
	s12 =	simm.s32 $0x0;
	s17 =	simm.s32 $0x300  }
0x59: {  	[tilespmem:s17], [sflag:$0x3] =	stream.linear.gather [hbm4b:s16+s1], $0x80, $0x38;
	[tilespmem:$0x10400] =	vst v63  }
.LBB2_2:
0x5a: {  	p0 =	seq.s32 s12, $0x0  }
0x5b: {  	s13 =	simm.s32 @!p0 $0xD  }
0x5c: {  	_ =	swait.ge @!p0 [sflag:s13], $0x2000  }
0x5d: {  	[sflag:s13] =	ssyncset.done @!p0 $0x0  }
0x5e: {  	[sflag:s13] =	ssyncadd.s32 @!p0 $0xFFFFE000;
	s13 =	simm.s32 @!p0 $0x11  }
0x5f: {  	_ =	swait.ge @!p0 [sflag:s13], $0x2000  }
0x60: {  	[sflag:s13] =	ssyncset.done @!p0 $0x0  }
0x61: {  	[sflag:s13] =	ssyncadd.s32 @!p0 $0xFFFFE000  }
0x62: {  	_ =	swait.ge [sflag:s10], $0x80  }
0x63: {  	[sflag:s10] =	ssyncset.done $0x0  }
0x64: {  	[sflag:s10] =	ssyncadd.s32 $0xFFFFFF80  }
0x65: {  	_ =	swait.ge [sflag:s10], $0x80  }
0x66: {  	[sflag:s10] =	ssyncset.done $0x0  }
0x67: {  	[sflag:s10] =	ssyncadd.s32 $0xFFFFFF80  }
0x68: {  	v0 =	vld [tilespmem:$0x200]  }
0x69: {  	v1 =	vld [tilespmem:$0x210]  }
0x6a: {  	v2 =	vld [tilespmem:$0x220]  }
0x6b: {  	v3 =	vld [tilespmem:$0x230]  }
0x6c: {  	v4 =	vld [tilespmem:$0x240]  }
0x6d: {  	v5 =	vld [tilespmem:$0x250];
	vm0 =	vlt.s32 v0, $0xC34F  }
0x6e: {  	v6 =	vld [tilespmem:$0x260];
	vm9 =	vlt.s32 v1, $0xC34F;
	v0 =	vnsel vm0, $0xC34F, v0  }
0x6f: {  	v12 =	vld [tilespmem:$0x270];
	vm10 =	vlt.s32 v2, $0xC34F;
	v11 =	vnsel vm9, $0xC34F, v1;
	[tilespmem:$0x200] =	vst v0  }
0x70: {  	vm11 =	vlt.s32 v3, $0xC34F;
	v13 =	vnsel vm10, $0xC34F, v2;
	[tilespmem:$0x210] =	vst v11  }
0x71: {  	vm12 =	vlt.s32 v4, $0xC34F;
	v14 =	vnsel vm11, $0xC34F, v3;
	[tilespmem:$0x220] =	vst v13  }
0x72: {  	vm13 =	vlt.s32 v5, $0xC34F;
	v15 =	vnsel vm12, $0xC34F, v4;
	[tilespmem:$0x230] =	vst v14  }
0x73: {  	vm14 =	vlt.s32 v6, $0xC34F;
	v16 =	vnsel vm13, $0xC34F, v5;
	[tilespmem:$0x240] =	vst v15  }
0x74: {  	vm15 =	vlt.s32 v12, $0xC34F;
	v17 =	vnsel vm14, $0xC34F, v6;
	[tilespmem:$0x250] =	vst v16  }
0x75: {  	v18 =	vnsel vm15, $0xC34F, v12;
	[tilespmem:$0x260] =	vst v17  }
0x76: {  	s7 =	simm.s32 $0x400;
	[tilespmem:$0x270] =	vst v18  }
0x77: {  	[tilespmem:s7], [sflag:$0x5] =	stream.indirect.gather [hbm4b:s5+s31], $0x40, s1, s31, $0xb8;
	[tilespmem:$0x10400] =	vst v63  }
0x78: {  	s14 =	simm.s32 $0x200;
	s8 =	simm.s32 $0x8400;
	s13 =	simm.s32 @!p0 $0x8  }
0x79: {  	[tilespmem:s8], [sflag:$0x9] =	stream.indirect.gather [hbm4b:s6+s31], $0x40, s14, s31, $0xb8;
	[tilespmem:$0x10400] =	vst v63  }
0x7a: {  	_ =	swait.ge @!p0 [sflag:s13], $0x2000  }
0x7b: {  	[sflag:s13] =	ssyncset.done @!p0 $0x0  }
0x7c: {  	[sflag:s13] =	ssyncadd.s32 @!p0 $0xFFFFE000;
	s13 =	simm.s32 @!p0 $0xC  }
0x7d: {  	_ =	swait.ge @!p0 [sflag:s13], $0x2000  }
0x7e: {  	s14 =	rddreg [dreg:$0x16]  }
0x7f: {  	[sflag:s13] =	ssyncset.done @!p0 $0x0;
	s14 =	sadd.s32 @!p0 s12, s14  }
0x80: {  	[sflag:s13] =	ssyncadd.s32 @!p0 $0xFFFFE000;
	s13 =	sand.u32 @!p0 $0x1FFFFC00, s14;
	s14 =	rddreg [dreg:$0x4]  }
0x81: {  	s16 =	simm.s32 @!p0 $0x0;
	s17 =	simm.s32 @!p0 $0x6400;
	s14 =	sadd.s32 @!p0 s14, s13  }
0x82: {  	[hbm4b:s14+s16] =	stream.linear.scatter @!p0 [tilespmem:s17], [sflag:$0x10], $0x2000, $0x38;
	[tilespmem:$0x10400] =	vst v63  }
0x83: {  	s14 =	rddreg [dreg:$0x5]  }
0x84: {  	s13 =	sadd.s32 @!p0 s14, s13;
	s14 =	simm.s32 @!p0 $0xE400  }
0x85: {  	[hbm4b:s13+s16] =	stream.linear.scatter @!p0 [tilespmem:s14], [sflag:$0x14], $0x2000, $0x38;
	[tilespmem:$0x10400] =	vst v63  }
0x86: {  	s17 =	simm.s32 $0x180;
	s16 =	sadd.s32 s9, s28  }
0x87: {  	[tilespmem:s17], [sflag:$0x4] =	stream.linear.gather [hbm4b:s16+s1], $0x80, $0x38;
	[tilespmem:$0x10400] =	vst v63  }
0x88: {  	s13 =	simm.s32 @!p0 $0xE;
	s16 =	sadd.s32 s11, s28;
	s17 =	simm.s32 $0x380  }
0x89: {  	[tilespmem:s17], [sflag:$0x4] =	stream.linear.gather [hbm4b:s16+s1], $0x80, $0x38;
	[tilespmem:$0x10400] =	vst v63  }
0x8a: {  	_ =	swait.ge @!p0 [sflag:s13], $0x2000  }
0x8b: {  	[sflag:s13] =	ssyncset.done @!p0 $0x0  }
0x8c: {  	[sflag:s13] =	ssyncadd.s32 @!p0 $0xFFFFE000;
	s13 =	simm.s32 @!p0 $0x12  }
0x8d: {  	_ =	swait.ge @!p0 [sflag:s13], $0x2000  }
0x8e: {  	[sflag:s13] =	ssyncset.done @!p0 $0x0  }
0x8f: {  	[sflag:s13] =	ssyncadd.s32 @!p0 $0xFFFFE000  }
0x90: {  	_ =	swait.ge [sflag:s15], $0x80  }
0x91: {  	[sflag:s15] =	ssyncset.done $0x0  }
0x92: {  	[sflag:s15] =	ssyncadd.s32 $0xFFFFFF80  }
0x93: {  	_ =	swait.ge [sflag:s15], $0x80  }
0x94: {  	[sflag:s15] =	ssyncset.done $0x0  }
0x95: {  	[sflag:s15] =	ssyncadd.s32 $0xFFFFFF80  }
0x96: {  	v19 =	vld [tilespmem:$0x280]  }
0x97: {  	v20 =	vld [tilespmem:$0x290]  }
0x98: {  	v21 =	vld [tilespmem:$0x2A0]  }
0x99: {  	v22 =	vld [tilespmem:$0x2B0]  }
0x9a: {  	v23 =	vld [tilespmem:$0x2C0]  }
0x9b: {  	v24 =	vld [tilespmem:$0x2D0];
	vm4 =	vlt.s32 v19, $0xC34F  }
0x9c: {  	v25 =	vld [tilespmem:$0x2E0];
	vm5 =	vlt.s32 v20, $0xC34F;
	v0 =	vnsel vm4, $0xC34F, v19  }
0x9d: {  	v27 =	vld [tilespmem:$0x2F0];
	vm6 =	vlt.s32 v21, $0xC34F;
	v26 =	vnsel vm5, $0xC34F, v20;
	[tilespmem:$0x280] =	vst v0  }
0x9e: {  	vm7 =	vlt.s32 v22, $0xC34F;
	v28 =	vnsel vm6, $0xC34F, v21;
	[tilespmem:$0x290] =	vst v26  }
0x9f: {  	vm8 =	vlt.s32 v23, $0xC34F;
	v29 =	vnsel vm7, $0xC34F, v22;
	[tilespmem:$0x2A0] =	vst v28  }
0xa0: {  	vm9 =	vlt.s32 v24, $0xC34F;
	v30 =	vnsel vm8, $0xC34F, v23;
	[tilespmem:$0x2B0] =	vst v29  }
0xa1: {  	vm10 =	vlt.s32 v25, $0xC34F;
	v31 =	vnsel vm9, $0xC34F, v24;
	[tilespmem:$0x2C0] =	vst v30  }
0xa2: {  	vm11 =	vlt.s32 v27, $0xC34F;
	v32 =	vnsel vm10, $0xC34F, v25;
	[tilespmem:$0x2D0] =	vst v31  }
0xa3: {  	v33 =	vnsel vm11, $0xC34F, v27;
	[tilespmem:$0x2E0] =	vst v32  }
0xa4: {  	s14 =	simm.s32 $0x2400;
	[tilespmem:$0x2F0] =	vst v33  }
0xa5: {  	[tilespmem:s14], [sflag:$0x6] =	stream.indirect.gather [hbm4b:s5+s31], $0x40, s31, s31, $0xb8;
	[tilespmem:$0x10400] =	vst v63  }
0xa6: {  	s16 =	simm.s32 $0x280;
	s17 =	simm.s32 $0xA400  }
0xa7: {  	[tilespmem:s17], [sflag:$0xA] =	stream.indirect.gather [hbm4b:s6+s31], $0x40, s16, s31, $0xb8;
	[tilespmem:$0x10400] =	vst v63  }
0xa8: {  	_ =	swait.ge [sflag:s26], $0x2000  }
0xa9: {  	[sflag:s26] =	ssyncset.done $0x0  }
0xaa: {  	[sflag:s26] =	ssyncadd.s32 $0xFFFFE000  }
0xab: {  	_ =	swait.ge [sflag:s30], $0x2000  }
0xac: {  	[sflag:s30] =	ssyncset.done $0x0;
	s16 =	rddreg [dreg:$0x12]  }
0xad: {  	s17 =	rddreg [dreg:$0x11];
	[sflag:s30] =	ssyncadd.s32 $0xFFFFE000;
	s13 =	sadd.s32 s12, s16  }
0xae: {  	[hbm4b:s13+s1] =	stream.linear.scatter [tilespmem:s7], [sflag:$0xD], $0x2000, $0x38;
	[tilespmem:$0x10400] =	vst v63  }
0xaf: {  	p0 =	seq.s32 s12, $0x30000;
	s13 =	sadd.s32 s12, s17  }
0xb0: {  	[hbm4b:s13+s1] =	stream.linear.scatter [tilespmem:s8], [sflag:$0x11], $0x2000, $0x38;
	[tilespmem:$0x10400] =	vst v63  }
0xb1: {  	s14 =	sshrl.u32 @!p0 s2, $0x3;
	s13 =	rddreg [dreg:$0x2]  }
0xb2: {  	s16 =	sadd.s32 @!p0 s13, s14;
	s13 =	simm.s32 @!p0 $0x0  }
0xb3: {  	[tilespmem:s13], [sflag:$0x1] =	stream.linear.gather @!p0 [hbm4b:s16+s13], $0x80, $0x38;
	[tilespmem:$0x10400] =	vst v63  }
0xb4: {  	p1 =	seq.s32 @!p0 s12, $0x0;
	s16 =	rddreg [dreg:$0x3]  }
0xb5: {  	p1 =	por p0, !p1;
	s14 =	sadd.s32 @!p0 s16, s14;
	s16 =	simm.s32 @!p0 $0x200  }
0xb6: {  	[tilespmem:s16], [sflag:$0x1] =	stream.linear.gather @!p0 [hbm4b:s14+s13], $0x80, $0x38;
	[tilespmem:$0x10400] =	vst v63  }
0xb7: {  	_ =	swait.ge @p1 [sflag:s21], $0x2000  }
0xb8: {  	[sflag:s21] =	ssyncset.done @p1 $0x0  }
0xb9: {  	[sflag:s21] =	ssyncadd.s32 @p1 $0xFFFFE000  }
0xba: {  	_ =	swait.ge @p1 [sflag:s24], $0x2000  }
0xbb: {  	[sflag:s24] =	ssyncset.done @p1 $0x0  }
0xbc: {  	[sflag:s24] =	ssyncadd.s32 @p1 $0xFFFFE000  }
0xbd: {  	_ =	swait.ge [sflag:s0], $0x80  }
0xbe: {  	[sflag:s0] =	ssyncset.done $0x0  }
0xbf: {  	[sflag:s0] =	ssyncadd.s32 $0xFFFFFF80  }
0xc0: {  	_ =	swait.ge [sflag:s0], $0x80  }
0xc1: {  	[sflag:s0] =	ssyncset.done $0x0  }
0xc2: {  	[sflag:s0] =	ssyncadd.s32 $0xFFFFFF80  }
0xc3: {  	v34 =	vld [tilespmem:$0x300]  }
0xc4: {  	v35 =	vld [tilespmem:$0x310]  }
0xc5: {  	v36 =	vld [tilespmem:$0x320]  }
0xc6: {  	v37 =	vld [tilespmem:$0x330]  }
0xc7: {  	v38 =	vld [tilespmem:$0x340]  }
0xc8: {  	v39 =	vld [tilespmem:$0x350];
	vm12 =	vlt.s32 v34, $0xC34F  }
0xc9: {  	v40 =	vld [tilespmem:$0x360];
	vm13 =	vlt.s32 v35, $0xC34F;
	v0 =	vnsel vm12, $0xC34F, v34  }
0xca: {  	v42 =	vld [tilespmem:$0x370];
	vm14 =	vlt.s32 v36, $0xC34F;
	v41 =	vnsel vm13, $0xC34F, v35;
	[tilespmem:$0x300] =	vst v0  }
0xcb: {  	vm15 =	vlt.s32 v37, $0xC34F;
	v43 =	vnsel vm14, $0xC34F, v36;
	[tilespmem:$0x310] =	vst v41  }
0xcc: {  	vm4 =	vlt.s32 v38, $0xC34F;
	v44 =	vnsel vm15, $0xC34F, v37;
	[tilespmem:$0x320] =	vst v43  }
0xcd: {  	vm5 =	vlt.s32 v39, $0xC34F;
	v45 =	vnsel vm4, $0xC34F, v38;
	[tilespmem:$0x330] =	vst v44  }
0xce: {  	vm6 =	vlt.s32 v40, $0xC34F;
	v46 =	vnsel vm5, $0xC34F, v39;
	[tilespmem:$0x340] =	vst v45  }
0xcf: {  	vm7 =	vlt.s32 v42, $0xC34F;
	v47 =	vnsel vm6, $0xC34F, v40;
	[tilespmem:$0x350] =	vst v46  }
0xd0: {  	v48 =	vnsel vm7, $0xC34F, v42;
	[tilespmem:$0x360] =	vst v47  }
0xd1: {  	s17 =	simm.s32 $0x100;
	s8 =	simm.s32 $0x4400;
	[tilespmem:$0x370] =	vst v48  }
0xd2: {  	[tilespmem:s8], [sflag:$0x7] =	stream.indirect.gather [hbm4b:s5+s31], $0x40, s17, s31, $0xb8;
	[tilespmem:$0x10400] =	vst v63  }
0xd3: {  	s7 =	simm.s32 $0x300;
	s16 =	simm.s32 $0xC400  }
0xd4: {  	[tilespmem:s16], [sflag:$0xB] =	stream.indirect.gather [hbm4b:s6+s31], $0x40, s7, s31, $0xb8;
	[tilespmem:$0x10400] =	vst v63  }
0xd5: {  	_ =	swait.ge [sflag:s3], $0x2000  }
0xd6: {  	[sflag:s3] =	ssyncset.done $0x0  }
0xd7: {  	[sflag:s3] =	ssyncadd.s32 $0xFFFFE000  }
0xd8: {  	_ =	swait.ge [sflag:s4], $0x2000  }
0xd9: {  	s16 =	simm.s32 $0x2400;
	[sflag:s4] =	ssyncset.done $0x0;
	s7 =	rddreg [dreg:$0x13]  }
0xda: {  	[sflag:s4] =	ssyncadd.s32 $0xFFFFE000;
	s14 =	sadd.s32 s12, s7;
	s7 =	rddreg [dreg:$0x14]  }
0xdb: {  	[hbm4b:s14+s1] =	stream.linear.scatter [tilespmem:s16], [sflag:$0xE], $0x2000, $0x38;
	[tilespmem:$0x10400] =	vst v63  }
0xdc: {  	s14 =	sadd.s32 s12, s7;
	s16 =	simm.s32 $0xA400  }
0xdd: {  	[hbm4b:s14+s1] =	stream.linear.scatter [tilespmem:s16], [sflag:$0x12], $0x2000, $0x38;
	[tilespmem:$0x10400] =	vst v63  }
0xde: {  	s14 =	sadd.s32 @!p0 s9, s23;
	s16 =	simm.s32 @!p0 $0x80  }
0xdf: {  	[tilespmem:s16], [sflag:$0x2] =	stream.linear.gather @!p0 [hbm4b:s14+s13], $0x80, $0x38;
	[tilespmem:$0x10400] =	vst v63  }
0xe0: {  	s14 =	sadd.s32 @!p0 s11, s23;
	s16 =	simm.s32 @!p0 $0x280  }
0xe1: {  	[tilespmem:s16], [sflag:$0x2] =	stream.linear.gather @!p0 [hbm4b:s14+s13], $0x80, $0x38;
	[tilespmem:$0x10400] =	vst v63  }
0xe2: {  	_ =	swait.ge @p1 [sflag:s25], $0x2000  }
0xe3: {  	[sflag:s25] =	ssyncset.done @p1 $0x0  }
0xe4: {  	[sflag:s25] =	ssyncadd.s32 @p1 $0xFFFFE000  }
0xe5: {  	_ =	swait.ge @p1 [sflag:s29], $0x2000  }
0xe6: {  	[sflag:s29] =	ssyncset.done @p1 $0x0  }
0xe7: {  	[sflag:s29] =	ssyncadd.s32 @p1 $0xFFFFE000  }
0xe8: {  	_ =	swait.ge [sflag:s18], $0x80  }
0xe9: {  	[sflag:s18] =	ssyncset.done $0x0  }
0xea: {  	[sflag:s18] =	ssyncadd.s32 $0xFFFFFF80  }
0xeb: {  	_ =	swait.ge [sflag:s18], $0x80  }
0xec: {  	[sflag:s18] =	ssyncset.done $0x0  }
0xed: {  	[sflag:s18] =	ssyncadd.s32 $0xFFFFFF80  }
0xee: {  	v49 =	vld [tilespmem:$0x380]  }
0xef: {  	v50 =	vld [tilespmem:$0x390]  }
0xf0: {  	v51 =	vld [tilespmem:$0x3A0]  }
0xf1: {  	v52 =	vld [tilespmem:$0x3B0]  }
0xf2: {  	v53 =	vld [tilespmem:$0x3C0]  }
0xf3: {  	v54 =	vld [tilespmem:$0x3D0];
	vm8 =	vlt.s32 v49, $0xC34F  }
0xf4: {  	v55 =	vld [tilespmem:$0x3E0];
	vm9 =	vlt.s32 v50, $0xC34F;
	v0 =	vnsel vm8, $0xC34F, v49  }
0xf5: {  	v57 =	vld [tilespmem:$0x3F0];
	vm10 =	vlt.s32 v51, $0xC34F;
	v56 =	vnsel vm9, $0xC34F, v50;
	[tilespmem:$0x380] =	vst v0  }
0xf6: {  	vm11 =	vlt.s32 v52, $0xC34F;
	v58 =	vnsel vm10, $0xC34F, v51;
	[tilespmem:$0x390] =	vst v56  }
0xf7: {  	vm12 =	vlt.s32 v53, $0xC34F;
	v59 =	vnsel vm11, $0xC34F, v52;
	[tilespmem:$0x3A0] =	vst v58  }
0xf8: {  	vm13 =	vlt.s32 v54, $0xC34F;
	v60 =	vnsel vm12, $0xC34F, v53;
	[tilespmem:$0x3B0] =	vst v59  }
0xf9: {  	vm14 =	vlt.s32 v55, $0xC34F;
	v61 =	vnsel vm13, $0xC34F, v54;
	[tilespmem:$0x3C0] =	vst v60  }
0xfa: {  	vm15 =	vlt.s32 v57, $0xC34F;
	v62 =	vnsel vm14, $0xC34F, v55;
	[tilespmem:$0x3D0] =	vst v61  }
0xfb: {  	v63 =	vnsel vm15, $0xC34F, v57;
	[tilespmem:$0x3E0] =	vst v62  }
0xfc: {  	s14 =	simm.s32 $0x180;
	s16 =	simm.s32 $0x6400;
	[tilespmem:$0x3F0] =	vst v63  }
0xfd: {  	[tilespmem:s16], [sflag:$0x8] =	stream.indirect.gather [hbm4b:s5+s31], $0x40, s14, s31, $0xb8;
	[tilespmem:$0x10400] =	vst v63  }
0xfe: {  	s14 =	simm.s32 $0x380;
	s16 =	simm.s32 $0xE400  }
0xff: {  	[tilespmem:s16], [sflag:$0xC] =	stream.indirect.gather [hbm4b:s6+s31], $0x40, s14, s31, $0xb8;
	[tilespmem:$0x10400] =	vst v63  }
0x100: {  	_ =	swait.ge [sflag:s19], $0x2000  }
0x101: {  	[sflag:s19] =	ssyncset.done $0x0  }
0x102: {  	[sflag:s19] =	ssyncadd.s32 $0xFFFFE000  }
0x103: {  	_ =	swait.ge [sflag:s20], $0x2000  }
.Ltmp2:
0x104: {  	[sflag:s20] =	ssyncset.done $0x0;
	s7 =	rddreg [dreg:$0x10];
	(pc) =	sbr.rel @p0 .LBB2_4-.Ltmp2, $4  }
0x105: {  	s14 =	rddreg [dreg:$0xf];
	[sflag:s20] =	ssyncadd.s32 $0xFFFFE000;
	s13 =	sadd.s32 s12, s7  }
0x106: {  	[hbm4b:s13+s1] =	stream.linear.scatter [tilespmem:s8], [sflag:$0xF], $0x2000, $0x38;
	[tilespmem:$0x10400] =	vst v63  }
0x107: {  	s16 =	simm.s32 $0xC400;
	s13 =	sadd.s32 s12, s14  }
0x108: {  	[hbm4b:s13+s1] =	stream.linear.scatter [tilespmem:s16], [sflag:$0x13], $0x2000, $0x38;
	[tilespmem:$0x10400] =	vst v63  }
.Ltmp3:
0x109: {  	s13 =	sadd.s32 s9, s22;
	(pc) =	sbr.rel .LBB2_2-.Ltmp3, $4  }
0x10a: {  	s14 =	simm.s32 $0x300;
	s12 =	sadd.s32 $0x1000, s12;
	s9 =	sadd.s32 $0x40, s9  }
0x10b: {  	[tilespmem:s17], [sflag:$0x3] =	stream.linear.gather [hbm4b:s13+s1], $0x80, $0x38;
	[tilespmem:$0x10400] =	vst v63  }
0x10c: {  	s2 =	sadd.s32 $0x200, s2;
	s17 =	sadd.s32 s11, s22;
	s11 =	sadd.s32 $0x40, s11  }
0x10d: {  	[tilespmem:s14], [sflag:$0x3] =	stream.linear.gather [hbm4b:s17+s1], $0x80, $0x38;
	[tilespmem:$0x10400] =	vst v63  }
.LBB2_5:
0x10e: {  	_ =	sfence.sel $0x180000  }
0x10f: {  	[bflag:$0x0] =	sbarrier.arrive $0xFFFF  }
0x110: {  	_ =	strace $0x90000050  }
0x111: {  	s0 =	stileid.u32;
	[bflag:$0x2] =	sbarrier.arrive $0xFFFF  }
0x112: {  	p0 =	sne.s32 s0, $0x0;
	s0 =	rddreg [dreg:$0x1]  }
0x113: {  	s0 =	sadd.s32 @!p0 $0x100000, s0  }
0x114: {  	[sflag:s0] =	ssyncadd.tile.s32 @!p0 $0x1;
	_ =	shalt  }
.Lfunc_end2:
_tile_overlayer_lowered:
.L_overlay_start_2:
0x115: {  	(tag) =	ssettag $0x2  }
0x116: {  	s0 =	rddreg [dreg:$0x0];
	s2 =	stileid.u32  }
0x117: {  	s1 =	rddreg [dreg:$0x1];
	p0 =	sne.s32 s2, $0x0  }
0x118: {  	s3 =	rddreg [dreg:$0x2];
	[bflag:$0x3] =	sbarrier.arrive $0xFFFF;
	s2 =	simm.s32 @!p0 $0x1C15  }
0x119: {  	[timem:s3], [sflag:s2] =	dma.local @!p0 [hbm:s0], s1  }
0x11a: {  	s0 =	simm.s32 @!p0 $0x15  }
0x11b: {  	_ =	swait.ge @!p0 [sflag:s0], s1  }
0x11c: {  	s1 =	ssub.s32 @!p0 $0x0, s1;
	[sflag:s0] =	ssyncset.done @!p0 $0x0  }
0x11d: {  	[sflag:s0] =	ssyncadd.s32 @!p0 s1  }
0x11e: {  	[bflag:$0x3] =	sbarrier.arrive $0xFFFF  }
0x11f: {  	_ =	shalt  }

</sc_bundles>
